<compile_context>
chip_gen: v7x
topology: tpu7x:2x2x1
jax: 0.10.2.dev20260603
libtpu: 0.0.44.dev20260713+nightly
codegen_flags: <defaults>
</compile_context>

<pallas_src>
import functools

import jax
import jax.numpy as jnp
from jax import lax
from jax.experimental import pallas as pl
from jax.experimental.pallas import tpu as pltpu
from jax.experimental.pallas import tpu_sc as plsc

_NC, _NS = 2, 16
_NW = _NC * _NS



def _topk_body(vr_ref, vt_ref, idx_ref, d_ref, *, K1, V):
    b = pl.program_id(0)
    vr = vr_ref[0]
    vt = vt_ref[0]
    R = vr.shape[0]
    inner = (vr[:, 0:1] * vt[0:1, :] + vr[:, 1:2] * vt[1:2, :]
             + vr[:, 2:3] * vt[2:3, :])
    qc = jnp.sum(vt * vt, axis=0, keepdims=True)
    qr = jnp.sum(vr * vr, axis=1, keepdims=True)
    neg = 2.0 * inner - qc - qr
    bits = lax.bitcast_convert_type(neg, jnp.int32)
    srt = jnp.where(bits >= 0, bits, bits ^ jnp.int32(0x7FFFFFFF))
    iota = lax.broadcasted_iota(jnp.int32, (R, V), 1)
    keys = (srt & jnp.int32(~0x7FF)) | (jnp.int32(2047) - iota)
    iok = lax.broadcasted_iota(jnp.int32, (R, K1), 1)
    kmin = jnp.int32(-0x80000000)

    def step(t, carry):
        keys, ak = carry
        m = jnp.max(keys, axis=1, keepdims=True)
        ak = jnp.where(iok == t, m, ak)
        keys = jnp.where(keys == m, kmin, keys)
        return keys, ak

    ak0 = jnp.zeros((R, K1), jnp.int32)
    _, ak = lax.fori_loop(0, K1, step, (keys, ak0))
    idx_ref[0] = (jnp.int32(2047) - (ak & jnp.int32(0x7FF))) + b * V
    vb = ak & jnp.int32(~0x7FF)
    vb = jnp.where(vb >= 0, vb, vb ^ jnp.int32(0x7FFFFFFF))
    d_ref[0] = -lax.bitcast_convert_type(vb, jnp.float32)


def _topk(verts, K1, R):
    bs, V, _ = verts.shape
    vt = jnp.transpose(verts, (0, 2, 1))
    return pl.pallas_call(
        functools.partial(_topk_body, K1=K1, V=V),
        grid=(bs, V // R),
        in_specs=[pl.BlockSpec((1, R, 3), lambda b, i: (b, i, 0)),
                  pl.BlockSpec((1, 3, V), lambda b, i: (b, 0, 0))],
        out_specs=[pl.BlockSpec((1, R, K1), lambda b, i: (b, i, 0)),
                   pl.BlockSpec((1, R, K1), lambda b, i: (b, i, 0))],
        out_shape=[jax.ShapeDtypeStruct((bs, V, K1), jnp.int32),
                   jax.ShapeDtypeStruct((bs, V, K1), jnp.float32)],
    )(verts, vt)



def _mm_body(x_ref, w_ref, b_ref, o_ref, *, act, K):
    x = x_ref[...]
    w = w_ref[...]
    if K <= 4:
        acc = x[:, 0:1] * w[0:1, :]
        for k in range(1, K):
            acc = acc + x[:, k:k + 1] * w[k:k + 1, :]
    else:
        acc = jnp.dot(x, w, preferred_element_type=jnp.float32)
    acc = acc + b_ref[...]
    if act == "relu":
        acc = jnp.maximum(acc, 0.0)
    o_ref[...] = acc


def _mm(x, w, b=None, act=None):
    M, K = x.shape
    N = w.shape[1]
    if b is None:
        b = jnp.zeros((N,), jnp.float32)
    BM = min(1024, M)
    return pl.pallas_call(
        functools.partial(_mm_body, act=act, K=K),
        grid=(M // BM,),
        in_specs=[pl.BlockSpec((BM, K), lambda i: (i, 0)),
                  pl.BlockSpec((K, N), lambda i: (0, 0)),
                  pl.BlockSpec((1, N), lambda i: (0, 0))],
        out_specs=pl.BlockSpec((BM, N), lambda i: (i, 0)),
        out_shape=jax.ShapeDtypeStruct((M, N), jnp.float32),
    )(x, w, b[None, :])



def _bn_body(x_ref, g_ref, b_ref, o_ref, *, relu):
    x = x_ref[...]
    m = jnp.mean(x, axis=0, keepdims=True)
    v = jnp.mean((x - m) ** 2, axis=0, keepdims=True)
    y = g_ref[...] * (x - m) / jnp.sqrt(v + 1e-5) + b_ref[...]
    if relu:
        y = jnp.maximum(y, 0.0)
    o_ref[...] = y


def _bn(x, g, b, relu=True):
    M, C = x.shape
    return pl.pallas_call(
        functools.partial(_bn_body, relu=relu),
        out_shape=jax.ShapeDtypeStruct((M, C), jnp.float32),
    )(x, g[None, :], b[None, :])



def _pick_bm(M, N, D):
    for bm in (1024, 512, 256, 128, 64, 32):
        if M % bm == 0 and bm * N * D * 4 <= 12 * 2**20:
            return bm
    return 32


def _rinv(r2):
    return 1.0 / jnp.maximum(jnp.sqrt(jnp.maximum(r2, 0.0)), 1e-12)


def _theta(xyz, xv, r2, sd4):
    BM, N = r2.shape
    C = sd4.shape[1]
    ri = _rinv(r2)[:, :, None]
    diff = xyz[:, :, :4] - xv[:, None, :]
    scaled = diff * ri
    dot = jnp.dot(scaled.reshape(BM * N, 4), sd4,
                  preferred_element_type=jnp.float32).reshape(BM, N, C)
    return jnp.maximum(dot, 0.0)


def _comb_surface_body(xyz_ref, xv_ref, r2_ref, sd_ref, o_ref):
    th = _theta(xyz_ref[...], xv_ref[...], r2_ref[...], sd_ref[...])
    o_ref[...] = jnp.max(th, axis=1)


def _comb_surface(xyz, xv, r2, sd):
    M, N, W = xyz.shape
    C = sd.shape[1]
    BM = _pick_bm(M, N, 128 + C)
    return pl.pallas_call(
        _comb_surface_body,
        grid=(M // BM,),
        in_specs=[pl.BlockSpec((BM, N, W), lambda i: (i, 0, 0)),
                  pl.BlockSpec((BM, 4), lambda i: (i, 0)),
                  pl.BlockSpec((BM, N), lambda i: (i, 0)),
                  pl.BlockSpec((4, C), lambda i: (0, 0))],
        out_specs=pl.BlockSpec((BM, C), lambda i: (i, 0)),
        out_shape=jax.ShapeDtypeStruct((M, C), jnp.float32),
    )(xyz, xv, r2, jnp.pad(sd, ((0, 1), (0, 0))))


def _comb_layer_body(fs_ref, xyz_ref, xv_ref, fc_ref, r2_ref, sd_ref, o_ref):
    th = _theta(xyz_ref[...], xv_ref[...], r2_ref[...], sd_ref[...])
    o_ref[...] = fc_ref[...] + jnp.max(th * fs_ref[...], axis=1)


def _comb_layer(fs, xyz, xv, fc, r2, sd):
    M, N, C = fs.shape
    W = xyz.shape[2]
    BM = _pick_bm(M, N, C + 256)
    return pl.pallas_call(
        _comb_layer_body,
        grid=(M // BM,),
        in_specs=[pl.BlockSpec((BM, N, C), lambda i: (i, 0, 0)),
                  pl.BlockSpec((BM, N, W), lambda i: (i, 0, 0)),
                  pl.BlockSpec((BM, 4), lambda i: (i, 0)),
                  pl.BlockSpec((BM, C), lambda i: (i, 0)),
                  pl.BlockSpec((BM, N), lambda i: (i, 0)),
                  pl.BlockSpec((4, C), lambda i: (0, 0))],
        out_specs=pl.BlockSpec((BM, C), lambda i: (i, 0)),
        out_shape=jax.ShapeDtypeStruct((M, C), jnp.float32),
    )(fs, xyz, xv, fc, r2, jnp.pad(sd, ((0, 1), (0, 0))))


def _comb_layer_packed_body(g_ref, xv_ref, fc_ref, r2_ref, sd_ref, o_ref, *,
                            fsoff):
    x = g_ref[...]
    th = _theta(x, xv_ref[...], r2_ref[...], sd_ref[...])
    o_ref[...] = fc_ref[...] + jnp.max(th * x[:, :, fsoff:], axis=1)


def _comb_layer_packed(gath, xv, fc, r2, sd, fsoff):
    M, N, D = gath.shape
    C = D - fsoff
    BM = _pick_bm(M, N, D + C)
    return pl.pallas_call(
        functools.partial(_comb_layer_packed_body, fsoff=fsoff),
        grid=(M // BM,),
        in_specs=[pl.BlockSpec((BM, N, D), lambda i: (i, 0, 0)),
                  pl.BlockSpec((BM, 4), lambda i: (i, 0)),
                  pl.BlockSpec((BM, C), lambda i: (i, 0)),
                  pl.BlockSpec((BM, N), lambda i: (i, 0)),
                  pl.BlockSpec((4, C), lambda i: (0, 0))],
        out_specs=pl.BlockSpec((BM, C), lambda i: (i, 0)),
        out_shape=jax.ShapeDtypeStruct((M, C), jnp.float32),
    )(gath, xv, fc, r2, jnp.pad(sd, ((0, 1), (0, 0))))


def _comb_pool_body(gath_ref, o_ref):
    o_ref[...] = jnp.max(gath_ref[...], axis=1)


def _comb_pool(gath):
    M, N, C = gath.shape
    BM = _pick_bm(M, N, C)
    return pl.pallas_call(
        _comb_pool_body,
        grid=(M // BM,),
        in_specs=[pl.BlockSpec((BM, N, C), lambda i: (i, 0, 0))],
        out_specs=pl.BlockSpec((BM, C), lambda i: (i, 0)),
        out_shape=jax.ShapeDtypeStruct((M, C), jnp.float32),
    )(gath)



def _nearest_body(src_ref, tgt_ref, o_ref, *, S, V):
    b = pl.program_id(0)
    s = src_ref[0]
    tt = tgt_ref[0]
    inner = (s[:, 0:1] * tt[0:1, :] + s[:, 1:2] * tt[1:2, :]
             + s[:, 2:3] * tt[2:3, :])
    s2 = jnp.sum(s * s, axis=1, keepdims=True)
    t2 = jnp.sum(tt * tt, axis=0, keepdims=True)
    d = s2 + t2 - 2.0 * inner
    m = jnp.min(d, axis=0, keepdims=True)
    iS = lax.broadcasted_iota(jnp.int32, (S, V), 0)
    sel = jnp.where(d == m, iS, S)
    o_ref[0] = jnp.min(sel, axis=0, keepdims=True) + b * S


def _nearest(src, tgt):
    bs, S, _ = src.shape
    V = tgt.shape[1]
    tt = jnp.transpose(tgt, (0, 2, 1))
    return pl.pallas_call(
        functools.partial(_nearest_body, S=S, V=V),
        grid=(bs,),
        in_specs=[pl.BlockSpec((1, S, 3), lambda b: (b, 0, 0)),
                  pl.BlockSpec((1, 3, V), lambda b: (b, 0, 0))],
        out_specs=pl.BlockSpec((1, 1, V), lambda b: (b, 0, 0)),
        out_shape=jax.ShapeDtypeStruct((bs, 1, V), jnp.int32),
    )(src, tt)



def _rowmax_body(x_ref, o_ref):
    o_ref[0] = jnp.max(x_ref[0], axis=0, keepdims=True)


def _rowmax(x):
    bs, V, D = x.shape
    return pl.pallas_call(
        _rowmax_body,
        grid=(bs,),
        in_specs=[pl.BlockSpec((1, V, D), lambda b: (b, 0, 0))],
        out_specs=pl.BlockSpec((1, 1, D), lambda b: (b, 0, 0)),
        out_shape=jax.ShapeDtypeStruct((bs, 1, D), jnp.float32),
    )(x)[:, 0, :]



def _lsm_body(x_ref, o_ref):
    x = x_ref[...]
    m = jnp.max(x, axis=1, keepdims=True)
    sh = x - m
    o_ref[...] = sh - jnp.log(jnp.sum(jnp.exp(sh), axis=1, keepdims=True))


def _lsm(x):
    return pl.pallas_call(
        _lsm_body,
        out_shape=jax.ShapeDtypeStruct(x.shape, jnp.float32),
    )(x)



def _pick_chunk(per_w, D):
    for ch in (128, 96, 80, 64, 48, 40, 32, 24, 16, 8):
        if per_w % ch == 0 and ch * D <= 48 * 1024:
            return ch
    return 8


def _sc_gather(table, idx):
    T, D = table.shape
    (M,) = idx.shape
    per_w = M // _NW
    CH = _pick_chunk(per_w, D)
    nch = per_w // CH
    assert D % 128 == 0, "indirect-stream rows must be tile-aligned"
    mesh = plsc.VectorSubcoreMesh(core_axis_name="c", subcore_axis_name="s",
                                  num_cores=_NC, num_subcores=_NS)

    @functools.partial(
        pl.kernel,
        out_type=jax.ShapeDtypeStruct((M, D), jnp.float32),
        mesh=mesh,
        scratch_types=[pltpu.VMEM((CH,), jnp.int32),
                       pltpu.VMEM((CH,), jnp.int32),
                       pltpu.VMEM((CH, D), jnp.float32),
                       pltpu.VMEM((CH, D), jnp.float32),
                       pltpu.SemaphoreType.DMA,
                       pltpu.SemaphoreType.DMA],
    )
    def gk(table_hbm, idx_hbm, out_hbm, idx0, idx1, rows0, rows1, s0, s1):
        wid = lax.axis_index("s") * _NC + lax.axis_index("c")
        base = wid * per_w

        def one(off, idx_v, rows_v, sem):
            pltpu.sync_copy(idx_hbm.at[pl.ds(off, CH)], idx_v)
            return pltpu.async_copy(table_hbm.at[idx_v], rows_v, sem)

        def body(i, carry):
            o0 = base + 2 * i * CH
            c0 = one(o0, idx0, rows0, s0)
            c1 = one(o0 + CH, idx1, rows1, s1)
            c0.wait()
            pltpu.sync_copy(rows0, out_hbm.at[pl.ds(o0, CH)])
            c1.wait()
            pltpu.sync_copy(rows1, out_hbm.at[pl.ds(o0 + CH, CH)])
            return carry

        lax.fori_loop(0, nch // 2, body, 0)
        if nch % 2:
            off = base + (nch - 1) * CH
            one(off, idx0, rows0, s0).wait()
            pltpu.sync_copy(rows0, out_hbm.at[pl.ds(off, CH)])

    return gk(table, idx)



def _normdir(sd):
    return sd / jnp.maximum(jnp.linalg.norm(sd, axis=0, keepdims=True), 1e-12)


def _conv_surface(xyz, xv4, r2, sd):
    return _comb_surface(xyz, xv4, r2, _normdir(sd))


def _conv_layer_pair(fmA, fmB, xyzA, xyzB, xv4, niA, niB, r2A, r2B,
                     wA, bA, sdA, wB, bB, sdB, vfp=None):
    C = sdA.shape[1]
    M = fmA.shape[0]
    foA = _mm(fmA, wA, bA)
    foB = _mm(fmB, wB, bB)
    nA = niA.shape[0]
    ni = jnp.concatenate([niA, niB + M])
    if vfp is None:
        tab = jnp.concatenate([foA[:, C:], foB[:, C:]], axis=0)
        g = _sc_gather(tab, ni)
        gathA = g[:nA].reshape(M, nA // M, C)
        gathB = g[nA:].reshape(M, -1, C)
        outA = _comb_layer(gathA, xyzA, xv4, foA[:, :C], r2A, _normdir(sdA))
        outB = _comb_layer(gathB, xyzB, xv4, foB[:, :C], r2B, _normdir(sdB))
        return outA, outB, xyzA, xyzB
    tab = jnp.concatenate(
        [jnp.concatenate([vfp, foA[:, C:]], axis=1),
         jnp.concatenate([vfp, foB[:, C:]], axis=1)], axis=0)
    g = _sc_gather(tab, ni)
    gathA = g[:nA].reshape(M, nA // M, 128 + C)
    gathB = g[nA:].reshape(M, -1, 128 + C)
    outA = _comb_layer_packed(gathA, xv4, foA[:, :C], r2A, _normdir(sdA), 128)
    outB = _comb_layer_packed(gathB, xv4, foB[:, :C], r2B, _normdir(sdB), 128)
    return outA, outB, gathA[:, :, :4], gathB[:, :, :4]


def kernel(vertices, onehot, params):
    p = params
    bs = vertices.shape[0]
    V = vertices.shape[2]
    verts = jnp.transpose(vertices, (0, 2, 1))
    M1 = bs * V
    vf = verts.reshape(M1, 3)

    idx51, d51 = _topk(verts, 51, 256)
    ni50 = idx51[:, :, 1:51].reshape(-1)
    r2_50 = d51[:, :, 1:51].reshape(M1, 50)
    ni10 = idx51[:, :, 1:11].reshape(-1)
    r2_10 = d51[:, :, 1:11].reshape(M1, 10)
    ni4 = idx51[:, :, 1:5].reshape(-1)

    vf4 = jnp.pad(vf, ((0, 0), (0, 1)))
    vfp1 = jnp.pad(vf, ((0, 0), (0, 125)))
    xyzb = _sc_gather(vfp1, ni50)
    xyz50 = xyzb.reshape(M1, 50, 128)[:, :, :4]
    xyz10 = xyz50[:, :10]

    fm0 = _bn(_conv_surface(xyz50, vf4, r2_50, p["conv0_dir"]),
              p["bn0_g"], p["bn0_b"])
    fm0l = _bn(_conv_surface(xyz10, vf4, r2_10, p["conv0l_dir"]),
               p["bn0l_g"], p["bn0l_b"])
    c1, c1l, _, _ = _conv_layer_pair(
        fm0, fm0l, xyz50, xyz10, vf4, ni50, ni10, r2_50, r2_10,
        p["conv1_w"], p["conv1_b"], p["conv1_dir"],
        p["conv1l_w"], p["conv1l_b"], p["conv1l_dir"])
    fm1 = _bn(c1, p["bn1_g"], p["bn1_b"])
    fm1l = _bn(c1l, p["bn1l_g"], p["bn1l_b"])
    fm1t = _mm(jnp.concatenate([fm1, fm1l], axis=1),
               p["down0_w"], p["down0_b"])

    V1 = V // 4
    perm1 = jax.random.permutation(jax.random.key(1), V)[:V1]
    pooled = _comb_pool(_sc_gather(fm1t, ni4).reshape(M1, 4, 128))
    fp1 = pooled.reshape(bs, V, 128)[:, perm1].reshape(bs * V1, 128)
    vp1 = verts[:, perm1]
    v1f = vp1.reshape(bs * V1, 3)
    M2 = bs * V1

    idx51_2, d51_2 = _topk(vp1, 51, V1)
    n2_50 = idx51_2[:, :, 1:51].reshape(-1)
    q2_50 = d51_2[:, :, 1:51].reshape(M2, 50)
    n2_10 = idx51_2[:, :, 1:11].reshape(-1)
    q2_10 = d51_2[:, :, 1:11].reshape(M2, 10)
    n2_4 = idx51_2[:, :, 1:5].reshape(-1)

    v1f4 = jnp.pad(v1f, ((0, 0), (0, 1)))
    vfp2 = jnp.pad(v1f, ((0, 0), (0, 125)))
    c2, c2l, xyz2_50, xyz2_10 = _conv_layer_pair(
        fp1, fp1, None, None, v1f4, n2_50, n2_10, q2_50, q2_10,
        p["conv2_w"], p["conv2_b"], p["conv2_dir"],
        p["conv2l_w"], p["conv2l_b"], p["conv2l_dir"], vfp=vfp2)
    fm2 = _bn(c2, p["bn2_g"], p["bn2_b"])
    fm2l = _bn(c2l, p["bn2l_g"], p["bn2l_b"])
    c3, c3l, _, _ = _conv_layer_pair(
        fm2, fm2l, xyz2_50, xyz2_10, v1f4, n2_50, n2_10, q2_50, q2_10,
        p["conv3_w"], p["conv3_b"], p["conv3_dir"],
        p["conv3l_w"], p["conv3l_b"], p["conv3l_dir"])
    fm3 = _bn(c3, p["bn3_g"], p["bn3_b"])
    fm3l = _bn(c3l, p["bn3l_g"], p["bn3l_b"])
    fm3t = _mm(jnp.concatenate([fm3, fm3l], axis=1),
               p["down1_w"], p["down1_b"])

    V2 = V1 // 4
    perm2 = jax.random.permutation(jax.random.key(2), V1)[:V2]
    pooled2 = _comb_pool(_sc_gather(fm3t, n2_4).reshape(M2, 4, 256))
    fp2 = pooled2.reshape(bs, V1, 256)[:, perm2].reshape(bs * V2, 256)
    vp2 = vp1[:, perm2]
    v2f = vp2.reshape(bs * V2, 3)
    M3 = bs * V2

    idx51_3, d51_3 = _topk(vp2, 51, V2)
    n3_50 = idx51_3[:, :, 1:51].reshape(-1)
    q3_50 = d51_3[:, :, 1:51].reshape(M3, 50)
    n3_10 = idx51_3[:, :, 1:11].reshape(-1)
    q3_10 = d51_3[:, :, 1:11].reshape(M3, 10)

    v2f4 = jnp.pad(v2f, ((0, 0), (0, 1)))
    vfp3 = jnp.pad(v2f, ((0, 0), (0, 125)))
    fm4, fm4l, _, _ = _conv_layer_pair(
        fp2, fp2, None, None, v2f4, n3_50, n3_10, q3_50, q3_10,
        p["conv4_w"], p["conv4_b"], p["conv4_dir"],
        p["conv4l_w"], p["conv4l_b"], p["conv4l_dir"], vfp=vfp3)
    fm4t = _mm(jnp.concatenate([fm4, fm4l], axis=1),
               p["down2_w"], p["down2_b"])

    fglob = _rowmax(fm4t.reshape(bs, V2, 512))

    np1 = _nearest(vp1, verts).reshape(-1)
    np2 = _nearest(vp2, verts).reshape(-1)
    tabn = jnp.concatenate([jnp.pad(fm3t, ((0, 0), (0, 256))), fm4t], axis=0)
    gn = _sc_gather(tabn, jnp.concatenate([np1, np2 + M2]))
    fm3f = gn[:M1, :256]
    fm4f = gn[M1:]
    fg = jnp.broadcast_to(fglob[:, None, :], (bs, V, 512)).reshape(M1, 512)
    oh = jnp.broadcast_to(onehot[:, None, :],
                          (bs, V, onehot.shape[1])).reshape(M1, -1)
    fuse = jnp.concatenate([fm1t, fm3f, fm4f, fg, oh], axis=1)

    x = _mm(fuse, p["h1_w"].T, p["h1_b"], act="relu")
    x = _mm(x, p["h2_w"].T, p["h2_b"], act="relu")
    x = _mm(x, p["h3_w"].T, p["h3_b"])
    return _lsm(x).reshape(bs, V, 50)

# --- scband reference (transcript-rebuilt; emitter-appended) ---
"""Pipeline reference for scband-gcn3-d-63479616634936 (READ-ONLY COPY).

The authoritative reference and input builder live on the scoring server;
editing this copy changes nothing except your own understanding.
"""

import jax, jax.numpy as jnp
import numpy as np
import math

CLASS_NUM = 50
SUPPORT = 1
NEIGH = 50
NEIGH_L = 10

def _normalize(x, axis):
    n = jnp.linalg.norm(x, axis=axis, keepdims=True)
    return x / jnp.maximum(n, 1e-12)

def knn(vertices, k):
    inner = jnp.einsum('bik,bjk->bij', vertices, vertices)
    quad = jnp.sum(vertices * vertices, axis=2)
    dist = -2.0 * inner + quad[:, None, :] + quad[:, :, None]
    _, idx = jax.lax.top_k(-dist, k + 1)
    return idx[:, :, 1:]

def indexing_neighbor(tensor, index):
    return jax.vmap(lambda t, i: t[i])(tensor, index)

def neighbor_direction_norm(vertices, neighbor_index):
    neighbors = indexing_neighbor(vertices, neighbor_index)
    direction = neighbors - vertices[:, :, None, :]
    return _normalize(direction, -1)

def conv_surface(neighbor_index, vertices, directions, kernel_num):
    bs, v, n = neighbor_index.shape
    nd = neighbor_direction_norm(vertices, neighbor_index)
    sd = _normalize(directions, 0)
    theta = jax.nn.relu(nd @ sd)
    theta = theta.reshape(bs, v, n, SUPPORT, kernel_num)
    theta = jnp.max(theta, axis=2)
    return jnp.sum(theta, axis=2)

def conv_layer(neighbor_index, vertices, feature_map, weights, bias, directions, out_channel):
    bs, v, n = neighbor_index.shape
    nd = neighbor_direction_norm(vertices, neighbor_index)
    sd = _normalize(directions, 0)
    theta = jax.nn.relu(nd @ sd)
    feature_out = feature_map @ weights + bias
    feature_center = feature_out[:, :, :out_channel]
    feature_support = feature_out[:, :, out_channel:]
    feature_support = indexing_neighbor(feature_support, neighbor_index)
    act = theta * feature_support
    act = act.reshape(bs, v, n, SUPPORT, out_channel)
    act = jnp.max(act, axis=2)
    act = jnp.sum(act, axis=2)
    return feature_center + act

def pool_layer(vertices, feature_map, pooling_rate, neighbor_num, key):
    bs, v, _ = vertices.shape
    nidx = knn(vertices, neighbor_num)
    nf = indexing_neighbor(feature_map, nidx)
    pooled = jnp.max(nf, axis=2)
    pool_num = v // pooling_rate
    perm = jax.random.permutation(key, v)[:pool_num]
    return vertices[:, perm, :], pooled[:, perm, :]

def nearest_index(target, source):
    inner = jnp.einsum('bik,bjk->bij', target, source)
    s2 = jnp.sum(source * source, axis=2)
    t2 = jnp.sum(target * target, axis=2)
    d = s2[:, None, :] + t2[:, :, None] - 2.0 * inner
    return jnp.argmin(d, axis=-1)[:, :, None]

def batch_norm(x, gamma, beta):
    mean = jnp.mean(x, axis=(0, 1), keepdims=True)
    var = jnp.mean((x - mean) ** 2, axis=(0, 1), keepdims=True)
    return gamma * (x - mean) / jnp.sqrt(var + 1e-5) + beta

def make_params(key):
    ks = jax.random.split(key, 40)
    idx = [0]
    def nxt():
        k = ks[idx[0]]
        idx[0] += 1
        return k
    def u(shape, stdv):
        return jax.random.uniform(nxt(), shape, jnp.float32, -stdv, stdv)
    p = {}
    s0 = 1.0 / math.sqrt(SUPPORT * 128)
    p['conv0_dir'] = u((3, SUPPORT * 128), s0)
    p['conv0l_dir'] = u((3, SUPPORT * 128), s0)
    def conv_params(name, cin, cout):
        s = 1.0 / math.sqrt(cout * (SUPPORT + 1))
        p[name + '_w'] = u((cin, (SUPPORT + 1) * cout), s)
        p[name + '_b'] = u(((SUPPORT + 1) * cout,), s)
        p[name + '_dir'] = u((3, SUPPORT * cout), s)
    conv_params('conv1', 128, 128); conv_params('conv1l', 128, 128)
    conv_params('conv2', 128, 256); conv_params('conv2l', 128, 256)
    conv_params('conv3', 256, 256); conv_params('conv3l', 256, 256)
    conv_params('conv4', 256, 512); conv_params('conv4l', 256, 512)
    def lin(name, cin, cout):
        s = 1.0 / math.sqrt(cin)
        p[name + '_w'] = u((cin, cout), s)
        p[name + '_b'] = u((cout,), s)
    lin('down0', 256, 128); lin('down1', 512, 256); lin('down2', 1024, 512)
    def conv1d(name, cin, cout):
        s = 1.0 / math.sqrt(cin)
        p[name + '_w'] = u((cout, cin), s)
        p[name + '_b'] = u((cout,), s)
    conv1d('h1', 1424, 512); conv1d('h2', 512, 512); conv1d('h3', 512, CLASS_NUM)
    for name, c in [('bn0', 128), ('bn1', 128), ('bn0l', 128), ('bn1l', 128), ('bn2', 256), ('bn3', 256), ('bn2l', 256), ('bn3l', 256)]:
        p[name + '_g'] = jnp.ones((c,), jnp.float32)
        p[name + '_b'] = jnp.zeros((c,), jnp.float32)
    return p

def gcn3d_forward(vertices_in, onehot, p):
    relu = jax.nn.relu
    vertices = jnp.transpose(vertices_in, (0, 2, 1))
    bs, v, _ = vertices.shape
    ni = knn(vertices, NEIGH)
    fm0 = relu(batch_norm(conv_surface(ni, vertices, p['conv0_dir'], 128), p['bn0_g'], p['bn0_b']))
    fm1 = relu(batch_norm(conv_layer(ni, vertices, fm0, p['conv1_w'], p['conv1_b'], p['conv1_dir'], 128), p['bn1_g'], p['bn1_b']))
    nil = knn(vertices, NEIGH_L)
    fm0l = relu(batch_norm(conv_surface(nil, vertices, p['conv0l_dir'], 128), p['bn0l_g'], p['bn0l_b']))
    fm1l = relu(batch_norm(conv_layer(nil, vertices, fm0l, p['conv1l_w'], p['conv1l_b'], p['conv1l_dir'], 128), p['bn1l_g'], p['bn1l_b']))
    fm1t = jnp.concatenate([fm1, fm1l], axis=2) @ p['down0_w'] + p['down0_b']
    vp1, fp1 = pool_layer(vertices, fm1t, 4, 4, jax.random.key(1))
    ni2 = knn(vp1, NEIGH)
    fm2 = relu(batch_norm(conv_layer(ni2, vp1, fp1, p['conv2_w'], p['conv2_b'], p['conv2_dir'], 256), p['bn2_g'], p['bn2_b']))
    fm3 = relu(batch_norm(conv_layer(ni2, vp1, fm2, p['conv3_w'], p['conv3_b'], p['conv3_dir'], 256), p['bn3_g'], p['bn3_b']))
    nil2 = knn(vp1, NEIGH_L)
    fm2l = relu(batch_norm(conv_layer(nil2, vp1, fp1, p['conv2l_w'], p['conv2l_b'], p['conv2l_dir'], 256), p['bn2l_g'], p['bn2l_b']))
    fm3l = relu(batch_norm(conv_layer(nil2, vp1, fm2l, p['conv3l_w'], p['conv3l_b'], p['conv3l_dir'], 256), p['bn3l_g'], p['bn3l_b']))
    fm3t = jnp.concatenate([fm3, fm3l], axis=2) @ p['down1_w'] + p['down1_b']
    vp2, fp2 = pool_layer(vp1, fm3t, 4, 4, jax.random.key(2))
    ni3 = knn(vp2, NEIGH)
    fm4 = conv_layer(ni3, vp2, fp2, p['conv4_w'], p['conv4_b'], p['conv4_dir'], 512)
    nil3 = knn(vp2, NEIGH_L)
    fm4l = conv_layer(nil3, vp2, fp2, p['conv4l_w'], p['conv4l_b'], p['conv4l_dir'], 512)
    fm4t = jnp.concatenate([fm4, fm4l], axis=2) @ p['down2_w'] + p['down2_b']
    fglob = jnp.max(fm4t, axis=1)
    np1 = nearest_index(vertices, vp1)
    np2 = nearest_index(vertices, vp2)
    fm3f = indexing_neighbor(fm3t, np1)[:, :, 0, :]
    fm4f = indexing_neighbor(fm4t, np2)[:, :, 0, :]
    fg = jnp.broadcast_to(fglob[:, None, :], (bs, v, fglob.shape[-1]))
    oh = jnp.broadcast_to(onehot[:, None, :], (bs, v, onehot.shape[-1]))
    fuse = jnp.concatenate([fm1t, fm3f, fm4f, fg, oh], axis=2)
    x = jnp.transpose(fuse, (0, 2, 1))
    x = relu(jnp.einsum('oc,bcv->bov', p['h1_w'], x) + p['h1_b'][None, :, None])
    x = relu(jnp.einsum('oc,bcv->bov', p['h2_w'], x) + p['h2_b'][None, :, None])
    x = jnp.einsum('oc,bcv->bov', p['h3_w'], x) + p['h3_b'][None, :, None]
    x = jax.nn.log_softmax(x, axis=1)
    return jnp.transpose(x, (0, 2, 1))

def setup_inputs(seed: int = 0):
    key = jax.random.key(seed)
    k1, k2, kp = jax.random.split(key, 3)
    vertices = jax.random.normal(k1, (2, 3, 2048), jnp.float32)
    onehot = jax.random.uniform(k2, (2, 16), jnp.float32)
    params = make_params(kp)
    return {"vertices": vertices, "onehot": onehot, "params": params}

def reference(vertices, onehot, params):
    return gcn3d_forward(vertices, onehot, params)

if __name__ == "__main__":
    import jax
    _d = setup_inputs()
    print(jax.jit(kernel)(*tuple(_d.values())))

</pallas_src>

<mosaic_0001>
#map = affine_map<(d0, d1) -> (0, 0)>
#map1 = affine_map<(d0, d1) -> (0)>
module attributes {stable_mosaic.version = 14 : i64} {
  func.func @gk(%arg0: i32, %arg1: i32, %arg2: memref<2048x384xf32, #tpu.memory_space<hbm>>, %arg3: memref<61440xi32, #tpu.memory_space<hbm>>, %arg4: memref<61440x384xf32, #tpu.memory_space<hbm>>, %arg5: memref<128xi32, #tpu.memory_space<vmem>>, %arg6: memref<128xi32, #tpu.memory_space<vmem>>, %arg7: memref<128x384xf32, #tpu.memory_space<vmem>>, %arg8: memref<128x384xf32, #tpu.memory_space<vmem>>, %arg9: memref<!tpu.dma_semaphore, #tpu.memory_space<semaphore_mem>>, %arg10: memref<!tpu.dma_semaphore, #tpu.memory_space<semaphore_mem>>) attributes {dimension_semantics = [#tpu.dimension_semantics<core_parallel>, #tpu.dimension_semantics<subcore_parallel>], iteration_bounds = array<i64: 2, 16>, scalar_prefetch = 0 : i64, scratch_operands = 6 : i64, tpu.core_type = #tpu.core_type<sc_vector_subcore>, window_params = [{transform_indices = #map}, {transform_indices = #map1}, {transform_indices = #map}]} {
    %mul3A = arith.constant 2 : i32
    %mul3A_0 = arith.muli %arg1, %mul3A : i32
    %add3A = arith.addi %mul3A_0, %arg0 : i32
    %mul3A_1 = arith.constant 1920 : i32
    %mul3A_2 = arith.muli %add3A, %mul3A_1 : i32
    %scan3A = arith.constant 0 : i32
    %scan3A_3 = arith.constant 0 : i32
    %scan3A_4 = arith.constant 7 : i32
    %scan3A_5 = arith.addi %scan3A_3, %scan3A_4 : i32
    %scan3A_6 = arith.constant 1 : i32
    scf.for %scan3A_14 = %scan3A_3 to %scan3A_5 step %scan3A_6  : i32 {
      %mul3A_15 = arith.constant 2 : i32
      %mul3A_16 = arith.muli %mul3A_15, %scan3A_14 : i32
      %mul3A_17 = arith.constant 128 : i32
      %mul3A_18 = arith.muli %mul3A_16, %mul3A_17 : i32
      %add3A_19 = arith.addi %mul3A_2, %mul3A_18 : i32
      "tpu.region"() ({
        %run_scoped3A = tpu.sem_alloc : memref<!tpu.dma_semaphore, #tpu.memory_space<semaphore_mem>>
        %dma_start3A_36 = tpu.memref_slice %arg3[%add3A_19] : memref<61440xi32, #tpu.memory_space<hbm>> -> memref<128xi32, #tpu.memory_space<hbm>>
        %dma_start3A_37 = tpu.memref_slice %arg3[%add3A_19] : memref<61440xi32, #tpu.memory_space<hbm>> -> memref<128xi32, #tpu.memory_space<hbm>>
        tpu.enqueue_dma source(%dma_start3A_37 : memref<128xi32, #tpu.memory_space<hbm>>) target(%arg5 : memref<128xi32, #tpu.memory_space<vmem>>) target_semaphore(%run_scoped3A : memref<!tpu.dma_semaphore, #tpu.memory_space<semaphore_mem>>)
        %dma_wait3A_38 = tpu.memref_slice %arg3[%add3A_19] : memref<61440xi32, #tpu.memory_space<hbm>> -> memref<128xi32, #tpu.memory_space<hbm>>
        %dma_wait3A_39 = tpu.memref_slice %arg3[%add3A_19] : memref<61440xi32, #tpu.memory_space<hbm>> -> memref<128xi32, #tpu.memory_space<hbm>>
        tpu.wait_dma2 semaphore(%run_scoped3A : memref<!tpu.dma_semaphore, #tpu.memory_space<semaphore_mem>>) src(%dma_wait3A_39 : memref<128xi32, #tpu.memory_space<hbm>>) dst(%arg5 : memref<128xi32, #tpu.memory_space<vmem>>)
        tpu.yield
      }) : () -> ()
      %dma_start3A_20 = arith.constant 0 : i32
      %dma_start3A_21 = arith.constant 0 : i32
      %dma_start3A_22 = tpu.memref_slice %arg2[%dma_start3A_20, %dma_start3A_21] : memref<2048x384xf32, #tpu.memory_space<hbm>> -> memref<2048x384xf32, #tpu.memory_space<hbm>>
      tpu.enqueue_indirect_dma source(%dma_start3A_22 : memref<2048x384xf32, #tpu.memory_space<hbm>>) target(%arg7 : memref<128x384xf32, #tpu.memory_space<vmem>>) offsets(%arg5 : memref<128xi32, #tpu.memory_space<vmem>>) semaphore(%arg9 : memref<!tpu.dma_semaphore, #tpu.memory_space<semaphore_mem>>)
      %add3A_23 = arith.constant 128 : i32
      %add3A_24 = arith.addi %add3A_19, %add3A_23 : i32
      "tpu.region"() ({
        %run_scoped3A = tpu.sem_alloc : memref<!tpu.dma_semaphore, #tpu.memory_space<semaphore_mem>>
        %dma_start3A_36 = tpu.memref_slice %arg3[%add3A_24] : memref<61440xi32, #tpu.memory_space<hbm>> -> memref<128xi32, #tpu.memory_space<hbm>>
        %dma_start3A_37 = tpu.memref_slice %arg3[%add3A_24] : memref<61440xi32, #tpu.memory_space<hbm>> -> memref<128xi32, #tpu.memory_space<hbm>>
        tpu.enqueue_dma source(%dma_start3A_37 : memref<128xi32, #tpu.memory_space<hbm>>) target(%arg6 : memref<128xi32, #tpu.memory_space<vmem>>) target_semaphore(%run_scoped3A : memref<!tpu.dma_semaphore, #tpu.memory_space<semaphore_mem>>)
        %dma_wait3A_38 = tpu.memref_slice %arg3[%add3A_24] : memref<61440xi32, #tpu.memory_space<hbm>> -> memref<128xi32, #tpu.memory_space<hbm>>
        %dma_wait3A_39 = tpu.memref_slice %arg3[%add3A_24] : memref<61440xi32, #tpu.memory_space<hbm>> -> memref<128xi32, #tpu.memory_space<hbm>>
        tpu.wait_dma2 semaphore(%run_scoped3A : memref<!tpu.dma_semaphore, #tpu.memory_space<semaphore_mem>>) src(%dma_wait3A_39 : memref<128xi32, #tpu.memory_space<hbm>>) dst(%arg6 : memref<128xi32, #tpu.memory_space<vmem>>)
        tpu.yield
      }) : () -> ()
      %dma_start3A_25 = arith.constant 0 : i32
      %dma_start3A_26 = arith.constant 0 : i32
      %dma_start3A_27 = tpu.memref_slice %arg2[%dma_start3A_25, %dma_start3A_26] : memref<2048x384xf32, #tpu.memory_space<hbm>> -> memref<2048x384xf32, #tpu.memory_space<hbm>>
      tpu.enqueue_indirect_dma source(%dma_start3A_27 : memref<2048x384xf32, #tpu.memory_space<hbm>>) target(%arg8 : memref<128x384xf32, #tpu.memory_space<vmem>>) offsets(%arg6 : memref<128xi32, #tpu.memory_space<vmem>>) semaphore(%arg10 : memref<!tpu.dma_semaphore, #tpu.memory_space<semaphore_mem>>)
      %dma_wait3A_28 = arith.constant 0 : i32
      %dma_wait3A_29 = arith.constant 0 : i32
      %dma_wait3A_30 = tpu.memref_slice %arg2[%dma_wait3A_28, %dma_wait3A_29] : memref<2048x384xf32, #tpu.memory_space<hbm>> -> memref<2048x384xf32, #tpu.memory_space<hbm>>
      tpu.wait_indirect_dma semaphore(%arg9 : memref<!tpu.dma_semaphore, #tpu.memory_space<semaphore_mem>>) src(%dma_wait3A_30 : memref<2048x384xf32, #tpu.memory_space<hbm>>) dst(%arg7 : memref<128x384xf32, #tpu.memory_space<vmem>>)
      "tpu.region"() ({
        %run_scoped3A = tpu.sem_alloc : memref<!tpu.dma_semaphore, #tpu.memory_space<semaphore_mem>>
        %dma_start3A_36 = arith.constant 0 : i32
        %dma_start3A_37 = tpu.memref_slice %arg4[%add3A_19, %dma_start3A_36] : memref<61440x384xf32, #tpu.memory_space<hbm>> -> memref<128x384xf32, #tpu.memory_space<hbm>>
        %dma_start3A_38 = arith.constant 0 : i32
        %dma_start3A_39 = tpu.memref_slice %arg4[%add3A_19, %dma_start3A_38] : memref<61440x384xf32, #tpu.memory_space<hbm>> -> memref<128x384xf32, #tpu.memory_space<hbm>>
        tpu.enqueue_dma source(%arg7 : memref<128x384xf32, #tpu.memory_space<vmem>>) target(%dma_start3A_39 : memref<128x384xf32, #tpu.memory_space<hbm>>) target_semaphore(%run_scoped3A : memref<!tpu.dma_semaphore, #tpu.memory_space<semaphore_mem>>)
        %dma_wait3A_40 = arith.constant 0 : i32
        %dma_wait3A_41 = tpu.memref_slice %arg4[%add3A_19, %dma_wait3A_40] : memref<61440x384xf32, #tpu.memory_space<hbm>> -> memref<128x384xf32, #tpu.memory_space<hbm>>
        %dma_wait3A_42 = arith.constant 0 : i32
        %dma_wait3A_43 = tpu.memref_slice %arg4[%add3A_19, %dma_wait3A_42] : memref<61440x384xf32, #tpu.memory_space<hbm>> -> memref<128x384xf32, #tpu.memory_space<hbm>>
        tpu.wait_dma2 semaphore(%run_scoped3A : memref<!tpu.dma_semaphore, #tpu.memory_space<semaphore_mem>>) src(%arg7 : memref<128x384xf32, #tpu.memory_space<vmem>>) dst(%dma_wait3A_43 : memref<128x384xf32, #tpu.memory_space<hbm>>)
        tpu.yield
      }) : () -> ()
      %dma_wait3A_31 = arith.constant 0 : i32
      %dma_wait3A_32 = arith.constant 0 : i32
      %dma_wait3A_33 = tpu.memref_slice %arg2[%dma_wait3A_31, %dma_wait3A_32] : memref<2048x384xf32, #tpu.memory_space<hbm>> -> memref<2048x384xf32, #tpu.memory_space<hbm>>
      tpu.wait_indirect_dma semaphore(%arg10 : memref<!tpu.dma_semaphore, #tpu.memory_space<semaphore_mem>>) src(%dma_wait3A_33 : memref<2048x384xf32, #tpu.memory_space<hbm>>) dst(%arg8 : memref<128x384xf32, #tpu.memory_space<vmem>>)
      %add3A_34 = arith.constant 128 : i32
      %add3A_35 = arith.addi %add3A_19, %add3A_34 : i32
      "tpu.region"() ({
        %run_scoped3A = tpu.sem_alloc : memref<!tpu.dma_semaphore, #tpu.memory_space<semaphore_mem>>
        %dma_start3A_36 = arith.constant 0 : i32
        %dma_start3A_37 = tpu.memref_slice %arg4[%add3A_35, %dma_start3A_36] : memref<61440x384xf32, #tpu.memory_space<hbm>> -> memref<128x384xf32, #tpu.memory_space<hbm>>
        %dma_start3A_38 = arith.constant 0 : i32
        %dma_start3A_39 = tpu.memref_slice %arg4[%add3A_35, %dma_start3A_38] : memref<61440x384xf32, #tpu.memory_space<hbm>> -> memref<128x384xf32, #tpu.memory_space<hbm>>
        tpu.enqueue_dma source(%arg8 : memref<128x384xf32, #tpu.memory_space<vmem>>) target(%dma_start3A_39 : memref<128x384xf32, #tpu.memory_space<hbm>>) target_semaphore(%run_scoped3A : memref<!tpu.dma_semaphore, #tpu.memory_space<semaphore_mem>>)
        %dma_wait3A_40 = arith.constant 0 : i32
        %dma_wait3A_41 = tpu.memref_slice %arg4[%add3A_35, %dma_wait3A_40] : memref<61440x384xf32, #tpu.memory_space<hbm>> -> memref<128x384xf32, #tpu.memory_space<hbm>>
        %dma_wait3A_42 = arith.constant 0 : i32
        %dma_wait3A_43 = tpu.memref_slice %arg4[%add3A_35, %dma_wait3A_42] : memref<61440x384xf32, #tpu.memory_space<hbm>> -> memref<128x384xf32, #tpu.memory_space<hbm>>
        tpu.wait_dma2 semaphore(%run_scoped3A : memref<!tpu.dma_semaphore, #tpu.memory_space<semaphore_mem>>) src(%arg8 : memref<128x384xf32, #tpu.memory_space<vmem>>) dst(%dma_wait3A_43 : memref<128x384xf32, #tpu.memory_space<hbm>>)
        tpu.yield
      }) : () -> ()
    }
    %scan3A_7 = arith.constant 7 : i32
    %add3A_8 = arith.constant 1792 : i32
    %add3A_9 = arith.addi %mul3A_2, %add3A_8 : i32
    "tpu.region"() ({
      %run_scoped3A = tpu.sem_alloc : memref<!tpu.dma_semaphore, #tpu.memory_space<semaphore_mem>>
      %dma_start3A_14 = tpu.memref_slice %arg3[%add3A_9] : memref<61440xi32, #tpu.memory_space<hbm>> -> memref<128xi32, #tpu.memory_space<hbm>>
      %dma_start3A_15 = tpu.memref_slice %arg3[%add3A_9] : memref<61440xi32, #tpu.memory_space<hbm>> -> memref<128xi32, #tpu.memory_space<hbm>>
      tpu.enqueue_dma source(%dma_start3A_15 : memref<128xi32, #tpu.memory_space<hbm>>) target(%arg5 : memref<128xi32, #tpu.memory_space<vmem>>) target_semaphore(%run_scoped3A : memref<!tpu.dma_semaphore, #tpu.memory_space<semaphore_mem>>)
      %dma_wait3A_16 = tpu.memref_slice %arg3[%add3A_9] : memref<61440xi32, #tpu.memory_space<hbm>> -> memref<128xi32, #tpu.memory_space<hbm>>
      %dma_wait3A_17 = tpu.memref_slice %arg3[%add3A_9] : memref<61440xi32, #tpu.memory_space<hbm>> -> memref<128xi32, #tpu.memory_space<hbm>>
      tpu.wait_dma2 semaphore(%run_scoped3A : memref<!tpu.dma_semaphore, #tpu.memory_space<semaphore_mem>>) src(%dma_wait3A_17 : memref<128xi32, #tpu.memory_space<hbm>>) dst(%arg5 : memref<128xi32, #tpu.memory_space<vmem>>)
      tpu.yield
    }) : () -> ()
    %dma_start3A = arith.constant 0 : i32
    %dma_start3A_10 = arith.constant 0 : i32
    %dma_start3A_11 = tpu.memref_slice %arg2[%dma_start3A, %dma_start3A_10] : memref<2048x384xf32, #tpu.memory_space<hbm>> -> memref<2048x384xf32, #tpu.memory_space<hbm>>
    tpu.enqueue_indirect_dma source(%dma_start3A_11 : memref<2048x384xf32, #tpu.memory_space<hbm>>) target(%arg7 : memref<128x384xf32, #tpu.memory_space<vmem>>) offsets(%arg5 : memref<128xi32, #tpu.memory_space<vmem>>) semaphore(%arg9 : memref<!tpu.dma_semaphore, #tpu.memory_space<semaphore_mem>>)
    %dma_wait3A = arith.constant 0 : i32
    %dma_wait3A_12 = arith.constant 0 : i32
    %dma_wait3A_13 = tpu.memref_slice %arg2[%dma_wait3A, %dma_wait3A_12] : memref<2048x384xf32, #tpu.memory_space<hbm>> -> memref<2048x384xf32, #tpu.memory_space<hbm>>
    tpu.wait_indirect_dma semaphore(%arg9 : memref<!tpu.dma_semaphore, #tpu.memory_space<semaphore_mem>>) src(%dma_wait3A_13 : memref<2048x384xf32, #tpu.memory_space<hbm>>) dst(%arg7 : memref<128x384xf32, #tpu.memory_space<vmem>>)
    "tpu.region"() ({
      %run_scoped3A = tpu.sem_alloc : memref<!tpu.dma_semaphore, #tpu.memory_space<semaphore_mem>>
      %dma_start3A_14 = arith.constant 0 : i32
      %dma_start3A_15 = tpu.memref_slice %arg4[%add3A_9, %dma_start3A_14] : memref<61440x384xf32, #tpu.memory_space<hbm>> -> memref<128x384xf32, #tpu.memory_space<hbm>>
      %dma_start3A_16 = arith.constant 0 : i32
      %dma_start3A_17 = tpu.memref_slice %arg4[%add3A_9, %dma_start3A_16] : memref<61440x384xf32, #tpu.memory_space<hbm>> -> memref<128x384xf32, #tpu.memory_space<hbm>>
      tpu.enqueue_dma source(%arg7 : memref<128x384xf32, #tpu.memory_space<vmem>>) target(%dma_start3A_17 : memref<128x384xf32, #tpu.memory_space<hbm>>) target_semaphore(%run_scoped3A : memref<!tpu.dma_semaphore, #tpu.memory_space<semaphore_mem>>)
      %dma_wait3A_18 = arith.constant 0 : i32
      %dma_wait3A_19 = tpu.memref_slice %arg4[%add3A_9, %dma_wait3A_18] : memref<61440x384xf32, #tpu.memory_space<hbm>> -> memref<128x384xf32, #tpu.memory_space<hbm>>
      %dma_wait3A_20 = arith.constant 0 : i32
      %dma_wait3A_21 = tpu.memref_slice %arg4[%add3A_9, %dma_wait3A_20] : memref<61440x384xf32, #tpu.memory_space<hbm>> -> memref<128x384xf32, #tpu.memory_space<hbm>>
      tpu.wait_dma2 semaphore(%run_scoped3A : memref<!tpu.dma_semaphore, #tpu.memory_space<semaphore_mem>>) src(%arg7 : memref<128x384xf32, #tpu.memory_space<vmem>>) dst(%dma_wait3A_21 : memref<128x384xf32, #tpu.memory_space<hbm>>)
      tpu.yield
    }) : () -> ()
    return
  }
}

#map = affine_map<(d0, d1) -> (0, 0)>
#map1 = affine_map<(d0, d1) -> (0)>
module attributes {stable_mosaic.version = 14 : i64} {
  func.func @gk(%arg0: i32, %arg1: i32, %arg2: memref<4096x128xf32, #tpu.memory_space<hbm>>, %arg3: memref<204800xi32, #tpu.memory_space<hbm>>, %arg4: memref<204800x128xf32, #tpu.memory_space<hbm>>, %arg5: memref<128xi32, #tpu.memory_space<vmem>>, %arg6: memref<128xi32, #tpu.memory_space<vmem>>, %arg7: memref<128x128xf32, #tpu.memory_space<vmem>>, %arg8: memref<128x128xf32, #tpu.memory_space<vmem>>, %arg9: memref<!tpu.dma_semaphore, #tpu.memory_space<semaphore_mem>>, %arg10: memref<!tpu.dma_semaphore, #tpu.memory_space<semaphore_mem>>) attributes {dimension_semantics = [#tpu.dimension_semantics<core_parallel>, #tpu.dimension_semantics<subcore_parallel>], iteration_bounds = array<i64: 2, 16>, scalar_prefetch = 0 : i64, scratch_operands = 6 : i64, tpu.core_type = #tpu.core_type<sc_vector_subcore>, window_params = [{transform_indices = #map}, {transform_indices = #map1}, {transform_indices = #map}]} {
    %mul3A = arith.constant 2 : i32
    %mul3A_0 = arith.muli %arg1, %mul3A : i32
    %add3A = arith.addi %mul3A_0, %arg0 : i32
    %mul3A_1 = arith.constant 6400 : i32
    %mul3A_2 = arith.muli %add3A, %mul3A_1 : i32
    %scan3A = arith.constant 0 : i32
    %scan3A_3 = arith.constant 0 : i32
    %scan3A_4 = arith.constant 25 : i32
    %scan3A_5 = arith.addi %scan3A_3, %scan3A_4 : i32
    %scan3A_6 = arith.constant 1 : i32
    scf.for %scan3A_8 = %scan3A_3 to %scan3A_5 step %scan3A_6  : i32 {
      %mul3A_9 = arith.constant 2 : i32
      %mul3A_10 = arith.muli %mul3A_9, %scan3A_8 : i32
      %mul3A_11 = arith.constant 128 : i32
      %mul3A_12 = arith.muli %mul3A_10, %mul3A_11 : i32
      %add3A_13 = arith.addi %mul3A_2, %mul3A_12 : i32
      "tpu.region"() ({
        %run_scoped3A = tpu.sem_alloc : memref<!tpu.dma_semaphore, #tpu.memory_space<semaphore_mem>>
        %dma_start3A_28 = tpu.memref_slice %arg3[%add3A_13] : memref<204800xi32, #tpu.memory_space<hbm>> -> memref<128xi32, #tpu.memory_space<hbm>>
        %dma_start3A_29 = tpu.memref_slice %arg3[%add3A_13] : memref<204800xi32, #tpu.memory_space<hbm>> -> memref<128xi32, #tpu.memory_space<hbm>>
        tpu.enqueue_dma source(%dma_start3A_29 : memref<128xi32, #tpu.memory_space<hbm>>) target(%arg5 : memref<128xi32, #tpu.memory_space<vmem>>) target_semaphore(%run_scoped3A : memref<!tpu.dma_semaphore, #tpu.memory_space<semaphore_mem>>)
        %dma_wait3A_30 = tpu.memref_slice %arg3[%add3A_13] : memref<204800xi32, #tpu.memory_space<hbm>> -> memref<128xi32, #tpu.memory_space<hbm>>
        %dma_wait3A_31 = tpu.memref_slice %arg3[%add3A_13] : memref<204800xi32, #tpu.memory_space<hbm>> -> memref<128xi32, #tpu.memory_space<hbm>>
        tpu.wait_dma2 semaphore(%run_scoped3A : memref<!tpu.dma_semaphore, #tpu.memory_space<semaphore_mem>>) src(%dma_wait3A_31 : memref<128xi32, #tpu.memory_space<hbm>>) dst(%arg5 : memref<128xi32, #tpu.memory_space<vmem>>)
        tpu.yield
      }) : () -> ()
      %dma_start3A = arith.constant 0 : i32
      %dma_start3A_14 = arith.constant 0 : i32
      %dma_start3A_15 = tpu.memref_slice %arg2[%dma_start3A, %dma_start3A_14] : memref<4096x128xf32, #tpu.memory_space<hbm>> -> memref<4096x128xf32, #tpu.memory_space<hbm>>
      tpu.enqueue_indirect_dma source(%dma_start3A_15 : memref<4096x128xf32, #tpu.memory_space<hbm>>) target(%arg7 : memref<128x128xf32, #tpu.memory_space<vmem>>) offsets(%arg5 : memref<128xi32, #tpu.memory_space<vmem>>) semaphore(%arg9 : memref<!tpu.dma_semaphore, #tpu.memory_space<semaphore_mem>>)
      %add3A_16 = arith.constant 128 : i32
      %add3A_17 = arith.addi %add3A_13, %add3A_16 : i32
      "tpu.region"() ({
        %run_scoped3A = tpu.sem_alloc : memref<!tpu.dma_semaphore, #tpu.memory_space<semaphore_mem>>
        %dma_start3A_28 = tpu.memref_slice %arg3[%add3A_17] : memref<204800xi32, #tpu.memory_space<hbm>> -> memref<128xi32, #tpu.memory_space<hbm>>
        %dma_start3A_29 = tpu.memref_slice %arg3[%add3A_17] : memref<204800xi32, #tpu.memory_space<hbm>> -> memref<128xi32, #tpu.memory_space<hbm>>
        tpu.enqueue_dma source(%dma_start3A_29 : memref<128xi32, #tpu.memory_space<hbm>>) target(%arg6 : memref<128xi32, #tpu.memory_space<vmem>>) target_semaphore(%run_scoped3A : memref<!tpu.dma_semaphore, #tpu.memory_space<semaphore_mem>>)
        %dma_wait3A_30 = tpu.memref_slice %arg3[%add3A_17] : memref<204800xi32, #tpu.memory_space<hbm>> -> memref<128xi32, #tpu.memory_space<hbm>>
        %dma_wait3A_31 = tpu.memref_slice %arg3[%add3A_17] : memref<204800xi32, #tpu.memory_space<hbm>> -> memref<128xi32, #tpu.memory_space<hbm>>
        tpu.wait_dma2 semaphore(%run_scoped3A : memref<!tpu.dma_semaphore, #tpu.memory_space<semaphore_mem>>) src(%dma_wait3A_31 : memref<128xi32, #tpu.memory_space<hbm>>) dst(%arg6 : memref<128xi32, #tpu.memory_space<vmem>>)
        tpu.yield
      }) : () -> ()
      %dma_start3A_18 = arith.constant 0 : i32
      %dma_start3A_19 = arith.constant 0 : i32
      %dma_start3A_20 = tpu.memref_slice %arg2[%dma_start3A_18, %dma_start3A_19] : memref<4096x128xf32, #tpu.memory_space<hbm>> -> memref<4096x128xf32, #tpu.memory_space<hbm>>
      tpu.enqueue_indirect_dma source(%dma_start3A_20 : memref<4096x128xf32, #tpu.memory_space<hbm>>) target(%arg8 : memref<128x128xf32, #tpu.memory_space<vmem>>) offsets(%arg6 : memref<128xi32, #tpu.memory_space<vmem>>) semaphore(%arg10 : memref<!tpu.dma_semaphore, #tpu.memory_space<semaphore_mem>>)
      %dma_wait3A = arith.constant 0 : i32
      %dma_wait3A_21 = arith.constant 0 : i32
      %dma_wait3A_22 = tpu.memref_slice %arg2[%dma_wait3A, %dma_wait3A_21] : memref<4096x128xf32, #tpu.memory_space<hbm>> -> memref<4096x128xf32, #tpu.memory_space<hbm>>
      tpu.wait_indirect_dma semaphore(%arg9 : memref<!tpu.dma_semaphore, #tpu.memory_space<semaphore_mem>>) src(%dma_wait3A_22 : memref<4096x128xf32, #tpu.memory_space<hbm>>) dst(%arg7 : memref<128x128xf32, #tpu.memory_space<vmem>>)
      "tpu.region"() ({
        %run_scoped3A = tpu.sem_alloc : memref<!tpu.dma_semaphore, #tpu.memory_space<semaphore_mem>>
        %dma_start3A_28 = arith.constant 0 : i32
        %dma_start3A_29 = tpu.memref_slice %arg4[%add3A_13, %dma_start3A_28] : memref<204800x128xf32, #tpu.memory_space<hbm>> -> memref<128x128xf32, #tpu.memory_space<hbm>>
        %dma_start3A_30 = arith.constant 0 : i32
        %dma_start3A_31 = tpu.memref_slice %arg4[%add3A_13, %dma_start3A_30] : memref<204800x128xf32, #tpu.memory_space<hbm>> -> memref<128x128xf32, #tpu.memory_space<hbm>>
        tpu.enqueue_dma source(%arg7 : memref<128x128xf32, #tpu.memory_space<vmem>>) target(%dma_start3A_31 : memref<128x128xf32, #tpu.memory_space<hbm>>) target_semaphore(%run_scoped3A : memref<!tpu.dma_semaphore, #tpu.memory_space<semaphore_mem>>)
        %dma_wait3A_32 = arith.constant 0 : i32
        %dma_wait3A_33 = tpu.memref_slice %arg4[%add3A_13, %dma_wait3A_32] : memref<204800x128xf32, #tpu.memory_space<hbm>> -> memref<128x128xf32, #tpu.memory_space<hbm>>
        %dma_wait3A_34 = arith.constant 0 : i32
        %dma_wait3A_35 = tpu.memref_slice %arg4[%add3A_13, %dma_wait3A_34] : memref<204800x128xf32, #tpu.memory_space<hbm>> -> memref<128x128xf32, #tpu.memory_space<hbm>>
        tpu.wait_dma2 semaphore(%run_scoped3A : memref<!tpu.dma_semaphore, #tpu.memory_space<semaphore_mem>>) src(%arg7 : memref<128x128xf32, #tpu.memory_space<vmem>>) dst(%dma_wait3A_35 : memref<128x128xf32, #tpu.memory_space<hbm>>)
        tpu.yield
      }) : () -> ()
      %dma_wait3A_23 = arith.constant 0 : i32
      %dma_wait3A_24 = arith.constant 0 : i32
      %dma_wait3A_25 = tpu.memref_slice %arg2[%dma_wait3A_23, %dma_wait3A_24] : memref<4096x128xf32, #tpu.memory_space<hbm>> -> memref<4096x128xf32, #tpu.memory_space<hbm>>
      tpu.wait_indirect_dma semaphore(%arg10 : memref<!tpu.dma_semaphore, #tpu.memory_space<semaphore_mem>>) src(%dma_wait3A_25 : memref<4096x128xf32, #tpu.memory_space<hbm>>) dst(%arg8 : memref<128x128xf32, #tpu.memory_space<vmem>>)
      %add3A_26 = arith.constant 128 : i32
      %add3A_27 = arith.addi %add3A_13, %add3A_26 : i32
      "tpu.region"() ({
        %run_scoped3A = tpu.sem_alloc : memref<!tpu.dma_semaphore, #tpu.memory_space<semaphore_mem>>
        %dma_start3A_28 = arith.constant 0 : i32
        %dma_start3A_29 = tpu.memref_slice %arg4[%add3A_27, %dma_start3A_28] : memref<204800x128xf32, #tpu.memory_space<hbm>> -> memref<128x128xf32, #tpu.memory_space<hbm>>
        %dma_start3A_30 = arith.constant 0 : i32
        %dma_start3A_31 = tpu.memref_slice %arg4[%add3A_27, %dma_start3A_30] : memref<204800x128xf32, #tpu.memory_space<hbm>> -> memref<128x128xf32, #tpu.memory_space<hbm>>
        tpu.enqueue_dma source(%arg8 : memref<128x128xf32, #tpu.memory_space<vmem>>) target(%dma_start3A_31 : memref<128x128xf32, #tpu.memory_space<hbm>>) target_semaphore(%run_scoped3A : memref<!tpu.dma_semaphore, #tpu.memory_space<semaphore_mem>>)
        %dma_wait3A_32 = arith.constant 0 : i32
        %dma_wait3A_33 = tpu.memref_slice %arg4[%add3A_27, %dma_wait3A_32] : memref<204800x128xf32, #tpu.memory_space<hbm>> -> memref<128x128xf32, #tpu.memory_space<hbm>>
        %dma_wait3A_34 = arith.constant 0 : i32
        %dma_wait3A_35 = tpu.memref_slice %arg4[%add3A_27, %dma_wait3A_34] : memref<204800x128xf32, #tpu.memory_space<hbm>> -> memref<128x128xf32, #tpu.memory_space<hbm>>
        tpu.wait_dma2 semaphore(%run_scoped3A : memref<!tpu.dma_semaphore, #tpu.memory_space<semaphore_mem>>) src(%arg8 : memref<128x128xf32, #tpu.memory_space<vmem>>) dst(%dma_wait3A_35 : memref<128x128xf32, #tpu.memory_space<hbm>>)
        tpu.yield
      }) : () -> ()
    }
    %scan3A_7 = arith.constant 25 : i32
    return
  }
}

#map = affine_map<(d0, d1) -> (0, 0)>
#map1 = affine_map<(d0, d1) -> (0)>
module attributes {stable_mosaic.version = 14 : i64} {
  func.func @gk(%arg0: i32, %arg1: i32, %arg2: memref<8192x128xf32, #tpu.memory_space<hbm>>, %arg3: memref<245760xi32, #tpu.memory_space<hbm>>, %arg4: memref<245760x128xf32, #tpu.memory_space<hbm>>, %arg5: memref<128xi32, #tpu.memory_space<vmem>>, %arg6: memref<128xi32, #tpu.memory_space<vmem>>, %arg7: memref<128x128xf32, #tpu.memory_space<vmem>>, %arg8: memref<128x128xf32, #tpu.memory_space<vmem>>, %arg9: memref<!tpu.dma_semaphore, #tpu.memory_space<semaphore_mem>>, %arg10: memref<!tpu.dma_semaphore, #tpu.memory_space<semaphore_mem>>) attributes {dimension_semantics = [#tpu.dimension_semantics<core_parallel>, #tpu.dimension_semantics<subcore_parallel>], iteration_bounds = array<i64: 2, 16>, scalar_prefetch = 0 : i64, scratch_operands = 6 : i64, tpu.core_type = #tpu.core_type<sc_vector_subcore>, window_params = [{transform_indices = #map}, {transform_indices = #map1}, {transform_indices = #map}]} {
    %mul3A = arith.constant 2 : i32
    %mul3A_0 = arith.muli %arg1, %mul3A : i32
    %add3A = arith.addi %mul3A_0, %arg0 : i32
    %mul3A_1 = arith.constant 7680 : i32
    %mul3A_2 = arith.muli %add3A, %mul3A_1 : i32
    %scan3A = arith.constant 0 : i32
    %scan3A_3 = arith.constant 0 : i32
    %scan3A_4 = arith.constant 30 : i32
    %scan3A_5 = arith.addi %scan3A_3, %scan3A_4 : i32
    %scan3A_6 = arith.constant 1 : i32
    scf.for %scan3A_8 = %scan3A_3 to %scan3A_5 step %scan3A_6  : i32 {
      %mul3A_9 = arith.constant 2 : i32
      %mul3A_10 = arith.muli %mul3A_9, %scan3A_8 : i32
      %mul3A_11 = arith.constant 128 : i32
      %mul3A_12 = arith.muli %mul3A_10, %mul3A_11 : i32
      %add3A_13 = arith.addi %mul3A_2, %mul3A_12 : i32
      "tpu.region"() ({
        %run_scoped3A = tpu.sem_alloc : memref<!tpu.dma_semaphore, #tpu.memory_space<semaphore_mem>>
        %dma_start3A_28 = tpu.memref_slice %arg3[%add3A_13] : memref<245760xi32, #tpu.memory_space<hbm>> -> memref<128xi32, #tpu.memory_space<hbm>>
        %dma_start3A_29 = tpu.memref_slice %arg3[%add3A_13] : memref<245760xi32, #tpu.memory_space<hbm>> -> memref<128xi32, #tpu.memory_space<hbm>>
        tpu.enqueue_dma source(%dma_start3A_29 : memref<128xi32, #tpu.memory_space<hbm>>) target(%arg5 : memref<128xi32, #tpu.memory_space<vmem>>) target_semaphore(%run_scoped3A : memref<!tpu.dma_semaphore, #tpu.memory_space<semaphore_mem>>)
        %dma_wait3A_30 = tpu.memref_slice %arg3[%add3A_13] : memref<245760xi32, #tpu.memory_space<hbm>> -> memref<128xi32, #tpu.memory_space<hbm>>
        %dma_wait3A_31 = tpu.memref_slice %arg3[%add3A_13] : memref<245760xi32, #tpu.memory_space<hbm>> -> memref<128xi32, #tpu.memory_space<hbm>>
        tpu.wait_dma2 semaphore(%run_scoped3A : memref<!tpu.dma_semaphore, #tpu.memory_space<semaphore_mem>>) src(%dma_wait3A_31 : memref<128xi32, #tpu.memory_space<hbm>>) dst(%arg5 : memref<128xi32, #tpu.memory_space<vmem>>)
        tpu.yield
      }) : () -> ()
      %dma_start3A = arith.constant 0 : i32
      %dma_start3A_14 = arith.constant 0 : i32
      %dma_start3A_15 = tpu.memref_slice %arg2[%dma_start3A, %dma_start3A_14] : memref<8192x128xf32, #tpu.memory_space<hbm>> -> memref<8192x128xf32, #tpu.memory_space<hbm>>
      tpu.enqueue_indirect_dma source(%dma_start3A_15 : memref<8192x128xf32, #tpu.memory_space<hbm>>) target(%arg7 : memref<128x128xf32, #tpu.memory_space<vmem>>) offsets(%arg5 : memref<128xi32, #tpu.memory_space<vmem>>) semaphore(%arg9 : memref<!tpu.dma_semaphore, #tpu.memory_space<semaphore_mem>>)
      %add3A_16 = arith.constant 128 : i32
      %add3A_17 = arith.addi %add3A_13, %add3A_16 : i32
      "tpu.region"() ({
        %run_scoped3A = tpu.sem_alloc : memref<!tpu.dma_semaphore, #tpu.memory_space<semaphore_mem>>
        %dma_start3A_28 = tpu.memref_slice %arg3[%add3A_17] : memref<245760xi32, #tpu.memory_space<hbm>> -> memref<128xi32, #tpu.memory_space<hbm>>
        %dma_start3A_29 = tpu.memref_slice %arg3[%add3A_17] : memref<245760xi32, #tpu.memory_space<hbm>> -> memref<128xi32, #tpu.memory_space<hbm>>
        tpu.enqueue_dma source(%dma_start3A_29 : memref<128xi32, #tpu.memory_space<hbm>>) target(%arg6 : memref<128xi32, #tpu.memory_space<vmem>>) target_semaphore(%run_scoped3A : memref<!tpu.dma_semaphore, #tpu.memory_space<semaphore_mem>>)
        %dma_wait3A_30 = tpu.memref_slice %arg3[%add3A_17] : memref<245760xi32, #tpu.memory_space<hbm>> -> memref<128xi32, #tpu.memory_space<hbm>>
        %dma_wait3A_31 = tpu.memref_slice %arg3[%add3A_17] : memref<245760xi32, #tpu.memory_space<hbm>> -> memref<128xi32, #tpu.memory_space<hbm>>
        tpu.wait_dma2 semaphore(%run_scoped3A : memref<!tpu.dma_semaphore, #tpu.memory_space<semaphore_mem>>) src(%dma_wait3A_31 : memref<128xi32, #tpu.memory_space<hbm>>) dst(%arg6 : memref<128xi32, #tpu.memory_space<vmem>>)
        tpu.yield
      }) : () -> ()
      %dma_start3A_18 = arith.constant 0 : i32
      %dma_start3A_19 = arith.constant 0 : i32
      %dma_start3A_20 = tpu.memref_slice %arg2[%dma_start3A_18, %dma_start3A_19] : memref<8192x128xf32, #tpu.memory_space<hbm>> -> memref<8192x128xf32, #tpu.memory_space<hbm>>
      tpu.enqueue_indirect_dma source(%dma_start3A_20 : memref<8192x128xf32, #tpu.memory_space<hbm>>) target(%arg8 : memref<128x128xf32, #tpu.memory_space<vmem>>) offsets(%arg6 : memref<128xi32, #tpu.memory_space<vmem>>) semaphore(%arg10 : memref<!tpu.dma_semaphore, #tpu.memory_space<semaphore_mem>>)
      %dma_wait3A = arith.constant 0 : i32
      %dma_wait3A_21 = arith.constant 0 : i32
      %dma_wait3A_22 = tpu.memref_slice %arg2[%dma_wait3A, %dma_wait3A_21] : memref<8192x128xf32, #tpu.memory_space<hbm>> -> memref<8192x128xf32, #tpu.memory_space<hbm>>
      tpu.wait_indirect_dma semaphore(%arg9 : memref<!tpu.dma_semaphore, #tpu.memory_space<semaphore_mem>>) src(%dma_wait3A_22 : memref<8192x128xf32, #tpu.memory_space<hbm>>) dst(%arg7 : memref<128x128xf32, #tpu.memory_space<vmem>>)
      "tpu.region"() ({
        %run_scoped3A = tpu.sem_alloc : memref<!tpu.dma_semaphore, #tpu.memory_space<semaphore_mem>>
        %dma_start3A_28 = arith.constant 0 : i32
        %dma_start3A_29 = tpu.memref_slice %arg4[%add3A_13, %dma_start3A_28] : memref<245760x128xf32, #tpu.memory_space<hbm>> -> memref<128x128xf32, #tpu.memory_space<hbm>>
        %dma_start3A_30 = arith.constant 0 : i32
        %dma_start3A_31 = tpu.memref_slice %arg4[%add3A_13, %dma_start3A_30] : memref<245760x128xf32, #tpu.memory_space<hbm>> -> memref<128x128xf32, #tpu.memory_space<hbm>>
        tpu.enqueue_dma source(%arg7 : memref<128x128xf32, #tpu.memory_space<vmem>>) target(%dma_start3A_31 : memref<128x128xf32, #tpu.memory_space<hbm>>) target_semaphore(%run_scoped3A : memref<!tpu.dma_semaphore, #tpu.memory_space<semaphore_mem>>)
        %dma_wait3A_32 = arith.constant 0 : i32
        %dma_wait3A_33 = tpu.memref_slice %arg4[%add3A_13, %dma_wait3A_32] : memref<245760x128xf32, #tpu.memory_space<hbm>> -> memref<128x128xf32, #tpu.memory_space<hbm>>
        %dma_wait3A_34 = arith.constant 0 : i32
        %dma_wait3A_35 = tpu.memref_slice %arg4[%add3A_13, %dma_wait3A_34] : memref<245760x128xf32, #tpu.memory_space<hbm>> -> memref<128x128xf32, #tpu.memory_space<hbm>>
        tpu.wait_dma2 semaphore(%run_scoped3A : memref<!tpu.dma_semaphore, #tpu.memory_space<semaphore_mem>>) src(%arg7 : memref<128x128xf32, #tpu.memory_space<vmem>>) dst(%dma_wait3A_35 : memref<128x128xf32, #tpu.memory_space<hbm>>)
        tpu.yield
      }) : () -> ()
      %dma_wait3A_23 = arith.constant 0 : i32
      %dma_wait3A_24 = arith.constant 0 : i32
      %dma_wait3A_25 = tpu.memref_slice %arg2[%dma_wait3A_23, %dma_wait3A_24] : memref<8192x128xf32, #tpu.memory_space<hbm>> -> memref<8192x128xf32, #tpu.memory_space<hbm>>
      tpu.wait_indirect_dma semaphore(%arg10 : memref<!tpu.dma_semaphore, #tpu.memory_space<semaphore_mem>>) src(%dma_wait3A_25 : memref<8192x128xf32, #tpu.memory_space<hbm>>) dst(%arg8 : memref<128x128xf32, #tpu.memory_space<vmem>>)
      %add3A_26 = arith.constant 128 : i32
      %add3A_27 = arith.addi %add3A_13, %add3A_26 : i32
      "tpu.region"() ({
        %run_scoped3A = tpu.sem_alloc : memref<!tpu.dma_semaphore, #tpu.memory_space<semaphore_mem>>
        %dma_start3A_28 = arith.constant 0 : i32
        %dma_start3A_29 = tpu.memref_slice %arg4[%add3A_27, %dma_start3A_28] : memref<245760x128xf32, #tpu.memory_space<hbm>> -> memref<128x128xf32, #tpu.memory_space<hbm>>
        %dma_start3A_30 = arith.constant 0 : i32
        %dma_start3A_31 = tpu.memref_slice %arg4[%add3A_27, %dma_start3A_30] : memref<245760x128xf32, #tpu.memory_space<hbm>> -> memref<128x128xf32, #tpu.memory_space<hbm>>
        tpu.enqueue_dma source(%arg8 : memref<128x128xf32, #tpu.memory_space<vmem>>) target(%dma_start3A_31 : memref<128x128xf32, #tpu.memory_space<hbm>>) target_semaphore(%run_scoped3A : memref<!tpu.dma_semaphore, #tpu.memory_space<semaphore_mem>>)
        %dma_wait3A_32 = arith.constant 0 : i32
        %dma_wait3A_33 = tpu.memref_slice %arg4[%add3A_27, %dma_wait3A_32] : memref<245760x128xf32, #tpu.memory_space<hbm>> -> memref<128x128xf32, #tpu.memory_space<hbm>>
        %dma_wait3A_34 = arith.constant 0 : i32
        %dma_wait3A_35 = tpu.memref_slice %arg4[%add3A_27, %dma_wait3A_34] : memref<245760x128xf32, #tpu.memory_space<hbm>> -> memref<128x128xf32, #tpu.memory_space<hbm>>
        tpu.wait_dma2 semaphore(%run_scoped3A : memref<!tpu.dma_semaphore, #tpu.memory_space<semaphore_mem>>) src(%arg8 : memref<128x128xf32, #tpu.memory_space<vmem>>) dst(%dma_wait3A_35 : memref<128x128xf32, #tpu.memory_space<hbm>>)
        tpu.yield
      }) : () -> ()
    }
    %scan3A_7 = arith.constant 30 : i32
    return
  }
}

#map = affine_map<(d0, d1) -> (0, 0)>
#map1 = affine_map<(d0, d1) -> (0)>
module attributes {stable_mosaic.version = 14 : i64} {
  func.func @gk(%arg0: i32, %arg1: i32, %arg2: memref<4096x128xf32, #tpu.memory_space<hbm>>, %arg3: memref<16384xi32, #tpu.memory_space<hbm>>, %arg4: memref<16384x128xf32, #tpu.memory_space<hbm>>, %arg5: memref<128xi32, #tpu.memory_space<vmem>>, %arg6: memref<128xi32, #tpu.memory_space<vmem>>, %arg7: memref<128x128xf32, #tpu.memory_space<vmem>>, %arg8: memref<128x128xf32, #tpu.memory_space<vmem>>, %arg9: memref<!tpu.dma_semaphore, #tpu.memory_space<semaphore_mem>>, %arg10: memref<!tpu.dma_semaphore, #tpu.memory_space<semaphore_mem>>) attributes {dimension_semantics = [#tpu.dimension_semantics<core_parallel>, #tpu.dimension_semantics<subcore_parallel>], iteration_bounds = array<i64: 2, 16>, scalar_prefetch = 0 : i64, scratch_operands = 6 : i64, tpu.core_type = #tpu.core_type<sc_vector_subcore>, window_params = [{transform_indices = #map}, {transform_indices = #map1}, {transform_indices = #map}]} {
    %mul3A = arith.constant 2 : i32
    %mul3A_0 = arith.muli %arg1, %mul3A : i32
    %add3A = arith.addi %mul3A_0, %arg0 : i32
    %mul3A_1 = arith.constant 512 : i32
    %mul3A_2 = arith.muli %add3A, %mul3A_1 : i32
    %scan3A = arith.constant 0 : i32
    %scan3A_3 = arith.constant 0 : i32
    %scan3A_4 = arith.constant 2 : i32
    %scan3A_5 = arith.addi %scan3A_3, %scan3A_4 : i32
    %scan3A_6 = arith.constant 1 : i32
    scf.for %scan3A_8 = %scan3A_3 to %scan3A_5 step %scan3A_6  : i32 {
      %mul3A_9 = arith.constant 2 : i32
      %mul3A_10 = arith.muli %mul3A_9, %scan3A_8 : i32
      %mul3A_11 = arith.constant 128 : i32
      %mul3A_12 = arith.muli %mul3A_10, %mul3A_11 : i32
      %add3A_13 = arith.addi %mul3A_2, %mul3A_12 : i32
      "tpu.region"() ({
        %run_scoped3A = tpu.sem_alloc : memref<!tpu.dma_semaphore, #tpu.memory_space<semaphore_mem>>
        %dma_start3A_28 = tpu.memref_slice %arg3[%add3A_13] : memref<16384xi32, #tpu.memory_space<hbm>> -> memref<128xi32, #tpu.memory_space<hbm>>
        %dma_start3A_29 = tpu.memref_slice %arg3[%add3A_13] : memref<16384xi32, #tpu.memory_space<hbm>> -> memref<128xi32, #tpu.memory_space<hbm>>
        tpu.enqueue_dma source(%dma_start3A_29 : memref<128xi32, #tpu.memory_space<hbm>>) target(%arg5 : memref<128xi32, #tpu.memory_space<vmem>>) target_semaphore(%run_scoped3A : memref<!tpu.dma_semaphore, #tpu.memory_space<semaphore_mem>>)
        %dma_wait3A_30 = tpu.memref_slice %arg3[%add3A_13] : memref<16384xi32, #tpu.memory_space<hbm>> -> memref<128xi32, #tpu.memory_space<hbm>>
        %dma_wait3A_31 = tpu.memref_slice %arg3[%add3A_13] : memref<16384xi32, #tpu.memory_space<hbm>> -> memref<128xi32, #tpu.memory_space<hbm>>
        tpu.wait_dma2 semaphore(%run_scoped3A : memref<!tpu.dma_semaphore, #tpu.memory_space<semaphore_mem>>) src(%dma_wait3A_31 : memref<128xi32, #tpu.memory_space<hbm>>) dst(%arg5 : memref<128xi32, #tpu.memory_space<vmem>>)
        tpu.yield
      }) : () -> ()
      %dma_start3A = arith.constant 0 : i32
      %dma_start3A_14 = arith.constant 0 : i32
      %dma_start3A_15 = tpu.memref_slice %arg2[%dma_start3A, %dma_start3A_14] : memref<4096x128xf32, #tpu.memory_space<hbm>> -> memref<4096x128xf32, #tpu.memory_space<hbm>>
      tpu.enqueue_indirect_dma source(%dma_start3A_15 : memref<4096x128xf32, #tpu.memory_space<hbm>>) target(%arg7 : memref<128x128xf32, #tpu.memory_space<vmem>>) offsets(%arg5 : memref<128xi32, #tpu.memory_space<vmem>>) semaphore(%arg9 : memref<!tpu.dma_semaphore, #tpu.memory_space<semaphore_mem>>)
      %add3A_16 = arith.constant 128 : i32
      %add3A_17 = arith.addi %add3A_13, %add3A_16 : i32
      "tpu.region"() ({
        %run_scoped3A = tpu.sem_alloc : memref<!tpu.dma_semaphore, #tpu.memory_space<semaphore_mem>>
        %dma_start3A_28 = tpu.memref_slice %arg3[%add3A_17] : memref<16384xi32, #tpu.memory_space<hbm>> -> memref<128xi32, #tpu.memory_space<hbm>>
        %dma_start3A_29 = tpu.memref_slice %arg3[%add3A_17] : memref<16384xi32, #tpu.memory_space<hbm>> -> memref<128xi32, #tpu.memory_space<hbm>>
        tpu.enqueue_dma source(%dma_start3A_29 : memref<128xi32, #tpu.memory_space<hbm>>) target(%arg6 : memref<128xi32, #tpu.memory_space<vmem>>) target_semaphore(%run_scoped3A : memref<!tpu.dma_semaphore, #tpu.memory_space<semaphore_mem>>)
        %dma_wait3A_30 = tpu.memref_slice %arg3[%add3A_17] : memref<16384xi32, #tpu.memory_space<hbm>> -> memref<128xi32, #tpu.memory_space<hbm>>
        %dma_wait3A_31 = tpu.memref_slice %arg3[%add3A_17] : memref<16384xi32, #tpu.memory_space<hbm>> -> memref<128xi32, #tpu.memory_space<hbm>>
        tpu.wait_dma2 semaphore(%run_scoped3A : memref<!tpu.dma_semaphore, #tpu.memory_space<semaphore_mem>>) src(%dma_wait3A_31 : memref<128xi32, #tpu.memory_space<hbm>>) dst(%arg6 : memref<128xi32, #tpu.memory_space<vmem>>)
        tpu.yield
      }) : () -> ()
      %dma_start3A_18 = arith.constant 0 : i32
      %dma_start3A_19 = arith.constant 0 : i32
      %dma_start3A_20 = tpu.memref_slice %arg2[%dma_start3A_18, %dma_start3A_19] : memref<4096x128xf32, #tpu.memory_space<hbm>> -> memref<4096x128xf32, #tpu.memory_space<hbm>>
      tpu.enqueue_indirect_dma source(%dma_start3A_20 : memref<4096x128xf32, #tpu.memory_space<hbm>>) target(%arg8 : memref<128x128xf32, #tpu.memory_space<vmem>>) offsets(%arg6 : memref<128xi32, #tpu.memory_space<vmem>>) semaphore(%arg10 : memref<!tpu.dma_semaphore, #tpu.memory_space<semaphore_mem>>)
      %dma_wait3A = arith.constant 0 : i32
      %dma_wait3A_21 = arith.constant 0 : i32
      %dma_wait3A_22 = tpu.memref_slice %arg2[%dma_wait3A, %dma_wait3A_21] : memref<4096x128xf32, #tpu.memory_space<hbm>> -> memref<4096x128xf32, #tpu.memory_space<hbm>>
      tpu.wait_indirect_dma semaphore(%arg9 : memref<!tpu.dma_semaphore, #tpu.memory_space<semaphore_mem>>) src(%dma_wait3A_22 : memref<4096x128xf32, #tpu.memory_space<hbm>>) dst(%arg7 : memref<128x128xf32, #tpu.memory_space<vmem>>)
      "tpu.region"() ({
        %run_scoped3A = tpu.sem_alloc : memref<!tpu.dma_semaphore, #tpu.memory_space<semaphore_mem>>
        %dma_start3A_28 = arith.constant 0 : i32
        %dma_start3A_29 = tpu.memref_slice %arg4[%add3A_13, %dma_start3A_28] : memref<16384x128xf32, #tpu.memory_space<hbm>> -> memref<128x128xf32, #tpu.memory_space<hbm>>
        %dma_start3A_30 = arith.constant 0 : i32
        %dma_start3A_31 = tpu.memref_slice %arg4[%add3A_13, %dma_start3A_30] : memref<16384x128xf32, #tpu.memory_space<hbm>> -> memref<128x128xf32, #tpu.memory_space<hbm>>
        tpu.enqueue_dma source(%arg7 : memref<128x128xf32, #tpu.memory_space<vmem>>) target(%dma_start3A_31 : memref<128x128xf32, #tpu.memory_space<hbm>>) target_semaphore(%run_scoped3A : memref<!tpu.dma_semaphore, #tpu.memory_space<semaphore_mem>>)
        %dma_wait3A_32 = arith.constant 0 : i32
        %dma_wait3A_33 = tpu.memref_slice %arg4[%add3A_13, %dma_wait3A_32] : memref<16384x128xf32, #tpu.memory_space<hbm>> -> memref<128x128xf32, #tpu.memory_space<hbm>>
        %dma_wait3A_34 = arith.constant 0 : i32
        %dma_wait3A_35 = tpu.memref_slice %arg4[%add3A_13, %dma_wait3A_34] : memref<16384x128xf32, #tpu.memory_space<hbm>> -> memref<128x128xf32, #tpu.memory_space<hbm>>
        tpu.wait_dma2 semaphore(%run_scoped3A : memref<!tpu.dma_semaphore, #tpu.memory_space<semaphore_mem>>) src(%arg7 : memref<128x128xf32, #tpu.memory_space<vmem>>) dst(%dma_wait3A_35 : memref<128x128xf32, #tpu.memory_space<hbm>>)
        tpu.yield
      }) : () -> ()
      %dma_wait3A_23 = arith.constant 0 : i32
      %dma_wait3A_24 = arith.constant 0 : i32
      %dma_wait3A_25 = tpu.memref_slice %arg2[%dma_wait3A_23, %dma_wait3A_24] : memref<4096x128xf32, #tpu.memory_space<hbm>> -> memref<4096x128xf32, #tpu.memory_space<hbm>>
      tpu.wait_indirect_dma semaphore(%arg10 : memref<!tpu.dma_semaphore, #tpu.memory_space<semaphore_mem>>) src(%dma_wait3A_25 : memref<4096x128xf32, #tpu.memory_space<hbm>>) dst(%arg8 : memref<128x128xf32, #tpu.memory_space<vmem>>)
      %add3A_26 = arith.constant 128 : i32
      %add3A_27 = arith.addi %add3A_13, %add3A_26 : i32
      "tpu.region"() ({
        %run_scoped3A = tpu.sem_alloc : memref<!tpu.dma_semaphore, #tpu.memory_space<semaphore_mem>>
        %dma_start3A_28 = arith.constant 0 : i32
        %dma_start3A_29 = tpu.memref_slice %arg4[%add3A_27, %dma_start3A_28] : memref<16384x128xf32, #tpu.memory_space<hbm>> -> memref<128x128xf32, #tpu.memory_space<hbm>>
        %dma_start3A_30 = arith.constant 0 : i32
        %dma_start3A_31 = tpu.memref_slice %arg4[%add3A_27, %dma_start3A_30] : memref<16384x128xf32, #tpu.memory_space<hbm>> -> memref<128x128xf32, #tpu.memory_space<hbm>>
        tpu.enqueue_dma source(%arg8 : memref<128x128xf32, #tpu.memory_space<vmem>>) target(%dma_start3A_31 : memref<128x128xf32, #tpu.memory_space<hbm>>) target_semaphore(%run_scoped3A : memref<!tpu.dma_semaphore, #tpu.memory_space<semaphore_mem>>)
        %dma_wait3A_32 = arith.constant 0 : i32
        %dma_wait3A_33 = tpu.memref_slice %arg4[%add3A_27, %dma_wait3A_32] : memref<16384x128xf32, #tpu.memory_space<hbm>> -> memref<128x128xf32, #tpu.memory_space<hbm>>
        %dma_wait3A_34 = arith.constant 0 : i32
        %dma_wait3A_35 = tpu.memref_slice %arg4[%add3A_27, %dma_wait3A_34] : memref<16384x128xf32, #tpu.memory_space<hbm>> -> memref<128x128xf32, #tpu.memory_space<hbm>>
        tpu.wait_dma2 semaphore(%run_scoped3A : memref<!tpu.dma_semaphore, #tpu.memory_space<semaphore_mem>>) src(%arg8 : memref<128x128xf32, #tpu.memory_space<vmem>>) dst(%dma_wait3A_35 : memref<128x128xf32, #tpu.memory_space<hbm>>)
        tpu.yield
      }) : () -> ()
    }
    %scan3A_7 = arith.constant 2 : i32
    return
  }
}

#map = affine_map<(d0, d1) -> (0, 0)>
#map1 = affine_map<(d0, d1) -> (0)>
module attributes {stable_mosaic.version = 14 : i64} {
  func.func @gk(%arg0: i32, %arg1: i32, %arg2: memref<2048x256xf32, #tpu.memory_space<hbm>>, %arg3: memref<61440xi32, #tpu.memory_space<hbm>>, %arg4: memref<61440x256xf32, #tpu.memory_space<hbm>>, %arg5: memref<128xi32, #tpu.memory_space<vmem>>, %arg6: memref<128xi32, #tpu.memory_space<vmem>>, %arg7: memref<128x256xf32, #tpu.memory_space<vmem>>, %arg8: memref<128x256xf32, #tpu.memory_space<vmem>>, %arg9: memref<!tpu.dma_semaphore, #tpu.memory_space<semaphore_mem>>, %arg10: memref<!tpu.dma_semaphore, #tpu.memory_space<semaphore_mem>>) attributes {dimension_semantics = [#tpu.dimension_semantics<core_parallel>, #tpu.dimension_semantics<subcore_parallel>], iteration_bounds = array<i64: 2, 16>, scalar_prefetch = 0 : i64, scratch_operands = 6 : i64, tpu.core_type = #tpu.core_type<sc_vector_subcore>, window_params = [{transform_indices = #map}, {transform_indices = #map1}, {transform_indices = #map}]} {
    %mul3A = arith.constant 2 : i32
    %mul3A_0 = arith.muli %arg1, %mul3A : i32
    %add3A = arith.addi %mul3A_0, %arg0 : i32
    %mul3A_1 = arith.constant 1920 : i32
    %mul3A_2 = arith.muli %add3A, %mul3A_1 : i32
    %scan3A = arith.constant 0 : i32
    %scan3A_3 = arith.constant 0 : i32
    %scan3A_4 = arith.constant 7 : i32
    %scan3A_5 = arith.addi %scan3A_3, %scan3A_4 : i32
    %scan3A_6 = arith.constant 1 : i32
    scf.for %scan3A_14 = %scan3A_3 to %scan3A_5 step %scan3A_6  : i32 {
      %mul3A_15 = arith.constant 2 : i32
      %mul3A_16 = arith.muli %mul3A_15, %scan3A_14 : i32
      %mul3A_17 = arith.constant 128 : i32
      %mul3A_18 = arith.muli %mul3A_16, %mul3A_17 : i32
      %add3A_19 = arith.addi %mul3A_2, %mul3A_18 : i32
      "tpu.region"() ({
        %run_scoped3A = tpu.sem_alloc : memref<!tpu.dma_semaphore, #tpu.memory_space<semaphore_mem>>
        %dma_start3A_36 = tpu.memref_slice %arg3[%add3A_19] : memref<61440xi32, #tpu.memory_space<hbm>> -> memref<128xi32, #tpu.memory_space<hbm>>
        %dma_start3A_37 = tpu.memref_slice %arg3[%add3A_19] : memref<61440xi32, #tpu.memory_space<hbm>> -> memref<128xi32, #tpu.memory_space<hbm>>
        tpu.enqueue_dma source(%dma_start3A_37 : memref<128xi32, #tpu.memory_space<hbm>>) target(%arg5 : memref<128xi32, #tpu.memory_space<vmem>>) target_semaphore(%run_scoped3A : memref<!tpu.dma_semaphore, #tpu.memory_space<semaphore_mem>>)
        %dma_wait3A_38 = tpu.memref_slice %arg3[%add3A_19] : memref<61440xi32, #tpu.memory_space<hbm>> -> memref<128xi32, #tpu.memory_space<hbm>>
        %dma_wait3A_39 = tpu.memref_slice %arg3[%add3A_19] : memref<61440xi32, #tpu.memory_space<hbm>> -> memref<128xi32, #tpu.memory_space<hbm>>
        tpu.wait_dma2 semaphore(%run_scoped3A : memref<!tpu.dma_semaphore, #tpu.memory_space<semaphore_mem>>) src(%dma_wait3A_39 : memref<128xi32, #tpu.memory_space<hbm>>) dst(%arg5 : memref<128xi32, #tpu.memory_space<vmem>>)
        tpu.yield
      }) : () -> ()
      %dma_start3A_20 = arith.constant 0 : i32
      %dma_start3A_21 = arith.constant 0 : i32
      %dma_start3A_22 = tpu.memref_slice %arg2[%dma_start3A_20, %dma_start3A_21] : memref<2048x256xf32, #tpu.memory_space<hbm>> -> memref<2048x256xf32, #tpu.memory_space<hbm>>
      tpu.enqueue_indirect_dma source(%dma_start3A_22 : memref<2048x256xf32, #tpu.memory_space<hbm>>) target(%arg7 : memref<128x256xf32, #tpu.memory_space<vmem>>) offsets(%arg5 : memref<128xi32, #tpu.memory_space<vmem>>) semaphore(%arg9 : memref<!tpu.dma_semaphore, #tpu.memory_space<semaphore_mem>>)
      %add3A_23 = arith.constant 128 : i32
      %add3A_24 = arith.addi %add3A_19, %add3A_23 : i32
      "tpu.region"() ({
        %run_scoped3A = tpu.sem_alloc : memref<!tpu.dma_semaphore, #tpu.memory_space<semaphore_mem>>
        %dma_start3A_36 = tpu.memref_slice %arg3[%add3A_24] : memref<61440xi32, #tpu.memory_space<hbm>> -> memref<128xi32, #tpu.memory_space<hbm>>
        %dma_start3A_37 = tpu.memref_slice %arg3[%add3A_24] : memref<61440xi32, #tpu.memory_space<hbm>> -> memref<128xi32, #tpu.memory_space<hbm>>
        tpu.enqueue_dma source(%dma_start3A_37 : memref<128xi32, #tpu.memory_space<hbm>>) target(%arg6 : memref<128xi32, #tpu.memory_space<vmem>>) target_semaphore(%run_scoped3A : memref<!tpu.dma_semaphore, #tpu.memory_space<semaphore_mem>>)
        %dma_wait3A_38 = tpu.memref_slice %arg3[%add3A_24] : memref<61440xi32, #tpu.memory_space<hbm>> -> memref<128xi32, #tpu.memory_space<hbm>>
        %dma_wait3A_39 = tpu.memref_slice %arg3[%add3A_24] : memref<61440xi32, #tpu.memory_space<hbm>> -> memref<128xi32, #tpu.memory_space<hbm>>
        tpu.wait_dma2 semaphore(%run_scoped3A : memref<!tpu.dma_semaphore, #tpu.memory_space<semaphore_mem>>) src(%dma_wait3A_39 : memref<128xi32, #tpu.memory_space<hbm>>) dst(%arg6 : memref<128xi32, #tpu.memory_space<vmem>>)
        tpu.yield
      }) : () -> ()
      %dma_start3A_25 = arith.constant 0 : i32
      %dma_start3A_26 = arith.constant 0 : i32
      %dma_start3A_27 = tpu.memref_slice %arg2[%dma_start3A_25, %dma_start3A_26] : memref<2048x256xf32, #tpu.memory_space<hbm>> -> memref<2048x256xf32, #tpu.memory_space<hbm>>
      tpu.enqueue_indirect_dma source(%dma_start3A_27 : memref<2048x256xf32, #tpu.memory_space<hbm>>) target(%arg8 : memref<128x256xf32, #tpu.memory_space<vmem>>) offsets(%arg6 : memref<128xi32, #tpu.memory_space<vmem>>) semaphore(%arg10 : memref<!tpu.dma_semaphore, #tpu.memory_space<semaphore_mem>>)
      %dma_wait3A_28 = arith.constant 0 : i32
      %dma_wait3A_29 = arith.constant 0 : i32
      %dma_wait3A_30 = tpu.memref_slice %arg2[%dma_wait3A_28, %dma_wait3A_29] : memref<2048x256xf32, #tpu.memory_space<hbm>> -> memref<2048x256xf32, #tpu.memory_space<hbm>>
      tpu.wait_indirect_dma semaphore(%arg9 : memref<!tpu.dma_semaphore, #tpu.memory_space<semaphore_mem>>) src(%dma_wait3A_30 : memref<2048x256xf32, #tpu.memory_space<hbm>>) dst(%arg7 : memref<128x256xf32, #tpu.memory_space<vmem>>)
      "tpu.region"() ({
        %run_scoped3A = tpu.sem_alloc : memref<!tpu.dma_semaphore, #tpu.memory_space<semaphore_mem>>
        %dma_start3A_36 = arith.constant 0 : i32
        %dma_start3A_37 = tpu.memref_slice %arg4[%add3A_19, %dma_start3A_36] : memref<61440x256xf32, #tpu.memory_space<hbm>> -> memref<128x256xf32, #tpu.memory_space<hbm>>
        %dma_start3A_38 = arith.constant 0 : i32
        %dma_start3A_39 = tpu.memref_slice %arg4[%add3A_19, %dma_start3A_38] : memref<61440x256xf32, #tpu.memory_space<hbm>> -> memref<128x256xf32, #tpu.memory_space<hbm>>
        tpu.enqueue_dma source(%arg7 : memref<128x256xf32, #tpu.memory_space<vmem>>) target(%dma_start3A_39 : memref<128x256xf32, #tpu.memory_space<hbm>>) target_semaphore(%run_scoped3A : memref<!tpu.dma_semaphore, #tpu.memory_space<semaphore_mem>>)
        %dma_wait3A_40 = arith.constant 0 : i32
        %dma_wait3A_41 = tpu.memref_slice %arg4[%add3A_19, %dma_wait3A_40] : memref<61440x256xf32, #tpu.memory_space<hbm>> -> memref<128x256xf32, #tpu.memory_space<hbm>>
        %dma_wait3A_42 = arith.constant 0 : i32
        %dma_wait3A_43 = tpu.memref_slice %arg4[%add3A_19, %dma_wait3A_42] : memref<61440x256xf32, #tpu.memory_space<hbm>> -> memref<128x256xf32, #tpu.memory_space<hbm>>
        tpu.wait_dma2 semaphore(%run_scoped3A : memref<!tpu.dma_semaphore, #tpu.memory_space<semaphore_mem>>) src(%arg7 : memref<128x256xf32, #tpu.memory_space<vmem>>) dst(%dma_wait3A_43 : memref<128x256xf32, #tpu.memory_space<hbm>>)
        tpu.yield
      }) : () -> ()
      %dma_wait3A_31 = arith.constant 0 : i32
      %dma_wait3A_32 = arith.constant 0 : i32
      %dma_wait3A_33 = tpu.memref_slice %arg2[%dma_wait3A_31, %dma_wait3A_32] : memref<2048x256xf32, #tpu.memory_space<hbm>> -> memref<2048x256xf32, #tpu.memory_space<hbm>>
      tpu.wait_indirect_dma semaphore(%arg10 : memref<!tpu.dma_semaphore, #tpu.memory_space<semaphore_mem>>) src(%dma_wait3A_33 : memref<2048x256xf32, #tpu.memory_space<hbm>>) dst(%arg8 : memref<128x256xf32, #tpu.memory_space<vmem>>)
      %add3A_34 = arith.constant 128 : i32
      %add3A_35 = arith.addi %add3A_19, %add3A_34 : i32
      "tpu.region"() ({
        %run_scoped3A = tpu.sem_alloc : memref<!tpu.dma_semaphore, #tpu.memory_space<semaphore_mem>>
        %dma_start3A_36 = arith.constant 0 : i32
        %dma_start3A_37 = tpu.memref_slice %arg4[%add3A_35, %dma_start3A_36] : memref<61440x256xf32, #tpu.memory_space<hbm>> -> memref<128x256xf32, #tpu.memory_space<hbm>>
        %dma_start3A_38 = arith.constant 0 : i32
        %dma_start3A_39 = tpu.memref_slice %arg4[%add3A_35, %dma_start3A_38] : memref<61440x256xf32, #tpu.memory_space<hbm>> -> memref<128x256xf32, #tpu.memory_space<hbm>>
        tpu.enqueue_dma source(%arg8 : memref<128x256xf32, #tpu.memory_space<vmem>>) target(%dma_start3A_39 : memref<128x256xf32, #tpu.memory_space<hbm>>) target_semaphore(%run_scoped3A : memref<!tpu.dma_semaphore, #tpu.memory_space<semaphore_mem>>)
        %dma_wait3A_40 = arith.constant 0 : i32
        %dma_wait3A_41 = tpu.memref_slice %arg4[%add3A_35, %dma_wait3A_40] : memref<61440x256xf32, #tpu.memory_space<hbm>> -> memref<128x256xf32, #tpu.memory_space<hbm>>
        %dma_wait3A_42 = arith.constant 0 : i32
        %dma_wait3A_43 = tpu.memref_slice %arg4[%add3A_35, %dma_wait3A_42] : memref<61440x256xf32, #tpu.memory_space<hbm>> -> memref<128x256xf32, #tpu.memory_space<hbm>>
        tpu.wait_dma2 semaphore(%run_scoped3A : memref<!tpu.dma_semaphore, #tpu.memory_space<semaphore_mem>>) src(%arg8 : memref<128x256xf32, #tpu.memory_space<vmem>>) dst(%dma_wait3A_43 : memref<128x256xf32, #tpu.memory_space<hbm>>)
        tpu.yield
      }) : () -> ()
    }
    %scan3A_7 = arith.constant 7 : i32
    %add3A_8 = arith.constant 1792 : i32
    %add3A_9 = arith.addi %mul3A_2, %add3A_8 : i32
    "tpu.region"() ({
      %run_scoped3A = tpu.sem_alloc : memref<!tpu.dma_semaphore, #tpu.memory_space<semaphore_mem>>
      %dma_start3A_14 = tpu.memref_slice %arg3[%add3A_9] : memref<61440xi32, #tpu.memory_space<hbm>> -> memref<128xi32, #tpu.memory_space<hbm>>
      %dma_start3A_15 = tpu.memref_slice %arg3[%add3A_9] : memref<61440xi32, #tpu.memory_space<hbm>> -> memref<128xi32, #tpu.memory_space<hbm>>
      tpu.enqueue_dma source(%dma_start3A_15 : memref<128xi32, #tpu.memory_space<hbm>>) target(%arg5 : memref<128xi32, #tpu.memory_space<vmem>>) target_semaphore(%run_scoped3A : memref<!tpu.dma_semaphore, #tpu.memory_space<semaphore_mem>>)
      %dma_wait3A_16 = tpu.memref_slice %arg3[%add3A_9] : memref<61440xi32, #tpu.memory_space<hbm>> -> memref<128xi32, #tpu.memory_space<hbm>>
      %dma_wait3A_17 = tpu.memref_slice %arg3[%add3A_9] : memref<61440xi32, #tpu.memory_space<hbm>> -> memref<128xi32, #tpu.memory_space<hbm>>
      tpu.wait_dma2 semaphore(%run_scoped3A : memref<!tpu.dma_semaphore, #tpu.memory_space<semaphore_mem>>) src(%dma_wait3A_17 : memref<128xi32, #tpu.memory_space<hbm>>) dst(%arg5 : memref<128xi32, #tpu.memory_space<vmem>>)
      tpu.yield
    }) : () -> ()
    %dma_start3A = arith.constant 0 : i32
    %dma_start3A_10 = arith.constant 0 : i32
    %dma_start3A_11 = tpu.memref_slice %arg2[%dma_start3A, %dma_start3A_10] : memref<2048x256xf32, #tpu.memory_space<hbm>> -> memref<2048x256xf32, #tpu.memory_space<hbm>>
    tpu.enqueue_indirect_dma source(%dma_start3A_11 : memref<2048x256xf32, #tpu.memory_space<hbm>>) target(%arg7 : memref<128x256xf32, #tpu.memory_space<vmem>>) offsets(%arg5 : memref<128xi32, #tpu.memory_space<vmem>>) semaphore(%arg9 : memref<!tpu.dma_semaphore, #tpu.memory_space<semaphore_mem>>)
    %dma_wait3A = arith.constant 0 : i32
    %dma_wait3A_12 = arith.constant 0 : i32
    %dma_wait3A_13 = tpu.memref_slice %arg2[%dma_wait3A, %dma_wait3A_12] : memref<2048x256xf32, #tpu.memory_space<hbm>> -> memref<2048x256xf32, #tpu.memory_space<hbm>>
    tpu.wait_indirect_dma semaphore(%arg9 : memref<!tpu.dma_semaphore, #tpu.memory_space<semaphore_mem>>) src(%dma_wait3A_13 : memref<2048x256xf32, #tpu.memory_space<hbm>>) dst(%arg7 : memref<128x256xf32, #tpu.memory_space<vmem>>)
    "tpu.region"() ({
      %run_scoped3A = tpu.sem_alloc : memref<!tpu.dma_semaphore, #tpu.memory_space<semaphore_mem>>
      %dma_start3A_14 = arith.constant 0 : i32
      %dma_start3A_15 = tpu.memref_slice %arg4[%add3A_9, %dma_start3A_14] : memref<61440x256xf32, #tpu.memory_space<hbm>> -> memref<128x256xf32, #tpu.memory_space<hbm>>
      %dma_start3A_16 = arith.constant 0 : i32
      %dma_start3A_17 = tpu.memref_slice %arg4[%add3A_9, %dma_start3A_16] : memref<61440x256xf32, #tpu.memory_space<hbm>> -> memref<128x256xf32, #tpu.memory_space<hbm>>
      tpu.enqueue_dma source(%arg7 : memref<128x256xf32, #tpu.memory_space<vmem>>) target(%dma_start3A_17 : memref<128x256xf32, #tpu.memory_space<hbm>>) target_semaphore(%run_scoped3A : memref<!tpu.dma_semaphore, #tpu.memory_space<semaphore_mem>>)
      %dma_wait3A_18 = arith.constant 0 : i32
      %dma_wait3A_19 = tpu.memref_slice %arg4[%add3A_9, %dma_wait3A_18] : memref<61440x256xf32, #tpu.memory_space<hbm>> -> memref<128x256xf32, #tpu.memory_space<hbm>>
      %dma_wait3A_20 = arith.constant 0 : i32
      %dma_wait3A_21 = tpu.memref_slice %arg4[%add3A_9, %dma_wait3A_20] : memref<61440x256xf32, #tpu.memory_space<hbm>> -> memref<128x256xf32, #tpu.memory_space<hbm>>
      tpu.wait_dma2 semaphore(%run_scoped3A : memref<!tpu.dma_semaphore, #tpu.memory_space<semaphore_mem>>) src(%arg7 : memref<128x256xf32, #tpu.memory_space<vmem>>) dst(%dma_wait3A_21 : memref<128x256xf32, #tpu.memory_space<hbm>>)
      tpu.yield
    }) : () -> ()
    return
  }
}

#map = affine_map<(d0, d1) -> (0, 0)>
#map1 = affine_map<(d0, d1) -> (0)>
module attributes {stable_mosaic.version = 14 : i64} {
  func.func @gk(%arg0: i32, %arg1: i32, %arg2: memref<1024x256xf32, #tpu.memory_space<hbm>>, %arg3: memref<4096xi32, #tpu.memory_space<hbm>>, %arg4: memref<4096x256xf32, #tpu.memory_space<hbm>>, %arg5: memref<128xi32, #tpu.memory_space<vmem>>, %arg6: memref<128xi32, #tpu.memory_space<vmem>>, %arg7: memref<128x256xf32, #tpu.memory_space<vmem>>, %arg8: memref<128x256xf32, #tpu.memory_space<vmem>>, %arg9: memref<!tpu.dma_semaphore, #tpu.memory_space<semaphore_mem>>, %arg10: memref<!tpu.dma_semaphore, #tpu.memory_space<semaphore_mem>>) attributes {dimension_semantics = [#tpu.dimension_semantics<core_parallel>, #tpu.dimension_semantics<subcore_parallel>], iteration_bounds = array<i64: 2, 16>, scalar_prefetch = 0 : i64, scratch_operands = 6 : i64, tpu.core_type = #tpu.core_type<sc_vector_subcore>, window_params = [{transform_indices = #map}, {transform_indices = #map1}, {transform_indices = #map}]} {
    %mul3A = arith.constant 2 : i32
    %mul3A_0 = arith.muli %arg1, %mul3A : i32
    %add3A = arith.addi %mul3A_0, %arg0 : i32
    %mul3A_1 = arith.constant 128 : i32
    %mul3A_2 = arith.muli %add3A, %mul3A_1 : i32
    %scan3A = arith.constant 0 : i32
    %scan3A_3 = arith.constant 0 : i32
    %scan3A_4 = arith.constant 0 : i32
    %scan3A_5 = arith.addi %scan3A_3, %scan3A_4 : i32
    %scan3A_6 = arith.constant 0 : i32
    %add3A_7 = arith.constant 0 : i32
    %add3A_8 = arith.addi %mul3A_2, %add3A_7 : i32
    "tpu.region"() ({
      %run_scoped3A = tpu.sem_alloc : memref<!tpu.dma_semaphore, #tpu.memory_space<semaphore_mem>>
      %dma_start3A_13 = tpu.memref_slice %arg3[%add3A_8] : memref<4096xi32, #tpu.memory_space<hbm>> -> memref<128xi32, #tpu.memory_space<hbm>>
      %dma_start3A_14 = tpu.memref_slice %arg3[%add3A_8] : memref<4096xi32, #tpu.memory_space<hbm>> -> memref<128xi32, #tpu.memory_space<hbm>>
      tpu.enqueue_dma source(%dma_start3A_14 : memref<128xi32, #tpu.memory_space<hbm>>) target(%arg5 : memref<128xi32, #tpu.memory_space<vmem>>) target_semaphore(%run_scoped3A : memref<!tpu.dma_semaphore, #tpu.memory_space<semaphore_mem>>)
      %dma_wait3A_15 = tpu.memref_slice %arg3[%add3A_8] : memref<4096xi32, #tpu.memory_space<hbm>> -> memref<128xi32, #tpu.memory_space<hbm>>
      %dma_wait3A_16 = tpu.memref_slice %arg3[%add3A_8] : memref<4096xi32, #tpu.memory_space<hbm>> -> memref<128xi32, #tpu.memory_space<hbm>>
      tpu.wait_dma2 semaphore(%run_scoped3A : memref<!tpu.dma_semaphore, #tpu.memory_space<semaphore_mem>>) src(%dma_wait3A_16 : memref<128xi32, #tpu.memory_space<hbm>>) dst(%arg5 : memref<128xi32, #tpu.memory_space<vmem>>)
      tpu.yield
    }) : () -> ()
    %dma_start3A = arith.constant 0 : i32
    %dma_start3A_9 = arith.constant 0 : i32
    %dma_start3A_10 = tpu.memref_slice %arg2[%dma_start3A, %dma_start3A_9] : memref<1024x256xf32, #tpu.memory_space<hbm>> -> memref<1024x256xf32, #tpu.memory_space<hbm>>
    tpu.enqueue_indirect_dma source(%dma_start3A_10 : memref<1024x256xf32, #tpu.memory_space<hbm>>) target(%arg7 : memref<128x256xf32, #tpu.memory_space<vmem>>) offsets(%arg5 : memref<128xi32, #tpu.memory_space<vmem>>) semaphore(%arg9 : memref<!tpu.dma_semaphore, #tpu.memory_space<semaphore_mem>>)
    %dma_wait3A = arith.constant 0 : i32
    %dma_wait3A_11 = arith.constant 0 : i32
    %dma_wait3A_12 = tpu.memref_slice %arg2[%dma_wait3A, %dma_wait3A_11] : memref<1024x256xf32, #tpu.memory_space<hbm>> -> memref<1024x256xf32, #tpu.memory_space<hbm>>
    tpu.wait_indirect_dma semaphore(%arg9 : memref<!tpu.dma_semaphore, #tpu.memory_space<semaphore_mem>>) src(%dma_wait3A_12 : memref<1024x256xf32, #tpu.memory_space<hbm>>) dst(%arg7 : memref<128x256xf32, #tpu.memory_space<vmem>>)
    "tpu.region"() ({
      %run_scoped3A = tpu.sem_alloc : memref<!tpu.dma_semaphore, #tpu.memory_space<semaphore_mem>>
      %dma_start3A_13 = arith.constant 0 : i32
      %dma_start3A_14 = tpu.memref_slice %arg4[%add3A_8, %dma_start3A_13] : memref<4096x256xf32, #tpu.memory_space<hbm>> -> memref<128x256xf32, #tpu.memory_space<hbm>>
      %dma_start3A_15 = arith.constant 0 : i32
      %dma_start3A_16 = tpu.memref_slice %arg4[%add3A_8, %dma_start3A_15] : memref<4096x256xf32, #tpu.memory_space<hbm>> -> memref<128x256xf32, #tpu.memory_space<hbm>>
      tpu.enqueue_dma source(%arg7 : memref<128x256xf32, #tpu.memory_space<vmem>>) target(%dma_start3A_16 : memref<128x256xf32, #tpu.memory_space<hbm>>) target_semaphore(%run_scoped3A : memref<!tpu.dma_semaphore, #tpu.memory_space<semaphore_mem>>)
      %dma_wait3A_17 = arith.constant 0 : i32
      %dma_wait3A_18 = tpu.memref_slice %arg4[%add3A_8, %dma_wait3A_17] : memref<4096x256xf32, #tpu.memory_space<hbm>> -> memref<128x256xf32, #tpu.memory_space<hbm>>
      %dma_wait3A_19 = arith.constant 0 : i32
      %dma_wait3A_20 = tpu.memref_slice %arg4[%add3A_8, %dma_wait3A_19] : memref<4096x256xf32, #tpu.memory_space<hbm>> -> memref<128x256xf32, #tpu.memory_space<hbm>>
      tpu.wait_dma2 semaphore(%run_scoped3A : memref<!tpu.dma_semaphore, #tpu.memory_space<semaphore_mem>>) src(%arg7 : memref<128x256xf32, #tpu.memory_space<vmem>>) dst(%dma_wait3A_20 : memref<128x256xf32, #tpu.memory_space<hbm>>)
      tpu.yield
    }) : () -> ()
    return
  }
}

#map = affine_map<(d0, d1) -> (0, 0)>
#map1 = affine_map<(d0, d1) -> (0)>
module attributes {stable_mosaic.version = 14 : i64} {
  func.func @gk(%arg0: i32, %arg1: i32, %arg2: memref<512x640xf32, #tpu.memory_space<hbm>>, %arg3: memref<15360xi32, #tpu.memory_space<hbm>>, %arg4: memref<15360x640xf32, #tpu.memory_space<hbm>>, %arg5: memref<48xi32, #tpu.memory_space<vmem>>, %arg6: memref<48xi32, #tpu.memory_space<vmem>>, %arg7: memref<48x640xf32, #tpu.memory_space<vmem>>, %arg8: memref<48x640xf32, #tpu.memory_space<vmem>>, %arg9: memref<!tpu.dma_semaphore, #tpu.memory_space<semaphore_mem>>, %arg10: memref<!tpu.dma_semaphore, #tpu.memory_space<semaphore_mem>>) attributes {dimension_semantics = [#tpu.dimension_semantics<core_parallel>, #tpu.dimension_semantics<subcore_parallel>], iteration_bounds = array<i64: 2, 16>, scalar_prefetch = 0 : i64, scratch_operands = 6 : i64, tpu.core_type = #tpu.core_type<sc_vector_subcore>, window_params = [{transform_indices = #map}, {transform_indices = #map1}, {transform_indices = #map}]} {
    %mul3A = arith.constant 2 : i32
    %mul3A_0 = arith.muli %arg1, %mul3A : i32
    %add3A = arith.addi %mul3A_0, %arg0 : i32
    %mul3A_1 = arith.constant 480 : i32
    %mul3A_2 = arith.muli %add3A, %mul3A_1 : i32
    %scan3A = arith.constant 0 : i32
    %scan3A_3 = arith.constant 0 : i32
    %scan3A_4 = arith.constant 5 : i32
    %scan3A_5 = arith.addi %scan3A_3, %scan3A_4 : i32
    %scan3A_6 = arith.constant 1 : i32
    scf.for %scan3A_8 = %scan3A_3 to %scan3A_5 step %scan3A_6  : i32 {
      %mul3A_9 = arith.constant 2 : i32
      %mul3A_10 = arith.muli %mul3A_9, %scan3A_8 : i32
      %mul3A_11 = arith.constant 48 : i32
      %mul3A_12 = arith.muli %mul3A_10, %mul3A_11 : i32
      %add3A_13 = arith.addi %mul3A_2, %mul3A_12 : i32
      "tpu.region"() ({
        %run_scoped3A = tpu.sem_alloc : memref<!tpu.dma_semaphore, #tpu.memory_space<semaphore_mem>>
        %dma_start3A_28 = tpu.memref_slice %arg3[%add3A_13] : memref<15360xi32, #tpu.memory_space<hbm>> -> memref<48xi32, #tpu.memory_space<hbm>>
        %dma_start3A_29 = tpu.memref_slice %arg3[%add3A_13] : memref<15360xi32, #tpu.memory_space<hbm>> -> memref<48xi32, #tpu.memory_space<hbm>>
        tpu.enqueue_dma source(%dma_start3A_29 : memref<48xi32, #tpu.memory_space<hbm>>) target(%arg5 : memref<48xi32, #tpu.memory_space<vmem>>) target_semaphore(%run_scoped3A : memref<!tpu.dma_semaphore, #tpu.memory_space<semaphore_mem>>)
        %dma_wait3A_30 = tpu.memref_slice %arg3[%add3A_13] : memref<15360xi32, #tpu.memory_space<hbm>> -> memref<48xi32, #tpu.memory_space<hbm>>
        %dma_wait3A_31 = tpu.memref_slice %arg3[%add3A_13] : memref<15360xi32, #tpu.memory_space<hbm>> -> memref<48xi32, #tpu.memory_space<hbm>>
        tpu.wait_dma2 semaphore(%run_scoped3A : memref<!tpu.dma_semaphore, #tpu.memory_space<semaphore_mem>>) src(%dma_wait3A_31 : memref<48xi32, #tpu.memory_space<hbm>>) dst(%arg5 : memref<48xi32, #tpu.memory_space<vmem>>)
        tpu.yield
      }) : () -> ()
      %dma_start3A = arith.constant 0 : i32
      %dma_start3A_14 = arith.constant 0 : i32
      %dma_start3A_15 = tpu.memref_slice %arg2[%dma_start3A, %dma_start3A_14] : memref<512x640xf32, #tpu.memory_space<hbm>> -> memref<512x640xf32, #tpu.memory_space<hbm>>
      tpu.enqueue_indirect_dma source(%dma_start3A_15 : memref<512x640xf32, #tpu.memory_space<hbm>>) target(%arg7 : memref<48x640xf32, #tpu.memory_space<vmem>>) offsets(%arg5 : memref<48xi32, #tpu.memory_space<vmem>>) semaphore(%arg9 : memref<!tpu.dma_semaphore, #tpu.memory_space<semaphore_mem>>)
      %add3A_16 = arith.constant 48 : i32
      %add3A_17 = arith.addi %add3A_13, %add3A_16 : i32
      "tpu.region"() ({
        %run_scoped3A = tpu.sem_alloc : memref<!tpu.dma_semaphore, #tpu.memory_space<semaphore_mem>>
        %dma_start3A_28 = tpu.memref_slice %arg3[%add3A_17] : memref<15360xi32, #tpu.memory_space<hbm>> -> memref<48xi32, #tpu.memory_space<hbm>>
        %dma_start3A_29 = tpu.memref_slice %arg3[%add3A_17] : memref<15360xi32, #tpu.memory_space<hbm>> -> memref<48xi32, #tpu.memory_space<hbm>>
        tpu.enqueue_dma source(%dma_start3A_29 : memref<48xi32, #tpu.memory_space<hbm>>) target(%arg6 : memref<48xi32, #tpu.memory_space<vmem>>) target_semaphore(%run_scoped3A : memref<!tpu.dma_semaphore, #tpu.memory_space<semaphore_mem>>)
        %dma_wait3A_30 = tpu.memref_slice %arg3[%add3A_17] : memref<15360xi32, #tpu.memory_space<hbm>> -> memref<48xi32, #tpu.memory_space<hbm>>
        %dma_wait3A_31 = tpu.memref_slice %arg3[%add3A_17] : memref<15360xi32, #tpu.memory_space<hbm>> -> memref<48xi32, #tpu.memory_space<hbm>>
        tpu.wait_dma2 semaphore(%run_scoped3A : memref<!tpu.dma_semaphore, #tpu.memory_space<semaphore_mem>>) src(%dma_wait3A_31 : memref<48xi32, #tpu.memory_space<hbm>>) dst(%arg6 : memref<48xi32, #tpu.memory_space<vmem>>)
        tpu.yield
      }) : () -> ()
      %dma_start3A_18 = arith.constant 0 : i32
      %dma_start3A_19 = arith.constant 0 : i32
      %dma_start3A_20 = tpu.memref_slice %arg2[%dma_start3A_18, %dma_start3A_19] : memref<512x640xf32, #tpu.memory_space<hbm>> -> memref<512x640xf32, #tpu.memory_space<hbm>>
      tpu.enqueue_indirect_dma source(%dma_start3A_20 : memref<512x640xf32, #tpu.memory_space<hbm>>) target(%arg8 : memref<48x640xf32, #tpu.memory_space<vmem>>) offsets(%arg6 : memref<48xi32, #tpu.memory_space<vmem>>) semaphore(%arg10 : memref<!tpu.dma_semaphore, #tpu.memory_space<semaphore_mem>>)
      %dma_wait3A = arith.constant 0 : i32
      %dma_wait3A_21 = arith.constant 0 : i32
      %dma_wait3A_22 = tpu.memref_slice %arg2[%dma_wait3A, %dma_wait3A_21] : memref<512x640xf32, #tpu.memory_space<hbm>> -> memref<512x640xf32, #tpu.memory_space<hbm>>
      tpu.wait_indirect_dma semaphore(%arg9 : memref<!tpu.dma_semaphore, #tpu.memory_space<semaphore_mem>>) src(%dma_wait3A_22 : memref<512x640xf32, #tpu.memory_space<hbm>>) dst(%arg7 : memref<48x640xf32, #tpu.memory_space<vmem>>)
      "tpu.region"() ({
        %run_scoped3A = tpu.sem_alloc : memref<!tpu.dma_semaphore, #tpu.memory_space<semaphore_mem>>
        %dma_start3A_28 = arith.constant 0 : i32
        %dma_start3A_29 = tpu.memref_slice %arg4[%add3A_13, %dma_start3A_28] : memref<15360x640xf32, #tpu.memory_space<hbm>> -> memref<48x640xf32, #tpu.memory_space<hbm>>
        %dma_start3A_30 = arith.constant 0 : i32
        %dma_start3A_31 = tpu.memref_slice %arg4[%add3A_13, %dma_start3A_30] : memref<15360x640xf32, #tpu.memory_space<hbm>> -> memref<48x640xf32, #tpu.memory_space<hbm>>
        tpu.enqueue_dma source(%arg7 : memref<48x640xf32, #tpu.memory_space<vmem>>) target(%dma_start3A_31 : memref<48x640xf32, #tpu.memory_space<hbm>>) target_semaphore(%run_scoped3A : memref<!tpu.dma_semaphore, #tpu.memory_space<semaphore_mem>>)
        %dma_wait3A_32 = arith.constant 0 : i32
        %dma_wait3A_33 = tpu.memref_slice %arg4[%add3A_13, %dma_wait3A_32] : memref<15360x640xf32, #tpu.memory_space<hbm>> -> memref<48x640xf32, #tpu.memory_space<hbm>>
        %dma_wait3A_34 = arith.constant 0 : i32
        %dma_wait3A_35 = tpu.memref_slice %arg4[%add3A_13, %dma_wait3A_34] : memref<15360x640xf32, #tpu.memory_space<hbm>> -> memref<48x640xf32, #tpu.memory_space<hbm>>
        tpu.wait_dma2 semaphore(%run_scoped3A : memref<!tpu.dma_semaphore, #tpu.memory_space<semaphore_mem>>) src(%arg7 : memref<48x640xf32, #tpu.memory_space<vmem>>) dst(%dma_wait3A_35 : memref<48x640xf32, #tpu.memory_space<hbm>>)
        tpu.yield
      }) : () -> ()
      %dma_wait3A_23 = arith.constant 0 : i32
      %dma_wait3A_24 = arith.constant 0 : i32
      %dma_wait3A_25 = tpu.memref_slice %arg2[%dma_wait3A_23, %dma_wait3A_24] : memref<512x640xf32, #tpu.memory_space<hbm>> -> memref<512x640xf32, #tpu.memory_space<hbm>>
      tpu.wait_indirect_dma semaphore(%arg10 : memref<!tpu.dma_semaphore, #tpu.memory_space<semaphore_mem>>) src(%dma_wait3A_25 : memref<512x640xf32, #tpu.memory_space<hbm>>) dst(%arg8 : memref<48x640xf32, #tpu.memory_space<vmem>>)
      %add3A_26 = arith.constant 48 : i32
      %add3A_27 = arith.addi %add3A_13, %add3A_26 : i32
      "tpu.region"() ({
        %run_scoped3A = tpu.sem_alloc : memref<!tpu.dma_semaphore, #tpu.memory_space<semaphore_mem>>
        %dma_start3A_28 = arith.constant 0 : i32
        %dma_start3A_29 = tpu.memref_slice %arg4[%add3A_27, %dma_start3A_28] : memref<15360x640xf32, #tpu.memory_space<hbm>> -> memref<48x640xf32, #tpu.memory_space<hbm>>
        %dma_start3A_30 = arith.constant 0 : i32
        %dma_start3A_31 = tpu.memref_slice %arg4[%add3A_27, %dma_start3A_30] : memref<15360x640xf32, #tpu.memory_space<hbm>> -> memref<48x640xf32, #tpu.memory_space<hbm>>
        tpu.enqueue_dma source(%arg8 : memref<48x640xf32, #tpu.memory_space<vmem>>) target(%dma_start3A_31 : memref<48x640xf32, #tpu.memory_space<hbm>>) target_semaphore(%run_scoped3A : memref<!tpu.dma_semaphore, #tpu.memory_space<semaphore_mem>>)
        %dma_wait3A_32 = arith.constant 0 : i32
        %dma_wait3A_33 = tpu.memref_slice %arg4[%add3A_27, %dma_wait3A_32] : memref<15360x640xf32, #tpu.memory_space<hbm>> -> memref<48x640xf32, #tpu.memory_space<hbm>>
        %dma_wait3A_34 = arith.constant 0 : i32
        %dma_wait3A_35 = tpu.memref_slice %arg4[%add3A_27, %dma_wait3A_34] : memref<15360x640xf32, #tpu.memory_space<hbm>> -> memref<48x640xf32, #tpu.memory_space<hbm>>
        tpu.wait_dma2 semaphore(%run_scoped3A : memref<!tpu.dma_semaphore, #tpu.memory_space<semaphore_mem>>) src(%arg8 : memref<48x640xf32, #tpu.memory_space<vmem>>) dst(%dma_wait3A_35 : memref<48x640xf32, #tpu.memory_space<hbm>>)
        tpu.yield
      }) : () -> ()
    }
    %scan3A_7 = arith.constant 5 : i32
    return
  }
}

#map = affine_map<(d0, d1) -> (0, 0)>
#map1 = affine_map<(d0, d1) -> (0)>
module attributes {stable_mosaic.version = 14 : i64} {
  func.func @gk(%arg0: i32, %arg1: i32, %arg2: memref<1280x512xf32, #tpu.memory_space<hbm>>, %arg3: memref<8192xi32, #tpu.memory_space<hbm>>, %arg4: memref<8192x512xf32, #tpu.memory_space<hbm>>, %arg5: memref<64xi32, #tpu.memory_space<vmem>>, %arg6: memref<64xi32, #tpu.memory_space<vmem>>, %arg7: memref<64x512xf32, #tpu.memory_space<vmem>>, %arg8: memref<64x512xf32, #tpu.memory_space<vmem>>, %arg9: memref<!tpu.dma_semaphore, #tpu.memory_space<semaphore_mem>>, %arg10: memref<!tpu.dma_semaphore, #tpu.memory_space<semaphore_mem>>) attributes {dimension_semantics = [#tpu.dimension_semantics<core_parallel>, #tpu.dimension_semantics<subcore_parallel>], iteration_bounds = array<i64: 2, 16>, scalar_prefetch = 0 : i64, scratch_operands = 6 : i64, tpu.core_type = #tpu.core_type<sc_vector_subcore>, window_params = [{transform_indices = #map}, {transform_indices = #map1}, {transform_indices = #map}]} {
    %mul3A = arith.constant 2 : i32
    %mul3A_0 = arith.muli %arg1, %mul3A : i32
    %add3A = arith.addi %mul3A_0, %arg0 : i32
    %mul3A_1 = arith.constant 256 : i32
    %mul3A_2 = arith.muli %add3A, %mul3A_1 : i32
    %scan3A = arith.constant 0 : i32
    %scan3A_3 = arith.constant 0 : i32
    %scan3A_4 = arith.constant 2 : i32
    %scan3A_5 = arith.addi %scan3A_3, %scan3A_4 : i32
    %scan3A_6 = arith.constant 1 : i32
    scf.for %scan3A_8 = %scan3A_3 to %scan3A_5 step %scan3A_6  : i32 {
      %mul3A_9 = arith.constant 2 : i32
      %mul3A_10 = arith.muli %mul3A_9, %scan3A_8 : i32
      %mul3A_11 = arith.constant 64 : i32
      %mul3A_12 = arith.muli %mul3A_10, %mul3A_11 : i32
      %add3A_13 = arith.addi %mul3A_2, %mul3A_12 : i32
      "tpu.region"() ({
        %run_scoped3A = tpu.sem_alloc : memref<!tpu.dma_semaphore, #tpu.memory_space<semaphore_mem>>
        %dma_start3A_28 = tpu.memref_slice %arg3[%add3A_13] : memref<8192xi32, #tpu.memory_space<hbm>> -> memref<64xi32, #tpu.memory_space<hbm>>
        %dma_start3A_29 = tpu.memref_slice %arg3[%add3A_13] : memref<8192xi32, #tpu.memory_space<hbm>> -> memref<64xi32, #tpu.memory_space<hbm>>
        tpu.enqueue_dma source(%dma_start3A_29 : memref<64xi32, #tpu.memory_space<hbm>>) target(%arg5 : memref<64xi32, #tpu.memory_space<vmem>>) target_semaphore(%run_scoped3A : memref<!tpu.dma_semaphore, #tpu.memory_space<semaphore_mem>>)
        %dma_wait3A_30 = tpu.memref_slice %arg3[%add3A_13] : memref<8192xi32, #tpu.memory_space<hbm>> -> memref<64xi32, #tpu.memory_space<hbm>>
        %dma_wait3A_31 = tpu.memref_slice %arg3[%add3A_13] : memref<8192xi32, #tpu.memory_space<hbm>> -> memref<64xi32, #tpu.memory_space<hbm>>
        tpu.wait_dma2 semaphore(%run_scoped3A : memref<!tpu.dma_semaphore, #tpu.memory_space<semaphore_mem>>) src(%dma_wait3A_31 : memref<64xi32, #tpu.memory_space<hbm>>) dst(%arg5 : memref<64xi32, #tpu.memory_space<vmem>>)
        tpu.yield
      }) : () -> ()
      %dma_start3A = arith.constant 0 : i32
      %dma_start3A_14 = arith.constant 0 : i32
      %dma_start3A_15 = tpu.memref_slice %arg2[%dma_start3A, %dma_start3A_14] : memref<1280x512xf32, #tpu.memory_space<hbm>> -> memref<1280x512xf32, #tpu.memory_space<hbm>>
      tpu.enqueue_indirect_dma source(%dma_start3A_15 : memref<1280x512xf32, #tpu.memory_space<hbm>>) target(%arg7 : memref<64x512xf32, #tpu.memory_space<vmem>>) offsets(%arg5 : memref<64xi32, #tpu.memory_space<vmem>>) semaphore(%arg9 : memref<!tpu.dma_semaphore, #tpu.memory_space<semaphore_mem>>)
      %add3A_16 = arith.constant 64 : i32
      %add3A_17 = arith.addi %add3A_13, %add3A_16 : i32
      "tpu.region"() ({
        %run_scoped3A = tpu.sem_alloc : memref<!tpu.dma_semaphore, #tpu.memory_space<semaphore_mem>>
        %dma_start3A_28 = tpu.memref_slice %arg3[%add3A_17] : memref<8192xi32, #tpu.memory_space<hbm>> -> memref<64xi32, #tpu.memory_space<hbm>>
        %dma_start3A_29 = tpu.memref_slice %arg3[%add3A_17] : memref<8192xi32, #tpu.memory_space<hbm>> -> memref<64xi32, #tpu.memory_space<hbm>>
        tpu.enqueue_dma source(%dma_start3A_29 : memref<64xi32, #tpu.memory_space<hbm>>) target(%arg6 : memref<64xi32, #tpu.memory_space<vmem>>) target_semaphore(%run_scoped3A : memref<!tpu.dma_semaphore, #tpu.memory_space<semaphore_mem>>)
        %dma_wait3A_30 = tpu.memref_slice %arg3[%add3A_17] : memref<8192xi32, #tpu.memory_space<hbm>> -> memref<64xi32, #tpu.memory_space<hbm>>
        %dma_wait3A_31 = tpu.memref_slice %arg3[%add3A_17] : memref<8192xi32, #tpu.memory_space<hbm>> -> memref<64xi32, #tpu.memory_space<hbm>>
        tpu.wait_dma2 semaphore(%run_scoped3A : memref<!tpu.dma_semaphore, #tpu.memory_space<semaphore_mem>>) src(%dma_wait3A_31 : memref<64xi32, #tpu.memory_space<hbm>>) dst(%arg6 : memref<64xi32, #tpu.memory_space<vmem>>)
        tpu.yield
      }) : () -> ()
      %dma_start3A_18 = arith.constant 0 : i32
      %dma_start3A_19 = arith.constant 0 : i32
      %dma_start3A_20 = tpu.memref_slice %arg2[%dma_start3A_18, %dma_start3A_19] : memref<1280x512xf32, #tpu.memory_space<hbm>> -> memref<1280x512xf32, #tpu.memory_space<hbm>>
      tpu.enqueue_indirect_dma source(%dma_start3A_20 : memref<1280x512xf32, #tpu.memory_space<hbm>>) target(%arg8 : memref<64x512xf32, #tpu.memory_space<vmem>>) offsets(%arg6 : memref<64xi32, #tpu.memory_space<vmem>>) semaphore(%arg10 : memref<!tpu.dma_semaphore, #tpu.memory_space<semaphore_mem>>)
      %dma_wait3A = arith.constant 0 : i32
      %dma_wait3A_21 = arith.constant 0 : i32
      %dma_wait3A_22 = tpu.memref_slice %arg2[%dma_wait3A, %dma_wait3A_21] : memref<1280x512xf32, #tpu.memory_space<hbm>> -> memref<1280x512xf32, #tpu.memory_space<hbm>>
      tpu.wait_indirect_dma semaphore(%arg9 : memref<!tpu.dma_semaphore, #tpu.memory_space<semaphore_mem>>) src(%dma_wait3A_22 : memref<1280x512xf32, #tpu.memory_space<hbm>>) dst(%arg7 : memref<64x512xf32, #tpu.memory_space<vmem>>)
      "tpu.region"() ({
        %run_scoped3A = tpu.sem_alloc : memref<!tpu.dma_semaphore, #tpu.memory_space<semaphore_mem>>
        %dma_start3A_28 = arith.constant 0 : i32
        %dma_start3A_29 = tpu.memref_slice %arg4[%add3A_13, %dma_start3A_28] : memref<8192x512xf32, #tpu.memory_space<hbm>> -> memref<64x512xf32, #tpu.memory_space<hbm>>
        %dma_start3A_30 = arith.constant 0 : i32
        %dma_start3A_31 = tpu.memref_slice %arg4[%add3A_13, %dma_start3A_30] : memref<8192x512xf32, #tpu.memory_space<hbm>> -> memref<64x512xf32, #tpu.memory_space<hbm>>
        tpu.enqueue_dma source(%arg7 : memref<64x512xf32, #tpu.memory_space<vmem>>) target(%dma_start3A_31 : memref<64x512xf32, #tpu.memory_space<hbm>>) target_semaphore(%run_scoped3A : memref<!tpu.dma_semaphore, #tpu.memory_space<semaphore_mem>>)
        %dma_wait3A_32 = arith.constant 0 : i32
        %dma_wait3A_33 = tpu.memref_slice %arg4[%add3A_13, %dma_wait3A_32] : memref<8192x512xf32, #tpu.memory_space<hbm>> -> memref<64x512xf32, #tpu.memory_space<hbm>>
        %dma_wait3A_34 = arith.constant 0 : i32
        %dma_wait3A_35 = tpu.memref_slice %arg4[%add3A_13, %dma_wait3A_34] : memref<8192x512xf32, #tpu.memory_space<hbm>> -> memref<64x512xf32, #tpu.memory_space<hbm>>
        tpu.wait_dma2 semaphore(%run_scoped3A : memref<!tpu.dma_semaphore, #tpu.memory_space<semaphore_mem>>) src(%arg7 : memref<64x512xf32, #tpu.memory_space<vmem>>) dst(%dma_wait3A_35 : memref<64x512xf32, #tpu.memory_space<hbm>>)
        tpu.yield
      }) : () -> ()
      %dma_wait3A_23 = arith.constant 0 : i32
      %dma_wait3A_24 = arith.constant 0 : i32
      %dma_wait3A_25 = tpu.memref_slice %arg2[%dma_wait3A_23, %dma_wait3A_24] : memref<1280x512xf32, #tpu.memory_space<hbm>> -> memref<1280x512xf32, #tpu.memory_space<hbm>>
      tpu.wait_indirect_dma semaphore(%arg10 : memref<!tpu.dma_semaphore, #tpu.memory_space<semaphore_mem>>) src(%dma_wait3A_25 : memref<1280x512xf32, #tpu.memory_space<hbm>>) dst(%arg8 : memref<64x512xf32, #tpu.memory_space<vmem>>)
      %add3A_26 = arith.constant 64 : i32
      %add3A_27 = arith.addi %add3A_13, %add3A_26 : i32
      "tpu.region"() ({
        %run_scoped3A = tpu.sem_alloc : memref<!tpu.dma_semaphore, #tpu.memory_space<semaphore_mem>>
        %dma_start3A_28 = arith.constant 0 : i32
        %dma_start3A_29 = tpu.memref_slice %arg4[%add3A_27, %dma_start3A_28] : memref<8192x512xf32, #tpu.memory_space<hbm>> -> memref<64x512xf32, #tpu.memory_space<hbm>>
        %dma_start3A_30 = arith.constant 0 : i32
        %dma_start3A_31 = tpu.memref_slice %arg4[%add3A_27, %dma_start3A_30] : memref<8192x512xf32, #tpu.memory_space<hbm>> -> memref<64x512xf32, #tpu.memory_space<hbm>>
        tpu.enqueue_dma source(%arg8 : memref<64x512xf32, #tpu.memory_space<vmem>>) target(%dma_start3A_31 : memref<64x512xf32, #tpu.memory_space<hbm>>) target_semaphore(%run_scoped3A : memref<!tpu.dma_semaphore, #tpu.memory_space<semaphore_mem>>)
        %dma_wait3A_32 = arith.constant 0 : i32
        %dma_wait3A_33 = tpu.memref_slice %arg4[%add3A_27, %dma_wait3A_32] : memref<8192x512xf32, #tpu.memory_space<hbm>> -> memref<64x512xf32, #tpu.memory_space<hbm>>
        %dma_wait3A_34 = arith.constant 0 : i32
        %dma_wait3A_35 = tpu.memref_slice %arg4[%add3A_27, %dma_wait3A_34] : memref<8192x512xf32, #tpu.memory_space<hbm>> -> memref<64x512xf32, #tpu.memory_space<hbm>>
        tpu.wait_dma2 semaphore(%run_scoped3A : memref<!tpu.dma_semaphore, #tpu.memory_space<semaphore_mem>>) src(%arg8 : memref<64x512xf32, #tpu.memory_space<vmem>>) dst(%dma_wait3A_35 : memref<64x512xf32, #tpu.memory_space<hbm>>)
        tpu.yield
      }) : () -> ()
    }
    %scan3A_7 = arith.constant 2 : i32
    return
  }
}

module attributes {stable_mosaic.version = 14 : i64} {
  func.func @_topk_body(%arg0: i32, %arg1: i32, %arg2: memref<1x256x3xf32, #tpu.memory_space<vmem>>, %arg3: memref<1x3x2048xf32, #tpu.memory_space<vmem>>, %arg4: memref<1x256x51xi32, #tpu.memory_space<vmem>>, %arg5: memref<1x256x51xf32, #tpu.memory_space<vmem>>) attributes {dimension_semantics = [#tpu.dimension_semantics<arbitrary>, #tpu.dimension_semantics<arbitrary>], iteration_bounds = array<i64: 2, 8>, scalar_prefetch = 0 : i64, scratch_operands = 0 : i64, tpu.core_type = #tpu.core_type<tc>, window_params = [{transform_indices = @transform_0, window_bounds = array<i64: 1, 256, 3>}, {transform_indices = @transform_1, window_bounds = array<i64: 1, 3, 2048>}, {transform_indices = @transform_2, window_bounds = array<i64: 1, 256, 51>}, {transform_indices = @transform_3, window_bounds = array<i64: 1, 256, 51>}]} {
    %get3A = arith.constant 0 : index
    %get3A_0 = arith.constant 0 : index
    %get3A_1 = arith.constant 0 : index
    %get3A_2 = vector.load %arg2[%get3A, %get3A_0, %get3A_1] : memref<1x256x3xf32, #tpu.memory_space<vmem>>, vector<1x256x3xf32>
    %get3A_3 = vector.shape_cast %get3A_2 : vector<1x256x3xf32> to vector<256x3xf32>
    %get3A_4 = arith.constant 0 : index
    %get3A_5 = arith.constant 0 : index
    %get3A_6 = arith.constant 0 : index
    %get3A_7 = vector.load %arg3[%get3A_4, %get3A_5, %get3A_6] : memref<1x3x2048xf32, #tpu.memory_space<vmem>>, vector<1x3x2048xf32>
    %get3A_8 = vector.shape_cast %get3A_7 : vector<1x3x2048xf32> to vector<3x2048xf32>
    %slice3A = vector.extract_strided_slice %get3A_3 {offsets = [0, 0], sizes = [256, 1], strides = [1, 1]} : vector<256x3xf32> to vector<256x1xf32>
    %slice3A_9 = vector.extract_strided_slice %get3A_8 {offsets = [0, 0], sizes = [1, 2048], strides = [1, 1]} : vector<3x2048xf32> to vector<1x2048xf32>
    %mul3A = vector.broadcast %slice3A : vector<256x1xf32> to vector<256x2048xf32>
    %mul3A_10 = vector.broadcast %slice3A_9 : vector<1x2048xf32> to vector<256x2048xf32>
    %mul3A_11 = arith.mulf %mul3A, %mul3A_10 : vector<256x2048xf32>
    %slice3A_12 = vector.extract_strided_slice %get3A_3 {offsets = [0, 1], sizes = [256, 1], strides = [1, 1]} : vector<256x3xf32> to vector<256x1xf32>
    %slice3A_13 = vector.extract_strided_slice %get3A_8 {offsets = [1, 0], sizes = [1, 2048], strides = [1, 1]} : vector<3x2048xf32> to vector<1x2048xf32>
    %mul3A_14 = vector.broadcast %slice3A_12 : vector<256x1xf32> to vector<256x2048xf32>
    %mul3A_15 = vector.broadcast %slice3A_13 : vector<1x2048xf32> to vector<256x2048xf32>
    %mul3A_16 = arith.mulf %mul3A_14, %mul3A_15 : vector<256x2048xf32>
    %add3A = arith.addf %mul3A_11, %mul3A_16 : vector<256x2048xf32>
    %slice3A_17 = vector.extract_strided_slice %get3A_3 {offsets = [0, 2], sizes = [256, 1], strides = [1, 1]} : vector<256x3xf32> to vector<256x1xf32>
    %slice3A_18 = vector.extract_strided_slice %get3A_8 {offsets = [2, 0], sizes = [1, 2048], strides = [1, 1]} : vector<3x2048xf32> to vector<1x2048xf32>
    %mul3A_19 = vector.broadcast %slice3A_17 : vector<256x1xf32> to vector<256x2048xf32>
    %mul3A_20 = vector.broadcast %slice3A_18 : vector<1x2048xf32> to vector<256x2048xf32>
    %mul3A_21 = arith.mulf %mul3A_19, %mul3A_20 : vector<256x2048xf32>
    %add3A_22 = arith.addf %add3A, %mul3A_21 : vector<256x2048xf32>
    %mul3A_23 = arith.mulf %get3A_8, %get3A_8 : vector<3x2048xf32>
    %reduce_sum3A = arith.constant dense<0.000000e+00> : vector<2048xf32>
    %reduce_sum3A_24 = vector.multi_reduction <add>, %mul3A_23, %reduce_sum3A [0] : vector<3x2048xf32> to vector<2048xf32>
    %broadcast_in_dim3A = vector.shape_cast %reduce_sum3A_24 : vector<2048xf32> to vector<1x2048xf32>
    %mul3A_25 = arith.mulf %get3A_3, %get3A_3 : vector<256x3xf32>
    %reduce_sum3A_26 = arith.constant dense<0.000000e+00> : vector<256xf32>
    %reduce_sum3A_27 = vector.multi_reduction <add>, %mul3A_25, %reduce_sum3A_26 [1] : vector<256x3xf32> to vector<256xf32>
    %broadcast_in_dim3A_28 = vector.shape_cast %reduce_sum3A_27 : vector<256xf32> to vector<256x1xf32>
    %mul3A_29 = arith.constant 2.000000e+00 : f32
    %mul3A_30 = vector.broadcast %mul3A_29 : f32 to vector<256x2048xf32>
    %mul3A_31 = arith.mulf %mul3A_30, %add3A_22 : vector<256x2048xf32>
    %sub3A = vector.broadcast %broadcast_in_dim3A : vector<1x2048xf32> to vector<256x2048xf32>
    %sub3A_32 = arith.subf %mul3A_31, %sub3A : vector<256x2048xf32>
    %sub3A_33 = vector.broadcast %broadcast_in_dim3A_28 : vector<256x1xf32> to vector<256x2048xf32>
    %sub3A_34 = arith.subf %sub3A_32, %sub3A_33 : vector<256x2048xf32>
    %bitcast_convert_type3A = tpu.bitcast %sub3A_34 : vector<256x2048xf32> -> vector<256x2048xi32>
    %ge3A = arith.constant 0 : i32
    %ge3A_35 = vector.broadcast %ge3A : i32 to vector<256x2048xi32>
    %ge3A_36 = arith.cmpi sge, %bitcast_convert_type3A, %ge3A_35 : vector<256x2048xi32>
    %xor3A = arith.constant 2147483647 : i32
    %xor3A_37 = vector.broadcast %xor3A : i32 to vector<256x2048xi32>
    %xor3A_38 = arith.xori %bitcast_convert_type3A, %xor3A_37 : vector<256x2048xi32>
    %select_n3A = arith.select %ge3A_36, %bitcast_convert_type3A, %xor3A_38 : vector<256x2048xi1>, vector<256x2048xi32>
    %iota3A = tpu.iota {dimensions = array<i32: 1>} : vector<256x2048xi32>
    %and3A = arith.constant -2048 : i32
    %and3A_39 = vector.broadcast %and3A : i32 to vector<256x2048xi32>
    %and3A_40 = arith.andi %select_n3A, %and3A_39 : vector<256x2048xi32>
    %sub3A_41 = arith.constant 2047 : i32
    %sub3A_42 = vector.broadcast %sub3A_41 : i32 to vector<256x2048xi32>
    %sub3A_43 = arith.subi %sub3A_42, %iota3A : vector<256x2048xi32>
    %or3A = arith.ori %and3A_40, %sub3A_43 : vector<256x2048xi32>
    %iota3A_44 = tpu.iota {dimensions = array<i32: 1>} : vector<256x51xi32>
    %broadcast_in_dim3A_45 = arith.constant 0 : i32
    %broadcast_in_dim3A_46 = vector.broadcast %broadcast_in_dim3A_45 : i32 to vector<256x51xi32>
    %scan3A = arith.constant -2147483648 : i32
    %scan3A_47 = arith.constant 0 : i32
    %scan3A_48 = arith.constant 51 : i32
    %scan3A_49 = arith.addi %scan3A_47, %scan3A_48 : i32
    %scan3A_50 = arith.constant 1 : i32
    %scan3A_51:2 = scf.for %scan3A_87 = %scan3A_47 to %scan3A_49 step %scan3A_50 iter_args(%scan3A_88 = %or3A, %scan3A_89 = %broadcast_in_dim3A_46) -> (vector<256x2048xi32>, vector<256x51xi32>)  : i32 {
      %reduce_max3A = arith.constant dense<-2147483648> : vector<256xi32>
      %reduce_max3A_90 = vector.multi_reduction <maxsi>, %scan3A_88, %reduce_max3A [1] : vector<256x2048xi32> to vector<256xi32>
      %broadcast_in_dim3A_91 = vector.shape_cast %reduce_max3A_90 : vector<256xi32> to vector<256x1xi32>
      %eq3A = vector.broadcast %scan3A_87 : i32 to vector<256x51xi32>
      %eq3A_92 = arith.cmpi eq, %iota3A_44, %eq3A : vector<256x51xi32>
      %broadcast_in_dim3A_93 = vector.shape_cast %broadcast_in_dim3A_91 : vector<256x1xi32> to vector<256x1xi32>
      %broadcast_in_dim3A_94 = vector.broadcast %broadcast_in_dim3A_93 : vector<256x1xi32> to vector<256x51xi32>
      %select_n3A_95 = arith.select %eq3A_92, %broadcast_in_dim3A_94, %scan3A_89 : vector<256x51xi1>, vector<256x51xi32>
      %eq3A_96 = vector.broadcast %broadcast_in_dim3A_91 : vector<256x1xi32> to vector<256x2048xi32>
      %eq3A_97 = arith.cmpi eq, %scan3A_88, %eq3A_96 : vector<256x2048xi32>
      %broadcast_in_dim3A_98 = vector.broadcast %scan3A : i32 to vector<256x2048xi32>
      %select_n3A_99 = arith.select %eq3A_97, %broadcast_in_dim3A_98, %scan3A_88 : vector<256x2048xi1>, vector<256x2048xi32>
      scf.yield %select_n3A_99, %select_n3A_95 : vector<256x2048xi32>, vector<256x51xi32>
    }
    %scan3A_52 = arith.constant 51 : i32
    %and3A_53 = arith.constant 2047 : i32
    %and3A_54 = vector.broadcast %and3A_53 : i32 to vector<256x51xi32>
    %and3A_55 = arith.andi %scan3A_51#1, %and3A_54 : vector<256x51xi32>
    %sub3A_56 = arith.constant 2047 : i32
    %sub3A_57 = vector.broadcast %sub3A_56 : i32 to vector<256x51xi32>
    %sub3A_58 = arith.subi %sub3A_57, %and3A_55 : vector<256x51xi32>
    %mul3A_59 = arith.constant 2048 : i32
    %mul3A_60 = arith.muli %arg0, %mul3A_59 : i32
    %add3A_61 = vector.broadcast %mul3A_60 : i32 to vector<256x51xi32>
    %add3A_62 = arith.addi %sub3A_58, %add3A_61 : vector<256x51xi32>
    %swap3A = arith.constant 0 : index
    %swap3A_63 = arith.constant 0 : index
    %swap3A_64 = arith.constant 0 : index
    %swap3A_65 = vector.load %arg4[%swap3A, %swap3A_63, %swap3A_64] : memref<1x256x51xi32, #tpu.memory_space<vmem>>, vector<1x256x51xi32>
    %swap3A_66 = vector.shape_cast %swap3A_65 : vector<1x256x51xi32> to vector<256x51xi32>
    %swap3A_67 = vector.shape_cast %add3A_62 : vector<256x51xi32> to vector<1x256x51xi32>
    tpu.vector_store %arg4[%swap3A, %swap3A_63, %swap3A_64], %swap3A_67 {strides = array<i32>} : memref<1x256x51xi32, #tpu.memory_space<vmem>>, vector<1x256x51xi32>,
    %and3A_68 = arith.constant -2048 : i32
    %and3A_69 = vector.broadcast %and3A_68 : i32 to vector<256x51xi32>
    %and3A_70 = arith.andi %scan3A_51#1, %and3A_69 : vector<256x51xi32>
    %ge3A_71 = arith.constant 0 : i32
    %ge3A_72 = vector.broadcast %ge3A_71 : i32 to vector<256x51xi32>
    %ge3A_73 = arith.cmpi sge, %and3A_70, %ge3A_72 : vector<256x51xi32>
    %xor3A_74 = arith.constant 2147483647 : i32
    %xor3A_75 = vector.broadcast %xor3A_74 : i32 to vector<256x51xi32>
    %xor3A_76 = arith.xori %and3A_70, %xor3A_75 : vector<256x51xi32>
    %select_n3A_77 = arith.select %ge3A_73, %and3A_70, %xor3A_76 : vector<256x51xi1>, vector<256x51xi32>
    %bitcast_convert_type3A_78 = tpu.bitcast %select_n3A_77 : vector<256x51xi32> -> vector<256x51xf32>
    %neg3A = arith.constant 0.000000e+00 : f32
    %neg3A_79 = vector.broadcast %neg3A : f32 to vector<256x51xf32>
    %neg3A_80 = arith.subf %neg3A_79, %bitcast_convert_type3A_78 : vector<256x51xf32>
    %swap3A_81 = arith.constant 0 : index
    %swap3A_82 = arith.constant 0 : index
    %swap3A_83 = arith.constant 0 : index
    %swap3A_84 = vector.load %arg5[%swap3A_81, %swap3A_82, %swap3A_83] : memref<1x256x51xf32, #tpu.memory_space<vmem>>, vector<1x256x51xf32>
    %swap3A_85 = vector.shape_cast %swap3A_84 : vector<1x256x51xf32> to vector<256x51xf32>
    %swap3A_86 = vector.shape_cast %neg3A_80 : vector<256x51xf32> to vector<1x256x51xf32>
    tpu.vector_store %arg5[%swap3A_81, %swap3A_82, %swap3A_83], %swap3A_86 {strides = array<i32>} : memref<1x256x51xf32, #tpu.memory_space<vmem>>, vector<1x256x51xf32>,
    return
  }
  func.func @transform_0(%arg0: i32, %arg1: i32) -> (i32, i32, i32) {
    %c0_i32 = arith.constant 0 : i32
    %c0_i32_0 = arith.constant 0 : i32
    return %arg0, %arg1, %c0_i32 : i32, i32, i32
  }
  func.func @transform_1(%arg0: i32, %arg1: i32) -> (i32, i32, i32) {
    %c0_i32 = arith.constant 0 : i32
    %c0_i32_0 = arith.constant 0 : i32
    %c0_i32_1 = arith.constant 0 : i32
    return %arg0, %c0_i32, %c0_i32_0 : i32, i32, i32
  }
  func.func @transform_2(%arg0: i32, %arg1: i32) -> (i32, i32, i32) {
    %c0_i32 = arith.constant 0 : i32
    %c0_i32_0 = arith.constant 0 : i32
    return %arg0, %arg1, %c0_i32 : i32, i32, i32
  }
  func.func @transform_3(%arg0: i32, %arg1: i32) -> (i32, i32, i32) {
    %c0_i32 = arith.constant 0 : i32
    %c0_i32_0 = arith.constant 0 : i32
    return %arg0, %arg1, %c0_i32 : i32, i32, i32
  }
}

module attributes {stable_mosaic.version = 14 : i64} {
  func.func @_comb_surface_body(%arg0: i32, %arg1: memref<128x50x4xf32, #tpu.memory_space<vmem>>, %arg2: memref<128x4xf32, #tpu.memory_space<vmem>>, %arg3: memref<128x50xf32, #tpu.memory_space<vmem>>, %arg4: memref<4x128xf32, #tpu.memory_space<vmem>>, %arg5: memref<128x128xf32, #tpu.memory_space<vmem>>) attributes {dimension_semantics = [#tpu.dimension_semantics<arbitrary>], iteration_bounds = array<i64: 32>, scalar_prefetch = 0 : i64, scratch_operands = 0 : i64, tpu.core_type = #tpu.core_type<tc>, window_params = [{transform_indices = @transform_0, window_bounds = array<i64: 128, 50, 4>}, {transform_indices = @transform_1, window_bounds = array<i64: 128, 4>}, {transform_indices = @transform_2, window_bounds = array<i64: 128, 50>}, {pipeline_mode = #tpu.pipeline_mode<synchronous>, transform_indices = @transform_3, window_bounds = array<i64: 4, 128>}, {transform_indices = @transform_4, window_bounds = array<i64: 128, 128>}]} {
    %get3A = arith.constant 0 : index
    %get3A_0 = arith.constant 0 : index
    %get3A_1 = arith.constant 0 : index
    %get3A_2 = vector.load %arg1[%get3A, %get3A_0, %get3A_1] : memref<128x50x4xf32, #tpu.memory_space<vmem>>, vector<128x50x4xf32>
    %get3A_3 = arith.constant 0 : index
    %get3A_4 = arith.constant 0 : index
    %get3A_5 = vector.load %arg2[%get3A_3, %get3A_4] : memref<128x4xf32, #tpu.memory_space<vmem>>, vector<128x4xf32>
    %get3A_6 = arith.constant 0 : index
    %get3A_7 = arith.constant 0 : index
    %get3A_8 = vector.load %arg3[%get3A_6, %get3A_7] : memref<128x50xf32, #tpu.memory_space<vmem>>, vector<128x50xf32>
    %get3A_9 = arith.constant 0 : index
    %get3A_10 = arith.constant 0 : index
    %get3A_11 = vector.load %arg4[%get3A_9, %get3A_10] : memref<4x128xf32, #tpu.memory_space<vmem>>, vector<4x128xf32>
    %max3A = arith.constant 0.000000e+00 : f32
    %max3A_12 = vector.broadcast %max3A : f32 to vector<128x50xf32>
    %max3A_13 = arith.maximumf %get3A_8, %max3A_12 : vector<128x50xf32>
    %sqrt3A = math.sqrt %max3A_13 : vector<128x50xf32>
    %max3A_14 = arith.constant 9.99999996E-13 : f32
    %max3A_15 = vector.broadcast %max3A_14 : f32 to vector<128x50xf32>
    %max3A_16 = arith.maximumf %sqrt3A, %max3A_15 : vector<128x50xf32>
    %div3A = arith.constant 1.000000e+00 : f32
    %div3A_17 = vector.broadcast %div3A : f32 to vector<128x50xf32>
    %div3A_18 = arith.divf %div3A_17, %max3A_16 : vector<128x50xf32>
    %broadcast_in_dim3A = vector.shape_cast %div3A_18 : vector<128x50xf32> to vector<128x50x1xf32>
    %broadcast_in_dim3A_19 = vector.shape_cast %get3A_5 : vector<128x4xf32> to vector<128x1x4xf32>
    %sub3A = vector.broadcast %broadcast_in_dim3A_19 : vector<128x1x4xf32> to vector<128x50x4xf32>
    %sub3A_20 = arith.subf %get3A_2, %sub3A : vector<128x50x4xf32>
    %mul3A = vector.broadcast %broadcast_in_dim3A : vector<128x50x1xf32> to vector<128x50x4xf32>
    %mul3A_21 = arith.mulf %sub3A_20, %mul3A : vector<128x50x4xf32>
    %reshape3A = vector.shape_cast %mul3A_21 : vector<128x50x4xf32> to vector<6400x4xf32>
    %dot_general3A = arith.constant dense<0.000000e+00> : vector<6400x128xf32>
    %dot_general3A_22 = tpu.matmul %reshape3A, %get3A_11, %dot_general3A {dimension_numbers = #tpu.dot_dimension_numbers<[1], [0], [0], [1], [0, 0, 1, 1], [], []>, transpose_lhs_hint = false} : vector<6400x4xf32>, vector<4x128xf32>, vector<6400x128xf32> -> vector<6400x128xf32>
    %reshape3A_23 = vector.shape_cast %dot_general3A_22 : vector<6400x128xf32> to vector<128x50x128xf32>
    %max3A_24 = arith.constant 0.000000e+00 : f32
    %max3A_25 = vector.broadcast %max3A_24 : f32 to vector<128x50x128xf32>
    %max3A_26 = arith.maximumf %reshape3A_23, %max3A_25 : vector<128x50x128xf32>
    %reduce_max3A = arith.constant dense<0xFF800000> : vector<128x128xf32>
    %reduce_max3A_27 = vector.multi_reduction <maximumf>, %max3A_26, %reduce_max3A [1] : vector<128x50x128xf32> to vector<128x128xf32>
    %swap3A = arith.constant 0 : index
    %swap3A_28 = arith.constant 0 : index
    %swap3A_29 = vector.load %arg5[%swap3A, %swap3A_28] : memref<128x128xf32, #tpu.memory_space<vmem>>, vector<128x128xf32>
    tpu.vector_store %arg5[%swap3A, %swap3A_28], %reduce_max3A_27 {strides = array<i32>} : memref<128x128xf32, #tpu.memory_space<vmem>>, vector<128x128xf32>,
    return
  }
  func.func @transform_0(%arg0: i32) -> (i32, i32, i32) {
    %c0_i32 = arith.constant 0 : i32
    %c0_i32_0 = arith.constant 0 : i32
    %c0_i32_1 = arith.constant 0 : i32
    return %arg0, %c0_i32, %c0_i32_0 : i32, i32, i32
  }
  func.func @transform_1(%arg0: i32) -> (i32, i32) {
    %c0_i32 = arith.constant 0 : i32
    %c0_i32_0 = arith.constant 0 : i32
    return %arg0, %c0_i32 : i32, i32
  }
  func.func @transform_2(%arg0: i32) -> (i32, i32) {
    %c0_i32 = arith.constant 0 : i32
    %c0_i32_0 = arith.constant 0 : i32
    return %arg0, %c0_i32 : i32, i32
  }
  func.func @transform_3(%arg0: i32) -> (i32, i32) {
    %c0_i32 = arith.constant 0 : i32
    %c0_i32_0 = arith.constant 0 : i32
    %c0_i32_1 = arith.constant 0 : i32
    return %c0_i32, %c0_i32_0 : i32, i32
  }
  func.func @transform_4(%arg0: i32) -> (i32, i32) {
    %c0_i32 = arith.constant 0 : i32
    %c0_i32_0 = arith.constant 0 : i32
    return %arg0, %c0_i32 : i32, i32
  }
}

module attributes {stable_mosaic.version = 14 : i64} {
  func.func @_bn_body(%arg0: memref<4096x128xf32, #tpu.memory_space<vmem>>, %arg1: memref<1x128xf32, #tpu.memory_space<vmem>>, %arg2: memref<1x128xf32, #tpu.memory_space<vmem>>, %arg3: memref<4096x128xf32, #tpu.memory_space<vmem>>) attributes {dimension_semantics = [], scalar_prefetch = 0 : i64, scratch_operands = 0 : i64, tpu.core_type = #tpu.core_type<tc>} {
    %get3A = arith.constant 0 : index
    %get3A_0 = arith.constant 0 : index
    %get3A_1 = vector.load %arg0[%get3A, %get3A_0] : memref<4096x128xf32, #tpu.memory_space<vmem>>, vector<4096x128xf32>
    %reduce_sum3A = arith.constant dense<0.000000e+00> : vector<128xf32>
    %reduce_sum3A_2 = vector.multi_reduction <add>, %get3A_1, %reduce_sum3A [0] : vector<4096x128xf32> to vector<128xf32>
    %broadcast_in_dim3A = vector.shape_cast %reduce_sum3A_2 : vector<128xf32> to vector<1x128xf32>
    %div3A = arith.constant 4.096000e+03 : f32
    %div3A_3 = vector.broadcast %div3A : f32 to vector<1x128xf32>
    %div3A_4 = arith.divf %broadcast_in_dim3A, %div3A_3 : vector<1x128xf32>
    %sub3A = vector.broadcast %div3A_4 : vector<1x128xf32> to vector<4096x128xf32>
    %sub3A_5 = arith.subf %get3A_1, %sub3A : vector<4096x128xf32>
    %integer_pow3A = arith.mulf %sub3A_5, %sub3A_5 : vector<4096x128xf32>
    %reduce_sum3A_6 = arith.constant dense<0.000000e+00> : vector<128xf32>
    %reduce_sum3A_7 = vector.multi_reduction <add>, %integer_pow3A, %reduce_sum3A_6 [0] : vector<4096x128xf32> to vector<128xf32>
    %broadcast_in_dim3A_8 = vector.shape_cast %reduce_sum3A_7 : vector<128xf32> to vector<1x128xf32>
    %div3A_9 = arith.constant 4.096000e+03 : f32
    %div3A_10 = vector.broadcast %div3A_9 : f32 to vector<1x128xf32>
    %div3A_11 = arith.divf %broadcast_in_dim3A_8, %div3A_10 : vector<1x128xf32>
    %get3A_12 = arith.constant 0 : index
    %get3A_13 = arith.constant 0 : index
    %get3A_14 = vector.load %arg1[%get3A_12, %get3A_13] : memref<1x128xf32, #tpu.memory_space<vmem>>, vector<1x128xf32>
    %sub3A_15 = vector.broadcast %div3A_4 : vector<1x128xf32> to vector<4096x128xf32>
    %sub3A_16 = arith.subf %get3A_1, %sub3A_15 : vector<4096x128xf32>
    %mul3A = vector.broadcast %get3A_14 : vector<1x128xf32> to vector<4096x128xf32>
    %mul3A_17 = arith.mulf %mul3A, %sub3A_16 : vector<4096x128xf32>
    %add3A = arith.constant 9.99999974E-6 : f32
    %add3A_18 = vector.broadcast %add3A : f32 to vector<1x128xf32>
    %add3A_19 = arith.addf %div3A_11, %add3A_18 : vector<1x128xf32>
    %sqrt3A = math.sqrt %add3A_19 : vector<1x128xf32>
    %div3A_20 = vector.broadcast %sqrt3A : vector<1x128xf32> to vector<4096x128xf32>
    %div3A_21 = arith.divf %mul3A_17, %div3A_20 : vector<4096x128xf32>
    %get3A_22 = arith.constant 0 : index
    %get3A_23 = arith.constant 0 : index
    %get3A_24 = vector.load %arg2[%get3A_22, %get3A_23] : memref<1x128xf32, #tpu.memory_space<vmem>>, vector<1x128xf32>
    %add3A_25 = vector.broadcast %get3A_24 : vector<1x128xf32> to vector<4096x128xf32>
    %add3A_26 = arith.addf %div3A_21, %add3A_25 : vector<4096x128xf32>
    %max3A = arith.constant 0.000000e+00 : f32
    %max3A_27 = vector.broadcast %max3A : f32 to vector<4096x128xf32>
    %max3A_28 = arith.maximumf %add3A_26, %max3A_27 : vector<4096x128xf32>
    %swap3A = arith.constant 0 : index
    %swap3A_29 = arith.constant 0 : index
    %swap3A_30 = vector.load %arg3[%swap3A, %swap3A_29] : memref<4096x128xf32, #tpu.memory_space<vmem>>, vector<4096x128xf32>
    tpu.vector_store %arg3[%swap3A, %swap3A_29], %max3A_28 {strides = array<i32>} : memref<4096x128xf32, #tpu.memory_space<vmem>>, vector<4096x128xf32>,
    return
  }
}

module attributes {stable_mosaic.version = 14 : i64} {
  func.func @_mm_body(%arg0: i32, %arg1: memref<1024x128xf32, #tpu.memory_space<vmem>>, %arg2: memref<128x256xf32, #tpu.memory_space<vmem>>, %arg3: memref<1x256xf32, #tpu.memory_space<vmem>>, %arg4: memref<1024x256xf32, #tpu.memory_space<vmem>>) attributes {dimension_semantics = [#tpu.dimension_semantics<arbitrary>], iteration_bounds = array<i64: 4>, scalar_prefetch = 0 : i64, scratch_operands = 0 : i64, tpu.core_type = #tpu.core_type<tc>, window_params = [{transform_indices = @transform_0, window_bounds = array<i64: 1024, 128>}, {pipeline_mode = #tpu.pipeline_mode<synchronous>, transform_indices = @transform_1, window_bounds = array<i64: 128, 256>}, {pipeline_mode = #tpu.pipeline_mode<synchronous>, transform_indices = @transform_2, window_bounds = array<i64: 1, 256>}, {transform_indices = @transform_3, window_bounds = array<i64: 1024, 256>}]} {
    %get3A = arith.constant 0 : index
    %get3A_0 = arith.constant 0 : index
    %get3A_1 = vector.load %arg1[%get3A, %get3A_0] : memref<1024x128xf32, #tpu.memory_space<vmem>>, vector<1024x128xf32>
    %get3A_2 = arith.constant 0 : index
    %get3A_3 = arith.constant 0 : index
    %get3A_4 = vector.load %arg2[%get3A_2, %get3A_3] : memref<128x256xf32, #tpu.memory_space<vmem>>, vector<128x256xf32>
    %dot_general3A = arith.constant dense<0.000000e+00> : vector<1024x256xf32>
    %dot_general3A_5 = tpu.matmul %get3A_1, %get3A_4, %dot_general3A {dimension_numbers = #tpu.dot_dimension_numbers<[1], [0], [0], [1], [0, 0, 1, 1], [], []>, transpose_lhs_hint = false} : vector<1024x128xf32>, vector<128x256xf32>, vector<1024x256xf32> -> vector<1024x256xf32>
    %get3A_6 = arith.constant 0 : index
    %get3A_7 = arith.constant 0 : index
    %get3A_8 = vector.load %arg3[%get3A_6, %get3A_7] : memref<1x256xf32, #tpu.memory_space<vmem>>, vector<1x256xf32>
    %add3A = vector.broadcast %get3A_8 : vector<1x256xf32> to vector<1024x256xf32>
    %add3A_9 = arith.addf %dot_general3A_5, %add3A : vector<1024x256xf32>
    %swap3A = arith.constant 0 : index
    %swap3A_10 = arith.constant 0 : index
    %swap3A_11 = vector.load %arg4[%swap3A, %swap3A_10] : memref<1024x256xf32, #tpu.memory_space<vmem>>, vector<1024x256xf32>
    tpu.vector_store %arg4[%swap3A, %swap3A_10], %add3A_9 {strides = array<i32>} : memref<1024x256xf32, #tpu.memory_space<vmem>>, vector<1024x256xf32>,
    return
  }
  func.func @transform_0(%arg0: i32) -> (i32, i32) {
    %c0_i32 = arith.constant 0 : i32
    %c0_i32_0 = arith.constant 0 : i32
    return %arg0, %c0_i32 : i32, i32
  }
  func.func @transform_1(%arg0: i32) -> (i32, i32) {
    %c0_i32 = arith.constant 0 : i32
    %c0_i32_0 = arith.constant 0 : i32
    %c0_i32_1 = arith.constant 0 : i32
    return %c0_i32, %c0_i32_0 : i32, i32
  }
  func.func @transform_2(%arg0: i32) -> (i32, i32) {
    %c0_i32 = arith.constant 0 : i32
    %c0_i32_0 = arith.constant 0 : i32
    %c0_i32_1 = arith.constant 0 : i32
    return %c0_i32, %c0_i32_0 : i32, i32
  }
  func.func @transform_3(%arg0: i32) -> (i32, i32) {
    %c0_i32 = arith.constant 0 : i32
    %c0_i32_0 = arith.constant 0 : i32
    return %arg0, %c0_i32 : i32, i32
  }
}

module attributes {stable_mosaic.version = 14 : i64} {
  func.func @_comb_surface_body(%arg0: i32, %arg1: memref<1024x10x4xf32, #tpu.memory_space<vmem>>, %arg2: memref<1024x4xf32, #tpu.memory_space<vmem>>, %arg3: memref<1024x10xf32, #tpu.memory_space<vmem>>, %arg4: memref<4x128xf32, #tpu.memory_space<vmem>>, %arg5: memref<1024x128xf32, #tpu.memory_space<vmem>>) attributes {dimension_semantics = [#tpu.dimension_semantics<arbitrary>], iteration_bounds = array<i64: 4>, scalar_prefetch = 0 : i64, scratch_operands = 0 : i64, tpu.core_type = #tpu.core_type<tc>, window_params = [{transform_indices = @transform_0, window_bounds = array<i64: 1024, 10, 4>}, {transform_indices = @transform_1, window_bounds = array<i64: 1024, 4>}, {transform_indices = @transform_2, window_bounds = array<i64: 1024, 10>}, {pipeline_mode = #tpu.pipeline_mode<synchronous>, transform_indices = @transform_3, window_bounds = array<i64: 4, 128>}, {transform_indices = @transform_4, window_bounds = array<i64: 1024, 128>}]} {
    %get3A = arith.constant 0 : index
    %get3A_0 = arith.constant 0 : index
    %get3A_1 = arith.constant 0 : index
    %get3A_2 = vector.load %arg1[%get3A, %get3A_0, %get3A_1] : memref<1024x10x4xf32, #tpu.memory_space<vmem>>, vector<1024x10x4xf32>
    %get3A_3 = arith.constant 0 : index
    %get3A_4 = arith.constant 0 : index
    %get3A_5 = vector.load %arg2[%get3A_3, %get3A_4] : memref<1024x4xf32, #tpu.memory_space<vmem>>, vector<1024x4xf32>
    %get3A_6 = arith.constant 0 : index
    %get3A_7 = arith.constant 0 : index
    %get3A_8 = vector.load %arg3[%get3A_6, %get3A_7] : memref<1024x10xf32, #tpu.memory_space<vmem>>, vector<1024x10xf32>
    %get3A_9 = arith.constant 0 : index
    %get3A_10 = arith.constant 0 : index
    %get3A_11 = vector.load %arg4[%get3A_9, %get3A_10] : memref<4x128xf32, #tpu.memory_space<vmem>>, vector<4x128xf32>
    %max3A = arith.constant 0.000000e+00 : f32
    %max3A_12 = vector.broadcast %max3A : f32 to vector<1024x10xf32>
    %max3A_13 = arith.maximumf %get3A_8, %max3A_12 : vector<1024x10xf32>
    %sqrt3A = math.sqrt %max3A_13 : vector<1024x10xf32>
    %max3A_14 = arith.constant 9.99999996E-13 : f32
    %max3A_15 = vector.broadcast %max3A_14 : f32 to vector<1024x10xf32>
    %max3A_16 = arith.maximumf %sqrt3A, %max3A_15 : vector<1024x10xf32>
    %div3A = arith.constant 1.000000e+00 : f32
    %div3A_17 = vector.broadcast %div3A : f32 to vector<1024x10xf32>
    %div3A_18 = arith.divf %div3A_17, %max3A_16 : vector<1024x10xf32>
    %broadcast_in_dim3A = vector.shape_cast %div3A_18 : vector<1024x10xf32> to vector<1024x10x1xf32>
    %broadcast_in_dim3A_19 = vector.shape_cast %get3A_5 : vector<1024x4xf32> to vector<1024x1x4xf32>
    %sub3A = vector.broadcast %broadcast_in_dim3A_19 : vector<1024x1x4xf32> to vector<1024x10x4xf32>
    %sub3A_20 = arith.subf %get3A_2, %sub3A : vector<1024x10x4xf32>
    %mul3A = vector.broadcast %broadcast_in_dim3A : vector<1024x10x1xf32> to vector<1024x10x4xf32>
    %mul3A_21 = arith.mulf %sub3A_20, %mul3A : vector<1024x10x4xf32>
    %reshape3A = vector.shape_cast %mul3A_21 : vector<1024x10x4xf32> to vector<10240x4xf32>
    %dot_general3A = arith.constant dense<0.000000e+00> : vector<10240x128xf32>
    %dot_general3A_22 = tpu.matmul %reshape3A, %get3A_11, %dot_general3A {dimension_numbers = #tpu.dot_dimension_numbers<[1], [0], [0], [1], [0, 0, 1, 1], [], []>, transpose_lhs_hint = false} : vector<10240x4xf32>, vector<4x128xf32>, vector<10240x128xf32> -> vector<10240x128xf32>
    %reshape3A_23 = vector.shape_cast %dot_general3A_22 : vector<10240x128xf32> to vector<1024x10x128xf32>
    %max3A_24 = arith.constant 0.000000e+00 : f32
    %max3A_25 = vector.broadcast %max3A_24 : f32 to vector<1024x10x128xf32>
    %max3A_26 = arith.maximumf %reshape3A_23, %max3A_25 : vector<1024x10x128xf32>
    %reduce_max3A = arith.constant dense<0xFF800000> : vector<1024x128xf32>
    %reduce_max3A_27 = vector.multi_reduction <maximumf>, %max3A_26, %reduce_max3A [1] : vector<1024x10x128xf32> to vector<1024x128xf32>
    %swap3A = arith.constant 0 : index
    %swap3A_28 = arith.constant 0 : index
    %swap3A_29 = vector.load %arg5[%swap3A, %swap3A_28] : memref<1024x128xf32, #tpu.memory_space<vmem>>, vector<1024x128xf32>
    tpu.vector_store %arg5[%swap3A, %swap3A_28], %reduce_max3A_27 {strides = array<i32>} : memref<1024x128xf32, #tpu.memory_space<vmem>>, vector<1024x128xf32>,
    return
  }
  func.func @transform_0(%arg0: i32) -> (i32, i32, i32) {
    %c0_i32 = arith.constant 0 : i32
    %c0_i32_0 = arith.constant 0 : i32
    %c0_i32_1 = arith.constant 0 : i32
    return %arg0, %c0_i32, %c0_i32_0 : i32, i32, i32
  }
  func.func @transform_1(%arg0: i32) -> (i32, i32) {
    %c0_i32 = arith.constant 0 : i32
    %c0_i32_0 = arith.constant 0 : i32
    return %arg0, %c0_i32 : i32, i32
  }
  func.func @transform_2(%arg0: i32) -> (i32, i32) {
    %c0_i32 = arith.constant 0 : i32
    %c0_i32_0 = arith.constant 0 : i32
    return %arg0, %c0_i32 : i32, i32
  }
  func.func @transform_3(%arg0: i32) -> (i32, i32) {
    %c0_i32 = arith.constant 0 : i32
    %c0_i32_0 = arith.constant 0 : i32
    %c0_i32_1 = arith.constant 0 : i32
    return %c0_i32, %c0_i32_0 : i32, i32
  }
  func.func @transform_4(%arg0: i32) -> (i32, i32) {
    %c0_i32 = arith.constant 0 : i32
    %c0_i32_0 = arith.constant 0 : i32
    return %arg0, %c0_i32 : i32, i32
  }
}

module attributes {stable_mosaic.version = 14 : i64} {
  func.func @_comb_layer_body(%arg0: i32, %arg1: memref<512x10x128xf32, #tpu.memory_space<vmem>>, %arg2: memref<512x10x4xf32, #tpu.memory_space<vmem>>, %arg3: memref<512x4xf32, #tpu.memory_space<vmem>>, %arg4: memref<512x128xf32, #tpu.memory_space<vmem>>, %arg5: memref<512x10xf32, #tpu.memory_space<vmem>>, %arg6: memref<4x128xf32, #tpu.memory_space<vmem>>, %arg7: memref<512x128xf32, #tpu.memory_space<vmem>>) attributes {dimension_semantics = [#tpu.dimension_semantics<arbitrary>], iteration_bounds = array<i64: 8>, scalar_prefetch = 0 : i64, scratch_operands = 0 : i64, tpu.core_type = #tpu.core_type<tc>, window_params = [{transform_indices = @transform_0, window_bounds = array<i64: 512, 10, 128>}, {transform_indices = @transform_1, window_bounds = array<i64: 512, 10, 4>}, {transform_indices = @transform_2, window_bounds = array<i64: 512, 4>}, {transform_indices = @transform_3, window_bounds = array<i64: 512, 128>}, {transform_indices = @transform_4, window_bounds = array<i64: 512, 10>}, {pipeline_mode = #tpu.pipeline_mode<synchronous>, transform_indices = @transform_5, window_bounds = array<i64: 4, 128>}, {transform_indices = @transform_6, window_bounds = array<i64: 512, 128>}]} {
    %get3A = arith.constant 0 : index
    %get3A_0 = arith.constant 0 : index
    %get3A_1 = arith.constant 0 : index
    %get3A_2 = vector.load %arg2[%get3A, %get3A_0, %get3A_1] : memref<512x10x4xf32, #tpu.memory_space<vmem>>, vector<512x10x4xf32>
    %get3A_3 = arith.constant 0 : index
    %get3A_4 = arith.constant 0 : index
    %get3A_5 = vector.load %arg3[%get3A_3, %get3A_4] : memref<512x4xf32, #tpu.memory_space<vmem>>, vector<512x4xf32>
    %get3A_6 = arith.constant 0 : index
    %get3A_7 = arith.constant 0 : index
    %get3A_8 = vector.load %arg5[%get3A_6, %get3A_7] : memref<512x10xf32, #tpu.memory_space<vmem>>, vector<512x10xf32>
    %get3A_9 = arith.constant 0 : index
    %get3A_10 = arith.constant 0 : index
    %get3A_11 = vector.load %arg6[%get3A_9, %get3A_10] : memref<4x128xf32, #tpu.memory_space<vmem>>, vector<4x128xf32>
    %max3A = arith.constant 0.000000e+00 : f32
    %max3A_12 = vector.broadcast %max3A : f32 to vector<512x10xf32>
    %max3A_13 = arith.maximumf %get3A_8, %max3A_12 : vector<512x10xf32>
    %sqrt3A = math.sqrt %max3A_13 : vector<512x10xf32>
    %max3A_14 = arith.constant 9.99999996E-13 : f32
    %max3A_15 = vector.broadcast %max3A_14 : f32 to vector<512x10xf32>
    %max3A_16 = arith.maximumf %sqrt3A, %max3A_15 : vector<512x10xf32>
    %div3A = arith.constant 1.000000e+00 : f32
    %div3A_17 = vector.broadcast %div3A : f32 to vector<512x10xf32>
    %div3A_18 = arith.divf %div3A_17, %max3A_16 : vector<512x10xf32>
    %broadcast_in_dim3A = vector.shape_cast %div3A_18 : vector<512x10xf32> to vector<512x10x1xf32>
    %broadcast_in_dim3A_19 = vector.shape_cast %get3A_5 : vector<512x4xf32> to vector<512x1x4xf32>
    %sub3A = vector.broadcast %broadcast_in_dim3A_19 : vector<512x1x4xf32> to vector<512x10x4xf32>
    %sub3A_20 = arith.subf %get3A_2, %sub3A : vector<512x10x4xf32>
    %mul3A = vector.broadcast %broadcast_in_dim3A : vector<512x10x1xf32> to vector<512x10x4xf32>
    %mul3A_21 = arith.mulf %sub3A_20, %mul3A : vector<512x10x4xf32>
    %reshape3A = vector.shape_cast %mul3A_21 : vector<512x10x4xf32> to vector<5120x4xf32>
    %dot_general3A = arith.constant dense<0.000000e+00> : vector<5120x128xf32>
    %dot_general3A_22 = tpu.matmul %reshape3A, %get3A_11, %dot_general3A {dimension_numbers = #tpu.dot_dimension_numbers<[1], [0], [0], [1], [0, 0, 1, 1], [], []>, transpose_lhs_hint = false} : vector<5120x4xf32>, vector<4x128xf32>, vector<5120x128xf32> -> vector<5120x128xf32>
    %reshape3A_23 = vector.shape_cast %dot_general3A_22 : vector<5120x128xf32> to vector<512x10x128xf32>
    %max3A_24 = arith.constant 0.000000e+00 : f32
    %max3A_25 = vector.broadcast %max3A_24 : f32 to vector<512x10x128xf32>
    %max3A_26 = arith.maximumf %reshape3A_23, %max3A_25 : vector<512x10x128xf32>
    %get3A_27 = arith.constant 0 : index
    %get3A_28 = arith.constant 0 : index
    %get3A_29 = vector.load %arg4[%get3A_27, %get3A_28] : memref<512x128xf32, #tpu.memory_space<vmem>>, vector<512x128xf32>
    %get3A_30 = arith.constant 0 : index
    %get3A_31 = arith.constant 0 : index
    %get3A_32 = arith.constant 0 : index
    %get3A_33 = vector.load %arg1[%get3A_30, %get3A_31, %get3A_32] : memref<512x10x128xf32, #tpu.memory_space<vmem>>, vector<512x10x128xf32>
    %mul3A_34 = arith.mulf %max3A_26, %get3A_33 : vector<512x10x128xf32>
    %reduce_max3A = arith.constant dense<0xFF800000> : vector<512x128xf32>
    %reduce_max3A_35 = vector.multi_reduction <maximumf>, %mul3A_34, %reduce_max3A [1] : vector<512x10x128xf32> to vector<512x128xf32>
    %add3A = arith.addf %get3A_29, %reduce_max3A_35 : vector<512x128xf32>
    %swap3A = arith.constant 0 : index
    %swap3A_36 = arith.constant 0 : index
    %swap3A_37 = vector.load %arg7[%swap3A, %swap3A_36] : memref<512x128xf32, #tpu.memory_space<vmem>>, vector<512x128xf32>
    tpu.vector_store %arg7[%swap3A, %swap3A_36], %add3A {strides = array<i32>} : memref<512x128xf32, #tpu.memory_space<vmem>>, vector<512x128xf32>,
    return
  }
  func.func @transform_0(%arg0: i32) -> (i32, i32, i32) {
    %c0_i32 = arith.constant 0 : i32
    %c0_i32_0 = arith.constant 0 : i32
    %c0_i32_1 = arith.constant 0 : i32
    return %arg0, %c0_i32, %c0_i32_0 : i32, i32, i32
  }
  func.func @transform_1(%arg0: i32) -> (i32, i32, i32) {
    %c0_i32 = arith.constant 0 : i32
    %c0_i32_0 = arith.constant 0 : i32
    %c0_i32_1 = arith.constant 0 : i32
    return %arg0, %c0_i32, %c0_i32_0 : i32, i32, i32
  }
  func.func @transform_2(%arg0: i32) -> (i32, i32) {
    %c0_i32 = arith.constant 0 : i32
    %c0_i32_0 = arith.constant 0 : i32
    return %arg0, %c0_i32 : i32, i32
  }
  func.func @transform_3(%arg0: i32) -> (i32, i32) {
    %c0_i32 = arith.constant 0 : i32
    %c0_i32_0 = arith.constant 0 : i32
    return %arg0, %c0_i32 : i32, i32
  }
  func.func @transform_4(%arg0: i32) -> (i32, i32) {
    %c0_i32 = arith.constant 0 : i32
    %c0_i32_0 = arith.constant 0 : i32
    return %arg0, %c0_i32 : i32, i32
  }
  func.func @transform_5(%arg0: i32) -> (i32, i32) {
    %c0_i32 = arith.constant 0 : i32
    %c0_i32_0 = arith.constant 0 : i32
    %c0_i32_1 = arith.constant 0 : i32
    return %c0_i32, %c0_i32_0 : i32, i32
  }
  func.func @transform_6(%arg0: i32) -> (i32, i32) {
    %c0_i32 = arith.constant 0 : i32
    %c0_i32_0 = arith.constant 0 : i32
    return %arg0, %c0_i32 : i32, i32
  }
}

module attributes {stable_mosaic.version = 14 : i64} {
  func.func @_comb_layer_body(%arg0: i32, %arg1: memref<128x50x128xf32, #tpu.memory_space<vmem>>, %arg2: memref<128x50x4xf32, #tpu.memory_space<vmem>>, %arg3: memref<128x4xf32, #tpu.memory_space<vmem>>, %arg4: memref<128x128xf32, #tpu.memory_space<vmem>>, %arg5: memref<128x50xf32, #tpu.memory_space<vmem>>, %arg6: memref<4x128xf32, #tpu.memory_space<vmem>>, %arg7: memref<128x128xf32, #tpu.memory_space<vmem>>) attributes {dimension_semantics = [#tpu.dimension_semantics<arbitrary>], iteration_bounds = array<i64: 32>, scalar_prefetch = 0 : i64, scratch_operands = 0 : i64, tpu.core_type = #tpu.core_type<tc>, window_params = [{transform_indices = @transform_0, window_bounds = array<i64: 128, 50, 128>}, {transform_indices = @transform_1, window_bounds = array<i64: 128, 50, 4>}, {transform_indices = @transform_2, window_bounds = array<i64: 128, 4>}, {transform_indices = @transform_3, window_bounds = array<i64: 128, 128>}, {transform_indices = @transform_4, window_bounds = array<i64: 128, 50>}, {pipeline_mode = #tpu.pipeline_mode<synchronous>, transform_indices = @transform_5, window_bounds = array<i64: 4, 128>}, {transform_indices = @transform_6, window_bounds = array<i64: 128, 128>}]} {
    %get3A = arith.constant 0 : index
    %get3A_0 = arith.constant 0 : index
    %get3A_1 = arith.constant 0 : index
    %get3A_2 = vector.load %arg2[%get3A, %get3A_0, %get3A_1] : memref<128x50x4xf32, #tpu.memory_space<vmem>>, vector<128x50x4xf32>
    %get3A_3 = arith.constant 0 : index
    %get3A_4 = arith.constant 0 : index
    %get3A_5 = vector.load %arg3[%get3A_3, %get3A_4] : memref<128x4xf32, #tpu.memory_space<vmem>>, vector<128x4xf32>
    %get3A_6 = arith.constant 0 : index
    %get3A_7 = arith.constant 0 : index
    %get3A_8 = vector.load %arg5[%get3A_6, %get3A_7] : memref<128x50xf32, #tpu.memory_space<vmem>>, vector<128x50xf32>
    %get3A_9 = arith.constant 0 : index
    %get3A_10 = arith.constant 0 : index
    %get3A_11 = vector.load %arg6[%get3A_9, %get3A_10] : memref<4x128xf32, #tpu.memory_space<vmem>>, vector<4x128xf32>
    %max3A = arith.constant 0.000000e+00 : f32
    %max3A_12 = vector.broadcast %max3A : f32 to vector<128x50xf32>
    %max3A_13 = arith.maximumf %get3A_8, %max3A_12 : vector<128x50xf32>
    %sqrt3A = math.sqrt %max3A_13 : vector<128x50xf32>
    %max3A_14 = arith.constant 9.99999996E-13 : f32
    %max3A_15 = vector.broadcast %max3A_14 : f32 to vector<128x50xf32>
    %max3A_16 = arith.maximumf %sqrt3A, %max3A_15 : vector<128x50xf32>
    %div3A = arith.constant 1.000000e+00 : f32
    %div3A_17 = vector.broadcast %div3A : f32 to vector<128x50xf32>
    %div3A_18 = arith.divf %div3A_17, %max3A_16 : vector<128x50xf32>
    %broadcast_in_dim3A = vector.shape_cast %div3A_18 : vector<128x50xf32> to vector<128x50x1xf32>
    %broadcast_in_dim3A_19 = vector.shape_cast %get3A_5 : vector<128x4xf32> to vector<128x1x4xf32>
    %sub3A = vector.broadcast %broadcast_in_dim3A_19 : vector<128x1x4xf32> to vector<128x50x4xf32>
    %sub3A_20 = arith.subf %get3A_2, %sub3A : vector<128x50x4xf32>
    %mul3A = vector.broadcast %broadcast_in_dim3A : vector<128x50x1xf32> to vector<128x50x4xf32>
    %mul3A_21 = arith.mulf %sub3A_20, %mul3A : vector<128x50x4xf32>
    %reshape3A = vector.shape_cast %mul3A_21 : vector<128x50x4xf32> to vector<6400x4xf32>
    %dot_general3A = arith.constant dense<0.000000e+00> : vector<6400x128xf32>
    %dot_general3A_22 = tpu.matmul %reshape3A, %get3A_11, %dot_general3A {dimension_numbers = #tpu.dot_dimension_numbers<[1], [0], [0], [1], [0, 0, 1, 1], [], []>, transpose_lhs_hint = false} : vector<6400x4xf32>, vector<4x128xf32>, vector<6400x128xf32> -> vector<6400x128xf32>
    %reshape3A_23 = vector.shape_cast %dot_general3A_22 : vector<6400x128xf32> to vector<128x50x128xf32>
    %max3A_24 = arith.constant 0.000000e+00 : f32
    %max3A_25 = vector.broadcast %max3A_24 : f32 to vector<128x50x128xf32>
    %max3A_26 = arith.maximumf %reshape3A_23, %max3A_25 : vector<128x50x128xf32>
    %get3A_27 = arith.constant 0 : index
    %get3A_28 = arith.constant 0 : index
    %get3A_29 = vector.load %arg4[%get3A_27, %get3A_28] : memref<128x128xf32, #tpu.memory_space<vmem>>, vector<128x128xf32>
    %get3A_30 = arith.constant 0 : index
    %get3A_31 = arith.constant 0 : index
    %get3A_32 = arith.constant 0 : index
    %get3A_33 = vector.load %arg1[%get3A_30, %get3A_31, %get3A_32] : memref<128x50x128xf32, #tpu.memory_space<vmem>>, vector<128x50x128xf32>
    %mul3A_34 = arith.mulf %max3A_26, %get3A_33 : vector<128x50x128xf32>
    %reduce_max3A = arith.constant dense<0xFF800000> : vector<128x128xf32>
    %reduce_max3A_35 = vector.multi_reduction <maximumf>, %mul3A_34, %reduce_max3A [1] : vector<128x50x128xf32> to vector<128x128xf32>
    %add3A = arith.addf %get3A_29, %reduce_max3A_35 : vector<128x128xf32>
    %swap3A = arith.constant 0 : index
    %swap3A_36 = arith.constant 0 : index
    %swap3A_37 = vector.load %arg7[%swap3A, %swap3A_36] : memref<128x128xf32, #tpu.memory_space<vmem>>, vector<128x128xf32>
    tpu.vector_store %arg7[%swap3A, %swap3A_36], %add3A {strides = array<i32>} : memref<128x128xf32, #tpu.memory_space<vmem>>, vector<128x128xf32>,
    return
  }
  func.func @transform_0(%arg0: i32) -> (i32, i32, i32) {
    %c0_i32 = arith.constant 0 : i32
    %c0_i32_0 = arith.constant 0 : i32
    %c0_i32_1 = arith.constant 0 : i32
    return %arg0, %c0_i32, %c0_i32_0 : i32, i32, i32
  }
  func.func @transform_1(%arg0: i32) -> (i32, i32, i32) {
    %c0_i32 = arith.constant 0 : i32
    %c0_i32_0 = arith.constant 0 : i32
    %c0_i32_1 = arith.constant 0 : i32
    return %arg0, %c0_i32, %c0_i32_0 : i32, i32, i32
  }
  func.func @transform_2(%arg0: i32) -> (i32, i32) {
    %c0_i32 = arith.constant 0 : i32
    %c0_i32_0 = arith.constant 0 : i32
    return %arg0, %c0_i32 : i32, i32
  }
  func.func @transform_3(%arg0: i32) -> (i32, i32) {
    %c0_i32 = arith.constant 0 : i32
    %c0_i32_0 = arith.constant 0 : i32
    return %arg0, %c0_i32 : i32, i32
  }
  func.func @transform_4(%arg0: i32) -> (i32, i32) {
    %c0_i32 = arith.constant 0 : i32
    %c0_i32_0 = arith.constant 0 : i32
    return %arg0, %c0_i32 : i32, i32
  }
  func.func @transform_5(%arg0: i32) -> (i32, i32) {
    %c0_i32 = arith.constant 0 : i32
    %c0_i32_0 = arith.constant 0 : i32
    %c0_i32_1 = arith.constant 0 : i32
    return %c0_i32, %c0_i32_0 : i32, i32
  }
  func.func @transform_6(%arg0: i32) -> (i32, i32) {
    %c0_i32 = arith.constant 0 : i32
    %c0_i32_0 = arith.constant 0 : i32
    return %arg0, %c0_i32 : i32, i32
  }
}

module attributes {stable_mosaic.version = 14 : i64} {
  func.func @_mm_body(%arg0: i32, %arg1: memref<1024x256xf32, #tpu.memory_space<vmem>>, %arg2: memref<256x128xf32, #tpu.memory_space<vmem>>, %arg3: memref<1x128xf32, #tpu.memory_space<vmem>>, %arg4: memref<1024x128xf32, #tpu.memory_space<vmem>>) attributes {dimension_semantics = [#tpu.dimension_semantics<arbitrary>], iteration_bounds = array<i64: 4>, scalar_prefetch = 0 : i64, scratch_operands = 0 : i64, tpu.core_type = #tpu.core_type<tc>, window_params = [{transform_indices = @transform_0, window_bounds = array<i64: 1024, 256>}, {pipeline_mode = #tpu.pipeline_mode<synchronous>, transform_indices = @transform_1, window_bounds = array<i64: 256, 128>}, {pipeline_mode = #tpu.pipeline_mode<synchronous>, transform_indices = @transform_2, window_bounds = array<i64: 1, 128>}, {transform_indices = @transform_3, window_bounds = array<i64: 1024, 128>}]} {
    %get3A = arith.constant 0 : index
    %get3A_0 = arith.constant 0 : index
    %get3A_1 = vector.load %arg1[%get3A, %get3A_0] : memref<1024x256xf32, #tpu.memory_space<vmem>>, vector<1024x256xf32>
    %get3A_2 = arith.constant 0 : index
    %get3A_3 = arith.constant 0 : index
    %get3A_4 = vector.load %arg2[%get3A_2, %get3A_3] : memref<256x128xf32, #tpu.memory_space<vmem>>, vector<256x128xf32>
    %dot_general3A = arith.constant dense<0.000000e+00> : vector<1024x128xf32>
    %dot_general3A_5 = tpu.matmul %get3A_1, %get3A_4, %dot_general3A {dimension_numbers = #tpu.dot_dimension_numbers<[1], [0], [0], [1], [0, 0, 1, 1], [], []>, transpose_lhs_hint = false} : vector<1024x256xf32>, vector<256x128xf32>, vector<1024x128xf32> -> vector<1024x128xf32>
    %get3A_6 = arith.constant 0 : index
    %get3A_7 = arith.constant 0 : index
    %get3A_8 = vector.load %arg3[%get3A_6, %get3A_7] : memref<1x128xf32, #tpu.memory_space<vmem>>, vector<1x128xf32>
    %add3A = vector.broadcast %get3A_8 : vector<1x128xf32> to vector<1024x128xf32>
    %add3A_9 = arith.addf %dot_general3A_5, %add3A : vector<1024x128xf32>
    %swap3A = arith.constant 0 : index
    %swap3A_10 = arith.constant 0 : index
    %swap3A_11 = vector.load %arg4[%swap3A, %swap3A_10] : memref<1024x128xf32, #tpu.memory_space<vmem>>, vector<1024x128xf32>
    tpu.vector_store %arg4[%swap3A, %swap3A_10], %add3A_9 {strides = array<i32>} : memref<1024x128xf32, #tpu.memory_space<vmem>>, vector<1024x128xf32>,
    return
  }
  func.func @transform_0(%arg0: i32) -> (i32, i32) {
    %c0_i32 = arith.constant 0 : i32
    %c0_i32_0 = arith.constant 0 : i32
    return %arg0, %c0_i32 : i32, i32
  }
  func.func @transform_1(%arg0: i32) -> (i32, i32) {
    %c0_i32 = arith.constant 0 : i32
    %c0_i32_0 = arith.constant 0 : i32
    %c0_i32_1 = arith.constant 0 : i32
    return %c0_i32, %c0_i32_0 : i32, i32
  }
  func.func @transform_2(%arg0: i32) -> (i32, i32) {
    %c0_i32 = arith.constant 0 : i32
    %c0_i32_0 = arith.constant 0 : i32
    %c0_i32_1 = arith.constant 0 : i32
    return %c0_i32, %c0_i32_0 : i32, i32
  }
  func.func @transform_3(%arg0: i32) -> (i32, i32) {
    %c0_i32 = arith.constant 0 : i32
    %c0_i32_0 = arith.constant 0 : i32
    return %arg0, %c0_i32 : i32, i32
  }
}

module attributes {stable_mosaic.version = 14 : i64} {
  func.func @_topk_body(%arg0: i32, %arg1: i32, %arg2: memref<1x512x3xf32, #tpu.memory_space<vmem>>, %arg3: memref<1x3x512xf32, #tpu.memory_space<vmem>>, %arg4: memref<1x512x51xi32, #tpu.memory_space<vmem>>, %arg5: memref<1x512x51xf32, #tpu.memory_space<vmem>>) attributes {dimension_semantics = [#tpu.dimension_semantics<arbitrary>, #tpu.dimension_semantics<arbitrary>], iteration_bounds = array<i64: 2, 1>, scalar_prefetch = 0 : i64, scratch_operands = 0 : i64, tpu.core_type = #tpu.core_type<tc>, window_params = [{transform_indices = @transform_0, window_bounds = array<i64: 1, 512, 3>}, {transform_indices = @transform_1, window_bounds = array<i64: 1, 3, 512>}, {transform_indices = @transform_2, window_bounds = array<i64: 1, 512, 51>}, {transform_indices = @transform_3, window_bounds = array<i64: 1, 512, 51>}]} {
    %get3A = arith.constant 0 : index
    %get3A_0 = arith.constant 0 : index
    %get3A_1 = arith.constant 0 : index
    %get3A_2 = vector.load %arg2[%get3A, %get3A_0, %get3A_1] : memref<1x512x3xf32, #tpu.memory_space<vmem>>, vector<1x512x3xf32>
    %get3A_3 = vector.shape_cast %get3A_2 : vector<1x512x3xf32> to vector<512x3xf32>
    %get3A_4 = arith.constant 0 : index
    %get3A_5 = arith.constant 0 : index
    %get3A_6 = arith.constant 0 : index
    %get3A_7 = vector.load %arg3[%get3A_4, %get3A_5, %get3A_6] : memref<1x3x512xf32, #tpu.memory_space<vmem>>, vector<1x3x512xf32>
    %get3A_8 = vector.shape_cast %get3A_7 : vector<1x3x512xf32> to vector<3x512xf32>
    %slice3A = vector.extract_strided_slice %get3A_3 {offsets = [0, 0], sizes = [512, 1], strides = [1, 1]} : vector<512x3xf32> to vector<512x1xf32>
    %slice3A_9 = vector.extract_strided_slice %get3A_8 {offsets = [0, 0], sizes = [1, 512], strides = [1, 1]} : vector<3x512xf32> to vector<1x512xf32>
    %mul3A = vector.broadcast %slice3A : vector<512x1xf32> to vector<512x512xf32>
    %mul3A_10 = vector.broadcast %slice3A_9 : vector<1x512xf32> to vector<512x512xf32>
    %mul3A_11 = arith.mulf %mul3A, %mul3A_10 : vector<512x512xf32>
    %slice3A_12 = vector.extract_strided_slice %get3A_3 {offsets = [0, 1], sizes = [512, 1], strides = [1, 1]} : vector<512x3xf32> to vector<512x1xf32>
    %slice3A_13 = vector.extract_strided_slice %get3A_8 {offsets = [1, 0], sizes = [1, 512], strides = [1, 1]} : vector<3x512xf32> to vector<1x512xf32>
    %mul3A_14 = vector.broadcast %slice3A_12 : vector<512x1xf32> to vector<512x512xf32>
    %mul3A_15 = vector.broadcast %slice3A_13 : vector<1x512xf32> to vector<512x512xf32>
    %mul3A_16 = arith.mulf %mul3A_14, %mul3A_15 : vector<512x512xf32>
    %add3A = arith.addf %mul3A_11, %mul3A_16 : vector<512x512xf32>
    %slice3A_17 = vector.extract_strided_slice %get3A_3 {offsets = [0, 2], sizes = [512, 1], strides = [1, 1]} : vector<512x3xf32> to vector<512x1xf32>
    %slice3A_18 = vector.extract_strided_slice %get3A_8 {offsets = [2, 0], sizes = [1, 512], strides = [1, 1]} : vector<3x512xf32> to vector<1x512xf32>
    %mul3A_19 = vector.broadcast %slice3A_17 : vector<512x1xf32> to vector<512x512xf32>
    %mul3A_20 = vector.broadcast %slice3A_18 : vector<1x512xf32> to vector<512x512xf32>
    %mul3A_21 = arith.mulf %mul3A_19, %mul3A_20 : vector<512x512xf32>
    %add3A_22 = arith.addf %add3A, %mul3A_21 : vector<512x512xf32>
    %mul3A_23 = arith.mulf %get3A_8, %get3A_8 : vector<3x512xf32>
    %reduce_sum3A = arith.constant dense<0.000000e+00> : vector<512xf32>
    %reduce_sum3A_24 = vector.multi_reduction <add>, %mul3A_23, %reduce_sum3A [0] : vector<3x512xf32> to vector<512xf32>
    %broadcast_in_dim3A = vector.shape_cast %reduce_sum3A_24 : vector<512xf32> to vector<1x512xf32>
    %mul3A_25 = arith.mulf %get3A_3, %get3A_3 : vector<512x3xf32>
    %reduce_sum3A_26 = arith.constant dense<0.000000e+00> : vector<512xf32>
    %reduce_sum3A_27 = vector.multi_reduction <add>, %mul3A_25, %reduce_sum3A_26 [1] : vector<512x3xf32> to vector<512xf32>
    %broadcast_in_dim3A_28 = vector.shape_cast %reduce_sum3A_27 : vector<512xf32> to vector<512x1xf32>
    %mul3A_29 = arith.constant 2.000000e+00 : f32
    %mul3A_30 = vector.broadcast %mul3A_29 : f32 to vector<512x512xf32>
    %mul3A_31 = arith.mulf %mul3A_30, %add3A_22 : vector<512x512xf32>
    %sub3A = vector.broadcast %broadcast_in_dim3A : vector<1x512xf32> to vector<512x512xf32>
    %sub3A_32 = arith.subf %mul3A_31, %sub3A : vector<512x512xf32>
    %sub3A_33 = vector.broadcast %broadcast_in_dim3A_28 : vector<512x1xf32> to vector<512x512xf32>
    %sub3A_34 = arith.subf %sub3A_32, %sub3A_33 : vector<512x512xf32>
    %bitcast_convert_type3A = tpu.bitcast %sub3A_34 : vector<512x512xf32> -> vector<512x512xi32>
    %ge3A = arith.constant 0 : i32
    %ge3A_35 = vector.broadcast %ge3A : i32 to vector<512x512xi32>
    %ge3A_36 = arith.cmpi sge, %bitcast_convert_type3A, %ge3A_35 : vector<512x512xi32>
    %xor3A = arith.constant 2147483647 : i32
    %xor3A_37 = vector.broadcast %xor3A : i32 to vector<512x512xi32>
    %xor3A_38 = arith.xori %bitcast_convert_type3A, %xor3A_37 : vector<512x512xi32>
    %select_n3A = arith.select %ge3A_36, %bitcast_convert_type3A, %xor3A_38 : vector<512x512xi1>, vector<512x512xi32>
    %iota3A = tpu.iota {dimensions = array<i32: 1>} : vector<512x512xi32>
    %and3A = arith.constant -2048 : i32
    %and3A_39 = vector.broadcast %and3A : i32 to vector<512x512xi32>
    %and3A_40 = arith.andi %select_n3A, %and3A_39 : vector<512x512xi32>
    %sub3A_41 = arith.constant 2047 : i32
    %sub3A_42 = vector.broadcast %sub3A_41 : i32 to vector<512x512xi32>
    %sub3A_43 = arith.subi %sub3A_42, %iota3A : vector<512x512xi32>
    %or3A = arith.ori %and3A_40, %sub3A_43 : vector<512x512xi32>
    %iota3A_44 = tpu.iota {dimensions = array<i32: 1>} : vector<512x51xi32>
    %broadcast_in_dim3A_45 = arith.constant 0 : i32
    %broadcast_in_dim3A_46 = vector.broadcast %broadcast_in_dim3A_45 : i32 to vector<512x51xi32>
    %scan3A = arith.constant -2147483648 : i32
    %scan3A_47 = arith.constant 0 : i32
    %scan3A_48 = arith.constant 51 : i32
    %scan3A_49 = arith.addi %scan3A_47, %scan3A_48 : i32
    %scan3A_50 = arith.constant 1 : i32
    %scan3A_51:2 = scf.for %scan3A_87 = %scan3A_47 to %scan3A_49 step %scan3A_50 iter_args(%scan3A_88 = %or3A, %scan3A_89 = %broadcast_in_dim3A_46) -> (vector<512x512xi32>, vector<512x51xi32>)  : i32 {
      %reduce_max3A = arith.constant dense<-2147483648> : vector<512xi32>
      %reduce_max3A_90 = vector.multi_reduction <maxsi>, %scan3A_88, %reduce_max3A [1] : vector<512x512xi32> to vector<512xi32>
      %broadcast_in_dim3A_91 = vector.shape_cast %reduce_max3A_90 : vector<512xi32> to vector<512x1xi32>
      %eq3A = vector.broadcast %scan3A_87 : i32 to vector<512x51xi32>
      %eq3A_92 = arith.cmpi eq, %iota3A_44, %eq3A : vector<512x51xi32>
      %broadcast_in_dim3A_93 = vector.shape_cast %broadcast_in_dim3A_91 : vector<512x1xi32> to vector<512x1xi32>
      %broadcast_in_dim3A_94 = vector.broadcast %broadcast_in_dim3A_93 : vector<512x1xi32> to vector<512x51xi32>
      %select_n3A_95 = arith.select %eq3A_92, %broadcast_in_dim3A_94, %scan3A_89 : vector<512x51xi1>, vector<512x51xi32>
      %eq3A_96 = vector.broadcast %broadcast_in_dim3A_91 : vector<512x1xi32> to vector<512x512xi32>
      %eq3A_97 = arith.cmpi eq, %scan3A_88, %eq3A_96 : vector<512x512xi32>
      %broadcast_in_dim3A_98 = vector.broadcast %scan3A : i32 to vector<512x512xi32>
      %select_n3A_99 = arith.select %eq3A_97, %broadcast_in_dim3A_98, %scan3A_88 : vector<512x512xi1>, vector<512x512xi32>
      scf.yield %select_n3A_99, %select_n3A_95 : vector<512x512xi32>, vector<512x51xi32>
    }
    %scan3A_52 = arith.constant 51 : i32
    %and3A_53 = arith.constant 2047 : i32
    %and3A_54 = vector.broadcast %and3A_53 : i32 to vector<512x51xi32>
    %and3A_55 = arith.andi %scan3A_51#1, %and3A_54 : vector<512x51xi32>
    %sub3A_56 = arith.constant 2047 : i32
    %sub3A_57 = vector.broadcast %sub3A_56 : i32 to vector<512x51xi32>
    %sub3A_58 = arith.subi %sub3A_57, %and3A_55 : vector<512x51xi32>
    %mul3A_59 = arith.constant 512 : i32
    %mul3A_60 = arith.muli %arg0, %mul3A_59 : i32
    %add3A_61 = vector.broadcast %mul3A_60 : i32 to vector<512x51xi32>
    %add3A_62 = arith.addi %sub3A_58, %add3A_61 : vector<512x51xi32>
    %swap3A = arith.constant 0 : index
    %swap3A_63 = arith.constant 0 : index
    %swap3A_64 = arith.constant 0 : index
    %swap3A_65 = vector.load %arg4[%swap3A, %swap3A_63, %swap3A_64] : memref<1x512x51xi32, #tpu.memory_space<vmem>>, vector<1x512x51xi32>
    %swap3A_66 = vector.shape_cast %swap3A_65 : vector<1x512x51xi32> to vector<512x51xi32>
    %swap3A_67 = vector.shape_cast %add3A_62 : vector<512x51xi32> to vector<1x512x51xi32>
    tpu.vector_store %arg4[%swap3A, %swap3A_63, %swap3A_64], %swap3A_67 {strides = array<i32>} : memref<1x512x51xi32, #tpu.memory_space<vmem>>, vector<1x512x51xi32>,
    %and3A_68 = arith.constant -2048 : i32
    %and3A_69 = vector.broadcast %and3A_68 : i32 to vector<512x51xi32>
    %and3A_70 = arith.andi %scan3A_51#1, %and3A_69 : vector<512x51xi32>
    %ge3A_71 = arith.constant 0 : i32
    %ge3A_72 = vector.broadcast %ge3A_71 : i32 to vector<512x51xi32>
    %ge3A_73 = arith.cmpi sge, %and3A_70, %ge3A_72 : vector<512x51xi32>
    %xor3A_74 = arith.constant 2147483647 : i32
    %xor3A_75 = vector.broadcast %xor3A_74 : i32 to vector<512x51xi32>
    %xor3A_76 = arith.xori %and3A_70, %xor3A_75 : vector<512x51xi32>
    %select_n3A_77 = arith.select %ge3A_73, %and3A_70, %xor3A_76 : vector<512x51xi1>, vector<512x51xi32>
    %bitcast_convert_type3A_78 = tpu.bitcast %select_n3A_77 : vector<512x51xi32> -> vector<512x51xf32>
    %neg3A = arith.constant 0.000000e+00 : f32
    %neg3A_79 = vector.broadcast %neg3A : f32 to vector<512x51xf32>
    %neg3A_80 = arith.subf %neg3A_79, %bitcast_convert_type3A_78 : vector<512x51xf32>
    %swap3A_81 = arith.constant 0 : index
    %swap3A_82 = arith.constant 0 : index
    %swap3A_83 = arith.constant 0 : index
    %swap3A_84 = vector.load %arg5[%swap3A_81, %swap3A_82, %swap3A_83] : memref<1x512x51xf32, #tpu.memory_space<vmem>>, vector<1x512x51xf32>
    %swap3A_85 = vector.shape_cast %swap3A_84 : vector<1x512x51xf32> to vector<512x51xf32>
    %swap3A_86 = vector.shape_cast %neg3A_80 : vector<512x51xf32> to vector<1x512x51xf32>
    tpu.vector_store %arg5[%swap3A_81, %swap3A_82, %swap3A_83], %swap3A_86 {strides = array<i32>} : memref<1x512x51xf32, #tpu.memory_space<vmem>>, vector<1x512x51xf32>,
    return
  }
  func.func @transform_0(%arg0: i32, %arg1: i32) -> (i32, i32, i32) {
    %c0_i32 = arith.constant 0 : i32
    %c0_i32_0 = arith.constant 0 : i32
    return %arg0, %arg1, %c0_i32 : i32, i32, i32
  }
  func.func @transform_1(%arg0: i32, %arg1: i32) -> (i32, i32, i32) {
    %c0_i32 = arith.constant 0 : i32
    %c0_i32_0 = arith.constant 0 : i32
    %c0_i32_1 = arith.constant 0 : i32
    return %arg0, %c0_i32, %c0_i32_0 : i32, i32, i32
  }
  func.func @transform_2(%arg0: i32, %arg1: i32) -> (i32, i32, i32) {
    %c0_i32 = arith.constant 0 : i32
    %c0_i32_0 = arith.constant 0 : i32
    return %arg0, %arg1, %c0_i32 : i32, i32, i32
  }
  func.func @transform_3(%arg0: i32, %arg1: i32) -> (i32, i32, i32) {
    %c0_i32 = arith.constant 0 : i32
    %c0_i32_0 = arith.constant 0 : i32
    return %arg0, %arg1, %c0_i32 : i32, i32, i32
  }
}

module attributes {stable_mosaic.version = 14 : i64} {
  func.func @_comb_pool_body(%arg0: i32, %arg1: memref<1024x4x128xf32, #tpu.memory_space<vmem>>, %arg2: memref<1024x128xf32, #tpu.memory_space<vmem>>) attributes {dimension_semantics = [#tpu.dimension_semantics<arbitrary>], iteration_bounds = array<i64: 4>, scalar_prefetch = 0 : i64, scratch_operands = 0 : i64, tpu.core_type = #tpu.core_type<tc>, window_params = [{transform_indices = @transform_0, window_bounds = array<i64: 1024, 4, 128>}, {transform_indices = @transform_1, window_bounds = array<i64: 1024, 128>}]} {
    %get3A = arith.constant 0 : index
    %get3A_0 = arith.constant 0 : index
    %get3A_1 = arith.constant 0 : index
    %get3A_2 = vector.load %arg1[%get3A, %get3A_0, %get3A_1] : memref<1024x4x128xf32, #tpu.memory_space<vmem>>, vector<1024x4x128xf32>
    %reduce_max3A = arith.constant dense<0xFF800000> : vector<1024x128xf32>
    %reduce_max3A_3 = vector.multi_reduction <maximumf>, %get3A_2, %reduce_max3A [1] : vector<1024x4x128xf32> to vector<1024x128xf32>
    %swap3A = arith.constant 0 : index
    %swap3A_4 = arith.constant 0 : index
    %swap3A_5 = vector.load %arg2[%swap3A, %swap3A_4] : memref<1024x128xf32, #tpu.memory_space<vmem>>, vector<1024x128xf32>
    tpu.vector_store %arg2[%swap3A, %swap3A_4], %reduce_max3A_3 {strides = array<i32>} : memref<1024x128xf32, #tpu.memory_space<vmem>>, vector<1024x128xf32>,
    return
  }
  func.func @transform_0(%arg0: i32) -> (i32, i32, i32) {
    %c0_i32 = arith.constant 0 : i32
    %c0_i32_0 = arith.constant 0 : i32
    %c0_i32_1 = arith.constant 0 : i32
    return %arg0, %c0_i32, %c0_i32_0 : i32, i32, i32
  }
  func.func @transform_1(%arg0: i32) -> (i32, i32) {
    %c0_i32 = arith.constant 0 : i32
    %c0_i32_0 = arith.constant 0 : i32
    return %arg0, %c0_i32 : i32, i32
  }
}

module attributes {stable_mosaic.version = 14 : i64} {
  func.func @_mm_body(%arg0: i32, %arg1: memref<1024x128xf32, #tpu.memory_space<vmem>>, %arg2: memref<128x512xf32, #tpu.memory_space<vmem>>, %arg3: memref<1x512xf32, #tpu.memory_space<vmem>>, %arg4: memref<1024x512xf32, #tpu.memory_space<vmem>>) attributes {dimension_semantics = [#tpu.dimension_semantics<arbitrary>], iteration_bounds = array<i64: 1>, scalar_prefetch = 0 : i64, scratch_operands = 0 : i64, tpu.core_type = #tpu.core_type<tc>, window_params = [{transform_indices = @transform_0, window_bounds = array<i64: 1024, 128>}, {pipeline_mode = #tpu.pipeline_mode<synchronous>, transform_indices = @transform_1, window_bounds = array<i64: 128, 512>}, {pipeline_mode = #tpu.pipeline_mode<synchronous>, transform_indices = @transform_2, window_bounds = array<i64: 1, 512>}, {transform_indices = @transform_3, window_bounds = array<i64: 1024, 512>}]} {
    %get3A = arith.constant 0 : index
    %get3A_0 = arith.constant 0 : index
    %get3A_1 = vector.load %arg1[%get3A, %get3A_0] : memref<1024x128xf32, #tpu.memory_space<vmem>>, vector<1024x128xf32>
    %get3A_2 = arith.constant 0 : index
    %get3A_3 = arith.constant 0 : index
    %get3A_4 = vector.load %arg2[%get3A_2, %get3A_3] : memref<128x512xf32, #tpu.memory_space<vmem>>, vector<128x512xf32>
    %dot_general3A = arith.constant dense<0.000000e+00> : vector<1024x512xf32>
    %dot_general3A_5 = tpu.matmul %get3A_1, %get3A_4, %dot_general3A {dimension_numbers = #tpu.dot_dimension_numbers<[1], [0], [0], [1], [0, 0, 1, 1], [], []>, transpose_lhs_hint = false} : vector<1024x128xf32>, vector<128x512xf32>, vector<1024x512xf32> -> vector<1024x512xf32>
    %get3A_6 = arith.constant 0 : index
    %get3A_7 = arith.constant 0 : index
    %get3A_8 = vector.load %arg3[%get3A_6, %get3A_7] : memref<1x512xf32, #tpu.memory_space<vmem>>, vector<1x512xf32>
    %add3A = vector.broadcast %get3A_8 : vector<1x512xf32> to vector<1024x512xf32>
    %add3A_9 = arith.addf %dot_general3A_5, %add3A : vector<1024x512xf32>
    %swap3A = arith.constant 0 : index
    %swap3A_10 = arith.constant 0 : index
    %swap3A_11 = vector.load %arg4[%swap3A, %swap3A_10] : memref<1024x512xf32, #tpu.memory_space<vmem>>, vector<1024x512xf32>
    tpu.vector_store %arg4[%swap3A, %swap3A_10], %add3A_9 {strides = array<i32>} : memref<1024x512xf32, #tpu.memory_space<vmem>>, vector<1024x512xf32>,
    return
  }
  func.func @transform_0(%arg0: i32) -> (i32, i32) {
    %c0_i32 = arith.constant 0 : i32
    %c0_i32_0 = arith.constant 0 : i32
    return %arg0, %c0_i32 : i32, i32
  }
  func.func @transform_1(%arg0: i32) -> (i32, i32) {
    %c0_i32 = arith.constant 0 : i32
    %c0_i32_0 = arith.constant 0 : i32
    %c0_i32_1 = arith.constant 0 : i32
    return %c0_i32, %c0_i32_0 : i32, i32
  }
  func.func @transform_2(%arg0: i32) -> (i32, i32) {
    %c0_i32 = arith.constant 0 : i32
    %c0_i32_0 = arith.constant 0 : i32
    %c0_i32_1 = arith.constant 0 : i32
    return %c0_i32, %c0_i32_0 : i32, i32
  }
  func.func @transform_3(%arg0: i32) -> (i32, i32) {
    %c0_i32 = arith.constant 0 : i32
    %c0_i32_0 = arith.constant 0 : i32
    return %arg0, %c0_i32 : i32, i32
  }
}

module attributes {stable_mosaic.version = 14 : i64} {
  func.func @_comb_layer_packed_body(%arg0: i32, %arg1: memref<256x10x384xf32, #tpu.memory_space<vmem>>, %arg2: memref<256x4xf32, #tpu.memory_space<vmem>>, %arg3: memref<256x256xf32, #tpu.memory_space<vmem>>, %arg4: memref<256x10xf32, #tpu.memory_space<vmem>>, %arg5: memref<4x256xf32, #tpu.memory_space<vmem>>, %arg6: memref<256x256xf32, #tpu.memory_space<vmem>>) attributes {dimension_semantics = [#tpu.dimension_semantics<arbitrary>], iteration_bounds = array<i64: 4>, scalar_prefetch = 0 : i64, scratch_operands = 0 : i64, tpu.core_type = #tpu.core_type<tc>, window_params = [{transform_indices = @transform_0, window_bounds = array<i64: 256, 10, 384>}, {transform_indices = @transform_1, window_bounds = array<i64: 256, 4>}, {transform_indices = @transform_2, window_bounds = array<i64: 256, 256>}, {transform_indices = @transform_3, window_bounds = array<i64: 256, 10>}, {pipeline_mode = #tpu.pipeline_mode<synchronous>, transform_indices = @transform_4, window_bounds = array<i64: 4, 256>}, {transform_indices = @transform_5, window_bounds = array<i64: 256, 256>}]} {
    %get3A = arith.constant 0 : index
    %get3A_0 = arith.constant 0 : index
    %get3A_1 = arith.constant 0 : index
    %get3A_2 = vector.load %arg1[%get3A, %get3A_0, %get3A_1] : memref<256x10x384xf32, #tpu.memory_space<vmem>>, vector<256x10x384xf32>
    %get3A_3 = arith.constant 0 : index
    %get3A_4 = arith.constant 0 : index
    %get3A_5 = vector.load %arg2[%get3A_3, %get3A_4] : memref<256x4xf32, #tpu.memory_space<vmem>>, vector<256x4xf32>
    %get3A_6 = arith.constant 0 : index
    %get3A_7 = arith.constant 0 : index
    %get3A_8 = vector.load %arg4[%get3A_6, %get3A_7] : memref<256x10xf32, #tpu.memory_space<vmem>>, vector<256x10xf32>
    %get3A_9 = arith.constant 0 : index
    %get3A_10 = arith.constant 0 : index
    %get3A_11 = vector.load %arg5[%get3A_9, %get3A_10] : memref<4x256xf32, #tpu.memory_space<vmem>>, vector<4x256xf32>
    %max3A = arith.constant 0.000000e+00 : f32
    %max3A_12 = vector.broadcast %max3A : f32 to vector<256x10xf32>
    %max3A_13 = arith.maximumf %get3A_8, %max3A_12 : vector<256x10xf32>
    %sqrt3A = math.sqrt %max3A_13 : vector<256x10xf32>
    %max3A_14 = arith.constant 9.99999996E-13 : f32
    %max3A_15 = vector.broadcast %max3A_14 : f32 to vector<256x10xf32>
    %max3A_16 = arith.maximumf %sqrt3A, %max3A_15 : vector<256x10xf32>
    %div3A = arith.constant 1.000000e+00 : f32
    %div3A_17 = vector.broadcast %div3A : f32 to vector<256x10xf32>
    %div3A_18 = arith.divf %div3A_17, %max3A_16 : vector<256x10xf32>
    %broadcast_in_dim3A = vector.shape_cast %div3A_18 : vector<256x10xf32> to vector<256x10x1xf32>
    %slice3A = vector.extract_strided_slice %get3A_2 {offsets = [0, 0, 0], sizes = [256, 10, 4], strides = [1, 1, 1]} : vector<256x10x384xf32> to vector<256x10x4xf32>
    %broadcast_in_dim3A_19 = vector.shape_cast %get3A_5 : vector<256x4xf32> to vector<256x1x4xf32>
    %sub3A = vector.broadcast %broadcast_in_dim3A_19 : vector<256x1x4xf32> to vector<256x10x4xf32>
    %sub3A_20 = arith.subf %slice3A, %sub3A : vector<256x10x4xf32>
    %mul3A = vector.broadcast %broadcast_in_dim3A : vector<256x10x1xf32> to vector<256x10x4xf32>
    %mul3A_21 = arith.mulf %sub3A_20, %mul3A : vector<256x10x4xf32>
    %reshape3A = vector.shape_cast %mul3A_21 : vector<256x10x4xf32> to vector<2560x4xf32>
    %dot_general3A = arith.constant dense<0.000000e+00> : vector<2560x256xf32>
    %dot_general3A_22 = tpu.matmul %reshape3A, %get3A_11, %dot_general3A {dimension_numbers = #tpu.dot_dimension_numbers<[1], [0], [0], [1], [0, 0, 1, 1], [], []>, transpose_lhs_hint = false} : vector<2560x4xf32>, vector<4x256xf32>, vector<2560x256xf32> -> vector<2560x256xf32>
    %reshape3A_23 = vector.shape_cast %dot_general3A_22 : vector<2560x256xf32> to vector<256x10x256xf32>
    %max3A_24 = arith.constant 0.000000e+00 : f32
    %max3A_25 = vector.broadcast %max3A_24 : f32 to vector<256x10x256xf32>
    %max3A_26 = arith.maximumf %reshape3A_23, %max3A_25 : vector<256x10x256xf32>
    %get3A_27 = arith.constant 0 : index
    %get3A_28 = arith.constant 0 : index
    %get3A_29 = vector.load %arg3[%get3A_27, %get3A_28] : memref<256x256xf32, #tpu.memory_space<vmem>>, vector<256x256xf32>
    %slice3A_30 = vector.extract_strided_slice %get3A_2 {offsets = [0, 0, 128], sizes = [256, 10, 256], strides = [1, 1, 1]} : vector<256x10x384xf32> to vector<256x10x256xf32>
    %mul3A_31 = arith.mulf %max3A_26, %slice3A_30 : vector<256x10x256xf32>
    %reduce_max3A = arith.constant dense<0xFF800000> : vector<256x256xf32>
    %reduce_max3A_32 = vector.multi_reduction <maximumf>, %mul3A_31, %reduce_max3A [1] : vector<256x10x256xf32> to vector<256x256xf32>
    %add3A = arith.addf %get3A_29, %reduce_max3A_32 : vector<256x256xf32>
    %swap3A = arith.constant 0 : index
    %swap3A_33 = arith.constant 0 : index
    %swap3A_34 = vector.load %arg6[%swap3A, %swap3A_33] : memref<256x256xf32, #tpu.memory_space<vmem>>, vector<256x256xf32>
    tpu.vector_store %arg6[%swap3A, %swap3A_33], %add3A {strides = array<i32>} : memref<256x256xf32, #tpu.memory_space<vmem>>, vector<256x256xf32>,
    return
  }
  func.func @transform_0(%arg0: i32) -> (i32, i32, i32) {
    %c0_i32 = arith.constant 0 : i32
    %c0_i32_0 = arith.constant 0 : i32
    %c0_i32_1 = arith.constant 0 : i32
    return %arg0, %c0_i32, %c0_i32_0 : i32, i32, i32
  }
  func.func @transform_1(%arg0: i32) -> (i32, i32) {
    %c0_i32 = arith.constant 0 : i32
    %c0_i32_0 = arith.constant 0 : i32
    return %arg0, %c0_i32 : i32, i32
  }
  func.func @transform_2(%arg0: i32) -> (i32, i32) {
    %c0_i32 = arith.constant 0 : i32
    %c0_i32_0 = arith.constant 0 : i32
    return %arg0, %c0_i32 : i32, i32
  }
  func.func @transform_3(%arg0: i32) -> (i32, i32) {
    %c0_i32 = arith.constant 0 : i32
    %c0_i32_0 = arith.constant 0 : i32
    return %arg0, %c0_i32 : i32, i32
  }
  func.func @transform_4(%arg0: i32) -> (i32, i32) {
    %c0_i32 = arith.constant 0 : i32
    %c0_i32_0 = arith.constant 0 : i32
    %c0_i32_1 = arith.constant 0 : i32
    return %c0_i32, %c0_i32_0 : i32, i32
  }
  func.func @transform_5(%arg0: i32) -> (i32, i32) {
    %c0_i32 = arith.constant 0 : i32
    %c0_i32_0 = arith.constant 0 : i32
    return %arg0, %c0_i32 : i32, i32
  }
}

module attributes {stable_mosaic.version = 14 : i64} {
  func.func @_bn_body(%arg0: memref<1024x256xf32, #tpu.memory_space<vmem>>, %arg1: memref<1x256xf32, #tpu.memory_space<vmem>>, %arg2: memref<1x256xf32, #tpu.memory_space<vmem>>, %arg3: memref<1024x256xf32, #tpu.memory_space<vmem>>) attributes {dimension_semantics = [], scalar_prefetch = 0 : i64, scratch_operands = 0 : i64, tpu.core_type = #tpu.core_type<tc>} {
    %get3A = arith.constant 0 : index
    %get3A_0 = arith.constant 0 : index
    %get3A_1 = vector.load %arg0[%get3A, %get3A_0] : memref<1024x256xf32, #tpu.memory_space<vmem>>, vector<1024x256xf32>
    %reduce_sum3A = arith.constant dense<0.000000e+00> : vector<256xf32>
    %reduce_sum3A_2 = vector.multi_reduction <add>, %get3A_1, %reduce_sum3A [0] : vector<1024x256xf32> to vector<256xf32>
    %broadcast_in_dim3A = vector.shape_cast %reduce_sum3A_2 : vector<256xf32> to vector<1x256xf32>
    %div3A = arith.constant 1.024000e+03 : f32
    %div3A_3 = vector.broadcast %div3A : f32 to vector<1x256xf32>
    %div3A_4 = arith.divf %broadcast_in_dim3A, %div3A_3 : vector<1x256xf32>
    %sub3A = vector.broadcast %div3A_4 : vector<1x256xf32> to vector<1024x256xf32>
    %sub3A_5 = arith.subf %get3A_1, %sub3A : vector<1024x256xf32>
    %integer_pow3A = arith.mulf %sub3A_5, %sub3A_5 : vector<1024x256xf32>
    %reduce_sum3A_6 = arith.constant dense<0.000000e+00> : vector<256xf32>
    %reduce_sum3A_7 = vector.multi_reduction <add>, %integer_pow3A, %reduce_sum3A_6 [0] : vector<1024x256xf32> to vector<256xf32>
    %broadcast_in_dim3A_8 = vector.shape_cast %reduce_sum3A_7 : vector<256xf32> to vector<1x256xf32>
    %div3A_9 = arith.constant 1.024000e+03 : f32
    %div3A_10 = vector.broadcast %div3A_9 : f32 to vector<1x256xf32>
    %div3A_11 = arith.divf %broadcast_in_dim3A_8, %div3A_10 : vector<1x256xf32>
    %get3A_12 = arith.constant 0 : index
    %get3A_13 = arith.constant 0 : index
    %get3A_14 = vector.load %arg1[%get3A_12, %get3A_13] : memref<1x256xf32, #tpu.memory_space<vmem>>, vector<1x256xf32>
    %sub3A_15 = vector.broadcast %div3A_4 : vector<1x256xf32> to vector<1024x256xf32>
    %sub3A_16 = arith.subf %get3A_1, %sub3A_15 : vector<1024x256xf32>
    %mul3A = vector.broadcast %get3A_14 : vector<1x256xf32> to vector<1024x256xf32>
    %mul3A_17 = arith.mulf %mul3A, %sub3A_16 : vector<1024x256xf32>
    %add3A = arith.constant 9.99999974E-6 : f32
    %add3A_18 = vector.broadcast %add3A : f32 to vector<1x256xf32>
    %add3A_19 = arith.addf %div3A_11, %add3A_18 : vector<1x256xf32>
    %sqrt3A = math.sqrt %add3A_19 : vector<1x256xf32>
    %div3A_20 = vector.broadcast %sqrt3A : vector<1x256xf32> to vector<1024x256xf32>
    %div3A_21 = arith.divf %mul3A_17, %div3A_20 : vector<1024x256xf32>
    %get3A_22 = arith.constant 0 : index
    %get3A_23 = arith.constant 0 : index
    %get3A_24 = vector.load %arg2[%get3A_22, %get3A_23] : memref<1x256xf32, #tpu.memory_space<vmem>>, vector<1x256xf32>
    %add3A_25 = vector.broadcast %get3A_24 : vector<1x256xf32> to vector<1024x256xf32>
    %add3A_26 = arith.addf %div3A_21, %add3A_25 : vector<1024x256xf32>
    %max3A = arith.constant 0.000000e+00 : f32
    %max3A_27 = vector.broadcast %max3A : f32 to vector<1024x256xf32>
    %max3A_28 = arith.maximumf %add3A_26, %max3A_27 : vector<1024x256xf32>
    %swap3A = arith.constant 0 : index
    %swap3A_29 = arith.constant 0 : index
    %swap3A_30 = vector.load %arg3[%swap3A, %swap3A_29] : memref<1024x256xf32, #tpu.memory_space<vmem>>, vector<1024x256xf32>
    tpu.vector_store %arg3[%swap3A, %swap3A_29], %max3A_28 {strides = array<i32>} : memref<1024x256xf32, #tpu.memory_space<vmem>>, vector<1024x256xf32>,
    return
  }
}

module attributes {stable_mosaic.version = 14 : i64} {
  func.func @_mm_body(%arg0: i32, %arg1: memref<1024x256xf32, #tpu.memory_space<vmem>>, %arg2: memref<256x512xf32, #tpu.memory_space<vmem>>, %arg3: memref<1x512xf32, #tpu.memory_space<vmem>>, %arg4: memref<1024x512xf32, #tpu.memory_space<vmem>>) attributes {dimension_semantics = [#tpu.dimension_semantics<arbitrary>], iteration_bounds = array<i64: 1>, scalar_prefetch = 0 : i64, scratch_operands = 0 : i64, tpu.core_type = #tpu.core_type<tc>, window_params = [{transform_indices = @transform_0, window_bounds = array<i64: 1024, 256>}, {pipeline_mode = #tpu.pipeline_mode<synchronous>, transform_indices = @transform_1, window_bounds = array<i64: 256, 512>}, {pipeline_mode = #tpu.pipeline_mode<synchronous>, transform_indices = @transform_2, window_bounds = array<i64: 1, 512>}, {transform_indices = @transform_3, window_bounds = array<i64: 1024, 512>}]} {
    %get3A = arith.constant 0 : index
    %get3A_0 = arith.constant 0 : index
    %get3A_1 = vector.load %arg1[%get3A, %get3A_0] : memref<1024x256xf32, #tpu.memory_space<vmem>>, vector<1024x256xf32>
    %get3A_2 = arith.constant 0 : index
    %get3A_3 = arith.constant 0 : index
    %get3A_4 = vector.load %arg2[%get3A_2, %get3A_3] : memref<256x512xf32, #tpu.memory_space<vmem>>, vector<256x512xf32>
    %dot_general3A = arith.constant dense<0.000000e+00> : vector<1024x512xf32>
    %dot_general3A_5 = tpu.matmul %get3A_1, %get3A_4, %dot_general3A {dimension_numbers = #tpu.dot_dimension_numbers<[1], [0], [0], [1], [0, 0, 1, 1], [], []>, transpose_lhs_hint = false} : vector<1024x256xf32>, vector<256x512xf32>, vector<1024x512xf32> -> vector<1024x512xf32>
    %get3A_6 = arith.constant 0 : index
    %get3A_7 = arith.constant 0 : index
    %get3A_8 = vector.load %arg3[%get3A_6, %get3A_7] : memref<1x512xf32, #tpu.memory_space<vmem>>, vector<1x512xf32>
    %add3A = vector.broadcast %get3A_8 : vector<1x512xf32> to vector<1024x512xf32>
    %add3A_9 = arith.addf %dot_general3A_5, %add3A : vector<1024x512xf32>
    %swap3A = arith.constant 0 : index
    %swap3A_10 = arith.constant 0 : index
    %swap3A_11 = vector.load %arg4[%swap3A, %swap3A_10] : memref<1024x512xf32, #tpu.memory_space<vmem>>, vector<1024x512xf32>
    tpu.vector_store %arg4[%swap3A, %swap3A_10], %add3A_9 {strides = array<i32>} : memref<1024x512xf32, #tpu.memory_space<vmem>>, vector<1024x512xf32>,
    return
  }
  func.func @transform_0(%arg0: i32) -> (i32, i32) {
    %c0_i32 = arith.constant 0 : i32
    %c0_i32_0 = arith.constant 0 : i32
    return %arg0, %c0_i32 : i32, i32
  }
  func.func @transform_1(%arg0: i32) -> (i32, i32) {
    %c0_i32 = arith.constant 0 : i32
    %c0_i32_0 = arith.constant 0 : i32
    %c0_i32_1 = arith.constant 0 : i32
    return %c0_i32, %c0_i32_0 : i32, i32
  }
  func.func @transform_2(%arg0: i32) -> (i32, i32) {
    %c0_i32 = arith.constant 0 : i32
    %c0_i32_0 = arith.constant 0 : i32
    %c0_i32_1 = arith.constant 0 : i32
    return %c0_i32, %c0_i32_0 : i32, i32
  }
  func.func @transform_3(%arg0: i32) -> (i32, i32) {
    %c0_i32 = arith.constant 0 : i32
    %c0_i32_0 = arith.constant 0 : i32
    return %arg0, %c0_i32 : i32, i32
  }
}

module attributes {stable_mosaic.version = 14 : i64} {
  func.func @_comb_layer_packed_body(%arg0: i32, %arg1: memref<64x50x384xf32, #tpu.memory_space<vmem>>, %arg2: memref<64x4xf32, #tpu.memory_space<vmem>>, %arg3: memref<64x256xf32, #tpu.memory_space<vmem>>, %arg4: memref<64x50xf32, #tpu.memory_space<vmem>>, %arg5: memref<4x256xf32, #tpu.memory_space<vmem>>, %arg6: memref<64x256xf32, #tpu.memory_space<vmem>>) attributes {dimension_semantics = [#tpu.dimension_semantics<arbitrary>], iteration_bounds = array<i64: 16>, scalar_prefetch = 0 : i64, scratch_operands = 0 : i64, tpu.core_type = #tpu.core_type<tc>, window_params = [{transform_indices = @transform_0, window_bounds = array<i64: 64, 50, 384>}, {transform_indices = @transform_1, window_bounds = array<i64: 64, 4>}, {transform_indices = @transform_2, window_bounds = array<i64: 64, 256>}, {transform_indices = @transform_3, window_bounds = array<i64: 64, 50>}, {pipeline_mode = #tpu.pipeline_mode<synchronous>, transform_indices = @transform_4, window_bounds = array<i64: 4, 256>}, {transform_indices = @transform_5, window_bounds = array<i64: 64, 256>}]} {
    %get3A = arith.constant 0 : index
    %get3A_0 = arith.constant 0 : index
    %get3A_1 = arith.constant 0 : index
    %get3A_2 = vector.load %arg1[%get3A, %get3A_0, %get3A_1] : memref<64x50x384xf32, #tpu.memory_space<vmem>>, vector<64x50x384xf32>
    %get3A_3 = arith.constant 0 : index
    %get3A_4 = arith.constant 0 : index
    %get3A_5 = vector.load %arg2[%get3A_3, %get3A_4] : memref<64x4xf32, #tpu.memory_space<vmem>>, vector<64x4xf32>
    %get3A_6 = arith.constant 0 : index
    %get3A_7 = arith.constant 0 : index
    %get3A_8 = vector.load %arg4[%get3A_6, %get3A_7] : memref<64x50xf32, #tpu.memory_space<vmem>>, vector<64x50xf32>
    %get3A_9 = arith.constant 0 : index
    %get3A_10 = arith.constant 0 : index
    %get3A_11 = vector.load %arg5[%get3A_9, %get3A_10] : memref<4x256xf32, #tpu.memory_space<vmem>>, vector<4x256xf32>
    %max3A = arith.constant 0.000000e+00 : f32
    %max3A_12 = vector.broadcast %max3A : f32 to vector<64x50xf32>
    %max3A_13 = arith.maximumf %get3A_8, %max3A_12 : vector<64x50xf32>
    %sqrt3A = math.sqrt %max3A_13 : vector<64x50xf32>
    %max3A_14 = arith.constant 9.99999996E-13 : f32
    %max3A_15 = vector.broadcast %max3A_14 : f32 to vector<64x50xf32>
    %max3A_16 = arith.maximumf %sqrt3A, %max3A_15 : vector<64x50xf32>
    %div3A = arith.constant 1.000000e+00 : f32
    %div3A_17 = vector.broadcast %div3A : f32 to vector<64x50xf32>
    %div3A_18 = arith.divf %div3A_17, %max3A_16 : vector<64x50xf32>
    %broadcast_in_dim3A = vector.shape_cast %div3A_18 : vector<64x50xf32> to vector<64x50x1xf32>
    %slice3A = vector.extract_strided_slice %get3A_2 {offsets = [0, 0, 0], sizes = [64, 50, 4], strides = [1, 1, 1]} : vector<64x50x384xf32> to vector<64x50x4xf32>
    %broadcast_in_dim3A_19 = vector.shape_cast %get3A_5 : vector<64x4xf32> to vector<64x1x4xf32>
    %sub3A = vector.broadcast %broadcast_in_dim3A_19 : vector<64x1x4xf32> to vector<64x50x4xf32>
    %sub3A_20 = arith.subf %slice3A, %sub3A : vector<64x50x4xf32>
    %mul3A = vector.broadcast %broadcast_in_dim3A : vector<64x50x1xf32> to vector<64x50x4xf32>
    %mul3A_21 = arith.mulf %sub3A_20, %mul3A : vector<64x50x4xf32>
    %reshape3A = vector.shape_cast %mul3A_21 : vector<64x50x4xf32> to vector<3200x4xf32>
    %dot_general3A = arith.constant dense<0.000000e+00> : vector<3200x256xf32>
    %dot_general3A_22 = tpu.matmul %reshape3A, %get3A_11, %dot_general3A {dimension_numbers = #tpu.dot_dimension_numbers<[1], [0], [0], [1], [0, 0, 1, 1], [], []>, transpose_lhs_hint = false} : vector<3200x4xf32>, vector<4x256xf32>, vector<3200x256xf32> -> vector<3200x256xf32>
    %reshape3A_23 = vector.shape_cast %dot_general3A_22 : vector<3200x256xf32> to vector<64x50x256xf32>
    %max3A_24 = arith.constant 0.000000e+00 : f32
    %max3A_25 = vector.broadcast %max3A_24 : f32 to vector<64x50x256xf32>
    %max3A_26 = arith.maximumf %reshape3A_23, %max3A_25 : vector<64x50x256xf32>
    %get3A_27 = arith.constant 0 : index
    %get3A_28 = arith.constant 0 : index
    %get3A_29 = vector.load %arg3[%get3A_27, %get3A_28] : memref<64x256xf32, #tpu.memory_space<vmem>>, vector<64x256xf32>
    %slice3A_30 = vector.extract_strided_slice %get3A_2 {offsets = [0, 0, 128], sizes = [64, 50, 256], strides = [1, 1, 1]} : vector<64x50x384xf32> to vector<64x50x256xf32>
    %mul3A_31 = arith.mulf %max3A_26, %slice3A_30 : vector<64x50x256xf32>
    %reduce_max3A = arith.constant dense<0xFF800000> : vector<64x256xf32>
    %reduce_max3A_32 = vector.multi_reduction <maximumf>, %mul3A_31, %reduce_max3A [1] : vector<64x50x256xf32> to vector<64x256xf32>
    %add3A = arith.addf %get3A_29, %reduce_max3A_32 : vector<64x256xf32>
    %swap3A = arith.constant 0 : index
    %swap3A_33 = arith.constant 0 : index
    %swap3A_34 = vector.load %arg6[%swap3A, %swap3A_33] : memref<64x256xf32, #tpu.memory_space<vmem>>, vector<64x256xf32>
    tpu.vector_store %arg6[%swap3A, %swap3A_33], %add3A {strides = array<i32>} : memref<64x256xf32, #tpu.memory_space<vmem>>, vector<64x256xf32>,
    return
  }
  func.func @transform_0(%arg0: i32) -> (i32, i32, i32) {
    %c0_i32 = arith.constant 0 : i32
    %c0_i32_0 = arith.constant 0 : i32
    %c0_i32_1 = arith.constant 0 : i32
    return %arg0, %c0_i32, %c0_i32_0 : i32, i32, i32
  }
  func.func @transform_1(%arg0: i32) -> (i32, i32) {
    %c0_i32 = arith.constant 0 : i32
    %c0_i32_0 = arith.constant 0 : i32
    return %arg0, %c0_i32 : i32, i32
  }
  func.func @transform_2(%arg0: i32) -> (i32, i32) {
    %c0_i32 = arith.constant 0 : i32
    %c0_i32_0 = arith.constant 0 : i32
    return %arg0, %c0_i32 : i32, i32
  }
  func.func @transform_3(%arg0: i32) -> (i32, i32) {
    %c0_i32 = arith.constant 0 : i32
    %c0_i32_0 = arith.constant 0 : i32
    return %arg0, %c0_i32 : i32, i32
  }
  func.func @transform_4(%arg0: i32) -> (i32, i32) {
    %c0_i32 = arith.constant 0 : i32
    %c0_i32_0 = arith.constant 0 : i32
    %c0_i32_1 = arith.constant 0 : i32
    return %c0_i32, %c0_i32_0 : i32, i32
  }
  func.func @transform_5(%arg0: i32) -> (i32, i32) {
    %c0_i32 = arith.constant 0 : i32
    %c0_i32_0 = arith.constant 0 : i32
    return %arg0, %c0_i32 : i32, i32
  }
}

module attributes {stable_mosaic.version = 14 : i64} {
  func.func @_comb_layer_body(%arg0: i32, %arg1: memref<512x10x256xf32, #tpu.memory_space<vmem>>, %arg2: memref<512x10x4xf32, #tpu.memory_space<vmem>>, %arg3: memref<512x4xf32, #tpu.memory_space<vmem>>, %arg4: memref<512x256xf32, #tpu.memory_space<vmem>>, %arg5: memref<512x10xf32, #tpu.memory_space<vmem>>, %arg6: memref<4x256xf32, #tpu.memory_space<vmem>>, %arg7: memref<512x256xf32, #tpu.memory_space<vmem>>) attributes {dimension_semantics = [#tpu.dimension_semantics<arbitrary>], iteration_bounds = array<i64: 2>, scalar_prefetch = 0 : i64, scratch_operands = 0 : i64, tpu.core_type = #tpu.core_type<tc>, window_params = [{transform_indices = @transform_0, window_bounds = array<i64: 512, 10, 256>}, {transform_indices = @transform_1, window_bounds = array<i64: 512, 10, 4>}, {transform_indices = @transform_2, window_bounds = array<i64: 512, 4>}, {transform_indices = @transform_3, window_bounds = array<i64: 512, 256>}, {transform_indices = @transform_4, window_bounds = array<i64: 512, 10>}, {pipeline_mode = #tpu.pipeline_mode<synchronous>, transform_indices = @transform_5, window_bounds = array<i64: 4, 256>}, {transform_indices = @transform_6, window_bounds = array<i64: 512, 256>}]} {
    %get3A = arith.constant 0 : index
    %get3A_0 = arith.constant 0 : index
    %get3A_1 = arith.constant 0 : index
    %get3A_2 = vector.load %arg2[%get3A, %get3A_0, %get3A_1] : memref<512x10x4xf32, #tpu.memory_space<vmem>>, vector<512x10x4xf32>
    %get3A_3 = arith.constant 0 : index
    %get3A_4 = arith.constant 0 : index
    %get3A_5 = vector.load %arg3[%get3A_3, %get3A_4] : memref<512x4xf32, #tpu.memory_space<vmem>>, vector<512x4xf32>
    %get3A_6 = arith.constant 0 : index
    %get3A_7 = arith.constant 0 : index
    %get3A_8 = vector.load %arg5[%get3A_6, %get3A_7] : memref<512x10xf32, #tpu.memory_space<vmem>>, vector<512x10xf32>
    %get3A_9 = arith.constant 0 : index
    %get3A_10 = arith.constant 0 : index
    %get3A_11 = vector.load %arg6[%get3A_9, %get3A_10] : memref<4x256xf32, #tpu.memory_space<vmem>>, vector<4x256xf32>
    %max3A = arith.constant 0.000000e+00 : f32
    %max3A_12 = vector.broadcast %max3A : f32 to vector<512x10xf32>
    %max3A_13 = arith.maximumf %get3A_8, %max3A_12 : vector<512x10xf32>
    %sqrt3A = math.sqrt %max3A_13 : vector<512x10xf32>
    %max3A_14 = arith.constant 9.99999996E-13 : f32
    %max3A_15 = vector.broadcast %max3A_14 : f32 to vector<512x10xf32>
    %max3A_16 = arith.maximumf %sqrt3A, %max3A_15 : vector<512x10xf32>
    %div3A = arith.constant 1.000000e+00 : f32
    %div3A_17 = vector.broadcast %div3A : f32 to vector<512x10xf32>
    %div3A_18 = arith.divf %div3A_17, %max3A_16 : vector<512x10xf32>
    %broadcast_in_dim3A = vector.shape_cast %div3A_18 : vector<512x10xf32> to vector<512x10x1xf32>
    %broadcast_in_dim3A_19 = vector.shape_cast %get3A_5 : vector<512x4xf32> to vector<512x1x4xf32>
    %sub3A = vector.broadcast %broadcast_in_dim3A_19 : vector<512x1x4xf32> to vector<512x10x4xf32>
    %sub3A_20 = arith.subf %get3A_2, %sub3A : vector<512x10x4xf32>
    %mul3A = vector.broadcast %broadcast_in_dim3A : vector<512x10x1xf32> to vector<512x10x4xf32>
    %mul3A_21 = arith.mulf %sub3A_20, %mul3A : vector<512x10x4xf32>
    %reshape3A = vector.shape_cast %mul3A_21 : vector<512x10x4xf32> to vector<5120x4xf32>
    %dot_general3A = arith.constant dense<0.000000e+00> : vector<5120x256xf32>
    %dot_general3A_22 = tpu.matmul %reshape3A, %get3A_11, %dot_general3A {dimension_numbers = #tpu.dot_dimension_numbers<[1], [0], [0], [1], [0, 0, 1, 1], [], []>, transpose_lhs_hint = false} : vector<5120x4xf32>, vector<4x256xf32>, vector<5120x256xf32> -> vector<5120x256xf32>
    %reshape3A_23 = vector.shape_cast %dot_general3A_22 : vector<5120x256xf32> to vector<512x10x256xf32>
    %max3A_24 = arith.constant 0.000000e+00 : f32
    %max3A_25 = vector.broadcast %max3A_24 : f32 to vector<512x10x256xf32>
    %max3A_26 = arith.maximumf %reshape3A_23, %max3A_25 : vector<512x10x256xf32>
    %get3A_27 = arith.constant 0 : index
    %get3A_28 = arith.constant 0 : index
    %get3A_29 = vector.load %arg4[%get3A_27, %get3A_28] : memref<512x256xf32, #tpu.memory_space<vmem>>, vector<512x256xf32>
    %get3A_30 = arith.constant 0 : index
    %get3A_31 = arith.constant 0 : index
    %get3A_32 = arith.constant 0 : index
    %get3A_33 = vector.load %arg1[%get3A_30, %get3A_31, %get3A_32] : memref<512x10x256xf32, #tpu.memory_space<vmem>>, vector<512x10x256xf32>
    %mul3A_34 = arith.mulf %max3A_26, %get3A_33 : vector<512x10x256xf32>
    %reduce_max3A = arith.constant dense<0xFF800000> : vector<512x256xf32>
    %reduce_max3A_35 = vector.multi_reduction <maximumf>, %mul3A_34, %reduce_max3A [1] : vector<512x10x256xf32> to vector<512x256xf32>
    %add3A = arith.addf %get3A_29, %reduce_max3A_35 : vector<512x256xf32>
    %swap3A = arith.constant 0 : index
    %swap3A_36 = arith.constant 0 : index
    %swap3A_37 = vector.load %arg7[%swap3A, %swap3A_36] : memref<512x256xf32, #tpu.memory_space<vmem>>, vector<512x256xf32>
    tpu.vector_store %arg7[%swap3A, %swap3A_36], %add3A {strides = array<i32>} : memref<512x256xf32, #tpu.memory_space<vmem>>, vector<512x256xf32>,
    return
  }
  func.func @transform_0(%arg0: i32) -> (i32, i32, i32) {
    %c0_i32 = arith.constant 0 : i32
    %c0_i32_0 = arith.constant 0 : i32
    %c0_i32_1 = arith.constant 0 : i32
    return %arg0, %c0_i32, %c0_i32_0 : i32, i32, i32
  }
  func.func @transform_1(%arg0: i32) -> (i32, i32, i32) {
    %c0_i32 = arith.constant 0 : i32
    %c0_i32_0 = arith.constant 0 : i32
    %c0_i32_1 = arith.constant 0 : i32
    return %arg0, %c0_i32, %c0_i32_0 : i32, i32, i32
  }
  func.func @transform_2(%arg0: i32) -> (i32, i32) {
    %c0_i32 = arith.constant 0 : i32
    %c0_i32_0 = arith.constant 0 : i32
    return %arg0, %c0_i32 : i32, i32
  }
  func.func @transform_3(%arg0: i32) -> (i32, i32) {
    %c0_i32 = arith.constant 0 : i32
    %c0_i32_0 = arith.constant 0 : i32
    return %arg0, %c0_i32 : i32, i32
  }
  func.func @transform_4(%arg0: i32) -> (i32, i32) {
    %c0_i32 = arith.constant 0 : i32
    %c0_i32_0 = arith.constant 0 : i32
    return %arg0, %c0_i32 : i32, i32
  }
  func.func @transform_5(%arg0: i32) -> (i32, i32) {
    %c0_i32 = arith.constant 0 : i32
    %c0_i32_0 = arith.constant 0 : i32
    %c0_i32_1 = arith.constant 0 : i32
    return %c0_i32, %c0_i32_0 : i32, i32
  }
  func.func @transform_6(%arg0: i32) -> (i32, i32) {
    %c0_i32 = arith.constant 0 : i32
    %c0_i32_0 = arith.constant 0 : i32
    return %arg0, %c0_i32 : i32, i32
  }
}

module attributes {stable_mosaic.version = 14 : i64} {
  func.func @_comb_layer_body(%arg0: i32, %arg1: memref<64x50x256xf32, #tpu.memory_space<vmem>>, %arg2: memref<64x50x4xf32, #tpu.memory_space<vmem>>, %arg3: memref<64x4xf32, #tpu.memory_space<vmem>>, %arg4: memref<64x256xf32, #tpu.memory_space<vmem>>, %arg5: memref<64x50xf32, #tpu.memory_space<vmem>>, %arg6: memref<4x256xf32, #tpu.memory_space<vmem>>, %arg7: memref<64x256xf32, #tpu.memory_space<vmem>>) attributes {dimension_semantics = [#tpu.dimension_semantics<arbitrary>], iteration_bounds = array<i64: 16>, scalar_prefetch = 0 : i64, scratch_operands = 0 : i64, tpu.core_type = #tpu.core_type<tc>, window_params = [{transform_indices = @transform_0, window_bounds = array<i64: 64, 50, 256>}, {transform_indices = @transform_1, window_bounds = array<i64: 64, 50, 4>}, {transform_indices = @transform_2, window_bounds = array<i64: 64, 4>}, {transform_indices = @transform_3, window_bounds = array<i64: 64, 256>}, {transform_indices = @transform_4, window_bounds = array<i64: 64, 50>}, {pipeline_mode = #tpu.pipeline_mode<synchronous>, transform_indices = @transform_5, window_bounds = array<i64: 4, 256>}, {transform_indices = @transform_6, window_bounds = array<i64: 64, 256>}]} {
    %get3A = arith.constant 0 : index
    %get3A_0 = arith.constant 0 : index
    %get3A_1 = arith.constant 0 : index
    %get3A_2 = vector.load %arg2[%get3A, %get3A_0, %get3A_1] : memref<64x50x4xf32, #tpu.memory_space<vmem>>, vector<64x50x4xf32>
    %get3A_3 = arith.constant 0 : index
    %get3A_4 = arith.constant 0 : index
    %get3A_5 = vector.load %arg3[%get3A_3, %get3A_4] : memref<64x4xf32, #tpu.memory_space<vmem>>, vector<64x4xf32>
    %get3A_6 = arith.constant 0 : index
    %get3A_7 = arith.constant 0 : index
    %get3A_8 = vector.load %arg5[%get3A_6, %get3A_7] : memref<64x50xf32, #tpu.memory_space<vmem>>, vector<64x50xf32>
    %get3A_9 = arith.constant 0 : index
    %get3A_10 = arith.constant 0 : index
    %get3A_11 = vector.load %arg6[%get3A_9, %get3A_10] : memref<4x256xf32, #tpu.memory_space<vmem>>, vector<4x256xf32>
    %max3A = arith.constant 0.000000e+00 : f32
    %max3A_12 = vector.broadcast %max3A : f32 to vector<64x50xf32>
    %max3A_13 = arith.maximumf %get3A_8, %max3A_12 : vector<64x50xf32>
    %sqrt3A = math.sqrt %max3A_13 : vector<64x50xf32>
    %max3A_14 = arith.constant 9.99999996E-13 : f32
    %max3A_15 = vector.broadcast %max3A_14 : f32 to vector<64x50xf32>
    %max3A_16 = arith.maximumf %sqrt3A, %max3A_15 : vector<64x50xf32>
    %div3A = arith.constant 1.000000e+00 : f32
    %div3A_17 = vector.broadcast %div3A : f32 to vector<64x50xf32>
    %div3A_18 = arith.divf %div3A_17, %max3A_16 : vector<64x50xf32>
    %broadcast_in_dim3A = vector.shape_cast %div3A_18 : vector<64x50xf32> to vector<64x50x1xf32>
    %broadcast_in_dim3A_19 = vector.shape_cast %get3A_5 : vector<64x4xf32> to vector<64x1x4xf32>
    %sub3A = vector.broadcast %broadcast_in_dim3A_19 : vector<64x1x4xf32> to vector<64x50x4xf32>
    %sub3A_20 = arith.subf %get3A_2, %sub3A : vector<64x50x4xf32>
    %mul3A = vector.broadcast %broadcast_in_dim3A : vector<64x50x1xf32> to vector<64x50x4xf32>
    %mul3A_21 = arith.mulf %sub3A_20, %mul3A : vector<64x50x4xf32>
    %reshape3A = vector.shape_cast %mul3A_21 : vector<64x50x4xf32> to vector<3200x4xf32>
    %dot_general3A = arith.constant dense<0.000000e+00> : vector<3200x256xf32>
    %dot_general3A_22 = tpu.matmul %reshape3A, %get3A_11, %dot_general3A {dimension_numbers = #tpu.dot_dimension_numbers<[1], [0], [0], [1], [0, 0, 1, 1], [], []>, transpose_lhs_hint = false} : vector<3200x4xf32>, vector<4x256xf32>, vector<3200x256xf32> -> vector<3200x256xf32>
    %reshape3A_23 = vector.shape_cast %dot_general3A_22 : vector<3200x256xf32> to vector<64x50x256xf32>
    %max3A_24 = arith.constant 0.000000e+00 : f32
    %max3A_25 = vector.broadcast %max3A_24 : f32 to vector<64x50x256xf32>
    %max3A_26 = arith.maximumf %reshape3A_23, %max3A_25 : vector<64x50x256xf32>
    %get3A_27 = arith.constant 0 : index
    %get3A_28 = arith.constant 0 : index
    %get3A_29 = vector.load %arg4[%get3A_27, %get3A_28] : memref<64x256xf32, #tpu.memory_space<vmem>>, vector<64x256xf32>
    %get3A_30 = arith.constant 0 : index
    %get3A_31 = arith.constant 0 : index
    %get3A_32 = arith.constant 0 : index
    %get3A_33 = vector.load %arg1[%get3A_30, %get3A_31, %get3A_32] : memref<64x50x256xf32, #tpu.memory_space<vmem>>, vector<64x50x256xf32>
    %mul3A_34 = arith.mulf %max3A_26, %get3A_33 : vector<64x50x256xf32>
    %reduce_max3A = arith.constant dense<0xFF800000> : vector<64x256xf32>
    %reduce_max3A_35 = vector.multi_reduction <maximumf>, %mul3A_34, %reduce_max3A [1] : vector<64x50x256xf32> to vector<64x256xf32>
    %add3A = arith.addf %get3A_29, %reduce_max3A_35 : vector<64x256xf32>
    %swap3A = arith.constant 0 : index
    %swap3A_36 = arith.constant 0 : index
    %swap3A_37 = vector.load %arg7[%swap3A, %swap3A_36] : memref<64x256xf32, #tpu.memory_space<vmem>>, vector<64x256xf32>
    tpu.vector_store %arg7[%swap3A, %swap3A_36], %add3A {strides = array<i32>} : memref<64x256xf32, #tpu.memory_space<vmem>>, vector<64x256xf32>,
    return
  }
  func.func @transform_0(%arg0: i32) -> (i32, i32, i32) {
    %c0_i32 = arith.constant 0 : i32
    %c0_i32_0 = arith.constant 0 : i32
    %c0_i32_1 = arith.constant 0 : i32
    return %arg0, %c0_i32, %c0_i32_0 : i32, i32, i32
  }
  func.func @transform_1(%arg0: i32) -> (i32, i32, i32) {
    %c0_i32 = arith.constant 0 : i32
    %c0_i32_0 = arith.constant 0 : i32
    %c0_i32_1 = arith.constant 0 : i32
    return %arg0, %c0_i32, %c0_i32_0 : i32, i32, i32
  }
  func.func @transform_2(%arg0: i32) -> (i32, i32) {
    %c0_i32 = arith.constant 0 : i32
    %c0_i32_0 = arith.constant 0 : i32
    return %arg0, %c0_i32 : i32, i32
  }
  func.func @transform_3(%arg0: i32) -> (i32, i32) {
    %c0_i32 = arith.constant 0 : i32
    %c0_i32_0 = arith.constant 0 : i32
    return %arg0, %c0_i32 : i32, i32
  }
  func.func @transform_4(%arg0: i32) -> (i32, i32) {
    %c0_i32 = arith.constant 0 : i32
    %c0_i32_0 = arith.constant 0 : i32
    return %arg0, %c0_i32 : i32, i32
  }
  func.func @transform_5(%arg0: i32) -> (i32, i32) {
    %c0_i32 = arith.constant 0 : i32
    %c0_i32_0 = arith.constant 0 : i32
    %c0_i32_1 = arith.constant 0 : i32
    return %c0_i32, %c0_i32_0 : i32, i32
  }
  func.func @transform_6(%arg0: i32) -> (i32, i32) {
    %c0_i32 = arith.constant 0 : i32
    %c0_i32_0 = arith.constant 0 : i32
    return %arg0, %c0_i32 : i32, i32
  }
}

module attributes {stable_mosaic.version = 14 : i64} {
  func.func @_mm_body(%arg0: i32, %arg1: memref<1024x512xf32, #tpu.memory_space<vmem>>, %arg2: memref<512x256xf32, #tpu.memory_space<vmem>>, %arg3: memref<1x256xf32, #tpu.memory_space<vmem>>, %arg4: memref<1024x256xf32, #tpu.memory_space<vmem>>) attributes {dimension_semantics = [#tpu.dimension_semantics<arbitrary>], iteration_bounds = array<i64: 1>, scalar_prefetch = 0 : i64, scratch_operands = 0 : i64, tpu.core_type = #tpu.core_type<tc>, window_params = [{transform_indices = @transform_0, window_bounds = array<i64: 1024, 512>}, {pipeline_mode = #tpu.pipeline_mode<synchronous>, transform_indices = @transform_1, window_bounds = array<i64: 512, 256>}, {pipeline_mode = #tpu.pipeline_mode<synchronous>, transform_indices = @transform_2, window_bounds = array<i64: 1, 256>}, {transform_indices = @transform_3, window_bounds = array<i64: 1024, 256>}]} {
    %get3A = arith.constant 0 : index
    %get3A_0 = arith.constant 0 : index
    %get3A_1 = vector.load %arg1[%get3A, %get3A_0] : memref<1024x512xf32, #tpu.memory_space<vmem>>, vector<1024x512xf32>
    %get3A_2 = arith.constant 0 : index
    %get3A_3 = arith.constant 0 : index
    %get3A_4 = vector.load %arg2[%get3A_2, %get3A_3] : memref<512x256xf32, #tpu.memory_space<vmem>>, vector<512x256xf32>
    %dot_general3A = arith.constant dense<0.000000e+00> : vector<1024x256xf32>
    %dot_general3A_5 = tpu.matmul %get3A_1, %get3A_4, %dot_general3A {dimension_numbers = #tpu.dot_dimension_numbers<[1], [0], [0], [1], [0, 0, 1, 1], [], []>, transpose_lhs_hint = false} : vector<1024x512xf32>, vector<512x256xf32>, vector<1024x256xf32> -> vector<1024x256xf32>
    %get3A_6 = arith.constant 0 : index
    %get3A_7 = arith.constant 0 : index
    %get3A_8 = vector.load %arg3[%get3A_6, %get3A_7] : memref<1x256xf32, #tpu.memory_space<vmem>>, vector<1x256xf32>
    %add3A = vector.broadcast %get3A_8 : vector<1x256xf32> to vector<1024x256xf32>
    %add3A_9 = arith.addf %dot_general3A_5, %add3A : vector<1024x256xf32>
    %swap3A = arith.constant 0 : index
    %swap3A_10 = arith.constant 0 : index
    %swap3A_11 = vector.load %arg4[%swap3A, %swap3A_10] : memref<1024x256xf32, #tpu.memory_space<vmem>>, vector<1024x256xf32>
    tpu.vector_store %arg4[%swap3A, %swap3A_10], %add3A_9 {strides = array<i32>} : memref<1024x256xf32, #tpu.memory_space<vmem>>, vector<1024x256xf32>,
    return
  }
  func.func @transform_0(%arg0: i32) -> (i32, i32) {
    %c0_i32 = arith.constant 0 : i32
    %c0_i32_0 = arith.constant 0 : i32
    return %arg0, %c0_i32 : i32, i32
  }
  func.func @transform_1(%arg0: i32) -> (i32, i32) {
    %c0_i32 = arith.constant 0 : i32
    %c0_i32_0 = arith.constant 0 : i32
    %c0_i32_1 = arith.constant 0 : i32
    return %c0_i32, %c0_i32_0 : i32, i32
  }
  func.func @transform_2(%arg0: i32) -> (i32, i32) {
    %c0_i32 = arith.constant 0 : i32
    %c0_i32_0 = arith.constant 0 : i32
    %c0_i32_1 = arith.constant 0 : i32
    return %c0_i32, %c0_i32_0 : i32, i32
  }
  func.func @transform_3(%arg0: i32) -> (i32, i32) {
    %c0_i32 = arith.constant 0 : i32
    %c0_i32_0 = arith.constant 0 : i32
    return %arg0, %c0_i32 : i32, i32
  }
}

module attributes {stable_mosaic.version = 14 : i64} {
  func.func @_topk_body(%arg0: i32, %arg1: i32, %arg2: memref<1x128x3xf32, #tpu.memory_space<vmem>>, %arg3: memref<1x3x128xf32, #tpu.memory_space<vmem>>, %arg4: memref<1x128x51xi32, #tpu.memory_space<vmem>>, %arg5: memref<1x128x51xf32, #tpu.memory_space<vmem>>) attributes {dimension_semantics = [#tpu.dimension_semantics<arbitrary>, #tpu.dimension_semantics<arbitrary>], iteration_bounds = array<i64: 2, 1>, scalar_prefetch = 0 : i64, scratch_operands = 0 : i64, tpu.core_type = #tpu.core_type<tc>, window_params = [{transform_indices = @transform_0, window_bounds = array<i64: 1, 128, 3>}, {transform_indices = @transform_1, window_bounds = array<i64: 1, 3, 128>}, {transform_indices = @transform_2, window_bounds = array<i64: 1, 128, 51>}, {transform_indices = @transform_3, window_bounds = array<i64: 1, 128, 51>}]} {
    %get3A = arith.constant 0 : index
    %get3A_0 = arith.constant 0 : index
    %get3A_1 = arith.constant 0 : index
    %get3A_2 = vector.load %arg2[%get3A, %get3A_0, %get3A_1] : memref<1x128x3xf32, #tpu.memory_space<vmem>>, vector<1x128x3xf32>
    %get3A_3 = vector.shape_cast %get3A_2 : vector<1x128x3xf32> to vector<128x3xf32>
    %get3A_4 = arith.constant 0 : index
    %get3A_5 = arith.constant 0 : index
    %get3A_6 = arith.constant 0 : index
    %get3A_7 = vector.load %arg3[%get3A_4, %get3A_5, %get3A_6] : memref<1x3x128xf32, #tpu.memory_space<vmem>>, vector<1x3x128xf32>
    %get3A_8 = vector.shape_cast %get3A_7 : vector<1x3x128xf32> to vector<3x128xf32>
    %slice3A = vector.extract_strided_slice %get3A_3 {offsets = [0, 0], sizes = [128, 1], strides = [1, 1]} : vector<128x3xf32> to vector<128x1xf32>
    %slice3A_9 = vector.extract_strided_slice %get3A_8 {offsets = [0, 0], sizes = [1, 128], strides = [1, 1]} : vector<3x128xf32> to vector<1x128xf32>
    %mul3A = vector.broadcast %slice3A : vector<128x1xf32> to vector<128x128xf32>
    %mul3A_10 = vector.broadcast %slice3A_9 : vector<1x128xf32> to vector<128x128xf32>
    %mul3A_11 = arith.mulf %mul3A, %mul3A_10 : vector<128x128xf32>
    %slice3A_12 = vector.extract_strided_slice %get3A_3 {offsets = [0, 1], sizes = [128, 1], strides = [1, 1]} : vector<128x3xf32> to vector<128x1xf32>
    %slice3A_13 = vector.extract_strided_slice %get3A_8 {offsets = [1, 0], sizes = [1, 128], strides = [1, 1]} : vector<3x128xf32> to vector<1x128xf32>
    %mul3A_14 = vector.broadcast %slice3A_12 : vector<128x1xf32> to vector<128x128xf32>
    %mul3A_15 = vector.broadcast %slice3A_13 : vector<1x128xf32> to vector<128x128xf32>
    %mul3A_16 = arith.mulf %mul3A_14, %mul3A_15 : vector<128x128xf32>
    %add3A = arith.addf %mul3A_11, %mul3A_16 : vector<128x128xf32>
    %slice3A_17 = vector.extract_strided_slice %get3A_3 {offsets = [0, 2], sizes = [128, 1], strides = [1, 1]} : vector<128x3xf32> to vector<128x1xf32>
    %slice3A_18 = vector.extract_strided_slice %get3A_8 {offsets = [2, 0], sizes = [1, 128], strides = [1, 1]} : vector<3x128xf32> to vector<1x128xf32>
    %mul3A_19 = vector.broadcast %slice3A_17 : vector<128x1xf32> to vector<128x128xf32>
    %mul3A_20 = vector.broadcast %slice3A_18 : vector<1x128xf32> to vector<128x128xf32>
    %mul3A_21 = arith.mulf %mul3A_19, %mul3A_20 : vector<128x128xf32>
    %add3A_22 = arith.addf %add3A, %mul3A_21 : vector<128x128xf32>
    %mul3A_23 = arith.mulf %get3A_8, %get3A_8 : vector<3x128xf32>
    %reduce_sum3A = arith.constant dense<0.000000e+00> : vector<128xf32>
    %reduce_sum3A_24 = vector.multi_reduction <add>, %mul3A_23, %reduce_sum3A [0] : vector<3x128xf32> to vector<128xf32>
    %broadcast_in_dim3A = vector.shape_cast %reduce_sum3A_24 : vector<128xf32> to vector<1x128xf32>
    %mul3A_25 = arith.mulf %get3A_3, %get3A_3 : vector<128x3xf32>
    %reduce_sum3A_26 = arith.constant dense<0.000000e+00> : vector<128xf32>
    %reduce_sum3A_27 = vector.multi_reduction <add>, %mul3A_25, %reduce_sum3A_26 [1] : vector<128x3xf32> to vector<128xf32>
    %broadcast_in_dim3A_28 = vector.shape_cast %reduce_sum3A_27 : vector<128xf32> to vector<128x1xf32>
    %mul3A_29 = arith.constant 2.000000e+00 : f32
    %mul3A_30 = vector.broadcast %mul3A_29 : f32 to vector<128x128xf32>
    %mul3A_31 = arith.mulf %mul3A_30, %add3A_22 : vector<128x128xf32>
    %sub3A = vector.broadcast %broadcast_in_dim3A : vector<1x128xf32> to vector<128x128xf32>
    %sub3A_32 = arith.subf %mul3A_31, %sub3A : vector<128x128xf32>
    %sub3A_33 = vector.broadcast %broadcast_in_dim3A_28 : vector<128x1xf32> to vector<128x128xf32>
    %sub3A_34 = arith.subf %sub3A_32, %sub3A_33 : vector<128x128xf32>
    %bitcast_convert_type3A = tpu.bitcast %sub3A_34 : vector<128x128xf32> -> vector<128x128xi32>
    %ge3A = arith.constant 0 : i32
    %ge3A_35 = vector.broadcast %ge3A : i32 to vector<128x128xi32>
    %ge3A_36 = arith.cmpi sge, %bitcast_convert_type3A, %ge3A_35 : vector<128x128xi32>
    %xor3A = arith.constant 2147483647 : i32
    %xor3A_37 = vector.broadcast %xor3A : i32 to vector<128x128xi32>
    %xor3A_38 = arith.xori %bitcast_convert_type3A, %xor3A_37 : vector<128x128xi32>
    %select_n3A = arith.select %ge3A_36, %bitcast_convert_type3A, %xor3A_38 : vector<128x128xi1>, vector<128x128xi32>
    %iota3A = tpu.iota {dimensions = array<i32: 1>} : vector<128x128xi32>
    %and3A = arith.constant -2048 : i32
    %and3A_39 = vector.broadcast %and3A : i32 to vector<128x128xi32>
    %and3A_40 = arith.andi %select_n3A, %and3A_39 : vector<128x128xi32>
    %sub3A_41 = arith.constant 2047 : i32
    %sub3A_42 = vector.broadcast %sub3A_41 : i32 to vector<128x128xi32>
    %sub3A_43 = arith.subi %sub3A_42, %iota3A : vector<128x128xi32>
    %or3A = arith.ori %and3A_40, %sub3A_43 : vector<128x128xi32>
    %iota3A_44 = tpu.iota {dimensions = array<i32: 1>} : vector<128x51xi32>
    %broadcast_in_dim3A_45 = arith.constant 0 : i32
    %broadcast_in_dim3A_46 = vector.broadcast %broadcast_in_dim3A_45 : i32 to vector<128x51xi32>
    %scan3A = arith.constant -2147483648 : i32
    %scan3A_47 = arith.constant 0 : i32
    %scan3A_48 = arith.constant 51 : i32
    %scan3A_49 = arith.addi %scan3A_47, %scan3A_48 : i32
    %scan3A_50 = arith.constant 1 : i32
    %scan3A_51:2 = scf.for %scan3A_87 = %scan3A_47 to %scan3A_49 step %scan3A_50 iter_args(%scan3A_88 = %or3A, %scan3A_89 = %broadcast_in_dim3A_46) -> (vector<128x128xi32>, vector<128x51xi32>)  : i32 {
      %reduce_max3A = arith.constant dense<-2147483648> : vector<128xi32>
      %reduce_max3A_90 = vector.multi_reduction <maxsi>, %scan3A_88, %reduce_max3A [1] : vector<128x128xi32> to vector<128xi32>
      %broadcast_in_dim3A_91 = vector.shape_cast %reduce_max3A_90 : vector<128xi32> to vector<128x1xi32>
      %eq3A = vector.broadcast %scan3A_87 : i32 to vector<128x51xi32>
      %eq3A_92 = arith.cmpi eq, %iota3A_44, %eq3A : vector<128x51xi32>
      %broadcast_in_dim3A_93 = vector.shape_cast %broadcast_in_dim3A_91 : vector<128x1xi32> to vector<128x1xi32>
      %broadcast_in_dim3A_94 = vector.broadcast %broadcast_in_dim3A_93 : vector<128x1xi32> to vector<128x51xi32>
      %select_n3A_95 = arith.select %eq3A_92, %broadcast_in_dim3A_94, %scan3A_89 : vector<128x51xi1>, vector<128x51xi32>
      %eq3A_96 = vector.broadcast %broadcast_in_dim3A_91 : vector<128x1xi32> to vector<128x128xi32>
      %eq3A_97 = arith.cmpi eq, %scan3A_88, %eq3A_96 : vector<128x128xi32>
      %broadcast_in_dim3A_98 = vector.broadcast %scan3A : i32 to vector<128x128xi32>
      %select_n3A_99 = arith.select %eq3A_97, %broadcast_in_dim3A_98, %scan3A_88 : vector<128x128xi1>, vector<128x128xi32>
      scf.yield %select_n3A_99, %select_n3A_95 : vector<128x128xi32>, vector<128x51xi32>
    }
    %scan3A_52 = arith.constant 51 : i32
    %and3A_53 = arith.constant 2047 : i32
    %and3A_54 = vector.broadcast %and3A_53 : i32 to vector<128x51xi32>
    %and3A_55 = arith.andi %scan3A_51#1, %and3A_54 : vector<128x51xi32>
    %sub3A_56 = arith.constant 2047 : i32
    %sub3A_57 = vector.broadcast %sub3A_56 : i32 to vector<128x51xi32>
    %sub3A_58 = arith.subi %sub3A_57, %and3A_55 : vector<128x51xi32>
    %mul3A_59 = arith.constant 128 : i32
    %mul3A_60 = arith.muli %arg0, %mul3A_59 : i32
    %add3A_61 = vector.broadcast %mul3A_60 : i32 to vector<128x51xi32>
    %add3A_62 = arith.addi %sub3A_58, %add3A_61 : vector<128x51xi32>
    %swap3A = arith.constant 0 : index
    %swap3A_63 = arith.constant 0 : index
    %swap3A_64 = arith.constant 0 : index
    %swap3A_65 = vector.load %arg4[%swap3A, %swap3A_63, %swap3A_64] : memref<1x128x51xi32, #tpu.memory_space<vmem>>, vector<1x128x51xi32>
    %swap3A_66 = vector.shape_cast %swap3A_65 : vector<1x128x51xi32> to vector<128x51xi32>
    %swap3A_67 = vector.shape_cast %add3A_62 : vector<128x51xi32> to vector<1x128x51xi32>
    tpu.vector_store %arg4[%swap3A, %swap3A_63, %swap3A_64], %swap3A_67 {strides = array<i32>} : memref<1x128x51xi32, #tpu.memory_space<vmem>>, vector<1x128x51xi32>,
    %and3A_68 = arith.constant -2048 : i32
    %and3A_69 = vector.broadcast %and3A_68 : i32 to vector<128x51xi32>
    %and3A_70 = arith.andi %scan3A_51#1, %and3A_69 : vector<128x51xi32>
    %ge3A_71 = arith.constant 0 : i32
    %ge3A_72 = vector.broadcast %ge3A_71 : i32 to vector<128x51xi32>
    %ge3A_73 = arith.cmpi sge, %and3A_70, %ge3A_72 : vector<128x51xi32>
    %xor3A_74 = arith.constant 2147483647 : i32
    %xor3A_75 = vector.broadcast %xor3A_74 : i32 to vector<128x51xi32>
    %xor3A_76 = arith.xori %and3A_70, %xor3A_75 : vector<128x51xi32>
    %select_n3A_77 = arith.select %ge3A_73, %and3A_70, %xor3A_76 : vector<128x51xi1>, vector<128x51xi32>
    %bitcast_convert_type3A_78 = tpu.bitcast %select_n3A_77 : vector<128x51xi32> -> vector<128x51xf32>
    %neg3A = arith.constant 0.000000e+00 : f32
    %neg3A_79 = vector.broadcast %neg3A : f32 to vector<128x51xf32>
    %neg3A_80 = arith.subf %neg3A_79, %bitcast_convert_type3A_78 : vector<128x51xf32>
    %swap3A_81 = arith.constant 0 : index
    %swap3A_82 = arith.constant 0 : index
    %swap3A_83 = arith.constant 0 : index
    %swap3A_84 = vector.load %arg5[%swap3A_81, %swap3A_82, %swap3A_83] : memref<1x128x51xf32, #tpu.memory_space<vmem>>, vector<1x128x51xf32>
    %swap3A_85 = vector.shape_cast %swap3A_84 : vector<1x128x51xf32> to vector<128x51xf32>
    %swap3A_86 = vector.shape_cast %neg3A_80 : vector<128x51xf32> to vector<1x128x51xf32>
    tpu.vector_store %arg5[%swap3A_81, %swap3A_82, %swap3A_83], %swap3A_86 {strides = array<i32>} : memref<1x128x51xf32, #tpu.memory_space<vmem>>, vector<1x128x51xf32>,
    return
  }
  func.func @transform_0(%arg0: i32, %arg1: i32) -> (i32, i32, i32) {
    %c0_i32 = arith.constant 0 : i32
    %c0_i32_0 = arith.constant 0 : i32
    return %arg0, %arg1, %c0_i32 : i32, i32, i32
  }
  func.func @transform_1(%arg0: i32, %arg1: i32) -> (i32, i32, i32) {
    %c0_i32 = arith.constant 0 : i32
    %c0_i32_0 = arith.constant 0 : i32
    %c0_i32_1 = arith.constant 0 : i32
    return %arg0, %c0_i32, %c0_i32_0 : i32, i32, i32
  }
  func.func @transform_2(%arg0: i32, %arg1: i32) -> (i32, i32, i32) {
    %c0_i32 = arith.constant 0 : i32
    %c0_i32_0 = arith.constant 0 : i32
    return %arg0, %arg1, %c0_i32 : i32, i32, i32
  }
  func.func @transform_3(%arg0: i32, %arg1: i32) -> (i32, i32, i32) {
    %c0_i32 = arith.constant 0 : i32
    %c0_i32_0 = arith.constant 0 : i32
    return %arg0, %arg1, %c0_i32 : i32, i32, i32
  }
}

module attributes {stable_mosaic.version = 14 : i64} {
  func.func @_comb_pool_body(%arg0: i32, %arg1: memref<1024x4x256xf32, #tpu.memory_space<vmem>>, %arg2: memref<1024x256xf32, #tpu.memory_space<vmem>>) attributes {dimension_semantics = [#tpu.dimension_semantics<arbitrary>], iteration_bounds = array<i64: 1>, scalar_prefetch = 0 : i64, scratch_operands = 0 : i64, tpu.core_type = #tpu.core_type<tc>, window_params = [{transform_indices = @transform_0, window_bounds = array<i64: 1024, 4, 256>}, {transform_indices = @transform_1, window_bounds = array<i64: 1024, 256>}]} {
    %get3A = arith.constant 0 : index
    %get3A_0 = arith.constant 0 : index
    %get3A_1 = arith.constant 0 : index
    %get3A_2 = vector.load %arg1[%get3A, %get3A_0, %get3A_1] : memref<1024x4x256xf32, #tpu.memory_space<vmem>>, vector<1024x4x256xf32>
    %reduce_max3A = arith.constant dense<0xFF800000> : vector<1024x256xf32>
    %reduce_max3A_3 = vector.multi_reduction <maximumf>, %get3A_2, %reduce_max3A [1] : vector<1024x4x256xf32> to vector<1024x256xf32>
    %swap3A = arith.constant 0 : index
    %swap3A_4 = arith.constant 0 : index
    %swap3A_5 = vector.load %arg2[%swap3A, %swap3A_4] : memref<1024x256xf32, #tpu.memory_space<vmem>>, vector<1024x256xf32>
    tpu.vector_store %arg2[%swap3A, %swap3A_4], %reduce_max3A_3 {strides = array<i32>} : memref<1024x256xf32, #tpu.memory_space<vmem>>, vector<1024x256xf32>,
    return
  }
  func.func @transform_0(%arg0: i32) -> (i32, i32, i32) {
    %c0_i32 = arith.constant 0 : i32
    %c0_i32_0 = arith.constant 0 : i32
    %c0_i32_1 = arith.constant 0 : i32
    return %arg0, %c0_i32, %c0_i32_0 : i32, i32, i32
  }
  func.func @transform_1(%arg0: i32) -> (i32, i32) {
    %c0_i32 = arith.constant 0 : i32
    %c0_i32_0 = arith.constant 0 : i32
    return %arg0, %c0_i32 : i32, i32
  }
}

module attributes {stable_mosaic.version = 14 : i64} {
  func.func @_mm_body(%arg0: i32, %arg1: memref<256x256xf32, #tpu.memory_space<vmem>>, %arg2: memref<256x1024xf32, #tpu.memory_space<vmem>>, %arg3: memref<1x1024xf32, #tpu.memory_space<vmem>>, %arg4: memref<256x1024xf32, #tpu.memory_space<vmem>>) attributes {dimension_semantics = [#tpu.dimension_semantics<arbitrary>], iteration_bounds = array<i64: 1>, scalar_prefetch = 0 : i64, scratch_operands = 0 : i64, tpu.core_type = #tpu.core_type<tc>, window_params = [{transform_indices = @transform_0, window_bounds = array<i64: 256, 256>}, {pipeline_mode = #tpu.pipeline_mode<synchronous>, transform_indices = @transform_1, window_bounds = array<i64: 256, 1024>}, {pipeline_mode = #tpu.pipeline_mode<synchronous>, transform_indices = @transform_2, window_bounds = array<i64: 1, 1024>}, {transform_indices = @transform_3, window_bounds = array<i64: 256, 1024>}]} {
    %get3A = arith.constant 0 : index
    %get3A_0 = arith.constant 0 : index
    %get3A_1 = vector.load %arg1[%get3A, %get3A_0] : memref<256x256xf32, #tpu.memory_space<vmem>>, vector<256x256xf32>
    %get3A_2 = arith.constant 0 : index
    %get3A_3 = arith.constant 0 : index
    %get3A_4 = vector.load %arg2[%get3A_2, %get3A_3] : memref<256x1024xf32, #tpu.memory_space<vmem>>, vector<256x1024xf32>
    %dot_general3A = arith.constant dense<0.000000e+00> : vector<256x1024xf32>
    %dot_general3A_5 = tpu.matmul %get3A_1, %get3A_4, %dot_general3A {dimension_numbers = #tpu.dot_dimension_numbers<[1], [0], [0], [1], [0, 0, 1, 1], [], []>, transpose_lhs_hint = false} : vector<256x256xf32>, vector<256x1024xf32>, vector<256x1024xf32> -> vector<256x1024xf32>
    %get3A_6 = arith.constant 0 : index
    %get3A_7 = arith.constant 0 : index
    %get3A_8 = vector.load %arg3[%get3A_6, %get3A_7] : memref<1x1024xf32, #tpu.memory_space<vmem>>, vector<1x1024xf32>
    %add3A = vector.broadcast %get3A_8 : vector<1x1024xf32> to vector<256x1024xf32>
    %add3A_9 = arith.addf %dot_general3A_5, %add3A : vector<256x1024xf32>
    %swap3A = arith.constant 0 : index
    %swap3A_10 = arith.constant 0 : index
    %swap3A_11 = vector.load %arg4[%swap3A, %swap3A_10] : memref<256x1024xf32, #tpu.memory_space<vmem>>, vector<256x1024xf32>
    tpu.vector_store %arg4[%swap3A, %swap3A_10], %add3A_9 {strides = array<i32>} : memref<256x1024xf32, #tpu.memory_space<vmem>>, vector<256x1024xf32>,
    return
  }
  func.func @transform_0(%arg0: i32) -> (i32, i32) {
    %c0_i32 = arith.constant 0 : i32
    %c0_i32_0 = arith.constant 0 : i32
    return %arg0, %c0_i32 : i32, i32
  }
  func.func @transform_1(%arg0: i32) -> (i32, i32) {
    %c0_i32 = arith.constant 0 : i32
    %c0_i32_0 = arith.constant 0 : i32
    %c0_i32_1 = arith.constant 0 : i32
    return %c0_i32, %c0_i32_0 : i32, i32
  }
  func.func @transform_2(%arg0: i32) -> (i32, i32) {
    %c0_i32 = arith.constant 0 : i32
    %c0_i32_0 = arith.constant 0 : i32
    %c0_i32_1 = arith.constant 0 : i32
    return %c0_i32, %c0_i32_0 : i32, i32
  }
  func.func @transform_3(%arg0: i32) -> (i32, i32) {
    %c0_i32 = arith.constant 0 : i32
    %c0_i32_0 = arith.constant 0 : i32
    return %arg0, %c0_i32 : i32, i32
  }
}

module attributes {stable_mosaic.version = 14 : i64} {
  func.func @_nearest_body(%arg0: i32, %arg1: memref<1x128x3xf32, #tpu.memory_space<vmem>>, %arg2: memref<1x3x2048xf32, #tpu.memory_space<vmem>>, %arg3: memref<1x1x2048xi32, #tpu.memory_space<vmem>>) attributes {dimension_semantics = [#tpu.dimension_semantics<arbitrary>], iteration_bounds = array<i64: 2>, scalar_prefetch = 0 : i64, scratch_operands = 0 : i64, tpu.core_type = #tpu.core_type<tc>, window_params = [{transform_indices = @transform_0, window_bounds = array<i64: 1, 128, 3>}, {transform_indices = @transform_1, window_bounds = array<i64: 1, 3, 2048>}, {transform_indices = @transform_2, window_bounds = array<i64: 1, 1, 2048>}]} {
    %get3A = arith.constant 0 : index
    %get3A_0 = arith.constant 0 : index
    %get3A_1 = arith.constant 0 : index
    %get3A_2 = vector.load %arg1[%get3A, %get3A_0, %get3A_1] : memref<1x128x3xf32, #tpu.memory_space<vmem>>, vector<1x128x3xf32>
    %get3A_3 = vector.shape_cast %get3A_2 : vector<1x128x3xf32> to vector<128x3xf32>
    %get3A_4 = arith.constant 0 : index
    %get3A_5 = arith.constant 0 : index
    %get3A_6 = arith.constant 0 : index
    %get3A_7 = vector.load %arg2[%get3A_4, %get3A_5, %get3A_6] : memref<1x3x2048xf32, #tpu.memory_space<vmem>>, vector<1x3x2048xf32>
    %get3A_8 = vector.shape_cast %get3A_7 : vector<1x3x2048xf32> to vector<3x2048xf32>
    %slice3A = vector.extract_strided_slice %get3A_3 {offsets = [0, 0], sizes = [128, 1], strides = [1, 1]} : vector<128x3xf32> to vector<128x1xf32>
    %slice3A_9 = vector.extract_strided_slice %get3A_8 {offsets = [0, 0], sizes = [1, 2048], strides = [1, 1]} : vector<3x2048xf32> to vector<1x2048xf32>
    %mul3A = vector.broadcast %slice3A : vector<128x1xf32> to vector<128x2048xf32>
    %mul3A_10 = vector.broadcast %slice3A_9 : vector<1x2048xf32> to vector<128x2048xf32>
    %mul3A_11 = arith.mulf %mul3A, %mul3A_10 : vector<128x2048xf32>
    %slice3A_12 = vector.extract_strided_slice %get3A_3 {offsets = [0, 1], sizes = [128, 1], strides = [1, 1]} : vector<128x3xf32> to vector<128x1xf32>
    %slice3A_13 = vector.extract_strided_slice %get3A_8 {offsets = [1, 0], sizes = [1, 2048], strides = [1, 1]} : vector<3x2048xf32> to vector<1x2048xf32>
    %mul3A_14 = vector.broadcast %slice3A_12 : vector<128x1xf32> to vector<128x2048xf32>
    %mul3A_15 = vector.broadcast %slice3A_13 : vector<1x2048xf32> to vector<128x2048xf32>
    %mul3A_16 = arith.mulf %mul3A_14, %mul3A_15 : vector<128x2048xf32>
    %add3A = arith.addf %mul3A_11, %mul3A_16 : vector<128x2048xf32>
    %slice3A_17 = vector.extract_strided_slice %get3A_3 {offsets = [0, 2], sizes = [128, 1], strides = [1, 1]} : vector<128x3xf32> to vector<128x1xf32>
    %slice3A_18 = vector.extract_strided_slice %get3A_8 {offsets = [2, 0], sizes = [1, 2048], strides = [1, 1]} : vector<3x2048xf32> to vector<1x2048xf32>
    %mul3A_19 = vector.broadcast %slice3A_17 : vector<128x1xf32> to vector<128x2048xf32>
    %mul3A_20 = vector.broadcast %slice3A_18 : vector<1x2048xf32> to vector<128x2048xf32>
    %mul3A_21 = arith.mulf %mul3A_19, %mul3A_20 : vector<128x2048xf32>
    %add3A_22 = arith.addf %add3A, %mul3A_21 : vector<128x2048xf32>
    %mul3A_23 = arith.mulf %get3A_3, %get3A_3 : vector<128x3xf32>
    %reduce_sum3A = arith.constant dense<0.000000e+00> : vector<128xf32>
    %reduce_sum3A_24 = vector.multi_reduction <add>, %mul3A_23, %reduce_sum3A [1] : vector<128x3xf32> to vector<128xf32>
    %broadcast_in_dim3A = vector.shape_cast %reduce_sum3A_24 : vector<128xf32> to vector<128x1xf32>
    %mul3A_25 = arith.mulf %get3A_8, %get3A_8 : vector<3x2048xf32>
    %reduce_sum3A_26 = arith.constant dense<0.000000e+00> : vector<2048xf32>
    %reduce_sum3A_27 = vector.multi_reduction <add>, %mul3A_25, %reduce_sum3A_26 [0] : vector<3x2048xf32> to vector<2048xf32>
    %broadcast_in_dim3A_28 = vector.shape_cast %reduce_sum3A_27 : vector<2048xf32> to vector<1x2048xf32>
    %add3A_29 = vector.broadcast %broadcast_in_dim3A : vector<128x1xf32> to vector<128x2048xf32>
    %add3A_30 = vector.broadcast %broadcast_in_dim3A_28 : vector<1x2048xf32> to vector<128x2048xf32>
    %add3A_31 = arith.addf %add3A_29, %add3A_30 : vector<128x2048xf32>
    %mul3A_32 = arith.constant 2.000000e+00 : f32
    %mul3A_33 = vector.broadcast %mul3A_32 : f32 to vector<128x2048xf32>
    %mul3A_34 = arith.mulf %mul3A_33, %add3A_22 : vector<128x2048xf32>
    %sub3A = arith.subf %add3A_31, %mul3A_34 : vector<128x2048xf32>
    %reduce_min3A = arith.constant dense<0x7F800000> : vector<2048xf32>
    %reduce_min3A_35 = vector.multi_reduction <minimumf>, %sub3A, %reduce_min3A [0] : vector<128x2048xf32> to vector<2048xf32>
    %broadcast_in_dim3A_36 = vector.shape_cast %reduce_min3A_35 : vector<2048xf32> to vector<1x2048xf32>
    %iota3A = tpu.iota {dimensions = array<i32: 0>} : vector<128x2048xi32>
    %eq3A = vector.broadcast %broadcast_in_dim3A_36 : vector<1x2048xf32> to vector<128x2048xf32>
    %eq3A_37 = arith.cmpf oeq, %sub3A, %eq3A : vector<128x2048xf32>
    %jit3A = arith.constant 128 : i32
    %broadcast_in_dim3A_38 = vector.broadcast %jit3A : i32 to vector<128x2048xi32>
    %select_n3A = arith.select %eq3A_37, %iota3A, %broadcast_in_dim3A_38 : vector<128x2048xi1>, vector<128x2048xi32>
    %reduce_min3A_39 = arith.constant dense<2147483647> : vector<2048xi32>
    %reduce_min3A_40 = vector.multi_reduction <minsi>, %select_n3A, %reduce_min3A_39 [0] : vector<128x2048xi32> to vector<2048xi32>
    %broadcast_in_dim3A_41 = vector.shape_cast %reduce_min3A_40 : vector<2048xi32> to vector<1x2048xi32>
    %mul3A_42 = arith.constant 128 : i32
    %mul3A_43 = arith.muli %arg0, %mul3A_42 : i32
    %add3A_44 = vector.broadcast %mul3A_43 : i32 to vector<1x2048xi32>
    %add3A_45 = arith.addi %broadcast_in_dim3A_41, %add3A_44 : vector<1x2048xi32>
    %swap3A = arith.constant 0 : index
    %swap3A_46 = arith.constant 0 : index
    %swap3A_47 = arith.constant 0 : index
    %swap3A_48 = vector.load %arg3[%swap3A, %swap3A_46, %swap3A_47] : memref<1x1x2048xi32, #tpu.memory_space<vmem>>, vector<1x1x2048xi32>
    %swap3A_49 = vector.shape_cast %swap3A_48 : vector<1x1x2048xi32> to vector<1x2048xi32>
    %swap3A_50 = vector.shape_cast %add3A_45 : vector<1x2048xi32> to vector<1x1x2048xi32>
    tpu.vector_store %arg3[%swap3A, %swap3A_46, %swap3A_47], %swap3A_50 {strides = array<i32>} : memref<1x1x2048xi32, #tpu.memory_space<vmem>>, vector<1x1x2048xi32>,
    return
  }
  func.func @transform_0(%arg0: i32) -> (i32, i32, i32) {
    %c0_i32 = arith.constant 0 : i32
    %c0_i32_0 = arith.constant 0 : i32
    %c0_i32_1 = arith.constant 0 : i32
    return %arg0, %c0_i32, %c0_i32_0 : i32, i32, i32
  }
  func.func @transform_1(%arg0: i32) -> (i32, i32, i32) {
    %c0_i32 = arith.constant 0 : i32
    %c0_i32_0 = arith.constant 0 : i32
    %c0_i32_1 = arith.constant 0 : i32
    return %arg0, %c0_i32, %c0_i32_0 : i32, i32, i32
  }
  func.func @transform_2(%arg0: i32) -> (i32, i32, i32) {
    %c0_i32 = arith.constant 0 : i32
    %c0_i32_0 = arith.constant 0 : i32
    %c0_i32_1 = arith.constant 0 : i32
    return %arg0, %c0_i32, %c0_i32_0 : i32, i32, i32
  }
}

module attributes {stable_mosaic.version = 14 : i64} {
  func.func @_nearest_body(%arg0: i32, %arg1: memref<1x512x3xf32, #tpu.memory_space<vmem>>, %arg2: memref<1x3x2048xf32, #tpu.memory_space<vmem>>, %arg3: memref<1x1x2048xi32, #tpu.memory_space<vmem>>) attributes {dimension_semantics = [#tpu.dimension_semantics<arbitrary>], iteration_bounds = array<i64: 2>, scalar_prefetch = 0 : i64, scratch_operands = 0 : i64, tpu.core_type = #tpu.core_type<tc>, window_params = [{transform_indices = @transform_0, window_bounds = array<i64: 1, 512, 3>}, {transform_indices = @transform_1, window_bounds = array<i64: 1, 3, 2048>}, {transform_indices = @transform_2, window_bounds = array<i64: 1, 1, 2048>}]} {
    %get3A = arith.constant 0 : index
    %get3A_0 = arith.constant 0 : index
    %get3A_1 = arith.constant 0 : index
    %get3A_2 = vector.load %arg1[%get3A, %get3A_0, %get3A_1] : memref<1x512x3xf32, #tpu.memory_space<vmem>>, vector<1x512x3xf32>
    %get3A_3 = vector.shape_cast %get3A_2 : vector<1x512x3xf32> to vector<512x3xf32>
    %get3A_4 = arith.constant 0 : index
    %get3A_5 = arith.constant 0 : index
    %get3A_6 = arith.constant 0 : index
    %get3A_7 = vector.load %arg2[%get3A_4, %get3A_5, %get3A_6] : memref<1x3x2048xf32, #tpu.memory_space<vmem>>, vector<1x3x2048xf32>
    %get3A_8 = vector.shape_cast %get3A_7 : vector<1x3x2048xf32> to vector<3x2048xf32>
    %slice3A = vector.extract_strided_slice %get3A_3 {offsets = [0, 0], sizes = [512, 1], strides = [1, 1]} : vector<512x3xf32> to vector<512x1xf32>
    %slice3A_9 = vector.extract_strided_slice %get3A_8 {offsets = [0, 0], sizes = [1, 2048], strides = [1, 1]} : vector<3x2048xf32> to vector<1x2048xf32>
    %mul3A = vector.broadcast %slice3A : vector<512x1xf32> to vector<512x2048xf32>
    %mul3A_10 = vector.broadcast %slice3A_9 : vector<1x2048xf32> to vector<512x2048xf32>
    %mul3A_11 = arith.mulf %mul3A, %mul3A_10 : vector<512x2048xf32>
    %slice3A_12 = vector.extract_strided_slice %get3A_3 {offsets = [0, 1], sizes = [512, 1], strides = [1, 1]} : vector<512x3xf32> to vector<512x1xf32>
    %slice3A_13 = vector.extract_strided_slice %get3A_8 {offsets = [1, 0], sizes = [1, 2048], strides = [1, 1]} : vector<3x2048xf32> to vector<1x2048xf32>
    %mul3A_14 = vector.broadcast %slice3A_12 : vector<512x1xf32> to vector<512x2048xf32>
    %mul3A_15 = vector.broadcast %slice3A_13 : vector<1x2048xf32> to vector<512x2048xf32>
    %mul3A_16 = arith.mulf %mul3A_14, %mul3A_15 : vector<512x2048xf32>
    %add3A = arith.addf %mul3A_11, %mul3A_16 : vector<512x2048xf32>
    %slice3A_17 = vector.extract_strided_slice %get3A_3 {offsets = [0, 2], sizes = [512, 1], strides = [1, 1]} : vector<512x3xf32> to vector<512x1xf32>
    %slice3A_18 = vector.extract_strided_slice %get3A_8 {offsets = [2, 0], sizes = [1, 2048], strides = [1, 1]} : vector<3x2048xf32> to vector<1x2048xf32>
    %mul3A_19 = vector.broadcast %slice3A_17 : vector<512x1xf32> to vector<512x2048xf32>
    %mul3A_20 = vector.broadcast %slice3A_18 : vector<1x2048xf32> to vector<512x2048xf32>
    %mul3A_21 = arith.mulf %mul3A_19, %mul3A_20 : vector<512x2048xf32>
    %add3A_22 = arith.addf %add3A, %mul3A_21 : vector<512x2048xf32>
    %mul3A_23 = arith.mulf %get3A_3, %get3A_3 : vector<512x3xf32>
    %reduce_sum3A = arith.constant dense<0.000000e+00> : vector<512xf32>
    %reduce_sum3A_24 = vector.multi_reduction <add>, %mul3A_23, %reduce_sum3A [1] : vector<512x3xf32> to vector<512xf32>
    %broadcast_in_dim3A = vector.shape_cast %reduce_sum3A_24 : vector<512xf32> to vector<512x1xf32>
    %mul3A_25 = arith.mulf %get3A_8, %get3A_8 : vector<3x2048xf32>
    %reduce_sum3A_26 = arith.constant dense<0.000000e+00> : vector<2048xf32>
    %reduce_sum3A_27 = vector.multi_reduction <add>, %mul3A_25, %reduce_sum3A_26 [0] : vector<3x2048xf32> to vector<2048xf32>
    %broadcast_in_dim3A_28 = vector.shape_cast %reduce_sum3A_27 : vector<2048xf32> to vector<1x2048xf32>
    %add3A_29 = vector.broadcast %broadcast_in_dim3A : vector<512x1xf32> to vector<512x2048xf32>
    %add3A_30 = vector.broadcast %broadcast_in_dim3A_28 : vector<1x2048xf32> to vector<512x2048xf32>
    %add3A_31 = arith.addf %add3A_29, %add3A_30 : vector<512x2048xf32>
    %mul3A_32 = arith.constant 2.000000e+00 : f32
    %mul3A_33 = vector.broadcast %mul3A_32 : f32 to vector<512x2048xf32>
    %mul3A_34 = arith.mulf %mul3A_33, %add3A_22 : vector<512x2048xf32>
    %sub3A = arith.subf %add3A_31, %mul3A_34 : vector<512x2048xf32>
    %reduce_min3A = arith.constant dense<0x7F800000> : vector<2048xf32>
    %reduce_min3A_35 = vector.multi_reduction <minimumf>, %sub3A, %reduce_min3A [0] : vector<512x2048xf32> to vector<2048xf32>
    %broadcast_in_dim3A_36 = vector.shape_cast %reduce_min3A_35 : vector<2048xf32> to vector<1x2048xf32>
    %iota3A = tpu.iota {dimensions = array<i32: 0>} : vector<512x2048xi32>
    %eq3A = vector.broadcast %broadcast_in_dim3A_36 : vector<1x2048xf32> to vector<512x2048xf32>
    %eq3A_37 = arith.cmpf oeq, %sub3A, %eq3A : vector<512x2048xf32>
    %jit3A = arith.constant 512 : i32
    %broadcast_in_dim3A_38 = vector.broadcast %jit3A : i32 to vector<512x2048xi32>
    %select_n3A = arith.select %eq3A_37, %iota3A, %broadcast_in_dim3A_38 : vector<512x2048xi1>, vector<512x2048xi32>
    %reduce_min3A_39 = arith.constant dense<2147483647> : vector<2048xi32>
    %reduce_min3A_40 = vector.multi_reduction <minsi>, %select_n3A, %reduce_min3A_39 [0] : vector<512x2048xi32> to vector<2048xi32>
    %broadcast_in_dim3A_41 = vector.shape_cast %reduce_min3A_40 : vector<2048xi32> to vector<1x2048xi32>
    %mul3A_42 = arith.constant 512 : i32
    %mul3A_43 = arith.muli %arg0, %mul3A_42 : i32
    %add3A_44 = vector.broadcast %mul3A_43 : i32 to vector<1x2048xi32>
    %add3A_45 = arith.addi %broadcast_in_dim3A_41, %add3A_44 : vector<1x2048xi32>
    %swap3A = arith.constant 0 : index
    %swap3A_46 = arith.constant 0 : index
    %swap3A_47 = arith.constant 0 : index
    %swap3A_48 = vector.load %arg3[%swap3A, %swap3A_46, %swap3A_47] : memref<1x1x2048xi32, #tpu.memory_space<vmem>>, vector<1x1x2048xi32>
    %swap3A_49 = vector.shape_cast %swap3A_48 : vector<1x1x2048xi32> to vector<1x2048xi32>
    %swap3A_50 = vector.shape_cast %add3A_45 : vector<1x2048xi32> to vector<1x1x2048xi32>
    tpu.vector_store %arg3[%swap3A, %swap3A_46, %swap3A_47], %swap3A_50 {strides = array<i32>} : memref<1x1x2048xi32, #tpu.memory_space<vmem>>, vector<1x1x2048xi32>,
    return
  }
  func.func @transform_0(%arg0: i32) -> (i32, i32, i32) {
    %c0_i32 = arith.constant 0 : i32
    %c0_i32_0 = arith.constant 0 : i32
    %c0_i32_1 = arith.constant 0 : i32
    return %arg0, %c0_i32, %c0_i32_0 : i32, i32, i32
  }
  func.func @transform_1(%arg0: i32) -> (i32, i32, i32) {
    %c0_i32 = arith.constant 0 : i32
    %c0_i32_0 = arith.constant 0 : i32
    %c0_i32_1 = arith.constant 0 : i32
    return %arg0, %c0_i32, %c0_i32_0 : i32, i32, i32
  }
  func.func @transform_2(%arg0: i32) -> (i32, i32, i32) {
    %c0_i32 = arith.constant 0 : i32
    %c0_i32_0 = arith.constant 0 : i32
    %c0_i32_1 = arith.constant 0 : i32
    return %arg0, %c0_i32, %c0_i32_0 : i32, i32, i32
  }
}

module attributes {stable_mosaic.version = 14 : i64} {
  func.func @_comb_layer_packed_body(%arg0: i32, %arg1: memref<256x10x640xf32, #tpu.memory_space<vmem>>, %arg2: memref<256x4xf32, #tpu.memory_space<vmem>>, %arg3: memref<256x512xf32, #tpu.memory_space<vmem>>, %arg4: memref<256x10xf32, #tpu.memory_space<vmem>>, %arg5: memref<4x512xf32, #tpu.memory_space<vmem>>, %arg6: memref<256x512xf32, #tpu.memory_space<vmem>>) attributes {dimension_semantics = [#tpu.dimension_semantics<arbitrary>], iteration_bounds = array<i64: 1>, scalar_prefetch = 0 : i64, scratch_operands = 0 : i64, tpu.core_type = #tpu.core_type<tc>, window_params = [{transform_indices = @transform_0, window_bounds = array<i64: 256, 10, 640>}, {transform_indices = @transform_1, window_bounds = array<i64: 256, 4>}, {transform_indices = @transform_2, window_bounds = array<i64: 256, 512>}, {transform_indices = @transform_3, window_bounds = array<i64: 256, 10>}, {pipeline_mode = #tpu.pipeline_mode<synchronous>, transform_indices = @transform_4, window_bounds = array<i64: 4, 512>}, {transform_indices = @transform_5, window_bounds = array<i64: 256, 512>}]} {
    %get3A = arith.constant 0 : index
    %get3A_0 = arith.constant 0 : index
    %get3A_1 = arith.constant 0 : index
    %get3A_2 = vector.load %arg1[%get3A, %get3A_0, %get3A_1] : memref<256x10x640xf32, #tpu.memory_space<vmem>>, vector<256x10x640xf32>
    %get3A_3 = arith.constant 0 : index
    %get3A_4 = arith.constant 0 : index
    %get3A_5 = vector.load %arg2[%get3A_3, %get3A_4] : memref<256x4xf32, #tpu.memory_space<vmem>>, vector<256x4xf32>
    %get3A_6 = arith.constant 0 : index
    %get3A_7 = arith.constant 0 : index
    %get3A_8 = vector.load %arg4[%get3A_6, %get3A_7] : memref<256x10xf32, #tpu.memory_space<vmem>>, vector<256x10xf32>
    %get3A_9 = arith.constant 0 : index
    %get3A_10 = arith.constant 0 : index
    %get3A_11 = vector.load %arg5[%get3A_9, %get3A_10] : memref<4x512xf32, #tpu.memory_space<vmem>>, vector<4x512xf32>
    %max3A = arith.constant 0.000000e+00 : f32
    %max3A_12 = vector.broadcast %max3A : f32 to vector<256x10xf32>
    %max3A_13 = arith.maximumf %get3A_8, %max3A_12 : vector<256x10xf32>
    %sqrt3A = math.sqrt %max3A_13 : vector<256x10xf32>
    %max3A_14 = arith.constant 9.99999996E-13 : f32
    %max3A_15 = vector.broadcast %max3A_14 : f32 to vector<256x10xf32>
    %max3A_16 = arith.maximumf %sqrt3A, %max3A_15 : vector<256x10xf32>
    %div3A = arith.constant 1.000000e+00 : f32
    %div3A_17 = vector.broadcast %div3A : f32 to vector<256x10xf32>
    %div3A_18 = arith.divf %div3A_17, %max3A_16 : vector<256x10xf32>
    %broadcast_in_dim3A = vector.shape_cast %div3A_18 : vector<256x10xf32> to vector<256x10x1xf32>
    %slice3A = vector.extract_strided_slice %get3A_2 {offsets = [0, 0, 0], sizes = [256, 10, 4], strides = [1, 1, 1]} : vector<256x10x640xf32> to vector<256x10x4xf32>
    %broadcast_in_dim3A_19 = vector.shape_cast %get3A_5 : vector<256x4xf32> to vector<256x1x4xf32>
    %sub3A = vector.broadcast %broadcast_in_dim3A_19 : vector<256x1x4xf32> to vector<256x10x4xf32>
    %sub3A_20 = arith.subf %slice3A, %sub3A : vector<256x10x4xf32>
    %mul3A = vector.broadcast %broadcast_in_dim3A : vector<256x10x1xf32> to vector<256x10x4xf32>
    %mul3A_21 = arith.mulf %sub3A_20, %mul3A : vector<256x10x4xf32>
    %reshape3A = vector.shape_cast %mul3A_21 : vector<256x10x4xf32> to vector<2560x4xf32>
    %dot_general3A = arith.constant dense<0.000000e+00> : vector<2560x512xf32>
    %dot_general3A_22 = tpu.matmul %reshape3A, %get3A_11, %dot_general3A {dimension_numbers = #tpu.dot_dimension_numbers<[1], [0], [0], [1], [0, 0, 1, 1], [], []>, transpose_lhs_hint = false} : vector<2560x4xf32>, vector<4x512xf32>, vector<2560x512xf32> -> vector<2560x512xf32>
    %reshape3A_23 = vector.shape_cast %dot_general3A_22 : vector<2560x512xf32> to vector<256x10x512xf32>
    %max3A_24 = arith.constant 0.000000e+00 : f32
    %max3A_25 = vector.broadcast %max3A_24 : f32 to vector<256x10x512xf32>
    %max3A_26 = arith.maximumf %reshape3A_23, %max3A_25 : vector<256x10x512xf32>
    %get3A_27 = arith.constant 0 : index
    %get3A_28 = arith.constant 0 : index
    %get3A_29 = vector.load %arg3[%get3A_27, %get3A_28] : memref<256x512xf32, #tpu.memory_space<vmem>>, vector<256x512xf32>
    %slice3A_30 = vector.extract_strided_slice %get3A_2 {offsets = [0, 0, 128], sizes = [256, 10, 512], strides = [1, 1, 1]} : vector<256x10x640xf32> to vector<256x10x512xf32>
    %mul3A_31 = arith.mulf %max3A_26, %slice3A_30 : vector<256x10x512xf32>
    %reduce_max3A = arith.constant dense<0xFF800000> : vector<256x512xf32>
    %reduce_max3A_32 = vector.multi_reduction <maximumf>, %mul3A_31, %reduce_max3A [1] : vector<256x10x512xf32> to vector<256x512xf32>
    %add3A = arith.addf %get3A_29, %reduce_max3A_32 : vector<256x512xf32>
    %swap3A = arith.constant 0 : index
    %swap3A_33 = arith.constant 0 : index
    %swap3A_34 = vector.load %arg6[%swap3A, %swap3A_33] : memref<256x512xf32, #tpu.memory_space<vmem>>, vector<256x512xf32>
    tpu.vector_store %arg6[%swap3A, %swap3A_33], %add3A {strides = array<i32>} : memref<256x512xf32, #tpu.memory_space<vmem>>, vector<256x512xf32>,
    return
  }
  func.func @transform_0(%arg0: i32) -> (i32, i32, i32) {
    %c0_i32 = arith.constant 0 : i32
    %c0_i32_0 = arith.constant 0 : i32
    %c0_i32_1 = arith.constant 0 : i32
    return %arg0, %c0_i32, %c0_i32_0 : i32, i32, i32
  }
  func.func @transform_1(%arg0: i32) -> (i32, i32) {
    %c0_i32 = arith.constant 0 : i32
    %c0_i32_0 = arith.constant 0 : i32
    return %arg0, %c0_i32 : i32, i32
  }
  func.func @transform_2(%arg0: i32) -> (i32, i32) {
    %c0_i32 = arith.constant 0 : i32
    %c0_i32_0 = arith.constant 0 : i32
    return %arg0, %c0_i32 : i32, i32
  }
  func.func @transform_3(%arg0: i32) -> (i32, i32) {
    %c0_i32 = arith.constant 0 : i32
    %c0_i32_0 = arith.constant 0 : i32
    return %arg0, %c0_i32 : i32, i32
  }
  func.func @transform_4(%arg0: i32) -> (i32, i32) {
    %c0_i32 = arith.constant 0 : i32
    %c0_i32_0 = arith.constant 0 : i32
    %c0_i32_1 = arith.constant 0 : i32
    return %c0_i32, %c0_i32_0 : i32, i32
  }
  func.func @transform_5(%arg0: i32) -> (i32, i32) {
    %c0_i32 = arith.constant 0 : i32
    %c0_i32_0 = arith.constant 0 : i32
    return %arg0, %c0_i32 : i32, i32
  }
}

module attributes {stable_mosaic.version = 14 : i64} {
  func.func @_comb_layer_packed_body(%arg0: i32, %arg1: memref<32x50x640xf32, #tpu.memory_space<vmem>>, %arg2: memref<32x4xf32, #tpu.memory_space<vmem>>, %arg3: memref<32x512xf32, #tpu.memory_space<vmem>>, %arg4: memref<32x50xf32, #tpu.memory_space<vmem>>, %arg5: memref<4x512xf32, #tpu.memory_space<vmem>>, %arg6: memref<32x512xf32, #tpu.memory_space<vmem>>) attributes {dimension_semantics = [#tpu.dimension_semantics<arbitrary>], iteration_bounds = array<i64: 8>, scalar_prefetch = 0 : i64, scratch_operands = 0 : i64, tpu.core_type = #tpu.core_type<tc>, window_params = [{transform_indices = @transform_0, window_bounds = array<i64: 32, 50, 640>}, {transform_indices = @transform_1, window_bounds = array<i64: 32, 4>}, {transform_indices = @transform_2, window_bounds = array<i64: 32, 512>}, {transform_indices = @transform_3, window_bounds = array<i64: 32, 50>}, {pipeline_mode = #tpu.pipeline_mode<synchronous>, transform_indices = @transform_4, window_bounds = array<i64: 4, 512>}, {transform_indices = @transform_5, window_bounds = array<i64: 32, 512>}]} {
    %get3A = arith.constant 0 : index
    %get3A_0 = arith.constant 0 : index
    %get3A_1 = arith.constant 0 : index
    %get3A_2 = vector.load %arg1[%get3A, %get3A_0, %get3A_1] : memref<32x50x640xf32, #tpu.memory_space<vmem>>, vector<32x50x640xf32>
    %get3A_3 = arith.constant 0 : index
    %get3A_4 = arith.constant 0 : index
    %get3A_5 = vector.load %arg2[%get3A_3, %get3A_4] : memref<32x4xf32, #tpu.memory_space<vmem>>, vector<32x4xf32>
    %get3A_6 = arith.constant 0 : index
    %get3A_7 = arith.constant 0 : index
    %get3A_8 = vector.load %arg4[%get3A_6, %get3A_7] : memref<32x50xf32, #tpu.memory_space<vmem>>, vector<32x50xf32>
    %get3A_9 = arith.constant 0 : index
    %get3A_10 = arith.constant 0 : index
    %get3A_11 = vector.load %arg5[%get3A_9, %get3A_10] : memref<4x512xf32, #tpu.memory_space<vmem>>, vector<4x512xf32>
    %max3A = arith.constant 0.000000e+00 : f32
    %max3A_12 = vector.broadcast %max3A : f32 to vector<32x50xf32>
    %max3A_13 = arith.maximumf %get3A_8, %max3A_12 : vector<32x50xf32>
    %sqrt3A = math.sqrt %max3A_13 : vector<32x50xf32>
    %max3A_14 = arith.constant 9.99999996E-13 : f32
    %max3A_15 = vector.broadcast %max3A_14 : f32 to vector<32x50xf32>
    %max3A_16 = arith.maximumf %sqrt3A, %max3A_15 : vector<32x50xf32>
    %div3A = arith.constant 1.000000e+00 : f32
    %div3A_17 = vector.broadcast %div3A : f32 to vector<32x50xf32>
    %div3A_18 = arith.divf %div3A_17, %max3A_16 : vector<32x50xf32>
    %broadcast_in_dim3A = vector.shape_cast %div3A_18 : vector<32x50xf32> to vector<32x50x1xf32>
    %slice3A = vector.extract_strided_slice %get3A_2 {offsets = [0, 0, 0], sizes = [32, 50, 4], strides = [1, 1, 1]} : vector<32x50x640xf32> to vector<32x50x4xf32>
    %broadcast_in_dim3A_19 = vector.shape_cast %get3A_5 : vector<32x4xf32> to vector<32x1x4xf32>
    %sub3A = vector.broadcast %broadcast_in_dim3A_19 : vector<32x1x4xf32> to vector<32x50x4xf32>
    %sub3A_20 = arith.subf %slice3A, %sub3A : vector<32x50x4xf32>
    %mul3A = vector.broadcast %broadcast_in_dim3A : vector<32x50x1xf32> to vector<32x50x4xf32>
    %mul3A_21 = arith.mulf %sub3A_20, %mul3A : vector<32x50x4xf32>
    %reshape3A = vector.shape_cast %mul3A_21 : vector<32x50x4xf32> to vector<1600x4xf32>
    %dot_general3A = arith.constant dense<0.000000e+00> : vector<1600x512xf32>
    %dot_general3A_22 = tpu.matmul %reshape3A, %get3A_11, %dot_general3A {dimension_numbers = #tpu.dot_dimension_numbers<[1], [0], [0], [1], [0, 0, 1, 1], [], []>, transpose_lhs_hint = false} : vector<1600x4xf32>, vector<4x512xf32>, vector<1600x512xf32> -> vector<1600x512xf32>
    %reshape3A_23 = vector.shape_cast %dot_general3A_22 : vector<1600x512xf32> to vector<32x50x512xf32>
    %max3A_24 = arith.constant 0.000000e+00 : f32
    %max3A_25 = vector.broadcast %max3A_24 : f32 to vector<32x50x512xf32>
    %max3A_26 = arith.maximumf %reshape3A_23, %max3A_25 : vector<32x50x512xf32>
    %get3A_27 = arith.constant 0 : index
    %get3A_28 = arith.constant 0 : index
    %get3A_29 = vector.load %arg3[%get3A_27, %get3A_28] : memref<32x512xf32, #tpu.memory_space<vmem>>, vector<32x512xf32>
    %slice3A_30 = vector.extract_strided_slice %get3A_2 {offsets = [0, 0, 128], sizes = [32, 50, 512], strides = [1, 1, 1]} : vector<32x50x640xf32> to vector<32x50x512xf32>
    %mul3A_31 = arith.mulf %max3A_26, %slice3A_30 : vector<32x50x512xf32>
    %reduce_max3A = arith.constant dense<0xFF800000> : vector<32x512xf32>
    %reduce_max3A_32 = vector.multi_reduction <maximumf>, %mul3A_31, %reduce_max3A [1] : vector<32x50x512xf32> to vector<32x512xf32>
    %add3A = arith.addf %get3A_29, %reduce_max3A_32 : vector<32x512xf32>
    %swap3A = arith.constant 0 : index
    %swap3A_33 = arith.constant 0 : index
    %swap3A_34 = vector.load %arg6[%swap3A, %swap3A_33] : memref<32x512xf32, #tpu.memory_space<vmem>>, vector<32x512xf32>
    tpu.vector_store %arg6[%swap3A, %swap3A_33], %add3A {strides = array<i32>} : memref<32x512xf32, #tpu.memory_space<vmem>>, vector<32x512xf32>,
    return
  }
  func.func @transform_0(%arg0: i32) -> (i32, i32, i32) {
    %c0_i32 = arith.constant 0 : i32
    %c0_i32_0 = arith.constant 0 : i32
    %c0_i32_1 = arith.constant 0 : i32
    return %arg0, %c0_i32, %c0_i32_0 : i32, i32, i32
  }
  func.func @transform_1(%arg0: i32) -> (i32, i32) {
    %c0_i32 = arith.constant 0 : i32
    %c0_i32_0 = arith.constant 0 : i32
    return %arg0, %c0_i32 : i32, i32
  }
  func.func @transform_2(%arg0: i32) -> (i32, i32) {
    %c0_i32 = arith.constant 0 : i32
    %c0_i32_0 = arith.constant 0 : i32
    return %arg0, %c0_i32 : i32, i32
  }
  func.func @transform_3(%arg0: i32) -> (i32, i32) {
    %c0_i32 = arith.constant 0 : i32
    %c0_i32_0 = arith.constant 0 : i32
    return %arg0, %c0_i32 : i32, i32
  }
  func.func @transform_4(%arg0: i32) -> (i32, i32) {
    %c0_i32 = arith.constant 0 : i32
    %c0_i32_0 = arith.constant 0 : i32
    %c0_i32_1 = arith.constant 0 : i32
    return %c0_i32, %c0_i32_0 : i32, i32
  }
  func.func @transform_5(%arg0: i32) -> (i32, i32) {
    %c0_i32 = arith.constant 0 : i32
    %c0_i32_0 = arith.constant 0 : i32
    return %arg0, %c0_i32 : i32, i32
  }
}

module attributes {stable_mosaic.version = 14 : i64} {
  func.func @_mm_body(%arg0: i32, %arg1: memref<256x1024xf32, #tpu.memory_space<vmem>>, %arg2: memref<1024x512xf32, #tpu.memory_space<vmem>>, %arg3: memref<1x512xf32, #tpu.memory_space<vmem>>, %arg4: memref<256x512xf32, #tpu.memory_space<vmem>>) attributes {dimension_semantics = [#tpu.dimension_semantics<arbitrary>], iteration_bounds = array<i64: 1>, scalar_prefetch = 0 : i64, scratch_operands = 0 : i64, tpu.core_type = #tpu.core_type<tc>, window_params = [{transform_indices = @transform_0, window_bounds = array<i64: 256, 1024>}, {pipeline_mode = #tpu.pipeline_mode<synchronous>, transform_indices = @transform_1, window_bounds = array<i64: 1024, 512>}, {pipeline_mode = #tpu.pipeline_mode<synchronous>, transform_indices = @transform_2, window_bounds = array<i64: 1, 512>}, {transform_indices = @transform_3, window_bounds = array<i64: 256, 512>}]} {
    %get3A = arith.constant 0 : index
    %get3A_0 = arith.constant 0 : index
    %get3A_1 = vector.load %arg1[%get3A, %get3A_0] : memref<256x1024xf32, #tpu.memory_space<vmem>>, vector<256x1024xf32>
    %get3A_2 = arith.constant 0 : index
    %get3A_3 = arith.constant 0 : index
    %get3A_4 = vector.load %arg2[%get3A_2, %get3A_3] : memref<1024x512xf32, #tpu.memory_space<vmem>>, vector<1024x512xf32>
    %dot_general3A = arith.constant dense<0.000000e+00> : vector<256x512xf32>
    %dot_general3A_5 = tpu.matmul %get3A_1, %get3A_4, %dot_general3A {dimension_numbers = #tpu.dot_dimension_numbers<[1], [0], [0], [1], [0, 0, 1, 1], [], []>, transpose_lhs_hint = false} : vector<256x1024xf32>, vector<1024x512xf32>, vector<256x512xf32> -> vector<256x512xf32>
    %get3A_6 = arith.constant 0 : index
    %get3A_7 = arith.constant 0 : index
    %get3A_8 = vector.load %arg3[%get3A_6, %get3A_7] : memref<1x512xf32, #tpu.memory_space<vmem>>, vector<1x512xf32>
    %add3A = vector.broadcast %get3A_8 : vector<1x512xf32> to vector<256x512xf32>
    %add3A_9 = arith.addf %dot_general3A_5, %add3A : vector<256x512xf32>
    %swap3A = arith.constant 0 : index
    %swap3A_10 = arith.constant 0 : index
    %swap3A_11 = vector.load %arg4[%swap3A, %swap3A_10] : memref<256x512xf32, #tpu.memory_space<vmem>>, vector<256x512xf32>
    tpu.vector_store %arg4[%swap3A, %swap3A_10], %add3A_9 {strides = array<i32>} : memref<256x512xf32, #tpu.memory_space<vmem>>, vector<256x512xf32>,
    return
  }
  func.func @transform_0(%arg0: i32) -> (i32, i32) {
    %c0_i32 = arith.constant 0 : i32
    %c0_i32_0 = arith.constant 0 : i32
    return %arg0, %c0_i32 : i32, i32
  }
  func.func @transform_1(%arg0: i32) -> (i32, i32) {
    %c0_i32 = arith.constant 0 : i32
    %c0_i32_0 = arith.constant 0 : i32
    %c0_i32_1 = arith.constant 0 : i32
    return %c0_i32, %c0_i32_0 : i32, i32
  }
  func.func @transform_2(%arg0: i32) -> (i32, i32) {
    %c0_i32 = arith.constant 0 : i32
    %c0_i32_0 = arith.constant 0 : i32
    %c0_i32_1 = arith.constant 0 : i32
    return %c0_i32, %c0_i32_0 : i32, i32
  }
  func.func @transform_3(%arg0: i32) -> (i32, i32) {
    %c0_i32 = arith.constant 0 : i32
    %c0_i32_0 = arith.constant 0 : i32
    return %arg0, %c0_i32 : i32, i32
  }
}

module attributes {stable_mosaic.version = 14 : i64} {
  func.func @_rowmax_body(%arg0: i32, %arg1: memref<1x128x512xf32, #tpu.memory_space<vmem>>, %arg2: memref<1x1x512xf32, #tpu.memory_space<vmem>>) attributes {dimension_semantics = [#tpu.dimension_semantics<arbitrary>], iteration_bounds = array<i64: 2>, scalar_prefetch = 0 : i64, scratch_operands = 0 : i64, tpu.core_type = #tpu.core_type<tc>, window_params = [{transform_indices = @transform_0, window_bounds = array<i64: 1, 128, 512>}, {transform_indices = @transform_1, window_bounds = array<i64: 1, 1, 512>}]} {
    %get3A = arith.constant 0 : index
    %get3A_0 = arith.constant 0 : index
    %get3A_1 = arith.constant 0 : index
    %get3A_2 = vector.load %arg1[%get3A, %get3A_0, %get3A_1] : memref<1x128x512xf32, #tpu.memory_space<vmem>>, vector<1x128x512xf32>
    %get3A_3 = vector.shape_cast %get3A_2 : vector<1x128x512xf32> to vector<128x512xf32>
    %reduce_max3A = arith.constant dense<0xFF800000> : vector<512xf32>
    %reduce_max3A_4 = vector.multi_reduction <maximumf>, %get3A_3, %reduce_max3A [0] : vector<128x512xf32> to vector<512xf32>
    %broadcast_in_dim3A = vector.shape_cast %reduce_max3A_4 : vector<512xf32> to vector<1x512xf32>
    %swap3A = arith.constant 0 : index
    %swap3A_5 = arith.constant 0 : index
    %swap3A_6 = arith.constant 0 : index
    %swap3A_7 = vector.load %arg2[%swap3A, %swap3A_5, %swap3A_6] : memref<1x1x512xf32, #tpu.memory_space<vmem>>, vector<1x1x512xf32>
    %swap3A_8 = vector.shape_cast %swap3A_7 : vector<1x1x512xf32> to vector<1x512xf32>
    %swap3A_9 = vector.shape_cast %broadcast_in_dim3A : vector<1x512xf32> to vector<1x1x512xf32>
    tpu.vector_store %arg2[%swap3A, %swap3A_5, %swap3A_6], %swap3A_9 {strides = array<i32>} : memref<1x1x512xf32, #tpu.memory_space<vmem>>, vector<1x1x512xf32>,
    return
  }
  func.func @transform_0(%arg0: i32) -> (i32, i32, i32) {
    %c0_i32 = arith.constant 0 : i32
    %c0_i32_0 = arith.constant 0 : i32
    %c0_i32_1 = arith.constant 0 : i32
    return %arg0, %c0_i32, %c0_i32_0 : i32, i32, i32
  }
  func.func @transform_1(%arg0: i32) -> (i32, i32, i32) {
    %c0_i32 = arith.constant 0 : i32
    %c0_i32_0 = arith.constant 0 : i32
    %c0_i32_1 = arith.constant 0 : i32
    return %arg0, %c0_i32, %c0_i32_0 : i32, i32, i32
  }
}

module attributes {stable_mosaic.version = 14 : i64} {
  func.func @_mm_body(%arg0: i32, %arg1: memref<1024x1424xf32, #tpu.memory_space<vmem>>, %arg2: memref<1424x512xf32, #tpu.memory_space<vmem>>, %arg3: memref<1x512xf32, #tpu.memory_space<vmem>>, %arg4: memref<1024x512xf32, #tpu.memory_space<vmem>>) attributes {dimension_semantics = [#tpu.dimension_semantics<arbitrary>], iteration_bounds = array<i64: 4>, scalar_prefetch = 0 : i64, scratch_operands = 0 : i64, tpu.core_type = #tpu.core_type<tc>, window_params = [{transform_indices = @transform_0, window_bounds = array<i64: 1024, 1424>}, {pipeline_mode = #tpu.pipeline_mode<synchronous>, transform_indices = @transform_1, window_bounds = array<i64: 1424, 512>}, {pipeline_mode = #tpu.pipeline_mode<synchronous>, transform_indices = @transform_2, window_bounds = array<i64: 1, 512>}, {transform_indices = @transform_3, window_bounds = array<i64: 1024, 512>}]} {
    %get3A = arith.constant 0 : index
    %get3A_0 = arith.constant 0 : index
    %get3A_1 = vector.load %arg1[%get3A, %get3A_0] : memref<1024x1424xf32, #tpu.memory_space<vmem>>, vector<1024x1424xf32>
    %get3A_2 = arith.constant 0 : index
    %get3A_3 = arith.constant 0 : index
    %get3A_4 = vector.load %arg2[%get3A_2, %get3A_3] : memref<1424x512xf32, #tpu.memory_space<vmem>>, vector<1424x512xf32>
    %dot_general3A = arith.constant dense<0.000000e+00> : vector<1024x512xf32>
    %dot_general3A_5 = tpu.matmul %get3A_1, %get3A_4, %dot_general3A {dimension_numbers = #tpu.dot_dimension_numbers<[1], [0], [0], [1], [0, 0, 1, 1], [], []>, transpose_lhs_hint = false} : vector<1024x1424xf32>, vector<1424x512xf32>, vector<1024x512xf32> -> vector<1024x512xf32>
    %get3A_6 = arith.constant 0 : index
    %get3A_7 = arith.constant 0 : index
    %get3A_8 = vector.load %arg3[%get3A_6, %get3A_7] : memref<1x512xf32, #tpu.memory_space<vmem>>, vector<1x512xf32>
    %add3A = vector.broadcast %get3A_8 : vector<1x512xf32> to vector<1024x512xf32>
    %add3A_9 = arith.addf %dot_general3A_5, %add3A : vector<1024x512xf32>
    %max3A = arith.constant 0.000000e+00 : f32
    %max3A_10 = vector.broadcast %max3A : f32 to vector<1024x512xf32>
    %max3A_11 = arith.maximumf %add3A_9, %max3A_10 : vector<1024x512xf32>
    %swap3A = arith.constant 0 : index
    %swap3A_12 = arith.constant 0 : index
    %swap3A_13 = vector.load %arg4[%swap3A, %swap3A_12] : memref<1024x512xf32, #tpu.memory_space<vmem>>, vector<1024x512xf32>
    tpu.vector_store %arg4[%swap3A, %swap3A_12], %max3A_11 {strides = array<i32>} : memref<1024x512xf32, #tpu.memory_space<vmem>>, vector<1024x512xf32>,
    return
  }
  func.func @transform_0(%arg0: i32) -> (i32, i32) {
    %c0_i32 = arith.constant 0 : i32
    %c0_i32_0 = arith.constant 0 : i32
    return %arg0, %c0_i32 : i32, i32
  }
  func.func @transform_1(%arg0: i32) -> (i32, i32) {
    %c0_i32 = arith.constant 0 : i32
    %c0_i32_0 = arith.constant 0 : i32
    %c0_i32_1 = arith.constant 0 : i32
    return %c0_i32, %c0_i32_0 : i32, i32
  }
  func.func @transform_2(%arg0: i32) -> (i32, i32) {
    %c0_i32 = arith.constant 0 : i32
    %c0_i32_0 = arith.constant 0 : i32
    %c0_i32_1 = arith.constant 0 : i32
    return %c0_i32, %c0_i32_0 : i32, i32
  }
  func.func @transform_3(%arg0: i32) -> (i32, i32) {
    %c0_i32 = arith.constant 0 : i32
    %c0_i32_0 = arith.constant 0 : i32
    return %arg0, %c0_i32 : i32, i32
  }
}

module attributes {stable_mosaic.version = 14 : i64} {
  func.func @_mm_body(%arg0: i32, %arg1: memref<1024x512xf32, #tpu.memory_space<vmem>>, %arg2: memref<512x512xf32, #tpu.memory_space<vmem>>, %arg3: memref<1x512xf32, #tpu.memory_space<vmem>>, %arg4: memref<1024x512xf32, #tpu.memory_space<vmem>>) attributes {dimension_semantics = [#tpu.dimension_semantics<arbitrary>], iteration_bounds = array<i64: 4>, scalar_prefetch = 0 : i64, scratch_operands = 0 : i64, tpu.core_type = #tpu.core_type<tc>, window_params = [{transform_indices = @transform_0, window_bounds = array<i64: 1024, 512>}, {pipeline_mode = #tpu.pipeline_mode<synchronous>, transform_indices = @transform_1, window_bounds = array<i64: 512, 512>}, {pipeline_mode = #tpu.pipeline_mode<synchronous>, transform_indices = @transform_2, window_bounds = array<i64: 1, 512>}, {transform_indices = @transform_3, window_bounds = array<i64: 1024, 512>}]} {
    %get3A = arith.constant 0 : index
    %get3A_0 = arith.constant 0 : index
    %get3A_1 = vector.load %arg1[%get3A, %get3A_0] : memref<1024x512xf32, #tpu.memory_space<vmem>>, vector<1024x512xf32>
    %get3A_2 = arith.constant 0 : index
    %get3A_3 = arith.constant 0 : index
    %get3A_4 = vector.load %arg2[%get3A_2, %get3A_3] : memref<512x512xf32, #tpu.memory_space<vmem>>, vector<512x512xf32>
    %dot_general3A = arith.constant dense<0.000000e+00> : vector<1024x512xf32>
    %dot_general3A_5 = tpu.matmul %get3A_1, %get3A_4, %dot_general3A {dimension_numbers = #tpu.dot_dimension_numbers<[1], [0], [0], [1], [0, 0, 1, 1], [], []>, transpose_lhs_hint = false} : vector<1024x512xf32>, vector<512x512xf32>, vector<1024x512xf32> -> vector<1024x512xf32>
    %get3A_6 = arith.constant 0 : index
    %get3A_7 = arith.constant 0 : index
    %get3A_8 = vector.load %arg3[%get3A_6, %get3A_7] : memref<1x512xf32, #tpu.memory_space<vmem>>, vector<1x512xf32>
    %add3A = vector.broadcast %get3A_8 : vector<1x512xf32> to vector<1024x512xf32>
    %add3A_9 = arith.addf %dot_general3A_5, %add3A : vector<1024x512xf32>
    %max3A = arith.constant 0.000000e+00 : f32
    %max3A_10 = vector.broadcast %max3A : f32 to vector<1024x512xf32>
    %max3A_11 = arith.maximumf %add3A_9, %max3A_10 : vector<1024x512xf32>
    %swap3A = arith.constant 0 : index
    %swap3A_12 = arith.constant 0 : index
    %swap3A_13 = vector.load %arg4[%swap3A, %swap3A_12] : memref<1024x512xf32, #tpu.memory_space<vmem>>, vector<1024x512xf32>
    tpu.vector_store %arg4[%swap3A, %swap3A_12], %max3A_11 {strides = array<i32>} : memref<1024x512xf32, #tpu.memory_space<vmem>>, vector<1024x512xf32>,
    return
  }
  func.func @transform_0(%arg0: i32) -> (i32, i32) {
    %c0_i32 = arith.constant 0 : i32
    %c0_i32_0 = arith.constant 0 : i32
    return %arg0, %c0_i32 : i32, i32
  }
  func.func @transform_1(%arg0: i32) -> (i32, i32) {
    %c0_i32 = arith.constant 0 : i32
    %c0_i32_0 = arith.constant 0 : i32
    %c0_i32_1 = arith.constant 0 : i32
    return %c0_i32, %c0_i32_0 : i32, i32
  }
  func.func @transform_2(%arg0: i32) -> (i32, i32) {
    %c0_i32 = arith.constant 0 : i32
    %c0_i32_0 = arith.constant 0 : i32
    %c0_i32_1 = arith.constant 0 : i32
    return %c0_i32, %c0_i32_0 : i32, i32
  }
  func.func @transform_3(%arg0: i32) -> (i32, i32) {
    %c0_i32 = arith.constant 0 : i32
    %c0_i32_0 = arith.constant 0 : i32
    return %arg0, %c0_i32 : i32, i32
  }
}

module attributes {stable_mosaic.version = 14 : i64} {
  func.func @_mm_body(%arg0: i32, %arg1: memref<1024x512xf32, #tpu.memory_space<vmem>>, %arg2: memref<512x50xf32, #tpu.memory_space<vmem>>, %arg3: memref<1x50xf32, #tpu.memory_space<vmem>>, %arg4: memref<1024x50xf32, #tpu.memory_space<vmem>>) attributes {dimension_semantics = [#tpu.dimension_semantics<arbitrary>], iteration_bounds = array<i64: 4>, scalar_prefetch = 0 : i64, scratch_operands = 0 : i64, tpu.core_type = #tpu.core_type<tc>, window_params = [{transform_indices = @transform_0, window_bounds = array<i64: 1024, 512>}, {pipeline_mode = #tpu.pipeline_mode<synchronous>, transform_indices = @transform_1, window_bounds = array<i64: 512, 50>}, {pipeline_mode = #tpu.pipeline_mode<synchronous>, transform_indices = @transform_2, window_bounds = array<i64: 1, 50>}, {transform_indices = @transform_3, window_bounds = array<i64: 1024, 50>}]} {
    %get3A = arith.constant 0 : index
    %get3A_0 = arith.constant 0 : index
    %get3A_1 = vector.load %arg1[%get3A, %get3A_0] : memref<1024x512xf32, #tpu.memory_space<vmem>>, vector<1024x512xf32>
    %get3A_2 = arith.constant 0 : index
    %get3A_3 = arith.constant 0 : index
    %get3A_4 = vector.load %arg2[%get3A_2, %get3A_3] : memref<512x50xf32, #tpu.memory_space<vmem>>, vector<512x50xf32>
    %dot_general3A = arith.constant dense<0.000000e+00> : vector<1024x50xf32>
    %dot_general3A_5 = tpu.matmul %get3A_1, %get3A_4, %dot_general3A {dimension_numbers = #tpu.dot_dimension_numbers<[1], [0], [0], [1], [0, 0, 1, 1], [], []>, transpose_lhs_hint = false} : vector<1024x512xf32>, vector<512x50xf32>, vector<1024x50xf32> -> vector<1024x50xf32>
    %get3A_6 = arith.constant 0 : index
    %get3A_7 = arith.constant 0 : index
    %get3A_8 = vector.load %arg3[%get3A_6, %get3A_7] : memref<1x50xf32, #tpu.memory_space<vmem>>, vector<1x50xf32>
    %add3A = vector.broadcast %get3A_8 : vector<1x50xf32> to vector<1024x50xf32>
    %add3A_9 = arith.addf %dot_general3A_5, %add3A : vector<1024x50xf32>
    %swap3A = arith.constant 0 : index
    %swap3A_10 = arith.constant 0 : index
    %swap3A_11 = vector.load %arg4[%swap3A, %swap3A_10] : memref<1024x50xf32, #tpu.memory_space<vmem>>, vector<1024x50xf32>
    tpu.vector_store %arg4[%swap3A, %swap3A_10], %add3A_9 {strides = array<i32>} : memref<1024x50xf32, #tpu.memory_space<vmem>>, vector<1024x50xf32>,
    return
  }
  func.func @transform_0(%arg0: i32) -> (i32, i32) {
    %c0_i32 = arith.constant 0 : i32
    %c0_i32_0 = arith.constant 0 : i32
    return %arg0, %c0_i32 : i32, i32
  }
  func.func @transform_1(%arg0: i32) -> (i32, i32) {
    %c0_i32 = arith.constant 0 : i32
    %c0_i32_0 = arith.constant 0 : i32
    %c0_i32_1 = arith.constant 0 : i32
    return %c0_i32, %c0_i32_0 : i32, i32
  }
  func.func @transform_2(%arg0: i32) -> (i32, i32) {
    %c0_i32 = arith.constant 0 : i32
    %c0_i32_0 = arith.constant 0 : i32
    %c0_i32_1 = arith.constant 0 : i32
    return %c0_i32, %c0_i32_0 : i32, i32
  }
  func.func @transform_3(%arg0: i32) -> (i32, i32) {
    %c0_i32 = arith.constant 0 : i32
    %c0_i32_0 = arith.constant 0 : i32
    return %arg0, %c0_i32 : i32, i32
  }
}

module attributes {stable_mosaic.version = 14 : i64} {
  func.func @_lsm_body(%arg0: memref<4096x50xf32, #tpu.memory_space<vmem>>, %arg1: memref<4096x50xf32, #tpu.memory_space<vmem>>) attributes {dimension_semantics = [], scalar_prefetch = 0 : i64, scratch_operands = 0 : i64, tpu.core_type = #tpu.core_type<tc>} {
    %get3A = arith.constant 0 : index
    %get3A_0 = arith.constant 0 : index
    %get3A_1 = vector.load %arg0[%get3A, %get3A_0] : memref<4096x50xf32, #tpu.memory_space<vmem>>, vector<4096x50xf32>
    %reduce_max3A = arith.constant dense<0xFF800000> : vector<4096xf32>
    %reduce_max3A_2 = vector.multi_reduction <maximumf>, %get3A_1, %reduce_max3A [1] : vector<4096x50xf32> to vector<4096xf32>
    %broadcast_in_dim3A = vector.shape_cast %reduce_max3A_2 : vector<4096xf32> to vector<4096x1xf32>
    %sub3A = vector.broadcast %broadcast_in_dim3A : vector<4096x1xf32> to vector<4096x50xf32>
    %sub3A_3 = arith.subf %get3A_1, %sub3A : vector<4096x50xf32>
    %exp3A = math.exp %sub3A_3 : vector<4096x50xf32>
    %reduce_sum3A = arith.constant dense<0.000000e+00> : vector<4096xf32>
    %reduce_sum3A_4 = vector.multi_reduction <add>, %exp3A, %reduce_sum3A [1] : vector<4096x50xf32> to vector<4096xf32>
    %broadcast_in_dim3A_5 = vector.shape_cast %reduce_sum3A_4 : vector<4096xf32> to vector<4096x1xf32>
    %log3A = math.log %broadcast_in_dim3A_5 : vector<4096x1xf32>
    %sub3A_6 = vector.broadcast %log3A : vector<4096x1xf32> to vector<4096x50xf32>
    %sub3A_7 = arith.subf %sub3A_3, %sub3A_6 : vector<4096x50xf32>
    %swap3A = arith.constant 0 : index
    %swap3A_8 = arith.constant 0 : index
    %swap3A_9 = vector.load %arg1[%swap3A, %swap3A_8] : memref<4096x50xf32, #tpu.memory_space<vmem>>, vector<4096x50xf32>
    tpu.vector_store %arg1[%swap3A, %swap3A_8], %sub3A_7 {strides = array<i32>} : memref<4096x50xf32, #tpu.memory_space<vmem>>, vector<4096x50xf32>,
    return
  }
}

</mosaic_0001>

<sc_bundles>
// kernel: kernel.51.cloned.1.call-start
scs
__scs_entry_jumppad:
0x0: {  	(pc) =	sbr.rel $0x88, $3  }
0x1: {  	(tag) =	ssettag $0x0;
	lr =	simm.s32 $0x1  }
0x2: {  	[smem:$0x3F69] =	sst lr;
	_ =	strace $0xD0000000  }
0x3: {  	_ = 	snop  }
0x4: {  	_ = 	snop  }
0x5: {  	_ = 	snop  }
0x6: {  	_ = 	snop  }
0x7: {  	_ = 	snop  }
__scs_overlays_trampoline_lowered:
0x8: {  	[smem:$0x3F78] =	sst s0  }
0x9: {  	[smem:$0x3F79] =	sst s1  }
0xa: {  	[smem:$0x3F7A] =	sst s2  }
0xb: {  	[smem:$0x3F7B] =	sst s3  }
0xc: {  	[smem:$0x3F7C] =	sst s4  }
0xd: {  	[smem:$0x3F7D] =	sst s5  }
0xe: {  	[smem:$0x3F7E] =	sst s6  }
0xf: {  	[smem:$0x3F7F] =	sst s7  }
0x10: {  	[smem:$0x3F80] =	sst s8  }
0x11: {  	[smem:$0x3F81] =	sst s9;
	s0 =	simm.s32 @!p0 $0x0  }
0x12: {  	s1 =	sld [smem:$0x3F67];
	s0 =	simm.s32 @p0 $0x1  }
0x13: {  	[smem:$0x3F82] =	sst s0;
	s0 =	simm.s32 @!p1 $0x0  }
0x14: {  	s2 =	sld [smem:$0x3F66];
	s0 =	simm.s32 @p1 $0x1  }
0x15: {  	[smem:$0x3F83] =	sst s0;
	s0 =	simm.s32 @!p2 $0x0  }
0x16: {  	s3 =	sld [smem:$0x3FDB];
	s0 =	simm.s32 @p2 $0x1  }
0x17: {  	s4 =	simm.s32 $0x1BF5;
	[smem:$0x3F85] =	sst s0  }
0x18: {  	s0 =	sld [smem:$0x3F68];
	_ =	swait.ge [sflag:s4], $0x0  }
0x19: {  	s7 =	sld [smem:$0x3F69]  }
0x1a: {  	s8 =	sadd.s32 $0xFFFFE003, lr  }
0x1b: {  	s9 =	sadd.s32 $0xFFFFFEF7, lr;
	s5 =	simm.s32 $0xFFFFFFFF;
	p2 =	slt.u32 s8, $0xFFFFF086  }
0x1c: {  	p1 =	slt.u32 s9, $0xF7A;
	s5 =	simm.s32 @!p2 $0x0  }
0x1d: {  	s5 =	simm.s32 @p1 $0x1;
	p0 =	seq.s32 s7, s2  }
0x1e: {  	s7 =	smul.u32 @!p0 $0xF7A, s2;
	p2 =	seq.s32 @!p0 s5, $0x0  }
0x1f: {  	s9 =	smul.u32 $0xF7A, s1;
	s8 =	simm.s32 @!p0 $0x1BF5;
	p2 =	por !p2, p0  }
0x20: {  	[sflag:s8] =	ssyncset.s32 @!p0 $0xFFFFF086;
	s6 =	sadd.s32 @!p0 s3, s7;
	s7 =	simm.s32 @!p0 $0x108  }
0x21: {  	s3 =	sadd.s32 s3, s9;
	s6 =	sadd.s32 @!p0 $0x88, s6;
	s7 =	simm.s32 @p2 $0x1082  }
0x22: {  	[simem:s7], [sflag:s8] =	dma.local @!p0 [hbm:s6], $0xF7A  }
0x23: {  	s9 =	sor.u32 $0xD0000000, s2;
	s6 =	simm.s32 $0x108;
	_ =	swait.ge @!p0 [sflag:s8], $0x0  }
0x24: {  	s3 =	sadd.s32 $0x88, s3;
	s6 =	simm.s32 @!p1 $0x1082;
	[sflag:s4] =	ssyncset.s32 $0xFFFFF086  }
0x25: {  	[simem:s6], [sflag:s4] =	dma.local [hbm:s3], $0xF7A  }
0x26: {  	[smem:$0x3F69] =	sst s1;
	(tag) =	ssettag s2;
	_ =	strace s9  }
0x27: {  	s1 =	sld [smem:$0x3F79]  }
0x28: {  	s2 =	sld [smem:$0x3F7A]  }
0x29: {  	s4 =	sld [smem:$0x3F7C]  }
0x2a: {  	p0 =	seq.s32 s5, $0x0;
	s5 =	sld [smem:$0x3F7D]  }
0x2b: {  	s6 =	sld [smem:$0x3F7E]  }
0x2c: {  	s7 =	sld [smem:$0x3F7F]  }
0x2d: {  	s3 =	simm.s32 $0x108;
	s8 =	sld [smem:$0x3F80]  }
0x2e: {  	s3 =	simm.s32 @!p0 $0x1082;
	s9 =	sld [smem:$0x3F81]  }
0x2f: {  	lr =	sadd.s32 s0, s3;
	s0 =	sld [smem:$0x3F78]  }
0x30: {  	s3 =	sld [smem:$0x3F7B]  }
0x31: {  	[smem:$0x3F84] =	sst s10  }
0x32: {  	s10 =	sld [smem:$0x3F82];
	_ =	sdelay $0x3  }
0x33: {  	p0 =	seq.s32 s10, $0x1;
	s10 =	sld [smem:$0x3F84];
	_ =	sdelay $0x3  }
0x34: {  	[smem:$0x3F84] =	sst s10  }
0x35: {  	s10 =	sld [smem:$0x3F83];
	_ =	sdelay $0x3  }
0x36: {  	p1 =	seq.s32 s10, $0x1;
	s10 =	sld [smem:$0x3F84];
	_ =	sdelay $0x3  }
0x37: {  	[smem:$0x3F84] =	sst s10  }
0x38: {  	s10 =	sld [smem:$0x3F85]  }
0x39: {  	_ = 	snop;
	(pc) =	sbr.ind lr, $3  }
0x3a: {  	_ = 	snop  }
0x3b: {  	_ = 	snop  }
0x3c: {  	p2 =	seq.s32 s10, $0x1;
	s10 =	sld [smem:$0x3F84]  }
0x3d: {  	_ =	shalt  }
0x3e: {  	_ =	shalt  }
0x3f: {  	_ =	shalt  }
0x40: {  	_ =	shalt  }
0x41: {  	_ =	shalt  }
0x42: {  	_ =	shalt  }
0x43: {  	_ =	shalt  }
0x44: {  	_ =	shalt  }
0x45: {  	_ =	shalt  }
0x46: {  	_ =	shalt  }
0x47: {  	_ =	shalt  }
0x48: {  	_ =	shalt  }
0x49: {  	_ =	shalt  }
0x4a: {  	_ =	shalt  }
0x4b: {  	_ =	shalt  }
0x4c: {  	_ =	shalt  }
0x4d: {  	_ =	shalt  }
0x4e: {  	_ =	shalt  }
0x4f: {  	_ =	shalt  }
0x50: {  	_ =	shalt  }
0x51: {  	_ =	shalt  }
0x52: {  	_ =	shalt  }
0x53: {  	_ =	shalt  }
0x54: {  	_ =	shalt  }
0x55: {  	_ =	shalt  }
0x56: {  	_ =	shalt  }
0x57: {  	_ =	shalt  }
0x58: {  	_ =	shalt  }
0x59: {  	_ =	shalt  }
0x5a: {  	_ =	shalt  }
0x5b: {  	_ =	shalt  }
0x5c: {  	_ =	shalt  }
0x5d: {  	_ =	shalt  }
0x5e: {  	_ =	shalt  }
0x5f: {  	_ =	shalt  }
0x60: {  	_ =	shalt  }
0x61: {  	_ =	shalt  }
0x62: {  	_ =	shalt  }
0x63: {  	_ =	shalt  }
0x64: {  	_ =	shalt  }
0x65: {  	_ =	shalt  }
0x66: {  	_ =	shalt  }
0x67: {  	_ =	shalt  }
0x68: {  	_ =	shalt  }
0x69: {  	_ =	shalt  }
0x6a: {  	_ =	shalt  }
0x6b: {  	_ =	shalt  }
0x6c: {  	_ =	shalt  }
0x6d: {  	_ =	shalt  }
0x6e: {  	_ =	shalt  }
0x6f: {  	_ =	shalt  }
0x70: {  	_ =	shalt  }
0x71: {  	_ =	shalt  }
0x72: {  	_ =	shalt  }
0x73: {  	_ =	shalt  }
0x74: {  	_ =	shalt  }
0x75: {  	_ =	shalt  }
0x76: {  	_ =	shalt  }
0x77: {  	_ =	shalt  }
0x78: {  	_ =	shalt  }
0x79: {  	_ =	shalt  }
0x7a: {  	_ =	shalt  }
0x7b: {  	_ =	shalt  }
0x7c: {  	_ =	shalt  }
0x7d: {  	_ =	shalt  }
0x7e: {  	_ =	shalt  }
0x7f: {  	_ =	shalt  }
0x80: {  	_ =	shalt  }
0x81: {  	_ =	shalt  }
0x82: {  	_ =	shalt  }
0x83: {  	_ =	shalt  }
0x84: {  	_ =	shalt  }
0x85: {  	_ =	shalt  }
0x86: {  	_ =	shalt  }
0x87: {  	_ =	shalt  }
.Lfunc_end0:
.L_simem_size_0:
called_computation_lowered:
.L_overlay_start_0:
0x88: {  	s2 =	sld [smem:$0x3FD9]  }
0x89: {  	s3 =	sld [smem:$0x3FFE];
	_ =	sdelay $0x1  }
0x8a: {  	s1 =	srdreg.scid  }
0x8b: {  	s0 =	sand.u32 $0x1, s1  }
0x8c: {  	s17 =	sshll.u32 s0, $0xA;
	s2 =	sadd.s32 s3, s2  }
0x8d: {  	s2 =	sadd.s32 s2, s17  }
0x8e: {  	[smem:$0x3F90] =	sst s2  }
0x8f: {  	_ = 	snop  }
0x90: {  	s2 =	sld [smem:$0x3FD0];
	(tm) =	ssettm $0x1  }
0x91: {  	s18 =	sld [smem:$0x3FFB];
	_ =	sdelay $0x3  }
0x92: {  	_ =	strace s18  }
0x93: {  	s3 =	sld [smem:$0x3FFC];
	_ =	sdelay $0x3  }
0x94: {  	_ =	strace s3  }
0x95: {  	s3 =	sld [smem:$0x3FFD];
	_ =	sdelay $0x3  }
0x96: {  	_ =	strace s3  }
0x97: {  	_ =	strace $0x8FFFFFFF  }
0x98: {  	s19 =	sld [smem:$0x3FDB];
	_ =	sdelay $0x1  }
0x99: {  	s4 =	simm.s32 $_scs_section_size  }
0x9a: {  	s5 =	simm.s32 $_size__tile_overlayer_lowered;
	s6 =	simm.s32 $_tile_overlayer_lowered  }
0x9b: {  	s22 =	simm.s32 $0x1BFF;
	s21 =	sshll.u32 s6, $0x1;
	s3 =	sadd.s32 s4, s19  }
0x9c: {  	s7 =	simm.s32 $0x0;
	s20 =	sshll.u32 s5, $0x1;
	s5 =	sadd.s32 s21, s3  }
0x9d: {  	[timem:s7], [sflag:s22] =	dma.local [hbm:s5], s20  }
0x9e: {  	_ =	swait.ge [sflag:s22], s20  }
0x9f: {  	s4 =	ssub.s32 $0x0, s20;
	[sflag:s22] =	ssyncset.done $0x0  }
0xa0: {  	[sflag:s22] =	ssyncadd.s32 s4;
	_ =	sdelay $0x1  }
0xa1: {  	s23 =	simm.s32 $0x1B8B  }
0xa2: {  	_ =	swait.ge [sflag:s23], $0x1  }
0xa3: {  	[sflag:s23] =	ssyncset.done $0x0  }
0xa4: {  	s25 =	simm.s32 $0x1B8E;
	s24 =	sld [smem:$0x3FFE];
	[sflag:s23] =	ssyncadd.s32 $0xFFFFFFFF  }
0xa5: {  	s26 =	simm.s32 $execute0_lowered;
	[smem:$0x3FD2] =	sst s25  }
0xa6: {  	s5 =	sshll.u32 s26, $0x1;
	_ =	strace $0x80000046;
	[dreg:$0x1] =	wrdreg $0xFFFFFFFF  }
0xa7: {  	s28 =	simm.s32 $_size_execute0_lowered;
	s3 =	sadd.s32 s3, s5;
	[dreg:$0x0] =	wrdreg $0x0  }
0xa8: {  	s5 =	sshll.u32 s28, $0x1;
	[dreg:$0x2] =	wrdreg s3  }
0xa9: {  	[dreg:$0x3] =	wrdreg s5  }
0xaa: {  	[dreg:$0x4] =	wrdreg $0xC0  }
0xab: {  	_ =	task [dreg:s7], $0x5FFFF  }
0xac: {  	[dreg:$0x1] =	wrdreg $0xFFFFFFFF  }
0xad: {  	[dreg:$0x0] =	wrdreg $0x60  }
0xae: {  	[dreg:$0x2] =	wrdreg s24  }
0xaf: {  	[dreg:$0x3] =	wrdreg s2  }
0xb0: {  	[dreg:$0x4] =	wrdreg $0x9  }
0xb1: {  	_ =	task.clear_ibuf [dreg:s7], $0x5FFFF;
	_ =	strace $0x90000046  }
0xb2: {  	s29 =	simm.s32 $0x9;
	_ =	strace $0x80000048  }
0xb3: {  	_ =	swait.ge [sflag:s29], $0x1  }
0xb4: {  	[sflag:s29] =	ssyncadd.s32 $0xFFFFFFFF  }
0xb5: {  	_ =	strace $0x90000048  }
0xb6: {  	_ =	sfence  }
0xb7: {  	s30 =	sld [smem:$0x0];
	_ =	sdelay $0x2  }
0xb8: {  	s31 =	sshll.u32 s1, $0xD;
	s1 =	sshrl.u32 s1, $0x2  }
0xb9: {  	s3 =	sand.u32 $0x4000, s31;
	s1 =	sadd.s32 s1, s30  }
0xba: {  	s0 =	sor.u32 s3, s0;
	s1 =	sshll.u32 s1, $0x11  }
0xbb: {  	s0 =	sor.u32 s1, s0  }
0xbc: {  	s0 =	sadd.s32 $0x8F2B, s0  }
0xbd: {  	[sflag:s0] =	ssyncadd.remote.s32 $0x1  }
0xbe: {  	_ =	sfence.sel $0xFFFF  }
0xbf: {  	[dreg:$0x0] =	wrdreg $0xFFFFFFFF;
	(pc) =	sbr.abs _section_cstart, $3  }
0xc0: {  	[dreg:$0x1] =	wrdreg $0xFFFFFFFF  }
0xc1: {  	_ =	task.clear_ibuf [dreg:s7], $0x2FFFF;
	_ =	strace $0x9FFFFFFF  }
0xc2: {  	(tm) =	ssettm $0x7FFFFFFF  }
0xc3: {  	_ =	shalt  }
tec
execute0_lowered:
.L_overlay_start_1:
0x0: {  	(tag) =	ssettag $0x1  }
0x1: {  	s4 =	rddreg [dreg:$0x0]  }
0x2: {  	s7 =	rddreg [dreg:$0x1]  }
0x3: {  	s0 =	rddreg [dreg:$0x2];
	s1 =	stileid.u32  }
0x4: {  	s2 =	simm.s32 $0x0;
	s3 =	srdreg.scid;
	s12 =	simm.s32 $0x1  }
0x5: {  	s13 =	simm.s32 $0x2;
	s14 =	simm.s32 $0x0;
	s5 =	smul.u32 $0x32000, s1  }
0x6: {  	[smem:$0x7FF] =	sst s2;
	s6 =	sand.u32 $0x1, s3;
	s8 =	smul.u32 $0x3200, s1  }
0x7: {  	s3 =	sadd.s32 $0x29800, s4;
	s9 =	ssub.s32 $0x2, s6;
	s10 =	smul.u32 $0x1900, s6  }
0x8: {  	_ =	strace $0x80000047;
	s6 =	smul.u32 $0x19000, s6;
	s11 =	sshrl.u32 s9, $0x1  }
0x9: {  	s5 =	sadd.s32 s5, s4;
	s30 =	ssub.s32 s9, s11;
	s8 =	sadd.s32 s10, s8  }
0xa: {  	s5 =	sadd.s32 s6, s5;
	s9 =	simm.s32 $0x80;
	s10 =	simm.s32 $0x100  }
0xb: {  	s11 =	simm.s32 $0x4100;
	s4 =	smax.u32 s30, $0x1;
	s31 =	sor.u32 $0x80, s8  }
0xc: {  	s5 =	sadd.s32 $0x39800, s5;
	s8 =	sshrl.u32 s8, $0x3;
	s6 =	sshrl.u32 s31, $0x3  }
0xd: {  	s6 =	sadd.s32 s6, s7;
	s7 =	sadd.s32 s8, s7;
	s8 =	simm.s32 $0x3  }
.LBB2_1:
0xe: {  	s15 =	sadd.s32 $0x0, s7  }
0xf: {  	[tilespmem:s2], [sflag:$0x3] =	stream.linear.gather [hbm4b:s15+s2], $0x80, $0x38;
	[tilespmem:$0x8100] =	vst v63  }
0x10: {  	_ =	swait.ge [sflag:s8], $0x80  }
0x11: {  	[sflag:s8] =	ssyncset.done $0x0  }
0x12: {  	[sflag:s8] =	ssyncadd.s32 $0xFFFFFF80  }
0x13: {  	[tilespmem:s10], [sflag:$0x1] =	stream.indirect.gather [hbm4b:s3+s9], $0x80, s2, s9, $0xb8;
	[tilespmem:$0x8100] =	vst v63  }
0x14: {  	s30 =	sadd.s32 $0x0, s6  }
0x15: {  	[tilespmem:s9], [sflag:$0x3] =	stream.linear.gather [hbm4b:s30+s2], $0x80, $0x38;
	[tilespmem:$0x8100] =	vst v63  }
0x16: {  	_ =	swait.ge [sflag:s8], $0x80  }
0x17: {  	[sflag:s8] =	ssyncset.done $0x0  }
0x18: {  	[sflag:s8] =	ssyncadd.s32 $0xFFFFFF80  }
0x19: {  	[tilespmem:s11], [sflag:$0x2] =	stream.indirect.gather [hbm4b:s3+s9], $0x80, s9, s9, $0xb8;
	[tilespmem:$0x8100] =	vst v63  }
0x1a: {  	_ =	swait.ge [sflag:s12], $0x4000  }
0x1b: {  	[sflag:s12] =	ssyncset.done $0x0  }
0x1c: {  	[sflag:s12] =	ssyncadd.s32 $0xFFFFC000  }
0x1d: {  	[hbm4b:s5+s2] =	stream.linear.scatter [tilespmem:s10], [sflag:$0x3], $0x4000, $0x38;
	[tilespmem:$0x8100] =	vst v63  }
0x1e: {  	_ =	swait.ge [sflag:s8], $0x4000  }
0x1f: {  	[sflag:s8] =	ssyncset.done $0x0  }
0x20: {  	[sflag:s8] =	ssyncadd.s32 $0xFFFFC000  }
0x21: {  	_ =	swait.ge [sflag:s13], $0x4000  }
0x22: {  	[sflag:s13] =	ssyncset.done $0x0  }
0x23: {  	s31 =	sadd.s32 $0x800, s5;
	[sflag:s13] =	ssyncadd.s32 $0xFFFFC000  }
0x24: {  	[hbm4b:s31+s2] =	stream.linear.scatter [tilespmem:s11], [sflag:$0x3], $0x4000, $0x38;
	[tilespmem:$0x8100] =	vst v63  }
0x25: {  	s16 =	simm.s32 $0x20;
	_ =	swait.ge [sflag:s8], $0x4000  }
0x26: {  	s17 =	simm.s32 $0x40;
	s15 =	sadd.s32 $0x1000, s5;
	[sflag:s8] =	ssyncset.done $0x0  }
.LBB2_2:
0x27: {  	s18 =	sadd.s32 s16, s7  }
0x28: {  	[sflag:s8] =	ssyncadd.s32 $0xFFFFC000;
	s19 =	smov.u32 s17;
	s20 =	sadd.s32 $0x20, s17  }
0x29: {  	[tilespmem:s2], [sflag:$0x3] =	stream.linear.gather [hbm4b:s18+s2], $0x80, $0x38;
	[tilespmem:$0x8100] =	vst v63  }
0x2a: {  	p0 =	sne.s32 s17, $0x300;
	_ =	swait.ge [sflag:s8], $0x80  }
0x2b: {  	[sflag:s8] =	ssyncset.done $0x0  }
0x2c: {  	[sflag:s8] =	ssyncadd.s32 $0xFFFFFF80  }
0x2d: {  	[tilespmem:s10], [sflag:$0x1] =	stream.indirect.gather [hbm4b:s3+s9], $0x80, s2, s9, $0xb8;
	[tilespmem:$0x8100] =	vst v63  }
0x2e: {  	s17 =	sadd.s32 s16, s6;
	s16 =	smov.u32 s19  }
0x2f: {  	[tilespmem:s9], [sflag:$0x3] =	stream.linear.gather [hbm4b:s17+s2], $0x80, $0x38;
	[tilespmem:$0x8100] =	vst v63  }
0x30: {  	_ =	swait.ge [sflag:s8], $0x80  }
0x31: {  	[sflag:s8] =	ssyncset.done $0x0  }
0x32: {  	[sflag:s8] =	ssyncadd.s32 $0xFFFFFF80  }
0x33: {  	[tilespmem:s11], [sflag:$0x2] =	stream.indirect.gather [hbm4b:s3+s9], $0x80, s9, s9, $0xb8;
	[tilespmem:$0x8100] =	vst v63  }
0x34: {  	_ =	swait.ge [sflag:s12], $0x4000  }
0x35: {  	[sflag:s12] =	ssyncset.done $0x0  }
0x36: {  	[sflag:s12] =	ssyncadd.s32 $0xFFFFC000  }
0x37: {  	[hbm4b:s15+s2] =	stream.linear.scatter [tilespmem:s10], [sflag:$0x3], $0x4000, $0x38;
	[tilespmem:$0x8100] =	vst v63  }
0x38: {  	_ =	swait.ge [sflag:s8], $0x4000  }
0x39: {  	[sflag:s8] =	ssyncset.done $0x0  }
0x3a: {  	[sflag:s8] =	ssyncadd.s32 $0xFFFFC000  }
0x3b: {  	_ =	swait.ge [sflag:s13], $0x4000  }
.Ltmp0:
0x3c: {  	[sflag:s13] =	ssyncset.done $0x0;
	(pc) =	sbr.rel @p0 .LBB2_2-.Ltmp0, $4  }
0x3d: {  	s17 =	sadd.s32 $0x800, s15;
	[sflag:s13] =	ssyncadd.s32 $0xFFFFC000  }
0x3e: {  	[hbm4b:s17+s2] =	stream.linear.scatter [tilespmem:s11], [sflag:$0x3], $0x4000, $0x38;
	[tilespmem:$0x8100] =	vst v63  }
0x3f: {  	_ =	swait.ge [sflag:s8], $0x4000  }
0x40: {  	s15 =	sadd.s32 $0x1000, s15;
	s17 =	smov.u32 s20;
	[sflag:s8] =	ssyncset.done $0x0  }
0x41: {  	s17 =	sadd.s32 s16, s7;
	[sflag:s8] =	ssyncadd.s32 $0xFFFFC000  }
0x42: {  	[tilespmem:s2], [sflag:$0x3] =	stream.linear.gather [hbm4b:s17+s2], $0x80, $0x38;
	[tilespmem:$0x8100] =	vst v63  }
0x43: {  	_ =	swait.ge [sflag:s8], $0x80  }
0x44: {  	[sflag:s8] =	ssyncset.done $0x0  }
0x45: {  	[sflag:s8] =	ssyncadd.s32 $0xFFFFFF80  }
0x46: {  	[tilespmem:s10], [sflag:$0x1] =	stream.indirect.gather [hbm4b:s3+s9], $0x80, s2, s9, $0xb8;
	[tilespmem:$0x8100] =	vst v63  }
0x47: {  	s30 =	sadd.s32 s16, s6  }
0x48: {  	[tilespmem:s9], [sflag:$0x3] =	stream.linear.gather [hbm4b:s30+s2], $0x80, $0x38;
	[tilespmem:$0x8100] =	vst v63  }
0x49: {  	_ =	swait.ge [sflag:s8], $0x80  }
0x4a: {  	[sflag:s8] =	ssyncset.done $0x0  }
0x4b: {  	[sflag:s8] =	ssyncadd.s32 $0xFFFFFF80  }
0x4c: {  	[tilespmem:s11], [sflag:$0x2] =	stream.indirect.gather [hbm4b:s3+s9], $0x80, s9, s9, $0xb8;
	[tilespmem:$0x8100] =	vst v63  }
0x4d: {  	_ =	swait.ge [sflag:s12], $0x4000  }
0x4e: {  	[sflag:s12] =	ssyncset.done $0x0  }
0x4f: {  	[sflag:s12] =	ssyncadd.s32 $0xFFFFC000  }
0x50: {  	[hbm4b:s15+s2] =	stream.linear.scatter [tilespmem:s10], [sflag:$0x3], $0x4000, $0x38;
	[tilespmem:$0x8100] =	vst v63  }
0x51: {  	_ =	swait.ge [sflag:s8], $0x4000  }
0x52: {  	[sflag:s8] =	ssyncset.done $0x0  }
0x53: {  	[sflag:s8] =	ssyncadd.s32 $0xFFFFC000  }
0x54: {  	s14 =	sadd.s32 $0x1, s14;
	_ =	swait.ge [sflag:s13], $0x4000  }
0x55: {  	p0 =	sne.s32 s14, s4;
	[sflag:s13] =	ssyncset.done $0x0  }
.Ltmp1:
0x56: {  	s31 =	sadd.s32 $0x800, s15;
	[sflag:s13] =	ssyncadd.s32 $0xFFFFC000;
	(pc) =	sbr.rel @p0 .LBB2_1-.Ltmp1, $4  }
0x57: {  	[hbm4b:s31+s2] =	stream.linear.scatter [tilespmem:s11], [sflag:$0x3], $0x4000, $0x38;
	[tilespmem:$0x8100] =	vst v63  }
0x58: {  	_ =	swait.ge [sflag:s8], $0x4000  }
0x59: {  	[sflag:s8] =	ssyncset.done $0x0  }
0x5a: {  	[sflag:s8] =	ssyncadd.s32 $0xFFFFC000  }
0x5b: {  	_ =	sfence.sel $0x180000  }
0x5c: {  	[bflag:$0x0] =	sbarrier.arrive $0xFFFF  }
0x5d: {  	p0 =	sne.s32 s1, $0x0;
	_ =	strace $0x90000047  }
0x5e: {  	s0 =	sadd.s32 @!p0 $0x100000, s0;
	[bflag:$0x2] =	sbarrier.arrive $0xFFFF  }
0x5f: {  	[sflag:s0] =	ssyncadd.tile.s32 @!p0 $0x1;
	_ =	shalt  }
.Lfunc_end2:
_tile_overlayer_lowered:
.L_overlay_start_2:
0x60: {  	(tag) =	ssettag $0x2  }
0x61: {  	s0 =	rddreg [dreg:$0x0];
	s2 =	stileid.u32  }
0x62: {  	s1 =	rddreg [dreg:$0x1];
	p0 =	sne.s32 s2, $0x0  }
0x63: {  	s3 =	rddreg [dreg:$0x2];
	[bflag:$0x3] =	sbarrier.arrive $0xFFFF;
	s2 =	simm.s32 @!p0 $0x1C03  }
0x64: {  	[timem:s3], [sflag:s2] =	dma.local @!p0 [hbm:s0], s1  }
0x65: {  	s0 =	simm.s32 @!p0 $0x3  }
0x66: {  	_ =	swait.ge @!p0 [sflag:s0], s1  }
0x67: {  	s1 =	ssub.s32 @!p0 $0x0, s1;
	[sflag:s0] =	ssyncset.done @!p0 $0x0  }
0x68: {  	[sflag:s0] =	ssyncadd.s32 @!p0 s1  }
0x69: {  	[bflag:$0x3] =	sbarrier.arrive $0xFFFF  }
0x6a: {  	_ =	shalt  }

// kernel: kernel.54.cloned.1.call-start
scs
__scs_entry_jumppad:
0x0: {  	(pc) =	sbr.rel $0x88, $3  }
0x1: {  	(tag) =	ssettag $0x0;
	lr =	simm.s32 $0x1  }
0x2: {  	[smem:$0x3F69] =	sst lr;
	_ =	strace $0xD0000000  }
0x3: {  	_ = 	snop  }
0x4: {  	_ = 	snop  }
0x5: {  	_ = 	snop  }
0x6: {  	_ = 	snop  }
0x7: {  	_ = 	snop  }
__scs_overlays_trampoline_lowered:
0x8: {  	[smem:$0x3F78] =	sst s0  }
0x9: {  	[smem:$0x3F79] =	sst s1  }
0xa: {  	[smem:$0x3F7A] =	sst s2  }
0xb: {  	[smem:$0x3F7B] =	sst s3  }
0xc: {  	[smem:$0x3F7C] =	sst s4  }
0xd: {  	[smem:$0x3F7D] =	sst s5  }
0xe: {  	[smem:$0x3F7E] =	sst s6  }
0xf: {  	[smem:$0x3F7F] =	sst s7  }
0x10: {  	[smem:$0x3F80] =	sst s8  }
0x11: {  	[smem:$0x3F81] =	sst s9;
	s0 =	simm.s32 @!p0 $0x0  }
0x12: {  	s1 =	sld [smem:$0x3F67];
	s0 =	simm.s32 @p0 $0x1  }
0x13: {  	[smem:$0x3F82] =	sst s0;
	s0 =	simm.s32 @!p1 $0x0  }
0x14: {  	s2 =	sld [smem:$0x3F66];
	s0 =	simm.s32 @p1 $0x1  }
0x15: {  	[smem:$0x3F83] =	sst s0;
	s0 =	simm.s32 @!p2 $0x0  }
0x16: {  	s3 =	sld [smem:$0x3FDB];
	s0 =	simm.s32 @p2 $0x1  }
0x17: {  	s4 =	simm.s32 $0x1BF5;
	[smem:$0x3F85] =	sst s0  }
0x18: {  	s0 =	sld [smem:$0x3F68];
	_ =	swait.ge [sflag:s4], $0x0  }
0x19: {  	s7 =	sld [smem:$0x3F69]  }
0x1a: {  	s8 =	sadd.s32 $0xFFFFE003, lr  }
0x1b: {  	s9 =	sadd.s32 $0xFFFFFEF7, lr;
	s5 =	simm.s32 $0xFFFFFFFF;
	p2 =	slt.u32 s8, $0xFFFFF086  }
0x1c: {  	p1 =	slt.u32 s9, $0xF7A;
	s5 =	simm.s32 @!p2 $0x0  }
0x1d: {  	s5 =	simm.s32 @p1 $0x1;
	p0 =	seq.s32 s7, s2  }
0x1e: {  	s7 =	smul.u32 @!p0 $0xF7A, s2;
	p2 =	seq.s32 @!p0 s5, $0x0  }
0x1f: {  	s9 =	smul.u32 $0xF7A, s1;
	s8 =	simm.s32 @!p0 $0x1BF5;
	p2 =	por !p2, p0  }
0x20: {  	[sflag:s8] =	ssyncset.s32 @!p0 $0xFFFFF086;
	s6 =	sadd.s32 @!p0 s3, s7;
	s7 =	simm.s32 @!p0 $0x108  }
0x21: {  	s3 =	sadd.s32 s3, s9;
	s6 =	sadd.s32 @!p0 $0x88, s6;
	s7 =	simm.s32 @p2 $0x1082  }
0x22: {  	[simem:s7], [sflag:s8] =	dma.local @!p0 [hbm:s6], $0xF7A  }
0x23: {  	s9 =	sor.u32 $0xD0000000, s2;
	s6 =	simm.s32 $0x108;
	_ =	swait.ge @!p0 [sflag:s8], $0x0  }
0x24: {  	s3 =	sadd.s32 $0x88, s3;
	s6 =	simm.s32 @!p1 $0x1082;
	[sflag:s4] =	ssyncset.s32 $0xFFFFF086  }
0x25: {  	[simem:s6], [sflag:s4] =	dma.local [hbm:s3], $0xF7A  }
0x26: {  	[smem:$0x3F69] =	sst s1;
	(tag) =	ssettag s2;
	_ =	strace s9  }
0x27: {  	s1 =	sld [smem:$0x3F79]  }
0x28: {  	s2 =	sld [smem:$0x3F7A]  }
0x29: {  	s4 =	sld [smem:$0x3F7C]  }
0x2a: {  	p0 =	seq.s32 s5, $0x0;
	s5 =	sld [smem:$0x3F7D]  }
0x2b: {  	s6 =	sld [smem:$0x3F7E]  }
0x2c: {  	s7 =	sld [smem:$0x3F7F]  }
0x2d: {  	s3 =	simm.s32 $0x108;
	s8 =	sld [smem:$0x3F80]  }
0x2e: {  	s3 =	simm.s32 @!p0 $0x1082;
	s9 =	sld [smem:$0x3F81]  }
0x2f: {  	lr =	sadd.s32 s0, s3;
	s0 =	sld [smem:$0x3F78]  }
0x30: {  	s3 =	sld [smem:$0x3F7B]  }
0x31: {  	[smem:$0x3F84] =	sst s10  }
0x32: {  	s10 =	sld [smem:$0x3F82];
	_ =	sdelay $0x3  }
0x33: {  	p0 =	seq.s32 s10, $0x1;
	s10 =	sld [smem:$0x3F84];
	_ =	sdelay $0x3  }
0x34: {  	[smem:$0x3F84] =	sst s10  }
0x35: {  	s10 =	sld [smem:$0x3F83];
	_ =	sdelay $0x3  }
0x36: {  	p1 =	seq.s32 s10, $0x1;
	s10 =	sld [smem:$0x3F84];
	_ =	sdelay $0x3  }
0x37: {  	[smem:$0x3F84] =	sst s10  }
0x38: {  	s10 =	sld [smem:$0x3F85]  }
0x39: {  	_ = 	snop;
	(pc) =	sbr.ind lr, $3  }
0x3a: {  	_ = 	snop  }
0x3b: {  	_ = 	snop  }
0x3c: {  	p2 =	seq.s32 s10, $0x1;
	s10 =	sld [smem:$0x3F84]  }
0x3d: {  	_ =	shalt  }
0x3e: {  	_ =	shalt  }
0x3f: {  	_ =	shalt  }
0x40: {  	_ =	shalt  }
0x41: {  	_ =	shalt  }
0x42: {  	_ =	shalt  }
0x43: {  	_ =	shalt  }
0x44: {  	_ =	shalt  }
0x45: {  	_ =	shalt  }
0x46: {  	_ =	shalt  }
0x47: {  	_ =	shalt  }
0x48: {  	_ =	shalt  }
0x49: {  	_ =	shalt  }
0x4a: {  	_ =	shalt  }
0x4b: {  	_ =	shalt  }
0x4c: {  	_ =	shalt  }
0x4d: {  	_ =	shalt  }
0x4e: {  	_ =	shalt  }
0x4f: {  	_ =	shalt  }
0x50: {  	_ =	shalt  }
0x51: {  	_ =	shalt  }
0x52: {  	_ =	shalt  }
0x53: {  	_ =	shalt  }
0x54: {  	_ =	shalt  }
0x55: {  	_ =	shalt  }
0x56: {  	_ =	shalt  }
0x57: {  	_ =	shalt  }
0x58: {  	_ =	shalt  }
0x59: {  	_ =	shalt  }
0x5a: {  	_ =	shalt  }
0x5b: {  	_ =	shalt  }
0x5c: {  	_ =	shalt  }
0x5d: {  	_ =	shalt  }
0x5e: {  	_ =	shalt  }
0x5f: {  	_ =	shalt  }
0x60: {  	_ =	shalt  }
0x61: {  	_ =	shalt  }
0x62: {  	_ =	shalt  }
0x63: {  	_ =	shalt  }
0x64: {  	_ =	shalt  }
0x65: {  	_ =	shalt  }
0x66: {  	_ =	shalt  }
0x67: {  	_ =	shalt  }
0x68: {  	_ =	shalt  }
0x69: {  	_ =	shalt  }
0x6a: {  	_ =	shalt  }
0x6b: {  	_ =	shalt  }
0x6c: {  	_ =	shalt  }
0x6d: {  	_ =	shalt  }
0x6e: {  	_ =	shalt  }
0x6f: {  	_ =	shalt  }
0x70: {  	_ =	shalt  }
0x71: {  	_ =	shalt  }
0x72: {  	_ =	shalt  }
0x73: {  	_ =	shalt  }
0x74: {  	_ =	shalt  }
0x75: {  	_ =	shalt  }
0x76: {  	_ =	shalt  }
0x77: {  	_ =	shalt  }
0x78: {  	_ =	shalt  }
0x79: {  	_ =	shalt  }
0x7a: {  	_ =	shalt  }
0x7b: {  	_ =	shalt  }
0x7c: {  	_ =	shalt  }
0x7d: {  	_ =	shalt  }
0x7e: {  	_ =	shalt  }
0x7f: {  	_ =	shalt  }
0x80: {  	_ =	shalt  }
0x81: {  	_ =	shalt  }
0x82: {  	_ =	shalt  }
0x83: {  	_ =	shalt  }
0x84: {  	_ =	shalt  }
0x85: {  	_ =	shalt  }
0x86: {  	_ =	shalt  }
0x87: {  	_ =	shalt  }
.Lfunc_end0:
.L_simem_size_0:
called_computation.1_lowered:
.L_overlay_start_0:
0x88: {  	s2 =	sld [smem:$0x3FD9]  }
0x89: {  	s3 =	sld [smem:$0x3FFE];
	_ =	sdelay $0x1  }
0x8a: {  	s1 =	srdreg.scid  }
0x8b: {  	s0 =	sand.u32 $0x1, s1  }
0x8c: {  	s16 =	sshll.u32 s0, $0xA;
	s2 =	sadd.s32 s3, s2  }
0x8d: {  	s2 =	sadd.s32 s2, s16  }
0x8e: {  	[smem:$0x3F90] =	sst s2  }
0x8f: {  	_ = 	snop  }
0x90: {  	(tm) =	ssettm $0x1  }
0x91: {  	s17 =	sld [smem:$0x3FFB];
	_ =	sdelay $0x3  }
0x92: {  	_ =	strace s17  }
0x93: {  	s2 =	sld [smem:$0x3FFC];
	_ =	sdelay $0x3  }
0x94: {  	_ =	strace s2  }
0x95: {  	s2 =	sld [smem:$0x3FFD];
	_ =	sdelay $0x3  }
0x96: {  	_ =	strace s2  }
0x97: {  	_ =	strace $0x8FFFFFFF  }
0x98: {  	s18 =	sld [smem:$0x3FDB];
	_ =	sdelay $0x1  }
0x99: {  	s19 =	simm.s32 $_scs_section_size  }
0x9a: {  	s4 =	simm.s32 $_size__tile_overlayer_lowered;
	s5 =	simm.s32 $_tile_overlayer_lowered  }
0x9b: {  	s22 =	simm.s32 $0x1BFF;
	s21 =	sshll.u32 s5, $0x1;
	s2 =	sadd.s32 s19, s18  }
0x9c: {  	s6 =	simm.s32 $0x0;
	s20 =	sshll.u32 s4, $0x1;
	s4 =	sadd.s32 s21, s2  }
0x9d: {  	[timem:s6], [sflag:s22] =	dma.local [hbm:s4], s20  }
0x9e: {  	_ =	swait.ge [sflag:s22], s20  }
0x9f: {  	s3 =	ssub.s32 $0x0, s20;
	[sflag:s22] =	ssyncset.done $0x0  }
0xa0: {  	[sflag:s22] =	ssyncadd.s32 s3;
	_ =	sdelay $0x1  }
0xa1: {  	s23 =	simm.s32 $0x1B8B  }
0xa2: {  	_ =	swait.ge [sflag:s23], $0x1  }
0xa3: {  	[sflag:s23] =	ssyncset.done $0x0  }
0xa4: {  	s25 =	simm.s32 $0x1B8E;
	s24 =	sld [smem:$0x3FFE];
	[sflag:s23] =	ssyncadd.s32 $0xFFFFFFFF  }
0xa5: {  	s26 =	simm.s32 $execute0_lowered;
	[smem:$0x3FD2] =	sst s25  }
0xa6: {  	s4 =	sshll.u32 s26, $0x1;
	_ =	strace $0x80000049;
	[dreg:$0x1] =	wrdreg $0xFFFFFFFF  }
0xa7: {  	s28 =	simm.s32 $_size_execute0_lowered;
	s2 =	sadd.s32 s2, s4;
	[dreg:$0x0] =	wrdreg $0x0  }
0xa8: {  	s4 =	sshll.u32 s28, $0x1;
	[dreg:$0x2] =	wrdreg s2  }
0xa9: {  	[dreg:$0x3] =	wrdreg s4  }
0xaa: {  	[dreg:$0x4] =	wrdreg $0xC0  }
0xab: {  	_ =	task [dreg:s6], $0x5FFFF  }
0xac: {  	[dreg:$0x1] =	wrdreg $0xFFFFFFFF  }
0xad: {  	[dreg:$0x0] =	wrdreg $0x60  }
0xae: {  	[dreg:$0x2] =	wrdreg s24  }
0xaf: {  	[dreg:$0x3] =	wrdreg $0x9  }
0xb0: {  	_ =	task.clear_ibuf [dreg:s6], $0x4FFFF;
	_ =	strace $0x90000049  }
0xb1: {  	s29 =	simm.s32 $0x9;
	_ =	strace $0x8000004B  }
0xb2: {  	_ =	swait.ge [sflag:s29], $0x1  }
0xb3: {  	[sflag:s29] =	ssyncadd.s32 $0xFFFFFFFF  }
0xb4: {  	_ =	strace $0x9000004B  }
0xb5: {  	_ =	sfence  }
0xb6: {  	s30 =	sld [smem:$0x0];
	_ =	sdelay $0x2  }
0xb7: {  	s31 =	sshll.u32 s1, $0xD;
	s1 =	sshrl.u32 s1, $0x2  }
0xb8: {  	s3 =	sand.u32 $0x4000, s31;
	s1 =	sadd.s32 s1, s30  }
0xb9: {  	s0 =	sor.u32 s3, s0;
	s1 =	sshll.u32 s1, $0x11  }
0xba: {  	s0 =	sor.u32 s1, s0  }
0xbb: {  	s0 =	sadd.s32 $0x8F2B, s0  }
0xbc: {  	[sflag:s0] =	ssyncadd.remote.s32 $0x1  }
0xbd: {  	_ =	sfence.sel $0xFFFF  }
0xbe: {  	[dreg:$0x0] =	wrdreg $0xFFFFFFFF;
	(pc) =	sbr.abs _section_cstart, $3  }
0xbf: {  	[dreg:$0x1] =	wrdreg $0xFFFFFFFF  }
0xc0: {  	_ =	task.clear_ibuf [dreg:s6], $0x2FFFF;
	_ =	strace $0x9FFFFFFF  }
0xc1: {  	(tm) =	ssettm $0x7FFFFFFF  }
tec
execute0_lowered:
.L_overlay_start_1:
0x0: {  	(tag) =	ssettag $0x1  }
0x1: {  	s4 =	rddreg [dreg:$0x0]  }
0x2: {  	s0 =	rddreg [dreg:$0x1];
	s2 =	simm.s32 $0x0;
	s1 =	stileid.u32  }
0x3: {  	s3 =	srdreg.scid;
	s12 =	simm.s32 $0x1;
	s13 =	simm.s32 $0x2  }
0x4: {  	s14 =	simm.s32 $0x0;
	[smem:$0x7FF] =	sst s2;
	s5 =	smul.u32 $0x3C000, s1  }
0x5: {  	s6 =	sand.u32 $0x1, s3;
	s7 =	smul.u32 $0x3C00, s1;
	s3 =	sadd.s32 $0x149800, s4  }
0x6: {  	s10 =	sadd.s32 $0x389800, s4;
	s8 =	ssub.s32 $0x2, s6;
	s9 =	smul.u32 $0x1E00, s6  }
0x7: {  	_ =	strace $0x8000004A;
	s6 =	smul.u32 $0x1E000, s6;
	s11 =	sshrl.u32 s8, $0x1  }
0x8: {  	s5 =	sadd.s32 s5, s4;
	s30 =	ssub.s32 s8, s11;
	s7 =	sadd.s32 s9, s7  }
0x9: {  	s5 =	sadd.s32 s6, s5;
	s8 =	simm.s32 $0x3;
	s9 =	simm.s32 $0x80  }
0xa: {  	s11 =	simm.s32 $0x4100;
	s4 =	smax.u32 s30, $0x1;
	s31 =	sor.u32 $0x80, s7  }
0xb: {  	s5 =	sadd.s32 $0x711000, s5;
	s7 =	sshrl.u32 s7, $0x3;
	s6 =	sshrl.u32 s31, $0x3  }
0xc: {  	s7 =	sadd.s32 s7, s10;
	s6 =	sadd.s32 s6, s10;
	s10 =	simm.s32 $0x100  }
.LBB2_1:
0xd: {  	s15 =	sadd.s32 $0x0, s7  }
0xe: {  	[tilespmem:s2], [sflag:$0x3] =	stream.linear.gather [hbm4b:s15+s2], $0x80, $0x38;
	[tilespmem:$0x8100] =	vst v63  }
0xf: {  	_ =	swait.ge [sflag:s8], $0x80  }
0x10: {  	[sflag:s8] =	ssyncset.done $0x0  }
0x11: {  	[sflag:s8] =	ssyncadd.s32 $0xFFFFFF80  }
0x12: {  	[tilespmem:s10], [sflag:$0x1] =	stream.indirect.gather [hbm4b:s3+s9], $0x80, s2, s9, $0xb8;
	[tilespmem:$0x8100] =	vst v63  }
0x13: {  	s30 =	sadd.s32 $0x0, s6  }
0x14: {  	[tilespmem:s9], [sflag:$0x3] =	stream.linear.gather [hbm4b:s30+s2], $0x80, $0x38;
	[tilespmem:$0x8100] =	vst v63  }
0x15: {  	_ =	swait.ge [sflag:s8], $0x80  }
0x16: {  	[sflag:s8] =	ssyncset.done $0x0  }
0x17: {  	[sflag:s8] =	ssyncadd.s32 $0xFFFFFF80  }
0x18: {  	[tilespmem:s11], [sflag:$0x2] =	stream.indirect.gather [hbm4b:s3+s9], $0x80, s9, s9, $0xb8;
	[tilespmem:$0x8100] =	vst v63  }
0x19: {  	_ =	swait.ge [sflag:s12], $0x4000  }
0x1a: {  	[sflag:s12] =	ssyncset.done $0x0  }
0x1b: {  	[sflag:s12] =	ssyncadd.s32 $0xFFFFC000  }
0x1c: {  	[hbm4b:s5+s2] =	stream.linear.scatter [tilespmem:s10], [sflag:$0x3], $0x4000, $0x38;
	[tilespmem:$0x8100] =	vst v63  }
0x1d: {  	_ =	swait.ge [sflag:s8], $0x4000  }
0x1e: {  	[sflag:s8] =	ssyncset.done $0x0  }
0x1f: {  	[sflag:s8] =	ssyncadd.s32 $0xFFFFC000  }
0x20: {  	_ =	swait.ge [sflag:s13], $0x4000  }
0x21: {  	[sflag:s13] =	ssyncset.done $0x0  }
0x22: {  	s31 =	sadd.s32 $0x800, s5;
	[sflag:s13] =	ssyncadd.s32 $0xFFFFC000  }
0x23: {  	[hbm4b:s31+s2] =	stream.linear.scatter [tilespmem:s11], [sflag:$0x3], $0x4000, $0x38;
	[tilespmem:$0x8100] =	vst v63  }
0x24: {  	s16 =	simm.s32 $0x20;
	_ =	swait.ge [sflag:s8], $0x4000  }
0x25: {  	s17 =	simm.s32 $0x40;
	s15 =	sadd.s32 $0x1000, s5;
	[sflag:s8] =	ssyncset.done $0x0  }
.LBB2_2:
0x26: {  	s18 =	sadd.s32 s16, s7  }
0x27: {  	[sflag:s8] =	ssyncadd.s32 $0xFFFFC000;
	s19 =	smov.u32 s17;
	s20 =	sadd.s32 $0x20, s17  }
0x28: {  	[tilespmem:s2], [sflag:$0x3] =	stream.linear.gather [hbm4b:s18+s2], $0x80, $0x38;
	[tilespmem:$0x8100] =	vst v63  }
0x29: {  	p0 =	sne.s32 s17, $0x3A0;
	_ =	swait.ge [sflag:s8], $0x80  }
0x2a: {  	[sflag:s8] =	ssyncset.done $0x0  }
0x2b: {  	[sflag:s8] =	ssyncadd.s32 $0xFFFFFF80  }
0x2c: {  	[tilespmem:s10], [sflag:$0x1] =	stream.indirect.gather [hbm4b:s3+s9], $0x80, s2, s9, $0xb8;
	[tilespmem:$0x8100] =	vst v63  }
0x2d: {  	s17 =	sadd.s32 s16, s6;
	s16 =	smov.u32 s19  }
0x2e: {  	[tilespmem:s9], [sflag:$0x3] =	stream.linear.gather [hbm4b:s17+s2], $0x80, $0x38;
	[tilespmem:$0x8100] =	vst v63  }
0x2f: {  	_ =	swait.ge [sflag:s8], $0x80  }
0x30: {  	[sflag:s8] =	ssyncset.done $0x0  }
0x31: {  	[sflag:s8] =	ssyncadd.s32 $0xFFFFFF80  }
0x32: {  	[tilespmem:s11], [sflag:$0x2] =	stream.indirect.gather [hbm4b:s3+s9], $0x80, s9, s9, $0xb8;
	[tilespmem:$0x8100] =	vst v63  }
0x33: {  	_ =	swait.ge [sflag:s12], $0x4000  }
0x34: {  	[sflag:s12] =	ssyncset.done $0x0  }
0x35: {  	[sflag:s12] =	ssyncadd.s32 $0xFFFFC000  }
0x36: {  	[hbm4b:s15+s2] =	stream.linear.scatter [tilespmem:s10], [sflag:$0x3], $0x4000, $0x38;
	[tilespmem:$0x8100] =	vst v63  }
0x37: {  	_ =	swait.ge [sflag:s8], $0x4000  }
0x38: {  	[sflag:s8] =	ssyncset.done $0x0  }
0x39: {  	[sflag:s8] =	ssyncadd.s32 $0xFFFFC000  }
0x3a: {  	_ =	swait.ge [sflag:s13], $0x4000  }
.Ltmp0:
0x3b: {  	[sflag:s13] =	ssyncset.done $0x0;
	(pc) =	sbr.rel @p0 .LBB2_2-.Ltmp0, $4  }
0x3c: {  	s17 =	sadd.s32 $0x800, s15;
	[sflag:s13] =	ssyncadd.s32 $0xFFFFC000  }
0x3d: {  	[hbm4b:s17+s2] =	stream.linear.scatter [tilespmem:s11], [sflag:$0x3], $0x4000, $0x38;
	[tilespmem:$0x8100] =	vst v63  }
0x3e: {  	_ =	swait.ge [sflag:s8], $0x4000  }
0x3f: {  	s15 =	sadd.s32 $0x1000, s15;
	s17 =	smov.u32 s20;
	[sflag:s8] =	ssyncset.done $0x0  }
0x40: {  	s17 =	sadd.s32 s16, s7;
	[sflag:s8] =	ssyncadd.s32 $0xFFFFC000  }
0x41: {  	[tilespmem:s2], [sflag:$0x3] =	stream.linear.gather [hbm4b:s17+s2], $0x80, $0x38;
	[tilespmem:$0x8100] =	vst v63  }
0x42: {  	_ =	swait.ge [sflag:s8], $0x80  }
0x43: {  	[sflag:s8] =	ssyncset.done $0x0  }
0x44: {  	[sflag:s8] =	ssyncadd.s32 $0xFFFFFF80  }
0x45: {  	[tilespmem:s10], [sflag:$0x1] =	stream.indirect.gather [hbm4b:s3+s9], $0x80, s2, s9, $0xb8;
	[tilespmem:$0x8100] =	vst v63  }
0x46: {  	s30 =	sadd.s32 s16, s6  }
0x47: {  	[tilespmem:s9], [sflag:$0x3] =	stream.linear.gather [hbm4b:s30+s2], $0x80, $0x38;
	[tilespmem:$0x8100] =	vst v63  }
0x48: {  	_ =	swait.ge [sflag:s8], $0x80  }
0x49: {  	[sflag:s8] =	ssyncset.done $0x0  }
0x4a: {  	[sflag:s8] =	ssyncadd.s32 $0xFFFFFF80  }
0x4b: {  	[tilespmem:s11], [sflag:$0x2] =	stream.indirect.gather [hbm4b:s3+s9], $0x80, s9, s9, $0xb8;
	[tilespmem:$0x8100] =	vst v63  }
0x4c: {  	_ =	swait.ge [sflag:s12], $0x4000  }
0x4d: {  	[sflag:s12] =	ssyncset.done $0x0  }
0x4e: {  	[sflag:s12] =	ssyncadd.s32 $0xFFFFC000  }
0x4f: {  	[hbm4b:s15+s2] =	stream.linear.scatter [tilespmem:s10], [sflag:$0x3], $0x4000, $0x38;
	[tilespmem:$0x8100] =	vst v63  }
0x50: {  	_ =	swait.ge [sflag:s8], $0x4000  }
0x51: {  	[sflag:s8] =	ssyncset.done $0x0  }
0x52: {  	[sflag:s8] =	ssyncadd.s32 $0xFFFFC000  }
0x53: {  	s14 =	sadd.s32 $0x1, s14;
	_ =	swait.ge [sflag:s13], $0x4000  }
0x54: {  	p0 =	sne.s32 s14, s4;
	[sflag:s13] =	ssyncset.done $0x0  }
.Ltmp1:
0x55: {  	s31 =	sadd.s32 $0x800, s15;
	[sflag:s13] =	ssyncadd.s32 $0xFFFFC000;
	(pc) =	sbr.rel @p0 .LBB2_1-.Ltmp1, $4  }
0x56: {  	[hbm4b:s31+s2] =	stream.linear.scatter [tilespmem:s11], [sflag:$0x3], $0x4000, $0x38;
	[tilespmem:$0x8100] =	vst v63  }
0x57: {  	_ =	swait.ge [sflag:s8], $0x4000  }
0x58: {  	[sflag:s8] =	ssyncset.done $0x0  }
0x59: {  	[sflag:s8] =	ssyncadd.s32 $0xFFFFC000  }
0x5a: {  	_ =	sfence.sel $0x180000  }
0x5b: {  	[bflag:$0x0] =	sbarrier.arrive $0xFFFF  }
0x5c: {  	p0 =	sne.s32 s1, $0x0;
	_ =	strace $0x9000004A  }
0x5d: {  	s0 =	sadd.s32 @!p0 $0x100000, s0;
	[bflag:$0x2] =	sbarrier.arrive $0xFFFF  }
0x5e: {  	[sflag:s0] =	ssyncadd.tile.s32 @!p0 $0x1;
	_ =	shalt  }
.Lfunc_end2:
_tile_overlayer_lowered:
.L_overlay_start_2:
0x5f: {  	(tag) =	ssettag $0x2  }
0x60: {  	s0 =	rddreg [dreg:$0x0];
	s2 =	stileid.u32  }
0x61: {  	s1 =	rddreg [dreg:$0x1];
	p0 =	sne.s32 s2, $0x0  }
0x62: {  	s3 =	rddreg [dreg:$0x2];
	[bflag:$0x3] =	sbarrier.arrive $0xFFFF;
	s2 =	simm.s32 @!p0 $0x1C03  }
0x63: {  	[timem:s3], [sflag:s2] =	dma.local @!p0 [hbm:s0], s1  }
0x64: {  	s0 =	simm.s32 @!p0 $0x3  }
0x65: {  	_ =	swait.ge @!p0 [sflag:s0], s1  }
0x66: {  	s1 =	ssub.s32 @!p0 $0x0, s1;
	[sflag:s0] =	ssyncset.done @!p0 $0x0  }
0x67: {  	[sflag:s0] =	ssyncadd.s32 @!p0 s1  }
0x68: {  	[bflag:$0x3] =	sbarrier.arrive $0xFFFF  }
0x69: {  	_ =	shalt  }

// kernel: kernel.57.cloned.1.call-start
scs
__scs_entry_jumppad:
0x0: {  	(pc) =	sbr.rel $0x88, $3  }
0x1: {  	(tag) =	ssettag $0x0;
	lr =	simm.s32 $0x1  }
0x2: {  	[smem:$0x3F69] =	sst lr;
	_ =	strace $0xD0000000  }
0x3: {  	_ = 	snop  }
0x4: {  	_ = 	snop  }
0x5: {  	_ = 	snop  }
0x6: {  	_ = 	snop  }
0x7: {  	_ = 	snop  }
__scs_overlays_trampoline_lowered:
0x8: {  	[smem:$0x3F78] =	sst s0  }
0x9: {  	[smem:$0x3F79] =	sst s1  }
0xa: {  	[smem:$0x3F7A] =	sst s2  }
0xb: {  	[smem:$0x3F7B] =	sst s3  }
0xc: {  	[smem:$0x3F7C] =	sst s4  }
0xd: {  	[smem:$0x3F7D] =	sst s5  }
0xe: {  	[smem:$0x3F7E] =	sst s6  }
0xf: {  	[smem:$0x3F7F] =	sst s7  }
0x10: {  	[smem:$0x3F80] =	sst s8  }
0x11: {  	[smem:$0x3F81] =	sst s9;
	s0 =	simm.s32 @!p0 $0x0  }
0x12: {  	s1 =	sld [smem:$0x3F67];
	s0 =	simm.s32 @p0 $0x1  }
0x13: {  	[smem:$0x3F82] =	sst s0;
	s0 =	simm.s32 @!p1 $0x0  }
0x14: {  	s2 =	sld [smem:$0x3F66];
	s0 =	simm.s32 @p1 $0x1  }
0x15: {  	[smem:$0x3F83] =	sst s0;
	s0 =	simm.s32 @!p2 $0x0  }
0x16: {  	s3 =	sld [smem:$0x3FDB];
	s0 =	simm.s32 @p2 $0x1  }
0x17: {  	s4 =	simm.s32 $0x1BF5;
	[smem:$0x3F85] =	sst s0  }
0x18: {  	s0 =	sld [smem:$0x3F68];
	_ =	swait.ge [sflag:s4], $0x0  }
0x19: {  	s7 =	sld [smem:$0x3F69]  }
0x1a: {  	s8 =	sadd.s32 $0xFFFFE003, lr  }
0x1b: {  	s9 =	sadd.s32 $0xFFFFFEF7, lr;
	s5 =	simm.s32 $0xFFFFFFFF;
	p2 =	slt.u32 s8, $0xFFFFF086  }
0x1c: {  	p1 =	slt.u32 s9, $0xF7A;
	s5 =	simm.s32 @!p2 $0x0  }
0x1d: {  	s5 =	simm.s32 @p1 $0x1;
	p0 =	seq.s32 s7, s2  }
0x1e: {  	s7 =	smul.u32 @!p0 $0xF7A, s2;
	p2 =	seq.s32 @!p0 s5, $0x0  }
0x1f: {  	s9 =	smul.u32 $0xF7A, s1;
	s8 =	simm.s32 @!p0 $0x1BF5;
	p2 =	por !p2, p0  }
0x20: {  	[sflag:s8] =	ssyncset.s32 @!p0 $0xFFFFF086;
	s6 =	sadd.s32 @!p0 s3, s7;
	s7 =	simm.s32 @!p0 $0x108  }
0x21: {  	s3 =	sadd.s32 s3, s9;
	s6 =	sadd.s32 @!p0 $0x88, s6;
	s7 =	simm.s32 @p2 $0x1082  }
0x22: {  	[simem:s7], [sflag:s8] =	dma.local @!p0 [hbm:s6], $0xF7A  }
0x23: {  	s9 =	sor.u32 $0xD0000000, s2;
	s6 =	simm.s32 $0x108;
	_ =	swait.ge @!p0 [sflag:s8], $0x0  }
0x24: {  	s3 =	sadd.s32 $0x88, s3;
	s6 =	simm.s32 @!p1 $0x1082;
	[sflag:s4] =	ssyncset.s32 $0xFFFFF086  }
0x25: {  	[simem:s6], [sflag:s4] =	dma.local [hbm:s3], $0xF7A  }
0x26: {  	[smem:$0x3F69] =	sst s1;
	(tag) =	ssettag s2;
	_ =	strace s9  }
0x27: {  	s1 =	sld [smem:$0x3F79]  }
0x28: {  	s2 =	sld [smem:$0x3F7A]  }
0x29: {  	s4 =	sld [smem:$0x3F7C]  }
0x2a: {  	p0 =	seq.s32 s5, $0x0;
	s5 =	sld [smem:$0x3F7D]  }
0x2b: {  	s6 =	sld [smem:$0x3F7E]  }
0x2c: {  	s7 =	sld [smem:$0x3F7F]  }
0x2d: {  	s3 =	simm.s32 $0x108;
	s8 =	sld [smem:$0x3F80]  }
0x2e: {  	s3 =	simm.s32 @!p0 $0x1082;
	s9 =	sld [smem:$0x3F81]  }
0x2f: {  	lr =	sadd.s32 s0, s3;
	s0 =	sld [smem:$0x3F78]  }
0x30: {  	s3 =	sld [smem:$0x3F7B]  }
0x31: {  	[smem:$0x3F84] =	sst s10  }
0x32: {  	s10 =	sld [smem:$0x3F82];
	_ =	sdelay $0x3  }
0x33: {  	p0 =	seq.s32 s10, $0x1;
	s10 =	sld [smem:$0x3F84];
	_ =	sdelay $0x3  }
0x34: {  	[smem:$0x3F84] =	sst s10  }
0x35: {  	s10 =	sld [smem:$0x3F83];
	_ =	sdelay $0x3  }
0x36: {  	p1 =	seq.s32 s10, $0x1;
	s10 =	sld [smem:$0x3F84];
	_ =	sdelay $0x3  }
0x37: {  	[smem:$0x3F84] =	sst s10  }
0x38: {  	s10 =	sld [smem:$0x3F85]  }
0x39: {  	_ = 	snop;
	(pc) =	sbr.ind lr, $3  }
0x3a: {  	_ = 	snop  }
0x3b: {  	_ = 	snop  }
0x3c: {  	p2 =	seq.s32 s10, $0x1;
	s10 =	sld [smem:$0x3F84]  }
0x3d: {  	_ =	shalt  }
0x3e: {  	_ =	shalt  }
0x3f: {  	_ =	shalt  }
0x40: {  	_ =	shalt  }
0x41: {  	_ =	shalt  }
0x42: {  	_ =	shalt  }
0x43: {  	_ =	shalt  }
0x44: {  	_ =	shalt  }
0x45: {  	_ =	shalt  }
0x46: {  	_ =	shalt  }
0x47: {  	_ =	shalt  }
0x48: {  	_ =	shalt  }
0x49: {  	_ =	shalt  }
0x4a: {  	_ =	shalt  }
0x4b: {  	_ =	shalt  }
0x4c: {  	_ =	shalt  }
0x4d: {  	_ =	shalt  }
0x4e: {  	_ =	shalt  }
0x4f: {  	_ =	shalt  }
0x50: {  	_ =	shalt  }
0x51: {  	_ =	shalt  }
0x52: {  	_ =	shalt  }
0x53: {  	_ =	shalt  }
0x54: {  	_ =	shalt  }
0x55: {  	_ =	shalt  }
0x56: {  	_ =	shalt  }
0x57: {  	_ =	shalt  }
0x58: {  	_ =	shalt  }
0x59: {  	_ =	shalt  }
0x5a: {  	_ =	shalt  }
0x5b: {  	_ =	shalt  }
0x5c: {  	_ =	shalt  }
0x5d: {  	_ =	shalt  }
0x5e: {  	_ =	shalt  }
0x5f: {  	_ =	shalt  }
0x60: {  	_ =	shalt  }
0x61: {  	_ =	shalt  }
0x62: {  	_ =	shalt  }
0x63: {  	_ =	shalt  }
0x64: {  	_ =	shalt  }
0x65: {  	_ =	shalt  }
0x66: {  	_ =	shalt  }
0x67: {  	_ =	shalt  }
0x68: {  	_ =	shalt  }
0x69: {  	_ =	shalt  }
0x6a: {  	_ =	shalt  }
0x6b: {  	_ =	shalt  }
0x6c: {  	_ =	shalt  }
0x6d: {  	_ =	shalt  }
0x6e: {  	_ =	shalt  }
0x6f: {  	_ =	shalt  }
0x70: {  	_ =	shalt  }
0x71: {  	_ =	shalt  }
0x72: {  	_ =	shalt  }
0x73: {  	_ =	shalt  }
0x74: {  	_ =	shalt  }
0x75: {  	_ =	shalt  }
0x76: {  	_ =	shalt  }
0x77: {  	_ =	shalt  }
0x78: {  	_ =	shalt  }
0x79: {  	_ =	shalt  }
0x7a: {  	_ =	shalt  }
0x7b: {  	_ =	shalt  }
0x7c: {  	_ =	shalt  }
0x7d: {  	_ =	shalt  }
0x7e: {  	_ =	shalt  }
0x7f: {  	_ =	shalt  }
0x80: {  	_ =	shalt  }
0x81: {  	_ =	shalt  }
0x82: {  	_ =	shalt  }
0x83: {  	_ =	shalt  }
0x84: {  	_ =	shalt  }
0x85: {  	_ =	shalt  }
0x86: {  	_ =	shalt  }
0x87: {  	_ =	shalt  }
.Lfunc_end0:
.L_simem_size_0:
called_computation.2_lowered:
.L_overlay_start_0:
0x88: {  	s2 =	sld [smem:$0x3FD9]  }
0x89: {  	s3 =	sld [smem:$0x3FFE];
	_ =	sdelay $0x1  }
0x8a: {  	s1 =	srdreg.scid  }
0x8b: {  	s0 =	sand.u32 $0x1, s1  }
0x8c: {  	s17 =	sshll.u32 s0, $0xA;
	s2 =	sadd.s32 s3, s2  }
0x8d: {  	s2 =	sadd.s32 s2, s17  }
0x8e: {  	[smem:$0x3F90] =	sst s2  }
0x8f: {  	_ = 	snop  }
0x90: {  	s2 =	sld [smem:$0x3FD0];
	(tm) =	ssettm $0x1  }
0x91: {  	s18 =	sld [smem:$0x3FFB];
	_ =	sdelay $0x3  }
0x92: {  	_ =	strace s18  }
0x93: {  	s3 =	sld [smem:$0x3FFC];
	_ =	sdelay $0x3  }
0x94: {  	_ =	strace s3  }
0x95: {  	s3 =	sld [smem:$0x3FFD];
	_ =	sdelay $0x3  }
0x96: {  	_ =	strace s3  }
0x97: {  	_ =	strace $0x8FFFFFFF  }
0x98: {  	s19 =	sld [smem:$0x3FDB];
	_ =	sdelay $0x1  }
0x99: {  	s4 =	simm.s32 $_scs_section_size  }
0x9a: {  	s5 =	simm.s32 $_size__tile_overlayer_lowered;
	s6 =	simm.s32 $_tile_overlayer_lowered  }
0x9b: {  	s22 =	simm.s32 $0x1BFF;
	s21 =	sshll.u32 s6, $0x1;
	s3 =	sadd.s32 s4, s19  }
0x9c: {  	s7 =	simm.s32 $0x0;
	s20 =	sshll.u32 s5, $0x1;
	s5 =	sadd.s32 s21, s3  }
0x9d: {  	[timem:s7], [sflag:s22] =	dma.local [hbm:s5], s20  }
0x9e: {  	_ =	swait.ge [sflag:s22], s20  }
0x9f: {  	s4 =	ssub.s32 $0x0, s20;
	[sflag:s22] =	ssyncset.done $0x0  }
0xa0: {  	[sflag:s22] =	ssyncadd.s32 s4;
	_ =	sdelay $0x1  }
0xa1: {  	s23 =	simm.s32 $0x1B8B  }
0xa2: {  	_ =	swait.ge [sflag:s23], $0x1  }
0xa3: {  	[sflag:s23] =	ssyncset.done $0x0  }
0xa4: {  	s25 =	simm.s32 $0x1B8E;
	s24 =	sld [smem:$0x3FFE];
	[sflag:s23] =	ssyncadd.s32 $0xFFFFFFFF  }
0xa5: {  	s26 =	simm.s32 $execute0_lowered;
	[smem:$0x3FD2] =	sst s25  }
0xa6: {  	s5 =	sshll.u32 s26, $0x1;
	_ =	strace $0x8000004C;
	[dreg:$0x1] =	wrdreg $0xFFFFFFFF  }
0xa7: {  	s28 =	simm.s32 $_size_execute0_lowered;
	s3 =	sadd.s32 s3, s5;
	[dreg:$0x0] =	wrdreg $0x0  }
0xa8: {  	s5 =	sshll.u32 s28, $0x1;
	[dreg:$0x2] =	wrdreg s3  }
0xa9: {  	[dreg:$0x3] =	wrdreg s5  }
0xaa: {  	[dreg:$0x4] =	wrdreg $0xC0  }
0xab: {  	_ =	task [dreg:s7], $0x5FFFF  }
0xac: {  	[dreg:$0x1] =	wrdreg $0xFFFFFFFF  }
0xad: {  	[dreg:$0x0] =	wrdreg $0x60  }
0xae: {  	[dreg:$0x2] =	wrdreg s24  }
0xaf: {  	[dreg:$0x3] =	wrdreg s2  }
0xb0: {  	[dreg:$0x4] =	wrdreg $0x9  }
0xb1: {  	_ =	task.clear_ibuf [dreg:s7], $0x5FFFF;
	_ =	strace $0x9000004C  }
0xb2: {  	s29 =	simm.s32 $0x9;
	_ =	strace $0x8000004E  }
0xb3: {  	_ =	swait.ge [sflag:s29], $0x1  }
0xb4: {  	[sflag:s29] =	ssyncadd.s32 $0xFFFFFFFF  }
0xb5: {  	_ =	strace $0x9000004E  }
0xb6: {  	_ =	sfence  }
0xb7: {  	s30 =	sld [smem:$0x0];
	_ =	sdelay $0x2  }
0xb8: {  	s31 =	sshll.u32 s1, $0xD;
	s1 =	sshrl.u32 s1, $0x2  }
0xb9: {  	s3 =	sand.u32 $0x4000, s31;
	s1 =	sadd.s32 s1, s30  }
0xba: {  	s0 =	sor.u32 s3, s0;
	s1 =	sshll.u32 s1, $0x11  }
0xbb: {  	s0 =	sor.u32 s1, s0  }
0xbc: {  	s0 =	sadd.s32 $0x8F2B, s0  }
0xbd: {  	[sflag:s0] =	ssyncadd.remote.s32 $0x1  }
0xbe: {  	_ =	sfence.sel $0xFFFF  }
0xbf: {  	[dreg:$0x0] =	wrdreg $0xFFFFFFFF;
	(pc) =	sbr.abs _section_cstart, $3  }
0xc0: {  	[dreg:$0x1] =	wrdreg $0xFFFFFFFF  }
0xc1: {  	_ =	task.clear_ibuf [dreg:s7], $0x2FFFF;
	_ =	strace $0x9FFFFFFF  }
0xc2: {  	(tm) =	ssettm $0x7FFFFFFF  }
0xc3: {  	_ =	shalt  }
tec
execute0_lowered:
.L_overlay_start_1:
0x0: {  	(tag) =	ssettag $0x1  }
0x1: {  	s1 =	srdreg.scid  }
0x2: {  	s11 =	rddreg [dreg:$0x0];
	s0 =	stileid.u32;
	s17 =	sand.u32 $0x1, s1  }
0x3: {  	s15 =	rddreg [dreg:$0x1];
	s3 =	sshll.u32 s0, $0xA;
	s4 =	sshll.u32 s17, $0x9  }
0x4: {  	s2 =	simm.s32 $0x0;
	s1 =	rddreg [dreg:$0x2];
	s16 =	sor.u32 s4, s3  }
0x5: {  	[smem:$0x7FF] =	sst s2;
	s3 =	sshrl.u32 s16, $0x3  }
0x6: {  	_ =	strace $0x8000004D;
	s4 =	sadd.s32 s15, s3;
	s3 =	simm.s32 $0x3  }
0x7: {  	[tilespmem:s2], [sflag:$0x3] =	stream.linear.gather [hbm4b:s4+s2], $0x80, $0x38;
	[tilespmem:$0x8100] =	vst v63  }
0x8: {  	s6 =	simm.s32 $0x80;
	_ =	swait.ge [sflag:s3], $0x80  }
0x9: {  	s7 =	simm.s32 $0x100;
	s13 =	sor.u32 $0x80, s16;
	[sflag:s3] =	ssyncset.done $0x0  }
0xa: {  	s5 =	sadd.s32 $0x19800, s11;
	s8 =	sshrl.u32 s13, $0x3;
	[sflag:s3] =	ssyncadd.s32 $0xFFFFFF80  }
0xb: {  	[tilespmem:s7], [sflag:$0x1] =	stream.indirect.gather [hbm4b:s5+s6], $0x80, s2, s6, $0xb8;
	[tilespmem:$0x8100] =	vst v63  }
0xc: {  	s8 =	sadd.s32 s15, s8  }
0xd: {  	[tilespmem:s6], [sflag:$0x3] =	stream.linear.gather [hbm4b:s8+s2], $0x80, $0x38;
	[tilespmem:$0x8100] =	vst v63  }
0xe: {  	_ =	swait.ge [sflag:s3], $0x80  }
0xf: {  	[sflag:s3] =	ssyncset.done $0x0  }
0x10: {  	s9 =	simm.s32 $0x4100;
	s10 =	simm.s32 $0x1;
	[sflag:s3] =	ssyncadd.s32 $0xFFFFFF80  }
0x11: {  	[tilespmem:s9], [sflag:$0x2] =	stream.indirect.gather [hbm4b:s5+s6], $0x80, s6, s6, $0xb8;
	[tilespmem:$0x8100] =	vst v63  }
0x12: {  	_ =	swait.ge [sflag:s10], $0x4000  }
0x13: {  	s18 =	sadd.s32 $0x29800, s11;
	s26 =	sshll.u32 s16, $0x4;
	[sflag:s10] =	ssyncset.done $0x0  }
0x14: {  	s11 =	sadd.s32 s18, s26;
	[sflag:s10] =	ssyncadd.s32 $0xFFFFC000  }
0x15: {  	[hbm4b:s11+s2] =	stream.linear.scatter [tilespmem:s7], [sflag:$0x3], $0x4000, $0x38;
	[tilespmem:$0x8100] =	vst v63  }
0x16: {  	_ =	swait.ge [sflag:s3], $0x4000  }
0x17: {  	[sflag:s3] =	ssyncset.done $0x0  }
0x18: {  	s12 =	simm.s32 $0x2;
	[sflag:s3] =	ssyncadd.s32 $0xFFFFC000  }
0x19: {  	_ =	swait.ge [sflag:s12], $0x4000  }
0x1a: {  	s13 =	sshll.u32 s13, $0x4;
	[sflag:s12] =	ssyncset.done $0x0  }
0x1b: {  	s13 =	sadd.s32 s18, s13;
	[sflag:s12] =	ssyncadd.s32 $0xFFFFC000  }
0x1c: {  	[hbm4b:s13+s2] =	stream.linear.scatter [tilespmem:s9], [sflag:$0x3], $0x4000, $0x38;
	[tilespmem:$0x8100] =	vst v63  }
0x1d: {  	s19 =	sor.u32 $0x100, s16;
	_ =	swait.ge [sflag:s3], $0x4000  }
0x1e: {  	s14 =	sshrl.u32 s19, $0x3;
	[sflag:s3] =	ssyncset.done $0x0  }
0x1f: {  	s14 =	sadd.s32 s15, s14;
	[sflag:s3] =	ssyncadd.s32 $0xFFFFC000  }
0x20: {  	[tilespmem:s2], [sflag:$0x3] =	stream.linear.gather [hbm4b:s14+s2], $0x80, $0x38;
	[tilespmem:$0x8100] =	vst v63  }
0x21: {  	_ =	swait.ge [sflag:s3], $0x80  }
0x22: {  	s20 =	sor.u32 $0x180, s16;
	[sflag:s3] =	ssyncset.done $0x0  }
0x23: {  	s16 =	sshrl.u32 s20, $0x3;
	[sflag:s3] =	ssyncadd.s32 $0xFFFFFF80  }
0x24: {  	[tilespmem:s7], [sflag:$0x1] =	stream.indirect.gather [hbm4b:s5+s6], $0x80, s2, s6, $0xb8;
	[tilespmem:$0x8100] =	vst v63  }
0x25: {  	s15 =	sadd.s32 s15, s16  }
0x26: {  	[tilespmem:s6], [sflag:$0x3] =	stream.linear.gather [hbm4b:s15+s2], $0x80, $0x38;
	[tilespmem:$0x8100] =	vst v63  }
0x27: {  	_ =	swait.ge [sflag:s3], $0x80  }
0x28: {  	[sflag:s3] =	ssyncset.done $0x0  }
0x29: {  	[sflag:s3] =	ssyncadd.s32 $0xFFFFFF80  }
0x2a: {  	[tilespmem:s9], [sflag:$0x2] =	stream.indirect.gather [hbm4b:s5+s6], $0x80, s6, s6, $0xb8;
	[tilespmem:$0x8100] =	vst v63  }
0x2b: {  	_ =	swait.ge [sflag:s10], $0x4000  }
0x2c: {  	s28 =	sshll.u32 s19, $0x4;
	[sflag:s10] =	ssyncset.done $0x0  }
0x2d: {  	s17 =	ssub.s32 $0x2, s17;
	s16 =	sadd.s32 s18, s28;
	[sflag:s10] =	ssyncadd.s32 $0xFFFFC000  }
0x2e: {  	[hbm4b:s16+s2] =	stream.linear.scatter [tilespmem:s7], [sflag:$0x3], $0x4000, $0x38;
	[tilespmem:$0x8100] =	vst v63  }
0x2f: {  	s29 =	sshrl.u32 s17, $0x1;
	_ =	swait.ge [sflag:s3], $0x4000  }
0x30: {  	s19 =	ssub.s32 s17, s29;
	[sflag:s3] =	ssyncset.done $0x0  }
0x31: {  	s31 =	smax.u32 s19, $0x1;
	[sflag:s3] =	ssyncadd.s32 $0xFFFFC000  }
0x32: {  	p0 =	sne.s32 s31, $0x1;
	_ =	swait.ge [sflag:s12], $0x4000  }
.Ltmp0:
0x33: {  	s30 =	sshll.u32 s20, $0x4;
	[sflag:s12] =	ssyncset.done $0x0;
	(pc) =	sbr.rel @!p0 .LBB2_2-.Ltmp0, $4  }
0x34: {  	s17 =	sadd.s32 s18, s30;
	[sflag:s12] =	ssyncadd.s32 $0xFFFFC000  }
0x35: {  	[hbm4b:s17+s2] =	stream.linear.scatter [tilespmem:s9], [sflag:$0x3], $0x4000, $0x38;
	[tilespmem:$0x8100] =	vst v63  }
0x36: {  	_ =	swait.ge [sflag:s3], $0x4000  }
0x37: {  	s18 =	sadd.s32 $0xFFFFFFFF, s31;
	[sflag:s3] =	ssyncset.done $0x0  }
.LBB2_1:
0x38: {  	p0 =	sne.s32 s18, $0x1;
	s18 =	sadd.s32 $0xFFFFFFFF, s18;
	[sflag:s3] =	ssyncadd.s32 $0xFFFFC000  }
0x39: {  	[tilespmem:s2], [sflag:$0x3] =	stream.linear.gather [hbm4b:s4+s2], $0x80, $0x38;
	[tilespmem:$0x8100] =	vst v63  }
0x3a: {  	_ =	swait.ge [sflag:s3], $0x80  }
0x3b: {  	[sflag:s3] =	ssyncset.done $0x0  }
0x3c: {  	[sflag:s3] =	ssyncadd.s32 $0xFFFFFF80  }
0x3d: {  	[tilespmem:s7], [sflag:$0x1] =	stream.indirect.gather [hbm4b:s5+s6], $0x80, s2, s6, $0xb8;
	[tilespmem:$0x8100] =	vst v63  }
0x3e: {  	_ = 	snop  }
0x3f: {  	[tilespmem:s6], [sflag:$0x3] =	stream.linear.gather [hbm4b:s8+s2], $0x80, $0x38;
	[tilespmem:$0x8100] =	vst v63  }
0x40: {  	_ =	swait.ge [sflag:s3], $0x80  }
0x41: {  	[sflag:s3] =	ssyncset.done $0x0  }
0x42: {  	[sflag:s3] =	ssyncadd.s32 $0xFFFFFF80  }
0x43: {  	[tilespmem:s9], [sflag:$0x2] =	stream.indirect.gather [hbm4b:s5+s6], $0x80, s6, s6, $0xb8;
	[tilespmem:$0x8100] =	vst v63  }
0x44: {  	_ =	swait.ge [sflag:s10], $0x4000  }
0x45: {  	[sflag:s10] =	ssyncset.done $0x0  }
0x46: {  	[sflag:s10] =	ssyncadd.s32 $0xFFFFC000  }
0x47: {  	[hbm4b:s11+s2] =	stream.linear.scatter [tilespmem:s7], [sflag:$0x3], $0x4000, $0x38;
	[tilespmem:$0x8100] =	vst v63  }
0x48: {  	_ =	swait.ge [sflag:s3], $0x4000  }
0x49: {  	[sflag:s3] =	ssyncset.done $0x0  }
0x4a: {  	[sflag:s3] =	ssyncadd.s32 $0xFFFFC000  }
0x4b: {  	_ =	swait.ge [sflag:s12], $0x4000  }
0x4c: {  	[sflag:s12] =	ssyncset.done $0x0  }
0x4d: {  	[sflag:s12] =	ssyncadd.s32 $0xFFFFC000  }
0x4e: {  	[hbm4b:s13+s2] =	stream.linear.scatter [tilespmem:s9], [sflag:$0x3], $0x4000, $0x38;
	[tilespmem:$0x8100] =	vst v63  }
0x4f: {  	_ =	swait.ge [sflag:s3], $0x4000  }
0x50: {  	[sflag:s3] =	ssyncset.done $0x0  }
0x51: {  	[sflag:s3] =	ssyncadd.s32 $0xFFFFC000  }
0x52: {  	[tilespmem:s2], [sflag:$0x3] =	stream.linear.gather [hbm4b:s14+s2], $0x80, $0x38;
	[tilespmem:$0x8100] =	vst v63  }
0x53: {  	_ =	swait.ge [sflag:s3], $0x80  }
0x54: {  	[sflag:s3] =	ssyncset.done $0x0  }
0x55: {  	[sflag:s3] =	ssyncadd.s32 $0xFFFFFF80  }
0x56: {  	[tilespmem:s7], [sflag:$0x1] =	stream.indirect.gather [hbm4b:s5+s6], $0x80, s2, s6, $0xb8;
	[tilespmem:$0x8100] =	vst v63  }
0x57: {  	_ = 	snop  }
0x58: {  	[tilespmem:s6], [sflag:$0x3] =	stream.linear.gather [hbm4b:s15+s2], $0x80, $0x38;
	[tilespmem:$0x8100] =	vst v63  }
0x59: {  	_ =	swait.ge [sflag:s3], $0x80  }
0x5a: {  	[sflag:s3] =	ssyncset.done $0x0  }
0x5b: {  	[sflag:s3] =	ssyncadd.s32 $0xFFFFFF80  }
0x5c: {  	[tilespmem:s9], [sflag:$0x2] =	stream.indirect.gather [hbm4b:s5+s6], $0x80, s6, s6, $0xb8;
	[tilespmem:$0x8100] =	vst v63  }
0x5d: {  	_ =	swait.ge [sflag:s10], $0x4000  }
0x5e: {  	[sflag:s10] =	ssyncset.done $0x0  }
0x5f: {  	[sflag:s10] =	ssyncadd.s32 $0xFFFFC000  }
0x60: {  	[hbm4b:s16+s2] =	stream.linear.scatter [tilespmem:s7], [sflag:$0x3], $0x4000, $0x38;
	[tilespmem:$0x8100] =	vst v63  }
0x61: {  	_ =	swait.ge [sflag:s3], $0x4000  }
0x62: {  	[sflag:s3] =	ssyncset.done $0x0  }
0x63: {  	[sflag:s3] =	ssyncadd.s32 $0xFFFFC000  }
0x64: {  	_ =	swait.ge [sflag:s12], $0x4000  }
.Ltmp1:
0x65: {  	[sflag:s12] =	ssyncset.done $0x0;
	(pc) =	sbr.rel @p0 .LBB2_1-.Ltmp1, $4  }
0x66: {  	[sflag:s12] =	ssyncadd.s32 $0xFFFFC000  }
0x67: {  	[hbm4b:s17+s2] =	stream.linear.scatter [tilespmem:s9], [sflag:$0x3], $0x4000, $0x38;
	[tilespmem:$0x8100] =	vst v63  }
0x68: {  	_ =	swait.ge [sflag:s3], $0x4000  }
0x69: {  	[sflag:s3] =	ssyncset.done $0x0  }
.LBB2_2:
0x6a: {  	[sflag:s3] =	ssyncadd.s32 $0xFFFFC000  }
0x6b: {  	_ =	sfence.sel $0x180000  }
0x6c: {  	[bflag:$0x0] =	sbarrier.arrive $0xFFFF  }
0x6d: {  	p0 =	sne.s32 s0, $0x0;
	_ =	strace $0x9000004D  }
0x6e: {  	s0 =	sadd.s32 @!p0 $0x100000, s1;
	[bflag:$0x2] =	sbarrier.arrive $0xFFFF  }
0x6f: {  	[sflag:s0] =	ssyncadd.tile.s32 @!p0 $0x1;
	_ =	shalt  }
.Lfunc_end2:
_tile_overlayer_lowered:
.L_overlay_start_2:
0x70: {  	(tag) =	ssettag $0x2  }
0x71: {  	s0 =	rddreg [dreg:$0x0];
	s2 =	stileid.u32  }
0x72: {  	s1 =	rddreg [dreg:$0x1];
	p0 =	sne.s32 s2, $0x0  }
0x73: {  	s3 =	rddreg [dreg:$0x2];
	[bflag:$0x3] =	sbarrier.arrive $0xFFFF;
	s2 =	simm.s32 @!p0 $0x1C03  }
0x74: {  	[timem:s3], [sflag:s2] =	dma.local @!p0 [hbm:s0], s1  }
0x75: {  	s0 =	simm.s32 @!p0 $0x3  }
0x76: {  	_ =	swait.ge @!p0 [sflag:s0], s1  }
0x77: {  	s1 =	ssub.s32 @!p0 $0x0, s1;
	[sflag:s0] =	ssyncset.done @!p0 $0x0  }
0x78: {  	[sflag:s0] =	ssyncadd.s32 @!p0 s1  }
0x79: {  	[bflag:$0x3] =	sbarrier.arrive $0xFFFF  }
0x7a: {  	_ =	shalt  }

// kernel: kernel.60.cloned.1.call-start
scs
__scs_entry_jumppad:
0x0: {  	(pc) =	sbr.rel $0x88, $3  }
0x1: {  	(tag) =	ssettag $0x0;
	lr =	simm.s32 $0x1  }
0x2: {  	[smem:$0x3F69] =	sst lr;
	_ =	strace $0xD0000000  }
0x3: {  	_ = 	snop  }
0x4: {  	_ = 	snop  }
0x5: {  	_ = 	snop  }
0x6: {  	_ = 	snop  }
0x7: {  	_ = 	snop  }
__scs_overlays_trampoline_lowered:
0x8: {  	[smem:$0x3F78] =	sst s0  }
0x9: {  	[smem:$0x3F79] =	sst s1  }
0xa: {  	[smem:$0x3F7A] =	sst s2  }
0xb: {  	[smem:$0x3F7B] =	sst s3  }
0xc: {  	[smem:$0x3F7C] =	sst s4  }
0xd: {  	[smem:$0x3F7D] =	sst s5  }
0xe: {  	[smem:$0x3F7E] =	sst s6  }
0xf: {  	[smem:$0x3F7F] =	sst s7  }
0x10: {  	[smem:$0x3F80] =	sst s8  }
0x11: {  	[smem:$0x3F81] =	sst s9;
	s0 =	simm.s32 @!p0 $0x0  }
0x12: {  	s1 =	sld [smem:$0x3F67];
	s0 =	simm.s32 @p0 $0x1  }
0x13: {  	[smem:$0x3F82] =	sst s0;
	s0 =	simm.s32 @!p1 $0x0  }
0x14: {  	s2 =	sld [smem:$0x3F66];
	s0 =	simm.s32 @p1 $0x1  }
0x15: {  	[smem:$0x3F83] =	sst s0;
	s0 =	simm.s32 @!p2 $0x0  }
0x16: {  	s3 =	sld [smem:$0x3FDB];
	s0 =	simm.s32 @p2 $0x1  }
0x17: {  	s4 =	simm.s32 $0x1BF5;
	[smem:$0x3F85] =	sst s0  }
0x18: {  	s0 =	sld [smem:$0x3F68];
	_ =	swait.ge [sflag:s4], $0x0  }
0x19: {  	s7 =	sld [smem:$0x3F69]  }
0x1a: {  	s8 =	sadd.s32 $0xFFFFE003, lr  }
0x1b: {  	s9 =	sadd.s32 $0xFFFFFEF7, lr;
	s5 =	simm.s32 $0xFFFFFFFF;
	p2 =	slt.u32 s8, $0xFFFFF086  }
0x1c: {  	p1 =	slt.u32 s9, $0xF7A;
	s5 =	simm.s32 @!p2 $0x0  }
0x1d: {  	s5 =	simm.s32 @p1 $0x1;
	p0 =	seq.s32 s7, s2  }
0x1e: {  	s7 =	smul.u32 @!p0 $0xF7A, s2;
	p2 =	seq.s32 @!p0 s5, $0x0  }
0x1f: {  	s9 =	smul.u32 $0xF7A, s1;
	s8 =	simm.s32 @!p0 $0x1BF5;
	p2 =	por !p2, p0  }
0x20: {  	[sflag:s8] =	ssyncset.s32 @!p0 $0xFFFFF086;
	s6 =	sadd.s32 @!p0 s3, s7;
	s7 =	simm.s32 @!p0 $0x108  }
0x21: {  	s3 =	sadd.s32 s3, s9;
	s6 =	sadd.s32 @!p0 $0x88, s6;
	s7 =	simm.s32 @p2 $0x1082  }
0x22: {  	[simem:s7], [sflag:s8] =	dma.local @!p0 [hbm:s6], $0xF7A  }
0x23: {  	s9 =	sor.u32 $0xD0000000, s2;
	s6 =	simm.s32 $0x108;
	_ =	swait.ge @!p0 [sflag:s8], $0x0  }
0x24: {  	s3 =	sadd.s32 $0x88, s3;
	s6 =	simm.s32 @!p1 $0x1082;
	[sflag:s4] =	ssyncset.s32 $0xFFFFF086  }
0x25: {  	[simem:s6], [sflag:s4] =	dma.local [hbm:s3], $0xF7A  }
0x26: {  	[smem:$0x3F69] =	sst s1;
	(tag) =	ssettag s2;
	_ =	strace s9  }
0x27: {  	s1 =	sld [smem:$0x3F79]  }
0x28: {  	s2 =	sld [smem:$0x3F7A]  }
0x29: {  	s4 =	sld [smem:$0x3F7C]  }
0x2a: {  	p0 =	seq.s32 s5, $0x0;
	s5 =	sld [smem:$0x3F7D]  }
0x2b: {  	s6 =	sld [smem:$0x3F7E]  }
0x2c: {  	s7 =	sld [smem:$0x3F7F]  }
0x2d: {  	s3 =	simm.s32 $0x108;
	s8 =	sld [smem:$0x3F80]  }
0x2e: {  	s3 =	simm.s32 @!p0 $0x1082;
	s9 =	sld [smem:$0x3F81]  }
0x2f: {  	lr =	sadd.s32 s0, s3;
	s0 =	sld [smem:$0x3F78]  }
0x30: {  	s3 =	sld [smem:$0x3F7B]  }
0x31: {  	[smem:$0x3F84] =	sst s10  }
0x32: {  	s10 =	sld [smem:$0x3F82];
	_ =	sdelay $0x3  }
0x33: {  	p0 =	seq.s32 s10, $0x1;
	s10 =	sld [smem:$0x3F84];
	_ =	sdelay $0x3  }
0x34: {  	[smem:$0x3F84] =	sst s10  }
0x35: {  	s10 =	sld [smem:$0x3F83];
	_ =	sdelay $0x3  }
0x36: {  	p1 =	seq.s32 s10, $0x1;
	s10 =	sld [smem:$0x3F84];
	_ =	sdelay $0x3  }
0x37: {  	[smem:$0x3F84] =	sst s10  }
0x38: {  	s10 =	sld [smem:$0x3F85]  }
0x39: {  	_ = 	snop;
	(pc) =	sbr.ind lr, $3  }
0x3a: {  	_ = 	snop  }
0x3b: {  	_ = 	snop  }
0x3c: {  	p2 =	seq.s32 s10, $0x1;
	s10 =	sld [smem:$0x3F84]  }
0x3d: {  	_ =	shalt  }
0x3e: {  	_ =	shalt  }
0x3f: {  	_ =	shalt  }
0x40: {  	_ =	shalt  }
0x41: {  	_ =	shalt  }
0x42: {  	_ =	shalt  }
0x43: {  	_ =	shalt  }
0x44: {  	_ =	shalt  }
0x45: {  	_ =	shalt  }
0x46: {  	_ =	shalt  }
0x47: {  	_ =	shalt  }
0x48: {  	_ =	shalt  }
0x49: {  	_ =	shalt  }
0x4a: {  	_ =	shalt  }
0x4b: {  	_ =	shalt  }
0x4c: {  	_ =	shalt  }
0x4d: {  	_ =	shalt  }
0x4e: {  	_ =	shalt  }
0x4f: {  	_ =	shalt  }
0x50: {  	_ =	shalt  }
0x51: {  	_ =	shalt  }
0x52: {  	_ =	shalt  }
0x53: {  	_ =	shalt  }
0x54: {  	_ =	shalt  }
0x55: {  	_ =	shalt  }
0x56: {  	_ =	shalt  }
0x57: {  	_ =	shalt  }
0x58: {  	_ =	shalt  }
0x59: {  	_ =	shalt  }
0x5a: {  	_ =	shalt  }
0x5b: {  	_ =	shalt  }
0x5c: {  	_ =	shalt  }
0x5d: {  	_ =	shalt  }
0x5e: {  	_ =	shalt  }
0x5f: {  	_ =	shalt  }
0x60: {  	_ =	shalt  }
0x61: {  	_ =	shalt  }
0x62: {  	_ =	shalt  }
0x63: {  	_ =	shalt  }
0x64: {  	_ =	shalt  }
0x65: {  	_ =	shalt  }
0x66: {  	_ =	shalt  }
0x67: {  	_ =	shalt  }
0x68: {  	_ =	shalt  }
0x69: {  	_ =	shalt  }
0x6a: {  	_ =	shalt  }
0x6b: {  	_ =	shalt  }
0x6c: {  	_ =	shalt  }
0x6d: {  	_ =	shalt  }
0x6e: {  	_ =	shalt  }
0x6f: {  	_ =	shalt  }
0x70: {  	_ =	shalt  }
0x71: {  	_ =	shalt  }
0x72: {  	_ =	shalt  }
0x73: {  	_ =	shalt  }
0x74: {  	_ =	shalt  }
0x75: {  	_ =	shalt  }
0x76: {  	_ =	shalt  }
0x77: {  	_ =	shalt  }
0x78: {  	_ =	shalt  }
0x79: {  	_ =	shalt  }
0x7a: {  	_ =	shalt  }
0x7b: {  	_ =	shalt  }
0x7c: {  	_ =	shalt  }
0x7d: {  	_ =	shalt  }
0x7e: {  	_ =	shalt  }
0x7f: {  	_ =	shalt  }
0x80: {  	_ =	shalt  }
0x81: {  	_ =	shalt  }
0x82: {  	_ =	shalt  }
0x83: {  	_ =	shalt  }
0x84: {  	_ =	shalt  }
0x85: {  	_ =	shalt  }
0x86: {  	_ =	shalt  }
0x87: {  	_ =	shalt  }
.Lfunc_end0:
.L_simem_size_0:
called_computation.3_lowered:
.L_overlay_start_0:
0x88: {  	s2 =	sld [smem:$0x3FD9]  }
0x89: {  	s3 =	sld [smem:$0x3FFE];
	_ =	sdelay $0x1  }
0x8a: {  	s1 =	srdreg.scid  }
0x8b: {  	s0 =	sand.u32 $0x1, s1  }
0x8c: {  	s16 =	sshll.u32 s0, $0xA;
	s2 =	sadd.s32 s3, s2  }
0x8d: {  	s2 =	sadd.s32 s2, s16  }
0x8e: {  	[smem:$0x3F90] =	sst s2  }
0x8f: {  	_ = 	snop  }
0x90: {  	(tm) =	ssettm $0x1  }
0x91: {  	s17 =	sld [smem:$0x3FFB];
	_ =	sdelay $0x3  }
0x92: {  	_ =	strace s17  }
0x93: {  	s2 =	sld [smem:$0x3FFC];
	_ =	sdelay $0x3  }
0x94: {  	_ =	strace s2  }
0x95: {  	s2 =	sld [smem:$0x3FFD];
	_ =	sdelay $0x3  }
0x96: {  	_ =	strace s2  }
0x97: {  	_ =	strace $0x8FFFFFFF  }
0x98: {  	s18 =	sld [smem:$0x3FDB];
	_ =	sdelay $0x1  }
0x99: {  	s19 =	simm.s32 $_scs_section_size  }
0x9a: {  	s4 =	simm.s32 $_size__tile_overlayer_lowered;
	s5 =	simm.s32 $_tile_overlayer_lowered  }
0x9b: {  	s22 =	simm.s32 $0x1BFF;
	s21 =	sshll.u32 s5, $0x1;
	s2 =	sadd.s32 s19, s18  }
0x9c: {  	s6 =	simm.s32 $0x0;
	s20 =	sshll.u32 s4, $0x1;
	s4 =	sadd.s32 s21, s2  }
0x9d: {  	[timem:s6], [sflag:s22] =	dma.local [hbm:s4], s20  }
0x9e: {  	_ =	swait.ge [sflag:s22], s20  }
0x9f: {  	s3 =	ssub.s32 $0x0, s20;
	[sflag:s22] =	ssyncset.done $0x0  }
0xa0: {  	[sflag:s22] =	ssyncadd.s32 s3;
	_ =	sdelay $0x1  }
0xa1: {  	s23 =	simm.s32 $0x1B8B  }
0xa2: {  	_ =	swait.ge [sflag:s23], $0x1  }
0xa3: {  	[sflag:s23] =	ssyncset.done $0x0  }
0xa4: {  	s25 =	simm.s32 $0x1B8E;
	s24 =	sld [smem:$0x3FFE];
	[sflag:s23] =	ssyncadd.s32 $0xFFFFFFFF  }
0xa5: {  	s26 =	simm.s32 $execute0_lowered;
	[smem:$0x3FD2] =	sst s25  }
0xa6: {  	s4 =	sshll.u32 s26, $0x1;
	_ =	strace $0x8000004F;
	[dreg:$0x1] =	wrdreg $0xFFFFFFFF  }
0xa7: {  	s28 =	simm.s32 $_size_execute0_lowered;
	s2 =	sadd.s32 s2, s4;
	[dreg:$0x0] =	wrdreg $0x0  }
0xa8: {  	s4 =	sshll.u32 s28, $0x1;
	[dreg:$0x2] =	wrdreg s2  }
0xa9: {  	[dreg:$0x3] =	wrdreg s4  }
0xaa: {  	[dreg:$0x4] =	wrdreg $0xC0  }
0xab: {  	_ =	task [dreg:s6], $0x5FFFF  }
0xac: {  	[dreg:$0x1] =	wrdreg $0xFFFFFFFF  }
0xad: {  	[dreg:$0x0] =	wrdreg $0x60  }
0xae: {  	[dreg:$0x2] =	wrdreg s24  }
0xaf: {  	[dreg:$0x3] =	wrdreg $0x9  }
0xb0: {  	_ =	task.clear_ibuf [dreg:s6], $0x4FFFF;
	_ =	strace $0x9000004F  }
0xb1: {  	s29 =	simm.s32 $0x9;
	_ =	strace $0x80000051  }
0xb2: {  	_ =	swait.ge [sflag:s29], $0x1  }
0xb3: {  	[sflag:s29] =	ssyncadd.s32 $0xFFFFFFFF  }
0xb4: {  	_ =	strace $0x90000051  }
0xb5: {  	_ =	sfence  }
0xb6: {  	s30 =	sld [smem:$0x0];
	_ =	sdelay $0x2  }
0xb7: {  	s31 =	sshll.u32 s1, $0xD;
	s1 =	sshrl.u32 s1, $0x2  }
0xb8: {  	s3 =	sand.u32 $0x4000, s31;
	s1 =	sadd.s32 s1, s30  }
0xb9: {  	s0 =	sor.u32 s3, s0;
	s1 =	sshll.u32 s1, $0x11  }
0xba: {  	s0 =	sor.u32 s1, s0  }
0xbb: {  	s0 =	sadd.s32 $0x8F2B, s0  }
0xbc: {  	[sflag:s0] =	ssyncadd.remote.s32 $0x1  }
0xbd: {  	_ =	sfence.sel $0xFFFF  }
0xbe: {  	[dreg:$0x0] =	wrdreg $0xFFFFFFFF;
	(pc) =	sbr.abs _section_cstart, $3  }
0xbf: {  	[dreg:$0x1] =	wrdreg $0xFFFFFFFF  }
0xc0: {  	_ =	task.clear_ibuf [dreg:s6], $0x2FFFF;
	_ =	strace $0x9FFFFFFF  }
0xc1: {  	(tm) =	ssettm $0x7FFFFFFF  }
tec
execute0_lowered:
.L_overlay_start_1:
0x0: {  	(tag) =	ssettag $0x1  }
0x1: {  	s4 =	rddreg [dreg:$0x0];
	s2 =	simm.s32 $0x0  }
0x2: {  	s25 =	simm.s32 $0x80;
	[smem:$0x7FF] =	sst s2  }
0x3: {  	s26 =	simm.s32 $0xC900;
	_ =	strace $0x80000050;
	[dreg:$0x4] =	wrdreg s25  }
0x4: {  	s12 =	simm.s32 $0xCD00;
	[dreg:$0x5] =	wrdreg s26  }
0x5: {  	s13 =	simm.s32 $0xD500;
	[dreg:$0x6] =	wrdreg s12  }
0x6: {  	s15 =	simm.s32 $0xD900;
	[dreg:$0x7] =	wrdreg s13  }
0x7: {  	s16 =	simm.s32 $0xE100;
	[dreg:$0x8] =	wrdreg s15  }
0x8: {  	s17 =	simm.s32 $0xE500;
	[dreg:$0x9] =	wrdreg s16  }
0x9: {  	s18 =	simm.s32 $0xED00;
	[dreg:$0xa] =	wrdreg s17  }
0xa: {  	s19 =	simm.s32 $0xF100;
	[dreg:$0xb] =	wrdreg s18  }
0xb: {  	s0 =	srdreg.scid;
	s20 =	simm.s32 $0xF900;
	[dreg:$0xc] =	wrdreg s19  }
0xc: {  	s11 =	stileid.u32;
	s22 =	simm.s32 $0xFD00;
	[dreg:$0xd] =	wrdreg s20  }
0xd: {  	s23 =	simm.s32 $0x10500;
	s1 =	smul.u32 $0xF00, s11;
	[dreg:$0xe] =	wrdreg s22  }
0xe: {  	s14 =	sshll.u32 s11, $0x1;
	s11 =	simm.s32 $0x12900;
	[dreg:$0xf] =	wrdreg s23  }
0xf: {  	s0 =	sand.u32 $0x1, s0;
	s25 =	simm.s32 $0x10900;
	[dreg:$0x15] =	wrdreg s11  }
0x10: {  	s3 =	smul.u32 $0x780, s0;
	s12 =	simm.s32 $0x12D00;
	[dreg:$0x10] =	wrdreg s25  }
0x11: {  	s9 =	ssub.s32 $0x2, s0;
	s13 =	simm.s32 $0x13500;
	[dreg:$0x16] =	wrdreg s12  }
0x12: {  	s0 =	sor.u32 s0, s14;
	s14 =	simm.s32 $0x13900;
	[dreg:$0x17] =	wrdreg s13  }
0x13: {  	s28 =	simm.s32 $0x1900;
	s15 =	simm.s32 $0x14100;
	[dreg:$0x18] =	wrdreg s14  }
0x14: {  	s29 =	simm.s32 $0x2100;
	s16 =	simm.s32 $0x14500;
	[dreg:$0x19] =	wrdreg s15  }
0x15: {  	s30 =	simm.s32 $0x2500;
	s17 =	simm.s32 $0x14D00;
	[dreg:$0x1a] =	wrdreg s16  }
0x16: {  	s31 =	simm.s32 $0x2D00;
	s18 =	simm.s32 $0x15100;
	[dreg:$0x1b] =	wrdreg s17  }
0x17: {  	s5 =	sadd.s32 $0x11000, s4;
	s19 =	simm.s32 $0x15900;
	[dreg:$0x1c] =	wrdreg s18  }
0x18: {  	s8 =	sadd.s32 $0x49800, s4;
	s20 =	simm.s32 $0x15D00;
	[dreg:$0x1d] =	wrdreg s19  }
0x19: {  	s11 =	simm.s32 $0x100;
	s22 =	simm.s32 $0x16900;
	[dreg:$0x1e] =	wrdreg s20  }
0x1a: {  	s23 =	simm.s32 $0x17100;
	s10 =	sshrl.u32 s9, $0x1;
	[smem:$0x7FA] =	sst s22  }
0x1b: {  	s0 =	smul.u32 $0x780, s0;
	[smem:$0x7FB] =	sst s23;
	s25 =	simm.s32 $0x17500  }
0x1c: {  	s17 =	simm.s32 $0xC100;
	s18 =	simm.s32 $0x1;
	s19 =	simm.s32 $0x2  }
0x1d: {  	s12 =	simm.s32 $0x5D00;
	s13 =	simm.s32 $0x6100;
	s14 =	simm.s32 $0x6900  }
0x1e: {  	s15 =	simm.s32 $0x6D00;
	s1 =	sadd.s32 s3, s1;
	s3 =	sadd.s32 $0x31800, s4  }
0x1f: {  	s9 =	ssub.s32 s9, s10;
	s4 =	sadd.s32 $0x31900, s4;
	s10 =	simm.s32 $0x12100  }
0x20: {  	[smem:$0x7FC] =	sst s25;
	s25 =	simm.s32 $0xD00;
	s6 =	sshrl.u32 s1, $0x3  }
0x21: {  	s1 =	sadd.s32 $0x80, s1;
	s26 =	smax.u32 s9, $0x1;
	[dreg:$0x14] =	wrdreg s10  }
0x22: {  	s0 =	sshrl.u32 s0, $0x3;
	s9 =	simm.s32 $0x11D00;
	[smem:$0x7F7] =	sst s26  }
0x23: {  	s10 =	simm.s32 $0x3;
	s7 =	sadd.s32 s6, s5;
	[dreg:$0x13] =	wrdreg s9  }
0x24: {  	s1 =	sshrl.u32 s1, $0x3;
	s26 =	simm.s32 $0x17D00;
	[dreg:$0x2] =	wrdreg s7  }
0x25: {  	s0 =	sadd.s32 $0xE0, s0;
	s24 =	sadd.s32 s1, s5;
	[smem:$0x7FD] =	sst s26  }
0x26: {  	s21 =	smul.u32 $0x180, s0;
	s0 =	sadd.s32 s5, s0;
	[dreg:$0x3] =	wrdreg s24  }
0x27: {  	s6 =	smul.u32 $0x180, s6;
	s5 =	simm.s32 $0x11100;
	[smem:$0x7F5] =	sst s0  }
0x28: {  	s9 =	simm.s32 $0x5500;
	s7 =	simm.s32 $0x11500;
	[dreg:$0x11] =	wrdreg s5  }
0x29: {  	s1 =	smul.u32 $0x180, s1;
	s26 =	simm.s32 $0x1500;
	[dreg:$0x12] =	wrdreg s7  }
0x2a: {  	s5 =	sadd.s32 s6, s8;
	s0 =	simm.s32 $0x0;
	s6 =	simm.s32 $0x4500  }
0x2b: {  	s7 =	simm.s32 $0x4900;
	s24 =	sadd.s32 s8, s21;
	[smem:$0x7F8] =	sst s5  }
0x2c: {  	v2 =	vlaneseq.u32;
	s1 =	sadd.s32 s1, s8;
	s21 =	simm.s32 $0x16500;
	[smem:$0x7F6] =	sst s24  }
0x2d: {  	vm0 =	vmmov $0xffff;
	vm1 =	vmmov $0xff;
	v1 =	vshrl.u32 v2, $0x3;
	s5 =	simm.s32 $0x3D00;
	s8 =	simm.s32 $0x5100;
	[smem:$0x7F9] =	sst s1  }
0x2e: {  	v0 =	vand.u32 $0x7, v2;
	v2 =	vor.u32 $0x8, v2;
	v1 =	vmul.u32 $0x8, v1;
	s24 =	simm.s32 $0x900;
	[dreg:$0x1f] =	wrdreg s21;
	s1 =	simm.s32 $0x3100  }
.LBB2_1:
0x2f: {  	[smem:$0x7F4] =	sst s0  }
0x30: {  	s20 =	sld [smem:$0x7F9]  }
0x31: {  	s0 =	simm.s32 $0x3900;
	s21 =	sld [smem:$0x7F8];
	s22 =	simm.s32 $0x0  }
.LBB2_2:
0x32: {  	s23 =	rddreg [dreg:$0x2]  }
0x33: {  	s23 =	sadd.s32 s22, s23  }
0x34: {  	[tilespmem:s2], [sflag:$0x3] =	stream.linear.gather [hbm4b:s23+s2], $0x80, $0x38;
	[tilespmem:$0x18100] =	vst v63  }
0x35: {  	_ =	swait.ge [sflag:s10], $0x80  }
0x36: {  	[sflag:s10] =	ssyncset.done $0x0  }
0x37: {  	[sflag:s10] =	ssyncadd.s32 $0xFFFFFF80  }
0x38: {  	v3 =	vld [tilespmem:$0x0];
	_ =	sdelay $0x4  }
0x39: {  	v4 =	vshrl.u32 v3, $0x3  }
0x3a: {  	v4 =	vmul.u32 $0x18, v4  }
0x3b: {  	v3 =	vand.u32 $0x7, v3  }
0x3c: {  	v3 =	vor.u32 v3, v4  }
0x3d: {  	v4 =	vperm.xlane v3, v0;
	_ =	sdelay $0x1  }
0x3e: {  	v4 =	vadd.s32 v1, v4;
	_ =	sdelay $0x1  }
0x3f: {  	v3 =	vperm.xlane v3, v2;
	_ =	sdelay $0x1  }
0x40: {  	v3 =	vadd.s32 v1, v3  }
0x41: {  	[tilespmem:s11], [sflag:$0x1] =	stream.indirect_vreg.gather [hbm4b:s3+s2], $0x80, v4, vm0, $0xb8;
	[tilespmem:$0x18100] =	vst v63  }
0x42: {  	_ = 	snop  }
0x43: {  	[tilespmem:s24], [sflag:$0x1] =	stream.indirect_vreg.gather [hbm4b:s4+s2], $0x80, v4, vm1, $0xb8;
	[tilespmem:$0x18100] =	vst v63  }
0x44: {  	_ = 	snop  }
0x45: {  	[tilespmem:s25], [sflag:$0x1] =	stream.indirect_vreg.gather [hbm4b:s3+s2], $0x80, v3, vm0, $0xb8;
	[tilespmem:$0x18100] =	vst v63  }
0x46: {  	_ = 	snop  }
0x47: {  	[tilespmem:s26], [sflag:$0x1] =	stream.indirect_vreg.gather [hbm4b:s4+s2], $0x80, v3, vm1, $0xb8;
	[tilespmem:$0x18100] =	vst v63  }
0x48: {  	v3 =	vld [tilespmem:$0x10];
	_ =	sdelay $0x4  }
0x49: {  	v49 =	vshrl.u32 v3, $0x3  }
0x4a: {  	v4 =	vmul.u32 $0x18, v49  }
0x4b: {  	v3 =	vand.u32 $0x7, v3  }
0x4c: {  	v3 =	vor.u32 v3, v4  }
0x4d: {  	v4 =	vperm.xlane v3, v0;
	_ =	sdelay $0x1  }
0x4e: {  	v4 =	vadd.s32 v1, v4;
	_ =	sdelay $0x1  }
0x4f: {  	v3 =	vperm.xlane v3, v2;
	_ =	sdelay $0x1  }
0x50: {  	v3 =	vadd.s32 v1, v3  }
0x51: {  	[tilespmem:s28], [sflag:$0x1] =	stream.indirect_vreg.gather [hbm4b:s3+s2], $0x80, v4, vm0, $0xb8;
	[tilespmem:$0x18100] =	vst v63  }
0x52: {  	_ = 	snop  }
0x53: {  	[tilespmem:s29], [sflag:$0x1] =	stream.indirect_vreg.gather [hbm4b:s4+s2], $0x80, v4, vm1, $0xb8;
	[tilespmem:$0x18100] =	vst v63  }
0x54: {  	_ = 	snop  }
0x55: {  	[tilespmem:s30], [sflag:$0x1] =	stream.indirect_vreg.gather [hbm4b:s3+s2], $0x80, v3, vm0, $0xb8;
	[tilespmem:$0x18100] =	vst v63  }
0x56: {  	_ = 	snop  }
0x57: {  	[tilespmem:s31], [sflag:$0x1] =	stream.indirect_vreg.gather [hbm4b:s4+s2], $0x80, v3, vm1, $0xb8;
	[tilespmem:$0x18100] =	vst v63  }
0x58: {  	v3 =	vld [tilespmem:$0x20];
	_ =	sdelay $0x4  }
0x59: {  	v50 =	vshrl.u32 v3, $0x3  }
0x5a: {  	v4 =	vmul.u32 $0x18, v50  }
0x5b: {  	v3 =	vand.u32 $0x7, v3  }
0x5c: {  	v3 =	vor.u32 v3, v4  }
0x5d: {  	v4 =	vperm.xlane v3, v0;
	_ =	sdelay $0x1  }
0x5e: {  	v4 =	vadd.s32 v1, v4;
	_ =	sdelay $0x1  }
0x5f: {  	v3 =	vperm.xlane v3, v2;
	_ =	sdelay $0x1  }
0x60: {  	v3 =	vadd.s32 v1, v3  }
0x61: {  	[tilespmem:s1], [sflag:$0x1] =	stream.indirect_vreg.gather [hbm4b:s3+s2], $0x80, v4, vm0, $0xb8;
	[tilespmem:$0x18100] =	vst v63  }
0x62: {  	_ = 	snop  }
0x63: {  	[tilespmem:s0], [sflag:$0x1] =	stream.indirect_vreg.gather [hbm4b:s4+s2], $0x80, v4, vm1, $0xb8;
	[tilespmem:$0x18100] =	vst v63  }
0x64: {  	_ = 	snop  }
0x65: {  	[tilespmem:s5], [sflag:$0x1] =	stream.indirect_vreg.gather [hbm4b:s3+s2], $0x80, v3, vm0, $0xb8;
	[tilespmem:$0x18100] =	vst v63  }
0x66: {  	_ = 	snop  }
0x67: {  	[tilespmem:s6], [sflag:$0x1] =	stream.indirect_vreg.gather [hbm4b:s4+s2], $0x80, v3, vm1, $0xb8;
	[tilespmem:$0x18100] =	vst v63  }
0x68: {  	v3 =	vld [tilespmem:$0x30];
	_ =	sdelay $0x4  }
0x69: {  	v51 =	vshrl.u32 v3, $0x3  }
0x6a: {  	v4 =	vmul.u32 $0x18, v51  }
0x6b: {  	v3 =	vand.u32 $0x7, v3  }
0x6c: {  	v3 =	vor.u32 v3, v4  }
0x6d: {  	v4 =	vperm.xlane v3, v0;
	_ =	sdelay $0x1  }
0x6e: {  	v4 =	vadd.s32 v1, v4;
	_ =	sdelay $0x1  }
0x6f: {  	v3 =	vperm.xlane v3, v2;
	_ =	sdelay $0x1  }
0x70: {  	v3 =	vadd.s32 v1, v3  }
0x71: {  	[tilespmem:s7], [sflag:$0x1] =	stream.indirect_vreg.gather [hbm4b:s3+s2], $0x80, v4, vm0, $0xb8;
	[tilespmem:$0x18100] =	vst v63  }
0x72: {  	_ = 	snop  }
0x73: {  	[tilespmem:s8], [sflag:$0x1] =	stream.indirect_vreg.gather [hbm4b:s4+s2], $0x80, v4, vm1, $0xb8;
	[tilespmem:$0x18100] =	vst v63  }
0x74: {  	_ = 	snop  }
0x75: {  	[tilespmem:s9], [sflag:$0x1] =	stream.indirect_vreg.gather [hbm4b:s3+s2], $0x80, v3, vm0, $0xb8;
	[tilespmem:$0x18100] =	vst v63  }
0x76: {  	_ = 	snop  }
0x77: {  	[tilespmem:s12], [sflag:$0x1] =	stream.indirect_vreg.gather [hbm4b:s4+s2], $0x80, v3, vm1, $0xb8;
	[tilespmem:$0x18100] =	vst v63  }
0x78: {  	v3 =	vld [tilespmem:$0x40];
	_ =	sdelay $0x4  }
0x79: {  	v52 =	vshrl.u32 v3, $0x3  }
0x7a: {  	v4 =	vmul.u32 $0x18, v52  }
0x7b: {  	v3 =	vand.u32 $0x7, v3  }
0x7c: {  	v3 =	vor.u32 v3, v4  }
0x7d: {  	v4 =	vperm.xlane v3, v0;
	_ =	sdelay $0x1  }
0x7e: {  	v4 =	vadd.s32 v1, v4;
	_ =	sdelay $0x1  }
0x7f: {  	v3 =	vperm.xlane v3, v2;
	_ =	sdelay $0x1  }
0x80: {  	v3 =	vadd.s32 v1, v3  }
0x81: {  	[tilespmem:s13], [sflag:$0x1] =	stream.indirect_vreg.gather [hbm4b:s3+s2], $0x80, v4, vm0, $0xb8;
	[tilespmem:$0x18100] =	vst v63  }
0x82: {  	_ = 	snop  }
0x83: {  	[tilespmem:s14], [sflag:$0x1] =	stream.indirect_vreg.gather [hbm4b:s4+s2], $0x80, v4, vm1, $0xb8;
	[tilespmem:$0x18100] =	vst v63  }
0x84: {  	_ = 	snop  }
0x85: {  	[tilespmem:s15], [sflag:$0x1] =	stream.indirect_vreg.gather [hbm4b:s3+s2], $0x80, v3, vm0, $0xb8;
	[tilespmem:$0x18100] =	vst v63  }
0x86: {  	s16 =	simm.s32 $0x7500  }
0x87: {  	[tilespmem:s16], [sflag:$0x1] =	stream.indirect_vreg.gather [hbm4b:s4+s2], $0x80, v3, vm1, $0xb8;
	[tilespmem:$0x18100] =	vst v63  }
0x88: {  	v3 =	vld [tilespmem:$0x50];
	_ =	sdelay $0x4  }
0x89: {  	v53 =	vshrl.u32 v3, $0x3  }
0x8a: {  	v4 =	vmul.u32 $0x18, v53  }
0x8b: {  	v3 =	vand.u32 $0x7, v3  }
0x8c: {  	v3 =	vor.u32 v3, v4  }
0x8d: {  	v4 =	vperm.xlane v3, v0;
	_ =	sdelay $0x1  }
0x8e: {  	v4 =	vadd.s32 v1, v4;
	_ =	sdelay $0x1  }
0x8f: {  	v3 =	vperm.xlane v3, v2;
	_ =	sdelay $0x1  }
0x90: {  	s24 =	simm.s32 $0x7900;
	v3 =	vadd.s32 v1, v3  }
0x91: {  	[tilespmem:s24], [sflag:$0x1] =	stream.indirect_vreg.gather [hbm4b:s3+s2], $0x80, v4, vm0, $0xb8;
	[tilespmem:$0x18100] =	vst v63  }
0x92: {  	s23 =	simm.s32 $0x8100  }
0x93: {  	[tilespmem:s23], [sflag:$0x1] =	stream.indirect_vreg.gather [hbm4b:s4+s2], $0x80, v4, vm1, $0xb8;
	[tilespmem:$0x18100] =	vst v63  }
0x94: {  	s24 =	simm.s32 $0x8500  }
0x95: {  	[tilespmem:s24], [sflag:$0x1] =	stream.indirect_vreg.gather [hbm4b:s3+s2], $0x80, v3, vm0, $0xb8;
	[tilespmem:$0x18100] =	vst v63  }
0x96: {  	s23 =	simm.s32 $0x8D00  }
0x97: {  	[tilespmem:s23], [sflag:$0x1] =	stream.indirect_vreg.gather [hbm4b:s4+s2], $0x80, v3, vm1, $0xb8;
	[tilespmem:$0x18100] =	vst v63  }
0x98: {  	v3 =	vld [tilespmem:$0x60];
	_ =	sdelay $0x4  }
0x99: {  	v54 =	vshrl.u32 v3, $0x3  }
0x9a: {  	v4 =	vmul.u32 $0x18, v54  }
0x9b: {  	v3 =	vand.u32 $0x7, v3  }
0x9c: {  	v3 =	vor.u32 v3, v4  }
0x9d: {  	v4 =	vperm.xlane v3, v0;
	_ =	sdelay $0x1  }
0x9e: {  	v4 =	vadd.s32 v1, v4;
	_ =	sdelay $0x1  }
0x9f: {  	v3 =	vperm.xlane v3, v2;
	_ =	sdelay $0x1  }
0xa0: {  	s24 =	simm.s32 $0x9100;
	v3 =	vadd.s32 v1, v3  }
0xa1: {  	[tilespmem:s24], [sflag:$0x1] =	stream.indirect_vreg.gather [hbm4b:s3+s2], $0x80, v4, vm0, $0xb8;
	[tilespmem:$0x18100] =	vst v63  }
0xa2: {  	s23 =	simm.s32 $0x9900  }
0xa3: {  	[tilespmem:s23], [sflag:$0x1] =	stream.indirect_vreg.gather [hbm4b:s4+s2], $0x80, v4, vm1, $0xb8;
	[tilespmem:$0x18100] =	vst v63  }
0xa4: {  	s24 =	simm.s32 $0x9D00  }
0xa5: {  	[tilespmem:s24], [sflag:$0x1] =	stream.indirect_vreg.gather [hbm4b:s3+s2], $0x80, v3, vm0, $0xb8;
	[tilespmem:$0x18100] =	vst v63  }
0xa6: {  	s23 =	simm.s32 $0xA500  }
0xa7: {  	[tilespmem:s23], [sflag:$0x1] =	stream.indirect_vreg.gather [hbm4b:s4+s2], $0x80, v3, vm1, $0xb8;
	[tilespmem:$0x18100] =	vst v63  }
0xa8: {  	v3 =	vld [tilespmem:$0x70];
	_ =	sdelay $0x4  }
0xa9: {  	v55 =	vshrl.u32 v3, $0x3  }
0xaa: {  	v4 =	vmul.u32 $0x18, v55  }
0xab: {  	v3 =	vand.u32 $0x7, v3  }
0xac: {  	v3 =	vor.u32 v3, v4  }
0xad: {  	v4 =	vperm.xlane v3, v0;
	_ =	sdelay $0x1  }
0xae: {  	v4 =	vadd.s32 v1, v4;
	_ =	sdelay $0x1  }
0xaf: {  	v3 =	vperm.xlane v3, v2;
	_ =	sdelay $0x1  }
0xb0: {  	s24 =	simm.s32 $0xA900;
	v3 =	vadd.s32 v1, v3  }
0xb1: {  	[tilespmem:s24], [sflag:$0x1] =	stream.indirect_vreg.gather [hbm4b:s3+s2], $0x80, v4, vm0, $0xb8;
	[tilespmem:$0x18100] =	vst v63  }
0xb2: {  	s23 =	simm.s32 $0xB100  }
0xb3: {  	[tilespmem:s23], [sflag:$0x1] =	stream.indirect_vreg.gather [hbm4b:s4+s2], $0x80, v4, vm1, $0xb8;
	[tilespmem:$0x18100] =	vst v63  }
0xb4: {  	s24 =	simm.s32 $0xB500  }
0xb5: {  	[tilespmem:s24], [sflag:$0x1] =	stream.indirect_vreg.gather [hbm4b:s3+s2], $0x80, v3, vm0, $0xb8;
	[tilespmem:$0x18100] =	vst v63  }
0xb6: {  	s16 =	simm.s32 $0xBD00;
	s23 =	rddreg [dreg:$0x3]  }
0xb7: {  	[tilespmem:s16], [sflag:$0x1] =	stream.indirect_vreg.gather [hbm4b:s4+s2], $0x80, v3, vm1, $0xb8;
	[tilespmem:$0x18100] =	vst v63  }
0xb8: {  	s23 =	sadd.s32 s22, s23;
	s24 =	rddreg [dreg:$0x4]  }
0xb9: {  	[tilespmem:s24], [sflag:$0x3] =	stream.linear.gather [hbm4b:s23+s2], $0x80, $0x38;
	[tilespmem:$0x18100] =	vst v63  }
0xba: {  	_ =	swait.ge [sflag:s10], $0x80  }
0xbb: {  	[sflag:s10] =	ssyncset.done $0x0  }
0xbc: {  	[sflag:s10] =	ssyncadd.s32 $0xFFFFFF80  }
0xbd: {  	v3 =	vld [tilespmem:$0x80];
	_ =	sdelay $0x4  }
0xbe: {  	v56 =	vshrl.u32 v3, $0x3  }
0xbf: {  	v4 =	vmul.u32 $0x18, v56  }
0xc0: {  	v3 =	vand.u32 $0x7, v3  }
0xc1: {  	v3 =	vor.u32 v3, v4  }
0xc2: {  	v4 =	vperm.xlane v3, v0;
	_ =	sdelay $0x1  }
0xc3: {  	v4 =	vadd.s32 v1, v4;
	_ =	sdelay $0x1  }
0xc4: {  	v3 =	vperm.xlane v3, v2;
	_ =	sdelay $0x1  }
0xc5: {  	v3 =	vadd.s32 v1, v3  }
0xc6: {  	[tilespmem:s17], [sflag:$0x2] =	stream.indirect_vreg.gather [hbm4b:s3+s2], $0x80, v4, vm0, $0xb8;
	[tilespmem:$0x18100] =	vst v63  }
0xc7: {  	s16 =	rddreg [dreg:$0x5]  }
0xc8: {  	[tilespmem:s16], [sflag:$0x2] =	stream.indirect_vreg.gather [hbm4b:s4+s2], $0x80, v4, vm1, $0xb8;
	[tilespmem:$0x18100] =	vst v63  }
0xc9: {  	s24 =	rddreg [dreg:$0x6]  }
0xca: {  	[tilespmem:s24], [sflag:$0x2] =	stream.indirect_vreg.gather [hbm4b:s3+s2], $0x80, v3, vm0, $0xb8;
	[tilespmem:$0x18100] =	vst v63  }
0xcb: {  	s16 =	rddreg [dreg:$0x7]  }
0xcc: {  	[tilespmem:s16], [sflag:$0x2] =	stream.indirect_vreg.gather [hbm4b:s4+s2], $0x80, v3, vm1, $0xb8;
	[tilespmem:$0x18100] =	vst v63  }
0xcd: {  	v3 =	vld [tilespmem:$0x90];
	_ =	sdelay $0x4  }
0xce: {  	v57 =	vshrl.u32 v3, $0x3  }
0xcf: {  	v4 =	vmul.u32 $0x18, v57  }
0xd0: {  	v3 =	vand.u32 $0x7, v3  }
0xd1: {  	v3 =	vor.u32 v3, v4  }
0xd2: {  	v4 =	vperm.xlane v3, v0;
	_ =	sdelay $0x1  }
0xd3: {  	v4 =	vadd.s32 v1, v4;
	_ =	sdelay $0x1  }
0xd4: {  	v3 =	vperm.xlane v3, v2;
	_ =	sdelay $0x1  }
0xd5: {  	s24 =	rddreg [dreg:$0x8];
	v3 =	vadd.s32 v1, v3  }
0xd6: {  	[tilespmem:s24], [sflag:$0x2] =	stream.indirect_vreg.gather [hbm4b:s3+s2], $0x80, v4, vm0, $0xb8;
	[tilespmem:$0x18100] =	vst v63  }
0xd7: {  	s16 =	rddreg [dreg:$0x9]  }
0xd8: {  	[tilespmem:s16], [sflag:$0x2] =	stream.indirect_vreg.gather [hbm4b:s4+s2], $0x80, v4, vm1, $0xb8;
	[tilespmem:$0x18100] =	vst v63  }
0xd9: {  	s23 =	rddreg [dreg:$0xa]  }
0xda: {  	[tilespmem:s23], [sflag:$0x2] =	stream.indirect_vreg.gather [hbm4b:s3+s2], $0x80, v3, vm0, $0xb8;
	[tilespmem:$0x18100] =	vst v63  }
0xdb: {  	s16 =	rddreg [dreg:$0xb]  }
0xdc: {  	[tilespmem:s16], [sflag:$0x2] =	stream.indirect_vreg.gather [hbm4b:s4+s2], $0x80, v3, vm1, $0xb8;
	[tilespmem:$0x18100] =	vst v63  }
0xdd: {  	v3 =	vld [tilespmem:$0xA0];
	_ =	sdelay $0x4  }
0xde: {  	v58 =	vshrl.u32 v3, $0x3  }
0xdf: {  	v4 =	vmul.u32 $0x18, v58  }
0xe0: {  	v3 =	vand.u32 $0x7, v3  }
0xe1: {  	v3 =	vor.u32 v3, v4  }
0xe2: {  	v4 =	vperm.xlane v3, v0;
	_ =	sdelay $0x1  }
0xe3: {  	v4 =	vadd.s32 v1, v4;
	_ =	sdelay $0x1  }
0xe4: {  	v3 =	vperm.xlane v3, v2;
	_ =	sdelay $0x1  }
0xe5: {  	s24 =	rddreg [dreg:$0xc];
	v3 =	vadd.s32 v1, v3  }
0xe6: {  	[tilespmem:s24], [sflag:$0x2] =	stream.indirect_vreg.gather [hbm4b:s3+s2], $0x80, v4, vm0, $0xb8;
	[tilespmem:$0x18100] =	vst v63  }
0xe7: {  	s16 =	rddreg [dreg:$0xd]  }
0xe8: {  	[tilespmem:s16], [sflag:$0x2] =	stream.indirect_vreg.gather [hbm4b:s4+s2], $0x80, v4, vm1, $0xb8;
	[tilespmem:$0x18100] =	vst v63  }
0xe9: {  	s23 =	rddreg [dreg:$0xe]  }
0xea: {  	[tilespmem:s23], [sflag:$0x2] =	stream.indirect_vreg.gather [hbm4b:s3+s2], $0x80, v3, vm0, $0xb8;
	[tilespmem:$0x18100] =	vst v63  }
0xeb: {  	s16 =	rddreg [dreg:$0xf]  }
0xec: {  	[tilespmem:s16], [sflag:$0x2] =	stream.indirect_vreg.gather [hbm4b:s4+s2], $0x80, v3, vm1, $0xb8;
	[tilespmem:$0x18100] =	vst v63  }
0xed: {  	v3 =	vld [tilespmem:$0xB0];
	_ =	sdelay $0x4  }
0xee: {  	v59 =	vshrl.u32 v3, $0x3  }
0xef: {  	v4 =	vmul.u32 $0x18, v59  }
0xf0: {  	v3 =	vand.u32 $0x7, v3  }
0xf1: {  	v3 =	vor.u32 v3, v4  }
0xf2: {  	v4 =	vperm.xlane v3, v0;
	_ =	sdelay $0x1  }
0xf3: {  	v4 =	vadd.s32 v1, v4;
	_ =	sdelay $0x1  }
0xf4: {  	v3 =	vperm.xlane v3, v2;
	_ =	sdelay $0x1  }
0xf5: {  	s24 =	rddreg [dreg:$0x10];
	v3 =	vadd.s32 v1, v3  }
0xf6: {  	[tilespmem:s24], [sflag:$0x2] =	stream.indirect_vreg.gather [hbm4b:s3+s2], $0x80, v4, vm0, $0xb8;
	[tilespmem:$0x18100] =	vst v63  }
0xf7: {  	s16 =	rddreg [dreg:$0x11]  }
0xf8: {  	[tilespmem:s16], [sflag:$0x2] =	stream.indirect_vreg.gather [hbm4b:s4+s2], $0x80, v4, vm1, $0xb8;
	[tilespmem:$0x18100] =	vst v63  }
0xf9: {  	s23 =	rddreg [dreg:$0x12]  }
0xfa: {  	[tilespmem:s23], [sflag:$0x2] =	stream.indirect_vreg.gather [hbm4b:s3+s2], $0x80, v3, vm0, $0xb8;
	[tilespmem:$0x18100] =	vst v63  }
0xfb: {  	s16 =	rddreg [dreg:$0x13]  }
0xfc: {  	[tilespmem:s16], [sflag:$0x2] =	stream.indirect_vreg.gather [hbm4b:s4+s2], $0x80, v3, vm1, $0xb8;
	[tilespmem:$0x18100] =	vst v63  }
0xfd: {  	v3 =	vld [tilespmem:$0xC0];
	_ =	sdelay $0x4  }
0xfe: {  	v60 =	vshrl.u32 v3, $0x3  }
0xff: {  	v4 =	vmul.u32 $0x18, v60  }
0x100: {  	v3 =	vand.u32 $0x7, v3  }
0x101: {  	v3 =	vor.u32 v3, v4  }
0x102: {  	v4 =	vperm.xlane v3, v0;
	_ =	sdelay $0x1  }
0x103: {  	v4 =	vadd.s32 v1, v4;
	_ =	sdelay $0x1  }
0x104: {  	v3 =	vperm.xlane v3, v2;
	_ =	sdelay $0x1  }
0x105: {  	s24 =	rddreg [dreg:$0x14];
	v3 =	vadd.s32 v1, v3  }
0x106: {  	[tilespmem:s24], [sflag:$0x2] =	stream.indirect_vreg.gather [hbm4b:s3+s2], $0x80, v4, vm0, $0xb8;
	[tilespmem:$0x18100] =	vst v63  }
0x107: {  	s16 =	rddreg [dreg:$0x15]  }
0x108: {  	[tilespmem:s16], [sflag:$0x2] =	stream.indirect_vreg.gather [hbm4b:s4+s2], $0x80, v4, vm1, $0xb8;
	[tilespmem:$0x18100] =	vst v63  }
0x109: {  	s23 =	rddreg [dreg:$0x16]  }
0x10a: {  	[tilespmem:s23], [sflag:$0x2] =	stream.indirect_vreg.gather [hbm4b:s3+s2], $0x80, v3, vm0, $0xb8;
	[tilespmem:$0x18100] =	vst v63  }
0x10b: {  	s16 =	rddreg [dreg:$0x17]  }
0x10c: {  	[tilespmem:s16], [sflag:$0x2] =	stream.indirect_vreg.gather [hbm4b:s4+s2], $0x80, v3, vm1, $0xb8;
	[tilespmem:$0x18100] =	vst v63  }
0x10d: {  	v3 =	vld [tilespmem:$0xD0];
	_ =	sdelay $0x4  }
0x10e: {  	v61 =	vshrl.u32 v3, $0x3  }
0x10f: {  	v4 =	vmul.u32 $0x18, v61  }
0x110: {  	v3 =	vand.u32 $0x7, v3  }
0x111: {  	v3 =	vor.u32 v3, v4  }
0x112: {  	v4 =	vperm.xlane v3, v0;
	_ =	sdelay $0x1  }
0x113: {  	v4 =	vadd.s32 v1, v4;
	_ =	sdelay $0x1  }
0x114: {  	v3 =	vperm.xlane v3, v2;
	_ =	sdelay $0x1  }
0x115: {  	s24 =	rddreg [dreg:$0x18];
	v3 =	vadd.s32 v1, v3  }
0x116: {  	[tilespmem:s24], [sflag:$0x2] =	stream.indirect_vreg.gather [hbm4b:s3+s2], $0x80, v4, vm0, $0xb8;
	[tilespmem:$0x18100] =	vst v63  }
0x117: {  	s16 =	rddreg [dreg:$0x19]  }
0x118: {  	[tilespmem:s16], [sflag:$0x2] =	stream.indirect_vreg.gather [hbm4b:s4+s2], $0x80, v4, vm1, $0xb8;
	[tilespmem:$0x18100] =	vst v63  }
0x119: {  	s23 =	rddreg [dreg:$0x1a]  }
0x11a: {  	[tilespmem:s23], [sflag:$0x2] =	stream.indirect_vreg.gather [hbm4b:s3+s2], $0x80, v3, vm0, $0xb8;
	[tilespmem:$0x18100] =	vst v63  }
0x11b: {  	s16 =	rddreg [dreg:$0x1b]  }
0x11c: {  	[tilespmem:s16], [sflag:$0x2] =	stream.indirect_vreg.gather [hbm4b:s4+s2], $0x80, v3, vm1, $0xb8;
	[tilespmem:$0x18100] =	vst v63  }
0x11d: {  	v3 =	vld [tilespmem:$0xE0];
	_ =	sdelay $0x4  }
0x11e: {  	v62 =	vshrl.u32 v3, $0x3  }
0x11f: {  	v4 =	vmul.u32 $0x18, v62  }
0x120: {  	v3 =	vand.u32 $0x7, v3  }
0x121: {  	v3 =	vor.u32 v3, v4  }
0x122: {  	v4 =	vperm.xlane v3, v0;
	_ =	sdelay $0x1  }
0x123: {  	v4 =	vadd.s32 v1, v4;
	_ =	sdelay $0x1  }
0x124: {  	v3 =	vperm.xlane v3, v2;
	_ =	sdelay $0x1  }
0x125: {  	s24 =	rddreg [dreg:$0x1c];
	v3 =	vadd.s32 v1, v3  }
0x126: {  	[tilespmem:s24], [sflag:$0x2] =	stream.indirect_vreg.gather [hbm4b:s3+s2], $0x80, v4, vm0, $0xb8;
	[tilespmem:$0x18100] =	vst v63  }
0x127: {  	s16 =	rddreg [dreg:$0x1d]  }
0x128: {  	[tilespmem:s16], [sflag:$0x2] =	stream.indirect_vreg.gather [hbm4b:s4+s2], $0x80, v4, vm1, $0xb8;
	[tilespmem:$0x18100] =	vst v63  }
0x129: {  	s23 =	rddreg [dreg:$0x1e]  }
0x12a: {  	[tilespmem:s23], [sflag:$0x2] =	stream.indirect_vreg.gather [hbm4b:s3+s2], $0x80, v3, vm0, $0xb8;
	[tilespmem:$0x18100] =	vst v63  }
0x12b: {  	s16 =	rddreg [dreg:$0x1f]  }
0x12c: {  	[tilespmem:s16], [sflag:$0x2] =	stream.indirect_vreg.gather [hbm4b:s4+s2], $0x80, v3, vm1, $0xb8;
	[tilespmem:$0x18100] =	vst v63  }
0x12d: {  	v3 =	vld [tilespmem:$0xF0];
	_ =	sdelay $0x4  }
0x12e: {  	v63 =	vshrl.u32 v3, $0x3  }
0x12f: {  	v4 =	vmul.u32 $0x18, v63  }
0x130: {  	v3 =	vand.u32 $0x7, v3  }
0x131: {  	v3 =	vor.u32 v3, v4  }
0x132: {  	v4 =	vperm.xlane v3, v0;
	_ =	sdelay $0x1  }
0x133: {  	v4 =	vadd.s32 v1, v4;
	_ =	sdelay $0x1  }
0x134: {  	s24 =	sld [smem:$0x7FA];
	v3 =	vperm.xlane v3, v2;
	_ =	sdelay $0x1  }
0x135: {  	s16 =	sld [smem:$0x7FB];
	v3 =	vadd.s32 v1, v3  }
0x136: {  	[tilespmem:s24], [sflag:$0x2] =	stream.indirect_vreg.gather [hbm4b:s3+s2], $0x80, v4, vm0, $0xb8;
	[tilespmem:$0x18100] =	vst v63  }
0x137: {  	s23 =	sld [smem:$0x7FC]  }
0x138: {  	[tilespmem:s16], [sflag:$0x2] =	stream.indirect_vreg.gather [hbm4b:s4+s2], $0x80, v4, vm1, $0xb8;
	[tilespmem:$0x18100] =	vst v63  }
0x139: {  	s16 =	sld [smem:$0x7FD]  }
0x13a: {  	[tilespmem:s23], [sflag:$0x2] =	stream.indirect_vreg.gather [hbm4b:s3+s2], $0x80, v3, vm0, $0xb8;
	[tilespmem:$0x18100] =	vst v63  }
0x13b: {  	_ = 	snop  }
0x13c: {  	[tilespmem:s16], [sflag:$0x2] =	stream.indirect_vreg.gather [hbm4b:s4+s2], $0x80, v3, vm1, $0xb8;
	[tilespmem:$0x18100] =	vst v63  }
0x13d: {  	_ =	swait.ge [sflag:s18], $0xC000  }
0x13e: {  	[sflag:s18] =	ssyncset.done $0x0  }
0x13f: {  	[sflag:s18] =	ssyncadd.s32 $0xFFFF4000  }
0x140: {  	[hbm4b:s21+s2] =	stream.linear.scatter [tilespmem:s11], [sflag:$0x3], $0xC000, $0x38;
	[tilespmem:$0x18100] =	vst v63  }
0x141: {  	_ =	swait.ge [sflag:s10], $0xC000  }
0x142: {  	[sflag:s10] =	ssyncset.done $0x0  }
0x143: {  	[sflag:s10] =	ssyncadd.s32 $0xFFFF4000  }
0x144: {  	_ =	swait.ge [sflag:s19], $0xC000  }
0x145: {  	p0 =	sne.s32 s22, $0xC0;
	[sflag:s19] =	ssyncset.done $0x0  }
.Ltmp0:
0x146: {  	[sflag:s19] =	ssyncadd.s32 $0xFFFF4000;
	(pc) =	sbr.rel @p0 .LBB2_2-.Ltmp0, $4  }
0x147: {  	[hbm4b:s20+s2] =	stream.linear.scatter [tilespmem:s17], [sflag:$0x3], $0xC000, $0x38;
	[tilespmem:$0x18100] =	vst v63  }
0x148: {  	_ =	swait.ge [sflag:s10], $0xC000  }
0x149: {  	s22 =	sadd.s32 $0x20, s22;
	s24 =	simm.s32 $0x900;
	[sflag:s10] =	ssyncset.done $0x0  }
0x14a: {  	s21 =	sadd.s32 $0x3000, s21;
	s20 =	sadd.s32 $0x3000, s20;
	[sflag:s10] =	ssyncadd.s32 $0xFFFF4000  }
0x14b: {  	s20 =	sld [smem:$0x7F5];
	_ =	sdelay $0x2  }
0x14c: {  	[tilespmem:s2], [sflag:$0x3] =	stream.linear.gather [hbm4b:s20+s2], $0x80, $0x38;
	[tilespmem:$0x18100] =	vst v63  }
0x14d: {  	_ =	swait.ge [sflag:s10], $0x80  }
0x14e: {  	[sflag:s10] =	ssyncset.done $0x0  }
0x14f: {  	[sflag:s10] =	ssyncadd.s32 $0xFFFFFF80  }
0x150: {  	v3 =	vld [tilespmem:$0x0];
	_ =	sdelay $0x4  }
0x151: {  	v4 =	vshrl.u32 v3, $0x3  }
0x152: {  	v4 =	vmul.u32 $0x18, v4  }
0x153: {  	v3 =	vand.u32 $0x7, v3  }
0x154: {  	v3 =	vor.u32 v3, v4  }
0x155: {  	v4 =	vperm.xlane v3, v0;
	_ =	sdelay $0x1  }
0x156: {  	v4 =	vadd.s32 v1, v4;
	_ =	sdelay $0x1  }
0x157: {  	v3 =	vperm.xlane v3, v2;
	_ =	sdelay $0x1  }
0x158: {  	v3 =	vadd.s32 v1, v3  }
0x159: {  	[tilespmem:s11], [sflag:$0x1] =	stream.indirect_vreg.gather [hbm4b:s3+s2], $0x80, v4, vm0, $0xb8;
	[tilespmem:$0x18100] =	vst v63  }
0x15a: {  	_ = 	snop  }
0x15b: {  	[tilespmem:s24], [sflag:$0x1] =	stream.indirect_vreg.gather [hbm4b:s4+s2], $0x80, v4, vm1, $0xb8;
	[tilespmem:$0x18100] =	vst v63  }
0x15c: {  	_ = 	snop  }
0x15d: {  	[tilespmem:s25], [sflag:$0x1] =	stream.indirect_vreg.gather [hbm4b:s3+s2], $0x80, v3, vm0, $0xb8;
	[tilespmem:$0x18100] =	vst v63  }
0x15e: {  	_ = 	snop  }
0x15f: {  	[tilespmem:s26], [sflag:$0x1] =	stream.indirect_vreg.gather [hbm4b:s4+s2], $0x80, v3, vm1, $0xb8;
	[tilespmem:$0x18100] =	vst v63  }
0x160: {  	v3 =	vld [tilespmem:$0x10];
	_ =	sdelay $0x4  }
0x161: {  	v57 =	vshrl.u32 v3, $0x3  }
0x162: {  	v4 =	vmul.u32 $0x18, v57  }
0x163: {  	v3 =	vand.u32 $0x7, v3  }
0x164: {  	v3 =	vor.u32 v3, v4  }
0x165: {  	v4 =	vperm.xlane v3, v0;
	_ =	sdelay $0x1  }
0x166: {  	v4 =	vadd.s32 v1, v4;
	_ =	sdelay $0x1  }
0x167: {  	v3 =	vperm.xlane v3, v2;
	_ =	sdelay $0x1  }
0x168: {  	v3 =	vadd.s32 v1, v3  }
0x169: {  	[tilespmem:s28], [sflag:$0x1] =	stream.indirect_vreg.gather [hbm4b:s3+s2], $0x80, v4, vm0, $0xb8;
	[tilespmem:$0x18100] =	vst v63  }
0x16a: {  	_ = 	snop  }
0x16b: {  	[tilespmem:s29], [sflag:$0x1] =	stream.indirect_vreg.gather [hbm4b:s4+s2], $0x80, v4, vm1, $0xb8;
	[tilespmem:$0x18100] =	vst v63  }
0x16c: {  	_ = 	snop  }
0x16d: {  	[tilespmem:s30], [sflag:$0x1] =	stream.indirect_vreg.gather [hbm4b:s3+s2], $0x80, v3, vm0, $0xb8;
	[tilespmem:$0x18100] =	vst v63  }
0x16e: {  	_ = 	snop  }
0x16f: {  	[tilespmem:s31], [sflag:$0x1] =	stream.indirect_vreg.gather [hbm4b:s4+s2], $0x80, v3, vm1, $0xb8;
	[tilespmem:$0x18100] =	vst v63  }
0x170: {  	v3 =	vld [tilespmem:$0x20];
	_ =	sdelay $0x4  }
0x171: {  	v58 =	vshrl.u32 v3, $0x3  }
0x172: {  	v4 =	vmul.u32 $0x18, v58  }
0x173: {  	v3 =	vand.u32 $0x7, v3  }
0x174: {  	v3 =	vor.u32 v3, v4  }
0x175: {  	v4 =	vperm.xlane v3, v0;
	_ =	sdelay $0x1  }
0x176: {  	v4 =	vadd.s32 v1, v4;
	_ =	sdelay $0x1  }
0x177: {  	v3 =	vperm.xlane v3, v2;
	_ =	sdelay $0x1  }
0x178: {  	v3 =	vadd.s32 v1, v3  }
0x179: {  	[tilespmem:s1], [sflag:$0x1] =	stream.indirect_vreg.gather [hbm4b:s3+s2], $0x80, v4, vm0, $0xb8;
	[tilespmem:$0x18100] =	vst v63  }
0x17a: {  	_ = 	snop  }
0x17b: {  	[tilespmem:s0], [sflag:$0x1] =	stream.indirect_vreg.gather [hbm4b:s4+s2], $0x80, v4, vm1, $0xb8;
	[tilespmem:$0x18100] =	vst v63  }
0x17c: {  	_ = 	snop  }
0x17d: {  	[tilespmem:s5], [sflag:$0x1] =	stream.indirect_vreg.gather [hbm4b:s3+s2], $0x80, v3, vm0, $0xb8;
	[tilespmem:$0x18100] =	vst v63  }
0x17e: {  	_ = 	snop  }
0x17f: {  	[tilespmem:s6], [sflag:$0x1] =	stream.indirect_vreg.gather [hbm4b:s4+s2], $0x80, v3, vm1, $0xb8;
	[tilespmem:$0x18100] =	vst v63  }
0x180: {  	v3 =	vld [tilespmem:$0x30];
	_ =	sdelay $0x4  }
0x181: {  	v59 =	vshrl.u32 v3, $0x3  }
0x182: {  	v4 =	vmul.u32 $0x18, v59  }
0x183: {  	v3 =	vand.u32 $0x7, v3  }
0x184: {  	v3 =	vor.u32 v3, v4  }
0x185: {  	v4 =	vperm.xlane v3, v0;
	_ =	sdelay $0x1  }
0x186: {  	v4 =	vadd.s32 v1, v4;
	_ =	sdelay $0x1  }
0x187: {  	v3 =	vperm.xlane v3, v2;
	_ =	sdelay $0x1  }
0x188: {  	v3 =	vadd.s32 v1, v3  }
0x189: {  	[tilespmem:s7], [sflag:$0x1] =	stream.indirect_vreg.gather [hbm4b:s3+s2], $0x80, v4, vm0, $0xb8;
	[tilespmem:$0x18100] =	vst v63  }
0x18a: {  	_ = 	snop  }
0x18b: {  	[tilespmem:s8], [sflag:$0x1] =	stream.indirect_vreg.gather [hbm4b:s4+s2], $0x80, v4, vm1, $0xb8;
	[tilespmem:$0x18100] =	vst v63  }
0x18c: {  	_ = 	snop  }
0x18d: {  	[tilespmem:s9], [sflag:$0x1] =	stream.indirect_vreg.gather [hbm4b:s3+s2], $0x80, v3, vm0, $0xb8;
	[tilespmem:$0x18100] =	vst v63  }
0x18e: {  	_ = 	snop  }
0x18f: {  	[tilespmem:s12], [sflag:$0x1] =	stream.indirect_vreg.gather [hbm4b:s4+s2], $0x80, v3, vm1, $0xb8;
	[tilespmem:$0x18100] =	vst v63  }
0x190: {  	v3 =	vld [tilespmem:$0x40];
	_ =	sdelay $0x4  }
0x191: {  	v60 =	vshrl.u32 v3, $0x3  }
0x192: {  	v4 =	vmul.u32 $0x18, v60  }
0x193: {  	v3 =	vand.u32 $0x7, v3  }
0x194: {  	v3 =	vor.u32 v3, v4  }
0x195: {  	v4 =	vperm.xlane v3, v0;
	_ =	sdelay $0x1  }
0x196: {  	v4 =	vadd.s32 v1, v4;
	_ =	sdelay $0x1  }
0x197: {  	v3 =	vperm.xlane v3, v2;
	_ =	sdelay $0x1  }
0x198: {  	v3 =	vadd.s32 v1, v3  }
0x199: {  	[tilespmem:s13], [sflag:$0x1] =	stream.indirect_vreg.gather [hbm4b:s3+s2], $0x80, v4, vm0, $0xb8;
	[tilespmem:$0x18100] =	vst v63  }
0x19a: {  	_ = 	snop  }
0x19b: {  	[tilespmem:s14], [sflag:$0x1] =	stream.indirect_vreg.gather [hbm4b:s4+s2], $0x80, v4, vm1, $0xb8;
	[tilespmem:$0x18100] =	vst v63  }
0x19c: {  	_ = 	snop  }
0x19d: {  	[tilespmem:s15], [sflag:$0x1] =	stream.indirect_vreg.gather [hbm4b:s3+s2], $0x80, v3, vm0, $0xb8;
	[tilespmem:$0x18100] =	vst v63  }
0x19e: {  	s23 =	simm.s32 $0x7500  }
0x19f: {  	[tilespmem:s23], [sflag:$0x1] =	stream.indirect_vreg.gather [hbm4b:s4+s2], $0x80, v3, vm1, $0xb8;
	[tilespmem:$0x18100] =	vst v63  }
0x1a0: {  	v3 =	vld [tilespmem:$0x50];
	_ =	sdelay $0x4  }
0x1a1: {  	v61 =	vshrl.u32 v3, $0x3  }
0x1a2: {  	v4 =	vmul.u32 $0x18, v61  }
0x1a3: {  	v3 =	vand.u32 $0x7, v3  }
0x1a4: {  	v3 =	vor.u32 v3, v4  }
0x1a5: {  	v4 =	vperm.xlane v3, v0;
	_ =	sdelay $0x1  }
0x1a6: {  	v4 =	vadd.s32 v1, v4;
	_ =	sdelay $0x1  }
0x1a7: {  	v3 =	vperm.xlane v3, v2;
	_ =	sdelay $0x1  }
0x1a8: {  	s16 =	simm.s32 $0x7900;
	v3 =	vadd.s32 v1, v3  }
0x1a9: {  	[tilespmem:s16], [sflag:$0x1] =	stream.indirect_vreg.gather [hbm4b:s3+s2], $0x80, v4, vm0, $0xb8;
	[tilespmem:$0x18100] =	vst v63  }
0x1aa: {  	s20 =	simm.s32 $0x8100  }
0x1ab: {  	[tilespmem:s20], [sflag:$0x1] =	stream.indirect_vreg.gather [hbm4b:s4+s2], $0x80, v4, vm1, $0xb8;
	[tilespmem:$0x18100] =	vst v63  }
0x1ac: {  	s21 =	simm.s32 $0x8500  }
0x1ad: {  	[tilespmem:s21], [sflag:$0x1] =	stream.indirect_vreg.gather [hbm4b:s3+s2], $0x80, v3, vm0, $0xb8;
	[tilespmem:$0x18100] =	vst v63  }
0x1ae: {  	s22 =	simm.s32 $0x8D00  }
0x1af: {  	[tilespmem:s22], [sflag:$0x1] =	stream.indirect_vreg.gather [hbm4b:s4+s2], $0x80, v3, vm1, $0xb8;
	[tilespmem:$0x18100] =	vst v63  }
0x1b0: {  	v3 =	vld [tilespmem:$0x60];
	_ =	sdelay $0x4  }
0x1b1: {  	v62 =	vshrl.u32 v3, $0x3  }
0x1b2: {  	v4 =	vmul.u32 $0x18, v62  }
0x1b3: {  	v3 =	vand.u32 $0x7, v3  }
0x1b4: {  	v3 =	vor.u32 v3, v4  }
0x1b5: {  	v4 =	vperm.xlane v3, v0;
	_ =	sdelay $0x1  }
0x1b6: {  	v4 =	vadd.s32 v1, v4;
	_ =	sdelay $0x1  }
0x1b7: {  	v3 =	vperm.xlane v3, v2;
	_ =	sdelay $0x1  }
0x1b8: {  	s23 =	simm.s32 $0x9100;
	v3 =	vadd.s32 v1, v3  }
0x1b9: {  	[tilespmem:s23], [sflag:$0x1] =	stream.indirect_vreg.gather [hbm4b:s3+s2], $0x80, v4, vm0, $0xb8;
	[tilespmem:$0x18100] =	vst v63  }
0x1ba: {  	s16 =	simm.s32 $0x9900  }
0x1bb: {  	[tilespmem:s16], [sflag:$0x1] =	stream.indirect_vreg.gather [hbm4b:s4+s2], $0x80, v4, vm1, $0xb8;
	[tilespmem:$0x18100] =	vst v63  }
0x1bc: {  	s20 =	simm.s32 $0x9D00  }
0x1bd: {  	[tilespmem:s20], [sflag:$0x1] =	stream.indirect_vreg.gather [hbm4b:s3+s2], $0x80, v3, vm0, $0xb8;
	[tilespmem:$0x18100] =	vst v63  }
0x1be: {  	s21 =	simm.s32 $0xA500  }
0x1bf: {  	[tilespmem:s21], [sflag:$0x1] =	stream.indirect_vreg.gather [hbm4b:s4+s2], $0x80, v3, vm1, $0xb8;
	[tilespmem:$0x18100] =	vst v63  }
0x1c0: {  	v3 =	vld [tilespmem:$0x70];
	_ =	sdelay $0x4  }
0x1c1: {  	v63 =	vshrl.u32 v3, $0x3  }
0x1c2: {  	v4 =	vmul.u32 $0x18, v63  }
0x1c3: {  	v3 =	vand.u32 $0x7, v3  }
0x1c4: {  	v3 =	vor.u32 v3, v4  }
0x1c5: {  	v4 =	vperm.xlane v3, v0;
	_ =	sdelay $0x1  }
0x1c6: {  	v4 =	vadd.s32 v1, v4;
	_ =	sdelay $0x1  }
0x1c7: {  	v3 =	vperm.xlane v3, v2;
	_ =	sdelay $0x1  }
0x1c8: {  	s22 =	simm.s32 $0xA900;
	v3 =	vadd.s32 v1, v3  }
0x1c9: {  	[tilespmem:s22], [sflag:$0x1] =	stream.indirect_vreg.gather [hbm4b:s3+s2], $0x80, v4, vm0, $0xb8;
	[tilespmem:$0x18100] =	vst v63  }
0x1ca: {  	s23 =	simm.s32 $0xB100  }
0x1cb: {  	[tilespmem:s23], [sflag:$0x1] =	stream.indirect_vreg.gather [hbm4b:s4+s2], $0x80, v4, vm1, $0xb8;
	[tilespmem:$0x18100] =	vst v63  }
0x1cc: {  	s16 =	simm.s32 $0xB500  }
0x1cd: {  	[tilespmem:s16], [sflag:$0x1] =	stream.indirect_vreg.gather [hbm4b:s3+s2], $0x80, v3, vm0, $0xb8;
	[tilespmem:$0x18100] =	vst v63  }
0x1ce: {  	s20 =	simm.s32 $0xBD00  }
0x1cf: {  	[tilespmem:s20], [sflag:$0x1] =	stream.indirect_vreg.gather [hbm4b:s4+s2], $0x80, v3, vm1, $0xb8;
	[tilespmem:$0x18100] =	vst v63  }
0x1d0: {  	_ =	swait.ge [sflag:s18], $0xC000  }
0x1d1: {  	s21 =	sld [smem:$0x7F6]  }
0x1d2: {  	[sflag:s18] =	ssyncset.done $0x0  }
0x1d3: {  	[sflag:s18] =	ssyncadd.s32 $0xFFFF4000  }
0x1d4: {  	[hbm4b:s21+s2] =	stream.linear.scatter [tilespmem:s11], [sflag:$0x3], $0xC000, $0x38;
	[tilespmem:$0x18100] =	vst v63  }
0x1d5: {  	_ =	swait.ge [sflag:s10], $0xC000  }
0x1d6: {  	s22 =	sld [smem:$0x7F4]  }
0x1d7: {  	s23 =	sld [smem:$0x7F7];
	_ =	sdelay $0x1  }
0x1d8: {  	s0 =	sadd.s32 $0x1, s22  }
0x1d9: {  	p0 =	sne.s32 s0, s23  }
.Ltmp1:
0x1da: {  	_ = 	snop;
	(pc) =	sbr.rel @p0 .LBB2_1-.Ltmp1, $3  }
0x1db: {  	_ =	sdelay $0x1  }
0x1dc: {  	[sflag:s10] =	ssyncset.done $0x0  }
0x1dd: {  	[sflag:s10] =	ssyncadd.s32 $0xFFFF4000  }
0x1de: {  	_ =	sfence.sel $0x180000  }
0x1df: {  	[bflag:$0x0] =	sbarrier.arrive $0xFFFF  }
0x1e0: {  	_ =	strace $0x90000050  }
0x1e1: {  	s0 =	stileid.u32;
	[bflag:$0x2] =	sbarrier.arrive $0xFFFF  }
0x1e2: {  	p0 =	sne.s32 s0, $0x0;
	s0 =	rddreg [dreg:$0x1]  }
0x1e3: {  	s0 =	sadd.s32 @!p0 $0x100000, s0  }
0x1e4: {  	[sflag:s0] =	ssyncadd.tile.s32 @!p0 $0x1;
	_ =	shalt  }
.Lfunc_end2:
_tile_overlayer_lowered:
.L_overlay_start_2:
0x1e5: {  	(tag) =	ssettag $0x2  }
0x1e6: {  	s0 =	rddreg [dreg:$0x0];
	s2 =	stileid.u32  }
0x1e7: {  	s1 =	rddreg [dreg:$0x1];
	p0 =	sne.s32 s2, $0x0  }
0x1e8: {  	s3 =	rddreg [dreg:$0x2];
	[bflag:$0x3] =	sbarrier.arrive $0xFFFF;
	s2 =	simm.s32 @!p0 $0x1C03  }
0x1e9: {  	[timem:s3], [sflag:s2] =	dma.local @!p0 [hbm:s0], s1  }
0x1ea: {  	s0 =	simm.s32 @!p0 $0x3  }
0x1eb: {  	_ =	swait.ge @!p0 [sflag:s0], s1  }
0x1ec: {  	s1 =	ssub.s32 @!p0 $0x0, s1;
	[sflag:s0] =	ssyncset.done @!p0 $0x0  }
0x1ed: {  	[sflag:s0] =	ssyncadd.s32 @!p0 s1  }
0x1ee: {  	[bflag:$0x3] =	sbarrier.arrive $0xFFFF  }
0x1ef: {  	_ =	shalt  }

// kernel: kernel.63.cloned.1.call-start
scs
__scs_entry_jumppad:
0x0: {  	(pc) =	sbr.rel $0x88, $3  }
0x1: {  	(tag) =	ssettag $0x0;
	lr =	simm.s32 $0x1  }
0x2: {  	[smem:$0x3F69] =	sst lr;
	_ =	strace $0xD0000000  }
0x3: {  	_ = 	snop  }
0x4: {  	_ = 	snop  }
0x5: {  	_ = 	snop  }
0x6: {  	_ = 	snop  }
0x7: {  	_ = 	snop  }
__scs_overlays_trampoline_lowered:
0x8: {  	[smem:$0x3F78] =	sst s0  }
0x9: {  	[smem:$0x3F79] =	sst s1  }
0xa: {  	[smem:$0x3F7A] =	sst s2  }
0xb: {  	[smem:$0x3F7B] =	sst s3  }
0xc: {  	[smem:$0x3F7C] =	sst s4  }
0xd: {  	[smem:$0x3F7D] =	sst s5  }
0xe: {  	[smem:$0x3F7E] =	sst s6  }
0xf: {  	[smem:$0x3F7F] =	sst s7  }
0x10: {  	[smem:$0x3F80] =	sst s8  }
0x11: {  	[smem:$0x3F81] =	sst s9;
	s0 =	simm.s32 @!p0 $0x0  }
0x12: {  	s1 =	sld [smem:$0x3F67];
	s0 =	simm.s32 @p0 $0x1  }
0x13: {  	[smem:$0x3F82] =	sst s0;
	s0 =	simm.s32 @!p1 $0x0  }
0x14: {  	s2 =	sld [smem:$0x3F66];
	s0 =	simm.s32 @p1 $0x1  }
0x15: {  	[smem:$0x3F83] =	sst s0;
	s0 =	simm.s32 @!p2 $0x0  }
0x16: {  	s3 =	sld [smem:$0x3FDB];
	s0 =	simm.s32 @p2 $0x1  }
0x17: {  	s4 =	simm.s32 $0x1BF5;
	[smem:$0x3F85] =	sst s0  }
0x18: {  	s0 =	sld [smem:$0x3F68];
	_ =	swait.ge [sflag:s4], $0x0  }
0x19: {  	s7 =	sld [smem:$0x3F69]  }
0x1a: {  	s8 =	sadd.s32 $0xFFFFE003, lr  }
0x1b: {  	s9 =	sadd.s32 $0xFFFFFEF7, lr;
	s5 =	simm.s32 $0xFFFFFFFF;
	p2 =	slt.u32 s8, $0xFFFFF086  }
0x1c: {  	p1 =	slt.u32 s9, $0xF7A;
	s5 =	simm.s32 @!p2 $0x0  }
0x1d: {  	s5 =	simm.s32 @p1 $0x1;
	p0 =	seq.s32 s7, s2  }
0x1e: {  	s7 =	smul.u32 @!p0 $0xF7A, s2;
	p2 =	seq.s32 @!p0 s5, $0x0  }
0x1f: {  	s9 =	smul.u32 $0xF7A, s1;
	s8 =	simm.s32 @!p0 $0x1BF5;
	p2 =	por !p2, p0  }
0x20: {  	[sflag:s8] =	ssyncset.s32 @!p0 $0xFFFFF086;
	s6 =	sadd.s32 @!p0 s3, s7;
	s7 =	simm.s32 @!p0 $0x108  }
0x21: {  	s3 =	sadd.s32 s3, s9;
	s6 =	sadd.s32 @!p0 $0x88, s6;
	s7 =	simm.s32 @p2 $0x1082  }
0x22: {  	[simem:s7], [sflag:s8] =	dma.local @!p0 [hbm:s6], $0xF7A  }
0x23: {  	s9 =	sor.u32 $0xD0000000, s2;
	s6 =	simm.s32 $0x108;
	_ =	swait.ge @!p0 [sflag:s8], $0x0  }
0x24: {  	s3 =	sadd.s32 $0x88, s3;
	s6 =	simm.s32 @!p1 $0x1082;
	[sflag:s4] =	ssyncset.s32 $0xFFFFF086  }
0x25: {  	[simem:s6], [sflag:s4] =	dma.local [hbm:s3], $0xF7A  }
0x26: {  	[smem:$0x3F69] =	sst s1;
	(tag) =	ssettag s2;
	_ =	strace s9  }
0x27: {  	s1 =	sld [smem:$0x3F79]  }
0x28: {  	s2 =	sld [smem:$0x3F7A]  }
0x29: {  	s4 =	sld [smem:$0x3F7C]  }
0x2a: {  	p0 =	seq.s32 s5, $0x0;
	s5 =	sld [smem:$0x3F7D]  }
0x2b: {  	s6 =	sld [smem:$0x3F7E]  }
0x2c: {  	s7 =	sld [smem:$0x3F7F]  }
0x2d: {  	s3 =	simm.s32 $0x108;
	s8 =	sld [smem:$0x3F80]  }
0x2e: {  	s3 =	simm.s32 @!p0 $0x1082;
	s9 =	sld [smem:$0x3F81]  }
0x2f: {  	lr =	sadd.s32 s0, s3;
	s0 =	sld [smem:$0x3F78]  }
0x30: {  	s3 =	sld [smem:$0x3F7B]  }
0x31: {  	[smem:$0x3F84] =	sst s10  }
0x32: {  	s10 =	sld [smem:$0x3F82];
	_ =	sdelay $0x3  }
0x33: {  	p0 =	seq.s32 s10, $0x1;
	s10 =	sld [smem:$0x3F84];
	_ =	sdelay $0x3  }
0x34: {  	[smem:$0x3F84] =	sst s10  }
0x35: {  	s10 =	sld [smem:$0x3F83];
	_ =	sdelay $0x3  }
0x36: {  	p1 =	seq.s32 s10, $0x1;
	s10 =	sld [smem:$0x3F84];
	_ =	sdelay $0x3  }
0x37: {  	[smem:$0x3F84] =	sst s10  }
0x38: {  	s10 =	sld [smem:$0x3F85]  }
0x39: {  	_ = 	snop;
	(pc) =	sbr.ind lr, $3  }
0x3a: {  	_ = 	snop  }
0x3b: {  	_ = 	snop  }
0x3c: {  	p2 =	seq.s32 s10, $0x1;
	s10 =	sld [smem:$0x3F84]  }
0x3d: {  	_ =	shalt  }
0x3e: {  	_ =	shalt  }
0x3f: {  	_ =	shalt  }
0x40: {  	_ =	shalt  }
0x41: {  	_ =	shalt  }
0x42: {  	_ =	shalt  }
0x43: {  	_ =	shalt  }
0x44: {  	_ =	shalt  }
0x45: {  	_ =	shalt  }
0x46: {  	_ =	shalt  }
0x47: {  	_ =	shalt  }
0x48: {  	_ =	shalt  }
0x49: {  	_ =	shalt  }
0x4a: {  	_ =	shalt  }
0x4b: {  	_ =	shalt  }
0x4c: {  	_ =	shalt  }
0x4d: {  	_ =	shalt  }
0x4e: {  	_ =	shalt  }
0x4f: {  	_ =	shalt  }
0x50: {  	_ =	shalt  }
0x51: {  	_ =	shalt  }
0x52: {  	_ =	shalt  }
0x53: {  	_ =	shalt  }
0x54: {  	_ =	shalt  }
0x55: {  	_ =	shalt  }
0x56: {  	_ =	shalt  }
0x57: {  	_ =	shalt  }
0x58: {  	_ =	shalt  }
0x59: {  	_ =	shalt  }
0x5a: {  	_ =	shalt  }
0x5b: {  	_ =	shalt  }
0x5c: {  	_ =	shalt  }
0x5d: {  	_ =	shalt  }
0x5e: {  	_ =	shalt  }
0x5f: {  	_ =	shalt  }
0x60: {  	_ =	shalt  }
0x61: {  	_ =	shalt  }
0x62: {  	_ =	shalt  }
0x63: {  	_ =	shalt  }
0x64: {  	_ =	shalt  }
0x65: {  	_ =	shalt  }
0x66: {  	_ =	shalt  }
0x67: {  	_ =	shalt  }
0x68: {  	_ =	shalt  }
0x69: {  	_ =	shalt  }
0x6a: {  	_ =	shalt  }
0x6b: {  	_ =	shalt  }
0x6c: {  	_ =	shalt  }
0x6d: {  	_ =	shalt  }
0x6e: {  	_ =	shalt  }
0x6f: {  	_ =	shalt  }
0x70: {  	_ =	shalt  }
0x71: {  	_ =	shalt  }
0x72: {  	_ =	shalt  }
0x73: {  	_ =	shalt  }
0x74: {  	_ =	shalt  }
0x75: {  	_ =	shalt  }
0x76: {  	_ =	shalt  }
0x77: {  	_ =	shalt  }
0x78: {  	_ =	shalt  }
0x79: {  	_ =	shalt  }
0x7a: {  	_ =	shalt  }
0x7b: {  	_ =	shalt  }
0x7c: {  	_ =	shalt  }
0x7d: {  	_ =	shalt  }
0x7e: {  	_ =	shalt  }
0x7f: {  	_ =	shalt  }
0x80: {  	_ =	shalt  }
0x81: {  	_ =	shalt  }
0x82: {  	_ =	shalt  }
0x83: {  	_ =	shalt  }
0x84: {  	_ =	shalt  }
0x85: {  	_ =	shalt  }
0x86: {  	_ =	shalt  }
0x87: {  	_ =	shalt  }
.Lfunc_end0:
.L_simem_size_0:
called_computation.4_lowered:
.L_overlay_start_0:
0x88: {  	s2 =	sld [smem:$0x3FD9]  }
0x89: {  	s3 =	sld [smem:$0x3FFE];
	_ =	sdelay $0x1  }
0x8a: {  	s1 =	srdreg.scid  }
0x8b: {  	s0 =	sand.u32 $0x1, s1  }
0x8c: {  	s16 =	sshll.u32 s0, $0xA;
	s2 =	sadd.s32 s3, s2  }
0x8d: {  	s2 =	sadd.s32 s2, s16  }
0x8e: {  	[smem:$0x3F90] =	sst s2  }
0x8f: {  	_ = 	snop  }
0x90: {  	(tm) =	ssettm $0x1  }
0x91: {  	s17 =	sld [smem:$0x3FFB];
	_ =	sdelay $0x3  }
0x92: {  	_ =	strace s17  }
0x93: {  	s2 =	sld [smem:$0x3FFC];
	_ =	sdelay $0x3  }
0x94: {  	_ =	strace s2  }
0x95: {  	s2 =	sld [smem:$0x3FFD];
	_ =	sdelay $0x3  }
0x96: {  	_ =	strace s2  }
0x97: {  	_ =	strace $0x8FFFFFFF  }
0x98: {  	s18 =	sld [smem:$0x3FDB];
	_ =	sdelay $0x1  }
0x99: {  	s19 =	simm.s32 $_scs_section_size  }
0x9a: {  	s4 =	simm.s32 $_size__tile_overlayer_lowered;
	s5 =	simm.s32 $_tile_overlayer_lowered  }
0x9b: {  	s22 =	simm.s32 $0x1BFF;
	s21 =	sshll.u32 s5, $0x1;
	s2 =	sadd.s32 s19, s18  }
0x9c: {  	s6 =	simm.s32 $0x0;
	s20 =	sshll.u32 s4, $0x1;
	s4 =	sadd.s32 s21, s2  }
0x9d: {  	[timem:s6], [sflag:s22] =	dma.local [hbm:s4], s20  }
0x9e: {  	_ =	swait.ge [sflag:s22], s20  }
0x9f: {  	s3 =	ssub.s32 $0x0, s20;
	[sflag:s22] =	ssyncset.done $0x0  }
0xa0: {  	[sflag:s22] =	ssyncadd.s32 s3;
	_ =	sdelay $0x1  }
0xa1: {  	s23 =	simm.s32 $0x1B8B  }
0xa2: {  	_ =	swait.ge [sflag:s23], $0x1  }
0xa3: {  	[sflag:s23] =	ssyncset.done $0x0  }
0xa4: {  	s25 =	simm.s32 $0x1B8E;
	s24 =	sld [smem:$0x3FFE];
	[sflag:s23] =	ssyncadd.s32 $0xFFFFFFFF  }
0xa5: {  	s26 =	simm.s32 $execute0_lowered;
	[smem:$0x3FD2] =	sst s25  }
0xa6: {  	s4 =	sshll.u32 s26, $0x1;
	_ =	strace $0x80000052;
	[dreg:$0x1] =	wrdreg $0xFFFFFFFF  }
0xa7: {  	s28 =	simm.s32 $_size_execute0_lowered;
	s2 =	sadd.s32 s2, s4;
	[dreg:$0x0] =	wrdreg $0x0  }
0xa8: {  	s4 =	sshll.u32 s28, $0x1;
	[dreg:$0x2] =	wrdreg s2  }
0xa9: {  	[dreg:$0x3] =	wrdreg s4  }
0xaa: {  	[dreg:$0x4] =	wrdreg $0xC0  }
0xab: {  	_ =	task [dreg:s6], $0x5FFFF  }
0xac: {  	[dreg:$0x1] =	wrdreg $0xFFFFFFFF  }
0xad: {  	[dreg:$0x0] =	wrdreg $0x60  }
0xae: {  	[dreg:$0x2] =	wrdreg s24  }
0xaf: {  	[dreg:$0x3] =	wrdreg $0x9  }
0xb0: {  	_ =	task.clear_ibuf [dreg:s6], $0x4FFFF;
	_ =	strace $0x90000052  }
0xb1: {  	s29 =	simm.s32 $0x9;
	_ =	strace $0x80000054  }
0xb2: {  	_ =	swait.ge [sflag:s29], $0x1  }
0xb3: {  	[sflag:s29] =	ssyncadd.s32 $0xFFFFFFFF  }
0xb4: {  	_ =	strace $0x90000054  }
0xb5: {  	_ =	sfence  }
0xb6: {  	s30 =	sld [smem:$0x0];
	_ =	sdelay $0x2  }
0xb7: {  	s31 =	sshll.u32 s1, $0xD;
	s1 =	sshrl.u32 s1, $0x2  }
0xb8: {  	s3 =	sand.u32 $0x4000, s31;
	s1 =	sadd.s32 s1, s30  }
0xb9: {  	s0 =	sor.u32 s3, s0;
	s1 =	sshll.u32 s1, $0x11  }
0xba: {  	s0 =	sor.u32 s1, s0  }
0xbb: {  	s0 =	sadd.s32 $0x8F2B, s0  }
0xbc: {  	[sflag:s0] =	ssyncadd.remote.s32 $0x1  }
0xbd: {  	_ =	sfence.sel $0xFFFF  }
0xbe: {  	[dreg:$0x0] =	wrdreg $0xFFFFFFFF;
	(pc) =	sbr.abs _section_cstart, $3  }
0xbf: {  	[dreg:$0x1] =	wrdreg $0xFFFFFFFF  }
0xc0: {  	_ =	task.clear_ibuf [dreg:s6], $0x2FFFF;
	_ =	strace $0x9FFFFFFF  }
0xc1: {  	(tm) =	ssettm $0x7FFFFFFF  }
tec
execute0_lowered:
.L_overlay_start_1:
0x0: {  	(tag) =	ssettag $0x1  }
0x1: {  	s0 =	rddreg [dreg:$0x0];
	s2 =	simm.s32 $0x0  }
0x2: {  	s1 =	srdreg.scid;
	s11 =	stileid.u32;
	s13 =	simm.s32 $0x80  }
0x3: {  	s14 =	simm.s32 $0x8900;
	s15 =	simm.s32 $0x9100;
	s16 =	simm.s32 $0x9900  }
0x4: {  	s17 =	simm.s32 $0xA100;
	s18 =	simm.s32 $0xA900;
	s19 =	simm.s32 $0xB100  }
0x5: {  	s20 =	simm.s32 $0xB900;
	s21 =	simm.s32 $0xC100;
	s22 =	simm.s32 $0xC900  }
0x6: {  	s23 =	simm.s32 $0xD100;
	s24 =	simm.s32 $0xD900;
	s25 =	simm.s32 $0xE100  }
0x7: {  	s28 =	simm.s32 $0xF900;
	s29 =	simm.s32 $0x1;
	[smem:$0x7FF] =	sst s2  }
0x8: {  	s30 =	simm.s32 $0x2;
	_ =	strace $0x80000053;
	[dreg:$0x4] =	wrdreg s13  }
0x9: {  	s31 =	simm.s32 $0x0;
	s1 =	sand.u32 $0x1, s1;
	[dreg:$0x5] =	wrdreg s14  }
0xa: {  	s3 =	sshll.u32 s11, $0x1;
	s7 =	smul.u32 $0xF00, s11;
	[dreg:$0x6] =	wrdreg s15  }
0xb: {  	s6 =	sadd.s32 $0x11000, s0;
	s11 =	smul.u32 $0x1E000, s11;
	[dreg:$0x7] =	wrdreg s16  }
0xc: {  	s4 =	sor.u32 s1, s3;
	s3 =	sadd.s32 $0x2D9800, s0;
	[dreg:$0x8] =	wrdreg s17  }
0xd: {  	s0 =	sadd.s32 $0x3DD800, s0;
	s9 =	smul.u32 $0x780, s1;
	[dreg:$0x9] =	wrdreg s18  }
0xe: {  	s5 =	ssub.s32 $0x2, s1;
	s1 =	smul.u32 $0xF000, s1;
	[dreg:$0xa] =	wrdreg s19  }
0xf: {  	s13 =	simm.s32 $0x2100;
	s14 =	simm.s32 $0x2900;
	[dreg:$0xb] =	wrdreg s20  }
0x10: {  	s15 =	simm.s32 $0x3100;
	s16 =	simm.s32 $0x3900;
	[dreg:$0xc] =	wrdreg s21  }
0x11: {  	s17 =	simm.s32 $0x4100;
	s18 =	simm.s32 $0x4900;
	[dreg:$0xd] =	wrdreg s22  }
0x12: {  	s19 =	simm.s32 $0x5100;
	s20 =	simm.s32 $0x5900;
	[dreg:$0xe] =	wrdreg s23  }
0x13: {  	s21 =	simm.s32 $0x6100;
	[dreg:$0xf] =	wrdreg s24;
	s22 =	simm.s32 $0x6900  }
0x14: {  	[dreg:$0x10] =	wrdreg s25;
	s23 =	simm.s32 $0x7100;
	s24 =	simm.s32 $0x7900  }
0x15: {  	s25 =	simm.s32 $0x8100;
	s4 =	smul.u32 $0x780, s4;
	s8 =	sshrl.u32 s5, $0x1  }
0x16: {  	s8 =	ssub.s32 s5, s8;
	s7 =	sadd.s32 s9, s7;
	s9 =	simm.s32 $0x100  }
0x17: {  	s4 =	sadd.s32 $0x700, s4;
	s12 =	sshrl.u32 s7, $0x3;
	s7 =	sadd.s32 $0x80, s7  }
0x18: {  	s26 =	sshrl.u32 s4, $0x3;
	s10 =	sshll.u32 s4, $0x5;
	s7 =	sshrl.u32 s7, $0x3  }
0x19: {  	s5 =	sadd.s32 s6, s26;
	s10 =	sadd.s32 s0, s10;
	s0 =	sadd.s32 s11, s0  }
0x1a: {  	s7 =	sadd.s32 s7, s6;
	s11 =	simm.s32 $0x1100;
	[dreg:$0x12] =	wrdreg s5  }
0x1b: {  	s26 =	simm.s32 $0xE900;
	[dreg:$0x13] =	wrdreg s10;
	s10 =	sadd.s32 s12, s6  }
0x1c: {  	v2 =	vlaneseq.u32;
	s6 =	smax.u32 s8, $0x1;
	s0 =	sadd.s32 s1, s0;
	[dreg:$0x3] =	wrdreg s7  }
0x1d: {  	vm0 =	vmmov $0xffff;
	v1 =	vshrl.u32 v2, $0x3;
	s8 =	simm.s32 $0x3;
	s12 =	simm.s32 $0x1900;
	[dreg:$0x11] =	wrdreg s26  }
0x1e: {  	v0 =	vand.u32 $0x7, v2;
	v2 =	vor.u32 $0x8, v2;
	v1 =	vmul.u32 $0x8, v1;
	s26 =	simm.s32 $0xF100;
	[dreg:$0x2] =	wrdreg s10;
	s10 =	simm.s32 $0x900  }
.LBB2_1:
0x1f: {  	s7 =	smov.u32 s0;
	s1 =	simm.s32 $0x0  }
.LBB2_2:
0x20: {  	s4 =	rddreg [dreg:$0x2]  }
0x21: {  	s4 =	sadd.s32 s1, s4  }
0x22: {  	[tilespmem:s2], [sflag:$0x3] =	stream.linear.gather [hbm4b:s4+s2], $0x80, $0x38;
	[tilespmem:$0x10100] =	vst v63  }
0x23: {  	_ =	swait.ge [sflag:s8], $0x80  }
0x24: {  	[sflag:s8] =	ssyncset.done $0x0  }
0x25: {  	[sflag:s8] =	ssyncadd.s32 $0xFFFFFF80  }
0x26: {  	v3 =	vld [tilespmem:$0x0];
	_ =	sdelay $0x4  }
0x27: {  	v4 =	vshll.u32 v3, $0x1  }
0x28: {  	v3 =	vand.u32 $0x7, v3;
	v4 =	vand.u32 $0xFFFFFFF0, v4  }
0x29: {  	v3 =	vor.u32 v3, v4  }
0x2a: {  	v4 =	vperm.xlane v3, v0;
	_ =	sdelay $0x1  }
0x2b: {  	v3 =	vperm.xlane v3, v2;
	v4 =	vadd.s32 v1, v4;
	_ =	sdelay $0x1  }
0x2c: {  	v3 =	vadd.s32 v1, v3;
	_ =	sdelay $0x2  }
0x2d: {  	[tilespmem:s9], [sflag:$0x1] =	stream.indirect_vreg.gather [hbm4b:s3+s2], $0x80, v4, vm0, $0xb8;
	[tilespmem:$0x10100] =	vst v63  }
0x2e: {  	_ = 	snop  }
0x2f: {  	[tilespmem:s10], [sflag:$0x1] =	stream.indirect_vreg.gather [hbm4b:s3+s2], $0x80, v3, vm0, $0xb8;
	[tilespmem:$0x10100] =	vst v63  }
0x30: {  	v3 =	vld [tilespmem:$0x10];
	_ =	sdelay $0x4  }
0x31: {  	v49 =	vshll.u32 v3, $0x1  }
0x32: {  	v3 =	vand.u32 $0x7, v3;
	v4 =	vand.u32 $0xFFFFFFF0, v49  }
0x33: {  	v3 =	vor.u32 v3, v4  }
0x34: {  	v4 =	vperm.xlane v3, v0;
	_ =	sdelay $0x1  }
0x35: {  	v3 =	vperm.xlane v3, v2;
	v4 =	vadd.s32 v1, v4;
	_ =	sdelay $0x1  }
0x36: {  	v3 =	vadd.s32 v1, v3;
	_ =	sdelay $0x2  }
0x37: {  	[tilespmem:s11], [sflag:$0x1] =	stream.indirect_vreg.gather [hbm4b:s3+s2], $0x80, v4, vm0, $0xb8;
	[tilespmem:$0x10100] =	vst v63  }
0x38: {  	_ = 	snop  }
0x39: {  	[tilespmem:s12], [sflag:$0x1] =	stream.indirect_vreg.gather [hbm4b:s3+s2], $0x80, v3, vm0, $0xb8;
	[tilespmem:$0x10100] =	vst v63  }
0x3a: {  	v3 =	vld [tilespmem:$0x20];
	_ =	sdelay $0x4  }
0x3b: {  	v50 =	vshll.u32 v3, $0x1  }
0x3c: {  	v3 =	vand.u32 $0x7, v3;
	v4 =	vand.u32 $0xFFFFFFF0, v50  }
0x3d: {  	v3 =	vor.u32 v3, v4  }
0x3e: {  	v4 =	vperm.xlane v3, v0;
	_ =	sdelay $0x1  }
0x3f: {  	v3 =	vperm.xlane v3, v2;
	v4 =	vadd.s32 v1, v4;
	_ =	sdelay $0x1  }
0x40: {  	v3 =	vadd.s32 v1, v3;
	_ =	sdelay $0x2  }
0x41: {  	[tilespmem:s13], [sflag:$0x1] =	stream.indirect_vreg.gather [hbm4b:s3+s2], $0x80, v4, vm0, $0xb8;
	[tilespmem:$0x10100] =	vst v63  }
0x42: {  	_ = 	snop  }
0x43: {  	[tilespmem:s14], [sflag:$0x1] =	stream.indirect_vreg.gather [hbm4b:s3+s2], $0x80, v3, vm0, $0xb8;
	[tilespmem:$0x10100] =	vst v63  }
0x44: {  	v3 =	vld [tilespmem:$0x30];
	_ =	sdelay $0x4  }
0x45: {  	v51 =	vshll.u32 v3, $0x1  }
0x46: {  	v3 =	vand.u32 $0x7, v3;
	v4 =	vand.u32 $0xFFFFFFF0, v51  }
0x47: {  	v3 =	vor.u32 v3, v4  }
0x48: {  	v4 =	vperm.xlane v3, v0;
	_ =	sdelay $0x1  }
0x49: {  	v3 =	vperm.xlane v3, v2;
	v4 =	vadd.s32 v1, v4;
	_ =	sdelay $0x1  }
0x4a: {  	v3 =	vadd.s32 v1, v3;
	_ =	sdelay $0x2  }
0x4b: {  	[tilespmem:s15], [sflag:$0x1] =	stream.indirect_vreg.gather [hbm4b:s3+s2], $0x80, v4, vm0, $0xb8;
	[tilespmem:$0x10100] =	vst v63  }
0x4c: {  	_ = 	snop  }
0x4d: {  	[tilespmem:s16], [sflag:$0x1] =	stream.indirect_vreg.gather [hbm4b:s3+s2], $0x80, v3, vm0, $0xb8;
	[tilespmem:$0x10100] =	vst v63  }
0x4e: {  	v3 =	vld [tilespmem:$0x40];
	_ =	sdelay $0x4  }
0x4f: {  	v52 =	vshll.u32 v3, $0x1  }
0x50: {  	v3 =	vand.u32 $0x7, v3;
	v4 =	vand.u32 $0xFFFFFFF0, v52  }
0x51: {  	v3 =	vor.u32 v3, v4  }
0x52: {  	v4 =	vperm.xlane v3, v0;
	_ =	sdelay $0x1  }
0x53: {  	v3 =	vperm.xlane v3, v2;
	v4 =	vadd.s32 v1, v4;
	_ =	sdelay $0x1  }
0x54: {  	v3 =	vadd.s32 v1, v3;
	_ =	sdelay $0x2  }
0x55: {  	[tilespmem:s17], [sflag:$0x1] =	stream.indirect_vreg.gather [hbm4b:s3+s2], $0x80, v4, vm0, $0xb8;
	[tilespmem:$0x10100] =	vst v63  }
0x56: {  	_ = 	snop  }
0x57: {  	[tilespmem:s18], [sflag:$0x1] =	stream.indirect_vreg.gather [hbm4b:s3+s2], $0x80, v3, vm0, $0xb8;
	[tilespmem:$0x10100] =	vst v63  }
0x58: {  	v3 =	vld [tilespmem:$0x50];
	_ =	sdelay $0x4  }
0x59: {  	v53 =	vshll.u32 v3, $0x1  }
0x5a: {  	v3 =	vand.u32 $0x7, v3;
	v4 =	vand.u32 $0xFFFFFFF0, v53  }
0x5b: {  	v3 =	vor.u32 v3, v4  }
0x5c: {  	v4 =	vperm.xlane v3, v0;
	_ =	sdelay $0x1  }
0x5d: {  	v3 =	vperm.xlane v3, v2;
	v4 =	vadd.s32 v1, v4;
	_ =	sdelay $0x1  }
0x5e: {  	v3 =	vadd.s32 v1, v3;
	_ =	sdelay $0x2  }
0x5f: {  	[tilespmem:s19], [sflag:$0x1] =	stream.indirect_vreg.gather [hbm4b:s3+s2], $0x80, v4, vm0, $0xb8;
	[tilespmem:$0x10100] =	vst v63  }
0x60: {  	_ = 	snop  }
0x61: {  	[tilespmem:s20], [sflag:$0x1] =	stream.indirect_vreg.gather [hbm4b:s3+s2], $0x80, v3, vm0, $0xb8;
	[tilespmem:$0x10100] =	vst v63  }
0x62: {  	v3 =	vld [tilespmem:$0x60];
	_ =	sdelay $0x4  }
0x63: {  	v54 =	vshll.u32 v3, $0x1  }
0x64: {  	v3 =	vand.u32 $0x7, v3;
	v4 =	vand.u32 $0xFFFFFFF0, v54  }
0x65: {  	v3 =	vor.u32 v3, v4  }
0x66: {  	v4 =	vperm.xlane v3, v0;
	_ =	sdelay $0x1  }
0x67: {  	v3 =	vperm.xlane v3, v2;
	v4 =	vadd.s32 v1, v4;
	_ =	sdelay $0x1  }
0x68: {  	v3 =	vadd.s32 v1, v3;
	_ =	sdelay $0x2  }
0x69: {  	[tilespmem:s21], [sflag:$0x1] =	stream.indirect_vreg.gather [hbm4b:s3+s2], $0x80, v4, vm0, $0xb8;
	[tilespmem:$0x10100] =	vst v63  }
0x6a: {  	_ = 	snop  }
0x6b: {  	[tilespmem:s22], [sflag:$0x1] =	stream.indirect_vreg.gather [hbm4b:s3+s2], $0x80, v3, vm0, $0xb8;
	[tilespmem:$0x10100] =	vst v63  }
0x6c: {  	v3 =	vld [tilespmem:$0x70];
	_ =	sdelay $0x4  }
0x6d: {  	v55 =	vshll.u32 v3, $0x1  }
0x6e: {  	v3 =	vand.u32 $0x7, v3;
	v4 =	vand.u32 $0xFFFFFFF0, v55  }
0x6f: {  	v3 =	vor.u32 v3, v4  }
0x70: {  	v4 =	vperm.xlane v3, v0;
	_ =	sdelay $0x1  }
0x71: {  	v3 =	vperm.xlane v3, v2;
	v4 =	vadd.s32 v1, v4;
	_ =	sdelay $0x1  }
0x72: {  	v3 =	vadd.s32 v1, v3;
	_ =	sdelay $0x2  }
0x73: {  	[tilespmem:s23], [sflag:$0x1] =	stream.indirect_vreg.gather [hbm4b:s3+s2], $0x80, v4, vm0, $0xb8;
	[tilespmem:$0x10100] =	vst v63  }
0x74: {  	s4 =	rddreg [dreg:$0x3]  }
0x75: {  	[tilespmem:s24], [sflag:$0x1] =	stream.indirect_vreg.gather [hbm4b:s3+s2], $0x80, v3, vm0, $0xb8;
	[tilespmem:$0x10100] =	vst v63  }
0x76: {  	s5 =	rddreg [dreg:$0x4];
	s4 =	sadd.s32 s1, s4  }
0x77: {  	[tilespmem:s5], [sflag:$0x3] =	stream.linear.gather [hbm4b:s4+s2], $0x80, $0x38;
	[tilespmem:$0x10100] =	vst v63  }
0x78: {  	_ =	swait.ge [sflag:s8], $0x80  }
0x79: {  	[sflag:s8] =	ssyncset.done $0x0  }
0x7a: {  	[sflag:s8] =	ssyncadd.s32 $0xFFFFFF80  }
0x7b: {  	v3 =	vld [tilespmem:$0x80];
	_ =	sdelay $0x4  }
0x7c: {  	v56 =	vshll.u32 v3, $0x1  }
0x7d: {  	v3 =	vand.u32 $0x7, v3;
	v4 =	vand.u32 $0xFFFFFFF0, v56  }
0x7e: {  	v3 =	vor.u32 v3, v4  }
0x7f: {  	v4 =	vperm.xlane v3, v0;
	_ =	sdelay $0x1  }
0x80: {  	v3 =	vperm.xlane v3, v2;
	v4 =	vadd.s32 v1, v4;
	_ =	sdelay $0x1  }
0x81: {  	v3 =	vadd.s32 v1, v3;
	_ =	sdelay $0x2  }
0x82: {  	[tilespmem:s25], [sflag:$0x2] =	stream.indirect_vreg.gather [hbm4b:s3+s2], $0x80, v4, vm0, $0xb8;
	[tilespmem:$0x10100] =	vst v63  }
0x83: {  	s5 =	rddreg [dreg:$0x5]  }
0x84: {  	[tilespmem:s5], [sflag:$0x2] =	stream.indirect_vreg.gather [hbm4b:s3+s2], $0x80, v3, vm0, $0xb8;
	[tilespmem:$0x10100] =	vst v63  }
0x85: {  	v3 =	vld [tilespmem:$0x90];
	_ =	sdelay $0x4  }
0x86: {  	v57 =	vshll.u32 v3, $0x1  }
0x87: {  	v3 =	vand.u32 $0x7, v3;
	v4 =	vand.u32 $0xFFFFFFF0, v57  }
0x88: {  	v3 =	vor.u32 v3, v4  }
0x89: {  	v4 =	vperm.xlane v3, v0;
	_ =	sdelay $0x1  }
0x8a: {  	v3 =	vperm.xlane v3, v2;
	v4 =	vadd.s32 v1, v4;
	_ =	sdelay $0x1  }
0x8b: {  	v3 =	vadd.s32 v1, v3;
	_ =	sdelay $0x1  }
0x8c: {  	s4 =	rddreg [dreg:$0x6]  }
0x8d: {  	[tilespmem:s4], [sflag:$0x2] =	stream.indirect_vreg.gather [hbm4b:s3+s2], $0x80, v4, vm0, $0xb8;
	[tilespmem:$0x10100] =	vst v63  }
0x8e: {  	s5 =	rddreg [dreg:$0x7]  }
0x8f: {  	[tilespmem:s5], [sflag:$0x2] =	stream.indirect_vreg.gather [hbm4b:s3+s2], $0x80, v3, vm0, $0xb8;
	[tilespmem:$0x10100] =	vst v63  }
0x90: {  	v3 =	vld [tilespmem:$0xA0];
	_ =	sdelay $0x4  }
0x91: {  	v58 =	vshll.u32 v3, $0x1  }
0x92: {  	v3 =	vand.u32 $0x7, v3;
	v4 =	vand.u32 $0xFFFFFFF0, v58  }
0x93: {  	v3 =	vor.u32 v3, v4  }
0x94: {  	v4 =	vperm.xlane v3, v0;
	_ =	sdelay $0x1  }
0x95: {  	v3 =	vperm.xlane v3, v2;
	v4 =	vadd.s32 v1, v4;
	_ =	sdelay $0x1  }
0x96: {  	v3 =	vadd.s32 v1, v3;
	_ =	sdelay $0x1  }
0x97: {  	s4 =	rddreg [dreg:$0x8]  }
0x98: {  	[tilespmem:s4], [sflag:$0x2] =	stream.indirect_vreg.gather [hbm4b:s3+s2], $0x80, v4, vm0, $0xb8;
	[tilespmem:$0x10100] =	vst v63  }
0x99: {  	s5 =	rddreg [dreg:$0x9]  }
0x9a: {  	[tilespmem:s5], [sflag:$0x2] =	stream.indirect_vreg.gather [hbm4b:s3+s2], $0x80, v3, vm0, $0xb8;
	[tilespmem:$0x10100] =	vst v63  }
0x9b: {  	v3 =	vld [tilespmem:$0xB0];
	_ =	sdelay $0x4  }
0x9c: {  	v59 =	vshll.u32 v3, $0x1  }
0x9d: {  	v3 =	vand.u32 $0x7, v3;
	v4 =	vand.u32 $0xFFFFFFF0, v59  }
0x9e: {  	v3 =	vor.u32 v3, v4  }
0x9f: {  	v4 =	vperm.xlane v3, v0;
	_ =	sdelay $0x1  }
0xa0: {  	v3 =	vperm.xlane v3, v2;
	v4 =	vadd.s32 v1, v4;
	_ =	sdelay $0x1  }
0xa1: {  	v3 =	vadd.s32 v1, v3;
	_ =	sdelay $0x1  }
0xa2: {  	s4 =	rddreg [dreg:$0xa]  }
0xa3: {  	[tilespmem:s4], [sflag:$0x2] =	stream.indirect_vreg.gather [hbm4b:s3+s2], $0x80, v4, vm0, $0xb8;
	[tilespmem:$0x10100] =	vst v63  }
0xa4: {  	s5 =	rddreg [dreg:$0xb]  }
0xa5: {  	[tilespmem:s5], [sflag:$0x2] =	stream.indirect_vreg.gather [hbm4b:s3+s2], $0x80, v3, vm0, $0xb8;
	[tilespmem:$0x10100] =	vst v63  }
0xa6: {  	v3 =	vld [tilespmem:$0xC0];
	_ =	sdelay $0x4  }
0xa7: {  	v60 =	vshll.u32 v3, $0x1  }
0xa8: {  	v3 =	vand.u32 $0x7, v3;
	v4 =	vand.u32 $0xFFFFFFF0, v60  }
0xa9: {  	v3 =	vor.u32 v3, v4  }
0xaa: {  	v4 =	vperm.xlane v3, v0;
	_ =	sdelay $0x1  }
0xab: {  	v3 =	vperm.xlane v3, v2;
	v4 =	vadd.s32 v1, v4;
	_ =	sdelay $0x1  }
0xac: {  	v3 =	vadd.s32 v1, v3;
	_ =	sdelay $0x1  }
0xad: {  	s4 =	rddreg [dreg:$0xc]  }
0xae: {  	[tilespmem:s4], [sflag:$0x2] =	stream.indirect_vreg.gather [hbm4b:s3+s2], $0x80, v4, vm0, $0xb8;
	[tilespmem:$0x10100] =	vst v63  }
0xaf: {  	s5 =	rddreg [dreg:$0xd]  }
0xb0: {  	[tilespmem:s5], [sflag:$0x2] =	stream.indirect_vreg.gather [hbm4b:s3+s2], $0x80, v3, vm0, $0xb8;
	[tilespmem:$0x10100] =	vst v63  }
0xb1: {  	v3 =	vld [tilespmem:$0xD0];
	_ =	sdelay $0x4  }
0xb2: {  	v61 =	vshll.u32 v3, $0x1  }
0xb3: {  	v3 =	vand.u32 $0x7, v3;
	v4 =	vand.u32 $0xFFFFFFF0, v61  }
0xb4: {  	v3 =	vor.u32 v3, v4  }
0xb5: {  	v4 =	vperm.xlane v3, v0;
	_ =	sdelay $0x1  }
0xb6: {  	v3 =	vperm.xlane v3, v2;
	v4 =	vadd.s32 v1, v4;
	_ =	sdelay $0x1  }
0xb7: {  	v3 =	vadd.s32 v1, v3;
	_ =	sdelay $0x1  }
0xb8: {  	s4 =	rddreg [dreg:$0xe]  }
0xb9: {  	[tilespmem:s4], [sflag:$0x2] =	stream.indirect_vreg.gather [hbm4b:s3+s2], $0x80, v4, vm0, $0xb8;
	[tilespmem:$0x10100] =	vst v63  }
0xba: {  	s5 =	rddreg [dreg:$0xf]  }
0xbb: {  	[tilespmem:s5], [sflag:$0x2] =	stream.indirect_vreg.gather [hbm4b:s3+s2], $0x80, v3, vm0, $0xb8;
	[tilespmem:$0x10100] =	vst v63  }
0xbc: {  	v3 =	vld [tilespmem:$0xE0];
	_ =	sdelay $0x4  }
0xbd: {  	v62 =	vshll.u32 v3, $0x1  }
0xbe: {  	v3 =	vand.u32 $0x7, v3;
	v4 =	vand.u32 $0xFFFFFFF0, v62  }
0xbf: {  	v3 =	vor.u32 v3, v4  }
0xc0: {  	v4 =	vperm.xlane v3, v0;
	_ =	sdelay $0x1  }
0xc1: {  	v3 =	vperm.xlane v3, v2;
	v4 =	vadd.s32 v1, v4;
	_ =	sdelay $0x1  }
0xc2: {  	v3 =	vadd.s32 v1, v3;
	_ =	sdelay $0x1  }
0xc3: {  	s4 =	rddreg [dreg:$0x10]  }
0xc4: {  	[tilespmem:s4], [sflag:$0x2] =	stream.indirect_vreg.gather [hbm4b:s3+s2], $0x80, v4, vm0, $0xb8;
	[tilespmem:$0x10100] =	vst v63  }
0xc5: {  	s5 =	rddreg [dreg:$0x11]  }
0xc6: {  	[tilespmem:s5], [sflag:$0x2] =	stream.indirect_vreg.gather [hbm4b:s3+s2], $0x80, v3, vm0, $0xb8;
	[tilespmem:$0x10100] =	vst v63  }
0xc7: {  	v3 =	vld [tilespmem:$0xF0];
	_ =	sdelay $0x4  }
0xc8: {  	v63 =	vshll.u32 v3, $0x1  }
0xc9: {  	v3 =	vand.u32 $0x7, v3;
	v4 =	vand.u32 $0xFFFFFFF0, v63  }
0xca: {  	v3 =	vor.u32 v3, v4  }
0xcb: {  	v4 =	vperm.xlane v3, v0;
	_ =	sdelay $0x1  }
0xcc: {  	v3 =	vperm.xlane v3, v2;
	v4 =	vadd.s32 v1, v4;
	_ =	sdelay $0x1  }
0xcd: {  	v3 =	vadd.s32 v1, v3;
	_ =	sdelay $0x2  }
0xce: {  	[tilespmem:s26], [sflag:$0x2] =	stream.indirect_vreg.gather [hbm4b:s3+s2], $0x80, v4, vm0, $0xb8;
	[tilespmem:$0x10100] =	vst v63  }
0xcf: {  	_ = 	snop  }
0xd0: {  	[tilespmem:s28], [sflag:$0x2] =	stream.indirect_vreg.gather [hbm4b:s3+s2], $0x80, v3, vm0, $0xb8;
	[tilespmem:$0x10100] =	vst v63  }
0xd1: {  	_ =	swait.ge [sflag:s29], $0x8000  }
0xd2: {  	[sflag:s29] =	ssyncset.done $0x0  }
0xd3: {  	[sflag:s29] =	ssyncadd.s32 $0xFFFF8000  }
0xd4: {  	[hbm4b:s7+s2] =	stream.linear.scatter [tilespmem:s9], [sflag:$0x3], $0x8000, $0x38;
	[tilespmem:$0x10100] =	vst v63  }
0xd5: {  	_ =	swait.ge [sflag:s8], $0x8000  }
0xd6: {  	[sflag:s8] =	ssyncset.done $0x0  }
0xd7: {  	[sflag:s8] =	ssyncadd.s32 $0xFFFF8000  }
0xd8: {  	_ =	swait.ge [sflag:s30], $0x8000  }
0xd9: {  	p0 =	sne.s32 s1, $0xC0;
	[sflag:s30] =	ssyncset.done $0x0  }
.Ltmp0:
0xda: {  	s5 =	sadd.s32 $0x1000, s7;
	[sflag:s30] =	ssyncadd.s32 $0xFFFF8000;
	(pc) =	sbr.rel @p0 .LBB2_2-.Ltmp0, $4  }
0xdb: {  	[hbm4b:s5+s2] =	stream.linear.scatter [tilespmem:s25], [sflag:$0x3], $0x8000, $0x38;
	[tilespmem:$0x10100] =	vst v63  }
0xdc: {  	_ =	swait.ge [sflag:s8], $0x8000  }
0xdd: {  	[sflag:s8] =	ssyncset.done $0x0  }
0xde: {  	s1 =	sadd.s32 $0x20, s1;
	s7 =	sadd.s32 $0x2000, s7;
	[sflag:s8] =	ssyncadd.s32 $0xFFFF8000  }
0xdf: {  	s1 =	rddreg [dreg:$0x12]  }
0xe0: {  	[tilespmem:s2], [sflag:$0x3] =	stream.linear.gather [hbm4b:s1+s2], $0x80, $0x38;
	[tilespmem:$0x10100] =	vst v63  }
0xe1: {  	_ =	swait.ge [sflag:s8], $0x80  }
0xe2: {  	[sflag:s8] =	ssyncset.done $0x0  }
0xe3: {  	[sflag:s8] =	ssyncadd.s32 $0xFFFFFF80  }
0xe4: {  	v3 =	vld [tilespmem:$0x0];
	_ =	sdelay $0x4  }
0xe5: {  	v4 =	vshll.u32 v3, $0x1  }
0xe6: {  	v3 =	vand.u32 $0x7, v3;
	v4 =	vand.u32 $0xFFFFFFF0, v4  }
0xe7: {  	v3 =	vor.u32 v3, v4  }
0xe8: {  	v4 =	vperm.xlane v3, v0;
	_ =	sdelay $0x1  }
0xe9: {  	v3 =	vperm.xlane v3, v2;
	v4 =	vadd.s32 v1, v4;
	_ =	sdelay $0x1  }
0xea: {  	v3 =	vadd.s32 v1, v3;
	_ =	sdelay $0x2  }
0xeb: {  	[tilespmem:s9], [sflag:$0x1] =	stream.indirect_vreg.gather [hbm4b:s3+s2], $0x80, v4, vm0, $0xb8;
	[tilespmem:$0x10100] =	vst v63  }
0xec: {  	_ = 	snop  }
0xed: {  	[tilespmem:s10], [sflag:$0x1] =	stream.indirect_vreg.gather [hbm4b:s3+s2], $0x80, v3, vm0, $0xb8;
	[tilespmem:$0x10100] =	vst v63  }
0xee: {  	v3 =	vld [tilespmem:$0x10];
	_ =	sdelay $0x4  }
0xef: {  	v57 =	vshll.u32 v3, $0x1  }
0xf0: {  	v3 =	vand.u32 $0x7, v3;
	v4 =	vand.u32 $0xFFFFFFF0, v57  }
0xf1: {  	v3 =	vor.u32 v3, v4  }
0xf2: {  	v4 =	vperm.xlane v3, v0;
	_ =	sdelay $0x1  }
0xf3: {  	v3 =	vperm.xlane v3, v2;
	v4 =	vadd.s32 v1, v4;
	_ =	sdelay $0x1  }
0xf4: {  	v3 =	vadd.s32 v1, v3;
	_ =	sdelay $0x2  }
0xf5: {  	[tilespmem:s11], [sflag:$0x1] =	stream.indirect_vreg.gather [hbm4b:s3+s2], $0x80, v4, vm0, $0xb8;
	[tilespmem:$0x10100] =	vst v63  }
0xf6: {  	_ = 	snop  }
0xf7: {  	[tilespmem:s12], [sflag:$0x1] =	stream.indirect_vreg.gather [hbm4b:s3+s2], $0x80, v3, vm0, $0xb8;
	[tilespmem:$0x10100] =	vst v63  }
0xf8: {  	v3 =	vld [tilespmem:$0x20];
	_ =	sdelay $0x4  }
0xf9: {  	v58 =	vshll.u32 v3, $0x1  }
0xfa: {  	v3 =	vand.u32 $0x7, v3;
	v4 =	vand.u32 $0xFFFFFFF0, v58  }
0xfb: {  	v3 =	vor.u32 v3, v4  }
0xfc: {  	v4 =	vperm.xlane v3, v0;
	_ =	sdelay $0x1  }
0xfd: {  	v3 =	vperm.xlane v3, v2;
	v4 =	vadd.s32 v1, v4;
	_ =	sdelay $0x1  }
0xfe: {  	v3 =	vadd.s32 v1, v3;
	_ =	sdelay $0x2  }
0xff: {  	[tilespmem:s13], [sflag:$0x1] =	stream.indirect_vreg.gather [hbm4b:s3+s2], $0x80, v4, vm0, $0xb8;
	[tilespmem:$0x10100] =	vst v63  }
0x100: {  	_ = 	snop  }
0x101: {  	[tilespmem:s14], [sflag:$0x1] =	stream.indirect_vreg.gather [hbm4b:s3+s2], $0x80, v3, vm0, $0xb8;
	[tilespmem:$0x10100] =	vst v63  }
0x102: {  	v3 =	vld [tilespmem:$0x30];
	_ =	sdelay $0x4  }
0x103: {  	v59 =	vshll.u32 v3, $0x1  }
0x104: {  	v3 =	vand.u32 $0x7, v3;
	v4 =	vand.u32 $0xFFFFFFF0, v59  }
0x105: {  	v3 =	vor.u32 v3, v4  }
0x106: {  	v4 =	vperm.xlane v3, v0;
	_ =	sdelay $0x1  }
0x107: {  	v3 =	vperm.xlane v3, v2;
	v4 =	vadd.s32 v1, v4;
	_ =	sdelay $0x1  }
0x108: {  	v3 =	vadd.s32 v1, v3;
	_ =	sdelay $0x2  }
0x109: {  	[tilespmem:s15], [sflag:$0x1] =	stream.indirect_vreg.gather [hbm4b:s3+s2], $0x80, v4, vm0, $0xb8;
	[tilespmem:$0x10100] =	vst v63  }
0x10a: {  	_ = 	snop  }
0x10b: {  	[tilespmem:s16], [sflag:$0x1] =	stream.indirect_vreg.gather [hbm4b:s3+s2], $0x80, v3, vm0, $0xb8;
	[tilespmem:$0x10100] =	vst v63  }
0x10c: {  	v3 =	vld [tilespmem:$0x40];
	_ =	sdelay $0x4  }
0x10d: {  	v60 =	vshll.u32 v3, $0x1  }
0x10e: {  	v3 =	vand.u32 $0x7, v3;
	v4 =	vand.u32 $0xFFFFFFF0, v60  }
0x10f: {  	v3 =	vor.u32 v3, v4  }
0x110: {  	v4 =	vperm.xlane v3, v0;
	_ =	sdelay $0x1  }
0x111: {  	v3 =	vperm.xlane v3, v2;
	v4 =	vadd.s32 v1, v4;
	_ =	sdelay $0x1  }
0x112: {  	v3 =	vadd.s32 v1, v3;
	_ =	sdelay $0x2  }
0x113: {  	[tilespmem:s17], [sflag:$0x1] =	stream.indirect_vreg.gather [hbm4b:s3+s2], $0x80, v4, vm0, $0xb8;
	[tilespmem:$0x10100] =	vst v63  }
0x114: {  	_ = 	snop  }
0x115: {  	[tilespmem:s18], [sflag:$0x1] =	stream.indirect_vreg.gather [hbm4b:s3+s2], $0x80, v3, vm0, $0xb8;
	[tilespmem:$0x10100] =	vst v63  }
0x116: {  	v3 =	vld [tilespmem:$0x50];
	_ =	sdelay $0x4  }
0x117: {  	v61 =	vshll.u32 v3, $0x1  }
0x118: {  	v3 =	vand.u32 $0x7, v3;
	v4 =	vand.u32 $0xFFFFFFF0, v61  }
0x119: {  	v3 =	vor.u32 v3, v4  }
0x11a: {  	v4 =	vperm.xlane v3, v0;
	_ =	sdelay $0x1  }
0x11b: {  	v3 =	vperm.xlane v3, v2;
	v4 =	vadd.s32 v1, v4;
	_ =	sdelay $0x1  }
0x11c: {  	v3 =	vadd.s32 v1, v3;
	_ =	sdelay $0x2  }
0x11d: {  	[tilespmem:s19], [sflag:$0x1] =	stream.indirect_vreg.gather [hbm4b:s3+s2], $0x80, v4, vm0, $0xb8;
	[tilespmem:$0x10100] =	vst v63  }
0x11e: {  	_ = 	snop  }
0x11f: {  	[tilespmem:s20], [sflag:$0x1] =	stream.indirect_vreg.gather [hbm4b:s3+s2], $0x80, v3, vm0, $0xb8;
	[tilespmem:$0x10100] =	vst v63  }
0x120: {  	v3 =	vld [tilespmem:$0x60];
	_ =	sdelay $0x4  }
0x121: {  	v62 =	vshll.u32 v3, $0x1  }
0x122: {  	v3 =	vand.u32 $0x7, v3;
	v4 =	vand.u32 $0xFFFFFFF0, v62  }
0x123: {  	v3 =	vor.u32 v3, v4  }
0x124: {  	v4 =	vperm.xlane v3, v0;
	_ =	sdelay $0x1  }
0x125: {  	v3 =	vperm.xlane v3, v2;
	v4 =	vadd.s32 v1, v4;
	_ =	sdelay $0x1  }
0x126: {  	v3 =	vadd.s32 v1, v3;
	_ =	sdelay $0x2  }
0x127: {  	[tilespmem:s21], [sflag:$0x1] =	stream.indirect_vreg.gather [hbm4b:s3+s2], $0x80, v4, vm0, $0xb8;
	[tilespmem:$0x10100] =	vst v63  }
0x128: {  	_ = 	snop  }
0x129: {  	[tilespmem:s22], [sflag:$0x1] =	stream.indirect_vreg.gather [hbm4b:s3+s2], $0x80, v3, vm0, $0xb8;
	[tilespmem:$0x10100] =	vst v63  }
0x12a: {  	v3 =	vld [tilespmem:$0x70];
	_ =	sdelay $0x4  }
0x12b: {  	v63 =	vshll.u32 v3, $0x1  }
0x12c: {  	v3 =	vand.u32 $0x7, v3;
	v4 =	vand.u32 $0xFFFFFFF0, v63  }
0x12d: {  	v3 =	vor.u32 v3, v4  }
0x12e: {  	v4 =	vperm.xlane v3, v0;
	_ =	sdelay $0x1  }
0x12f: {  	v3 =	vperm.xlane v3, v2;
	v4 =	vadd.s32 v1, v4;
	_ =	sdelay $0x1  }
0x130: {  	v3 =	vadd.s32 v1, v3;
	_ =	sdelay $0x2  }
0x131: {  	[tilespmem:s23], [sflag:$0x1] =	stream.indirect_vreg.gather [hbm4b:s3+s2], $0x80, v4, vm0, $0xb8;
	[tilespmem:$0x10100] =	vst v63  }
0x132: {  	_ = 	snop  }
0x133: {  	[tilespmem:s24], [sflag:$0x1] =	stream.indirect_vreg.gather [hbm4b:s3+s2], $0x80, v3, vm0, $0xb8;
	[tilespmem:$0x10100] =	vst v63  }
0x134: {  	s31 =	sadd.s32 $0x1, s31;
	_ =	swait.ge [sflag:s29], $0x8000  }
0x135: {  	p0 =	sne.s32 s31, s6;
	[sflag:s29] =	ssyncset.done $0x0  }
.Ltmp1:
0x136: {  	s7 =	rddreg [dreg:$0x13];
	[sflag:s29] =	ssyncadd.s32 $0xFFFF8000;
	(pc) =	sbr.rel @p0 .LBB2_1-.Ltmp1, $4  }
0x137: {  	[hbm4b:s7+s2] =	stream.linear.scatter [tilespmem:s9], [sflag:$0x3], $0x8000, $0x38;
	[tilespmem:$0x10100] =	vst v63  }
0x138: {  	_ =	swait.ge [sflag:s8], $0x8000  }
0x139: {  	[sflag:s8] =	ssyncset.done $0x0  }
0x13a: {  	[sflag:s8] =	ssyncadd.s32 $0xFFFF8000  }
0x13b: {  	_ =	sfence.sel $0x180000  }
0x13c: {  	[bflag:$0x0] =	sbarrier.arrive $0xFFFF  }
0x13d: {  	_ =	strace $0x90000053  }
0x13e: {  	s0 =	stileid.u32;
	[bflag:$0x2] =	sbarrier.arrive $0xFFFF  }
0x13f: {  	p0 =	sne.s32 s0, $0x0;
	s0 =	rddreg [dreg:$0x1]  }
0x140: {  	s0 =	sadd.s32 @!p0 $0x100000, s0  }
0x141: {  	[sflag:s0] =	ssyncadd.tile.s32 @!p0 $0x1;
	_ =	shalt  }
.Lfunc_end2:
_tile_overlayer_lowered:
.L_overlay_start_2:
0x142: {  	(tag) =	ssettag $0x2  }
0x143: {  	s0 =	rddreg [dreg:$0x0];
	s2 =	stileid.u32  }
0x144: {  	s1 =	rddreg [dreg:$0x1];
	p0 =	sne.s32 s2, $0x0  }
0x145: {  	s3 =	rddreg [dreg:$0x2];
	[bflag:$0x3] =	sbarrier.arrive $0xFFFF;
	s2 =	simm.s32 @!p0 $0x1C03  }
0x146: {  	[timem:s3], [sflag:s2] =	dma.local @!p0 [hbm:s0], s1  }
0x147: {  	s0 =	simm.s32 @!p0 $0x3  }
0x148: {  	_ =	swait.ge @!p0 [sflag:s0], s1  }
0x149: {  	s1 =	ssub.s32 @!p0 $0x0, s1;
	[sflag:s0] =	ssyncset.done @!p0 $0x0  }
0x14a: {  	[sflag:s0] =	ssyncadd.s32 @!p0 s1  }
0x14b: {  	[bflag:$0x3] =	sbarrier.arrive $0xFFFF  }
0x14c: {  	_ =	shalt  }

// kernel: kernel.66.cloned.1.call-start
scs
__scs_entry_jumppad:
0x0: {  	(pc) =	sbr.rel $0x88, $3  }
0x1: {  	(tag) =	ssettag $0x0;
	lr =	simm.s32 $0x1  }
0x2: {  	[smem:$0x3F69] =	sst lr;
	_ =	strace $0xD0000000  }
0x3: {  	_ = 	snop  }
0x4: {  	_ = 	snop  }
0x5: {  	_ = 	snop  }
0x6: {  	_ = 	snop  }
0x7: {  	_ = 	snop  }
__scs_overlays_trampoline_lowered:
0x8: {  	[smem:$0x3F78] =	sst s0  }
0x9: {  	[smem:$0x3F79] =	sst s1  }
0xa: {  	[smem:$0x3F7A] =	sst s2  }
0xb: {  	[smem:$0x3F7B] =	sst s3  }
0xc: {  	[smem:$0x3F7C] =	sst s4  }
0xd: {  	[smem:$0x3F7D] =	sst s5  }
0xe: {  	[smem:$0x3F7E] =	sst s6  }
0xf: {  	[smem:$0x3F7F] =	sst s7  }
0x10: {  	[smem:$0x3F80] =	sst s8  }
0x11: {  	[smem:$0x3F81] =	sst s9;
	s0 =	simm.s32 @!p0 $0x0  }
0x12: {  	s1 =	sld [smem:$0x3F67];
	s0 =	simm.s32 @p0 $0x1  }
0x13: {  	[smem:$0x3F82] =	sst s0;
	s0 =	simm.s32 @!p1 $0x0  }
0x14: {  	s2 =	sld [smem:$0x3F66];
	s0 =	simm.s32 @p1 $0x1  }
0x15: {  	[smem:$0x3F83] =	sst s0;
	s0 =	simm.s32 @!p2 $0x0  }
0x16: {  	s3 =	sld [smem:$0x3FDB];
	s0 =	simm.s32 @p2 $0x1  }
0x17: {  	s4 =	simm.s32 $0x1BF5;
	[smem:$0x3F85] =	sst s0  }
0x18: {  	s0 =	sld [smem:$0x3F68];
	_ =	swait.ge [sflag:s4], $0x0  }
0x19: {  	s7 =	sld [smem:$0x3F69]  }
0x1a: {  	s8 =	sadd.s32 $0xFFFFE003, lr  }
0x1b: {  	s9 =	sadd.s32 $0xFFFFFEF7, lr;
	s5 =	simm.s32 $0xFFFFFFFF;
	p2 =	slt.u32 s8, $0xFFFFF086  }
0x1c: {  	p1 =	slt.u32 s9, $0xF7A;
	s5 =	simm.s32 @!p2 $0x0  }
0x1d: {  	s5 =	simm.s32 @p1 $0x1;
	p0 =	seq.s32 s7, s2  }
0x1e: {  	s7 =	smul.u32 @!p0 $0xF7A, s2;
	p2 =	seq.s32 @!p0 s5, $0x0  }
0x1f: {  	s9 =	smul.u32 $0xF7A, s1;
	s8 =	simm.s32 @!p0 $0x1BF5;
	p2 =	por !p2, p0  }
0x20: {  	[sflag:s8] =	ssyncset.s32 @!p0 $0xFFFFF086;
	s6 =	sadd.s32 @!p0 s3, s7;
	s7 =	simm.s32 @!p0 $0x108  }
0x21: {  	s3 =	sadd.s32 s3, s9;
	s6 =	sadd.s32 @!p0 $0x88, s6;
	s7 =	simm.s32 @p2 $0x1082  }
0x22: {  	[simem:s7], [sflag:s8] =	dma.local @!p0 [hbm:s6], $0xF7A  }
0x23: {  	s9 =	sor.u32 $0xD0000000, s2;
	s6 =	simm.s32 $0x108;
	_ =	swait.ge @!p0 [sflag:s8], $0x0  }
0x24: {  	s3 =	sadd.s32 $0x88, s3;
	s6 =	simm.s32 @!p1 $0x1082;
	[sflag:s4] =	ssyncset.s32 $0xFFFFF086  }
0x25: {  	[simem:s6], [sflag:s4] =	dma.local [hbm:s3], $0xF7A  }
0x26: {  	[smem:$0x3F69] =	sst s1;
	(tag) =	ssettag s2;
	_ =	strace s9  }
0x27: {  	s1 =	sld [smem:$0x3F79]  }
0x28: {  	s2 =	sld [smem:$0x3F7A]  }
0x29: {  	s4 =	sld [smem:$0x3F7C]  }
0x2a: {  	p0 =	seq.s32 s5, $0x0;
	s5 =	sld [smem:$0x3F7D]  }
0x2b: {  	s6 =	sld [smem:$0x3F7E]  }
0x2c: {  	s7 =	sld [smem:$0x3F7F]  }
0x2d: {  	s3 =	simm.s32 $0x108;
	s8 =	sld [smem:$0x3F80]  }
0x2e: {  	s3 =	simm.s32 @!p0 $0x1082;
	s9 =	sld [smem:$0x3F81]  }
0x2f: {  	lr =	sadd.s32 s0, s3;
	s0 =	sld [smem:$0x3F78]  }
0x30: {  	s3 =	sld [smem:$0x3F7B]  }
0x31: {  	[smem:$0x3F84] =	sst s10  }
0x32: {  	s10 =	sld [smem:$0x3F82];
	_ =	sdelay $0x3  }
0x33: {  	p0 =	seq.s32 s10, $0x1;
	s10 =	sld [smem:$0x3F84];
	_ =	sdelay $0x3  }
0x34: {  	[smem:$0x3F84] =	sst s10  }
0x35: {  	s10 =	sld [smem:$0x3F83];
	_ =	sdelay $0x3  }
0x36: {  	p1 =	seq.s32 s10, $0x1;
	s10 =	sld [smem:$0x3F84];
	_ =	sdelay $0x3  }
0x37: {  	[smem:$0x3F84] =	sst s10  }
0x38: {  	s10 =	sld [smem:$0x3F85]  }
0x39: {  	_ = 	snop;
	(pc) =	sbr.ind lr, $3  }
0x3a: {  	_ = 	snop  }
0x3b: {  	_ = 	snop  }
0x3c: {  	p2 =	seq.s32 s10, $0x1;
	s10 =	sld [smem:$0x3F84]  }
0x3d: {  	_ =	shalt  }
0x3e: {  	_ =	shalt  }
0x3f: {  	_ =	shalt  }
0x40: {  	_ =	shalt  }
0x41: {  	_ =	shalt  }
0x42: {  	_ =	shalt  }
0x43: {  	_ =	shalt  }
0x44: {  	_ =	shalt  }
0x45: {  	_ =	shalt  }
0x46: {  	_ =	shalt  }
0x47: {  	_ =	shalt  }
0x48: {  	_ =	shalt  }
0x49: {  	_ =	shalt  }
0x4a: {  	_ =	shalt  }
0x4b: {  	_ =	shalt  }
0x4c: {  	_ =	shalt  }
0x4d: {  	_ =	shalt  }
0x4e: {  	_ =	shalt  }
0x4f: {  	_ =	shalt  }
0x50: {  	_ =	shalt  }
0x51: {  	_ =	shalt  }
0x52: {  	_ =	shalt  }
0x53: {  	_ =	shalt  }
0x54: {  	_ =	shalt  }
0x55: {  	_ =	shalt  }
0x56: {  	_ =	shalt  }
0x57: {  	_ =	shalt  }
0x58: {  	_ =	shalt  }
0x59: {  	_ =	shalt  }
0x5a: {  	_ =	shalt  }
0x5b: {  	_ =	shalt  }
0x5c: {  	_ =	shalt  }
0x5d: {  	_ =	shalt  }
0x5e: {  	_ =	shalt  }
0x5f: {  	_ =	shalt  }
0x60: {  	_ =	shalt  }
0x61: {  	_ =	shalt  }
0x62: {  	_ =	shalt  }
0x63: {  	_ =	shalt  }
0x64: {  	_ =	shalt  }
0x65: {  	_ =	shalt  }
0x66: {  	_ =	shalt  }
0x67: {  	_ =	shalt  }
0x68: {  	_ =	shalt  }
0x69: {  	_ =	shalt  }
0x6a: {  	_ =	shalt  }
0x6b: {  	_ =	shalt  }
0x6c: {  	_ =	shalt  }
0x6d: {  	_ =	shalt  }
0x6e: {  	_ =	shalt  }
0x6f: {  	_ =	shalt  }
0x70: {  	_ =	shalt  }
0x71: {  	_ =	shalt  }
0x72: {  	_ =	shalt  }
0x73: {  	_ =	shalt  }
0x74: {  	_ =	shalt  }
0x75: {  	_ =	shalt  }
0x76: {  	_ =	shalt  }
0x77: {  	_ =	shalt  }
0x78: {  	_ =	shalt  }
0x79: {  	_ =	shalt  }
0x7a: {  	_ =	shalt  }
0x7b: {  	_ =	shalt  }
0x7c: {  	_ =	shalt  }
0x7d: {  	_ =	shalt  }
0x7e: {  	_ =	shalt  }
0x7f: {  	_ =	shalt  }
0x80: {  	_ =	shalt  }
0x81: {  	_ =	shalt  }
0x82: {  	_ =	shalt  }
0x83: {  	_ =	shalt  }
0x84: {  	_ =	shalt  }
0x85: {  	_ =	shalt  }
0x86: {  	_ =	shalt  }
0x87: {  	_ =	shalt  }
.Lfunc_end0:
.L_simem_size_0:
called_computation.5_lowered:
.L_overlay_start_0:
0x88: {  	s2 =	sld [smem:$0x3FD9]  }
0x89: {  	s3 =	sld [smem:$0x3FFE];
	_ =	sdelay $0x1  }
0x8a: {  	s1 =	srdreg.scid  }
0x8b: {  	s0 =	sand.u32 $0x1, s1  }
0x8c: {  	s16 =	sshll.u32 s0, $0xA;
	s2 =	sadd.s32 s3, s2  }
0x8d: {  	s2 =	sadd.s32 s2, s16  }
0x8e: {  	[smem:$0x3F90] =	sst s2  }
0x8f: {  	_ = 	snop  }
0x90: {  	(tm) =	ssettm $0x1  }
0x91: {  	s17 =	sld [smem:$0x3FFB];
	_ =	sdelay $0x3  }
0x92: {  	_ =	strace s17  }
0x93: {  	s2 =	sld [smem:$0x3FFC];
	_ =	sdelay $0x3  }
0x94: {  	_ =	strace s2  }
0x95: {  	s2 =	sld [smem:$0x3FFD];
	_ =	sdelay $0x3  }
0x96: {  	_ =	strace s2  }
0x97: {  	_ =	strace $0x8FFFFFFF  }
0x98: {  	s18 =	sld [smem:$0x3FDB];
	_ =	sdelay $0x1  }
0x99: {  	s19 =	simm.s32 $_scs_section_size  }
0x9a: {  	s4 =	simm.s32 $_size__tile_overlayer_lowered;
	s5 =	simm.s32 $_tile_overlayer_lowered  }
0x9b: {  	s22 =	simm.s32 $0x1BFF;
	s21 =	sshll.u32 s5, $0x1;
	s2 =	sadd.s32 s19, s18  }
0x9c: {  	s6 =	simm.s32 $0x0;
	s20 =	sshll.u32 s4, $0x1;
	s4 =	sadd.s32 s21, s2  }
0x9d: {  	[timem:s6], [sflag:s22] =	dma.local [hbm:s4], s20  }
0x9e: {  	_ =	swait.ge [sflag:s22], s20  }
0x9f: {  	s3 =	ssub.s32 $0x0, s20;
	[sflag:s22] =	ssyncset.done $0x0  }
0xa0: {  	[sflag:s22] =	ssyncadd.s32 s3;
	_ =	sdelay $0x1  }
0xa1: {  	s23 =	simm.s32 $0x1B8B  }
0xa2: {  	_ =	swait.ge [sflag:s23], $0x1  }
0xa3: {  	[sflag:s23] =	ssyncset.done $0x0  }
0xa4: {  	s25 =	simm.s32 $0x1B8E;
	s24 =	sld [smem:$0x3FFE];
	[sflag:s23] =	ssyncadd.s32 $0xFFFFFFFF  }
0xa5: {  	s26 =	simm.s32 $execute0_lowered;
	[smem:$0x3FD2] =	sst s25  }
0xa6: {  	s4 =	sshll.u32 s26, $0x1;
	_ =	strace $0x80000055;
	[dreg:$0x1] =	wrdreg $0xFFFFFFFF  }
0xa7: {  	s28 =	simm.s32 $_size_execute0_lowered;
	s2 =	sadd.s32 s2, s4;
	[dreg:$0x0] =	wrdreg $0x0  }
0xa8: {  	s4 =	sshll.u32 s28, $0x1;
	[dreg:$0x2] =	wrdreg s2  }
0xa9: {  	[dreg:$0x3] =	wrdreg s4  }
0xaa: {  	[dreg:$0x4] =	wrdreg $0xC0  }
0xab: {  	_ =	task [dreg:s6], $0x5FFFF  }
0xac: {  	[dreg:$0x1] =	wrdreg $0xFFFFFFFF  }
0xad: {  	[dreg:$0x0] =	wrdreg $0x60  }
0xae: {  	[dreg:$0x2] =	wrdreg s24  }
0xaf: {  	[dreg:$0x3] =	wrdreg $0x9  }
0xb0: {  	_ =	task.clear_ibuf [dreg:s6], $0x4FFFF;
	_ =	strace $0x90000055  }
0xb1: {  	s29 =	simm.s32 $0x9;
	_ =	strace $0x80000057  }
0xb2: {  	_ =	swait.ge [sflag:s29], $0x1  }
0xb3: {  	[sflag:s29] =	ssyncadd.s32 $0xFFFFFFFF  }
0xb4: {  	_ =	strace $0x90000057  }
0xb5: {  	_ =	sfence  }
0xb6: {  	s30 =	sld [smem:$0x0];
	_ =	sdelay $0x2  }
0xb7: {  	s31 =	sshll.u32 s1, $0xD;
	s1 =	sshrl.u32 s1, $0x2  }
0xb8: {  	s3 =	sand.u32 $0x4000, s31;
	s1 =	sadd.s32 s1, s30  }
0xb9: {  	s0 =	sor.u32 s3, s0;
	s1 =	sshll.u32 s1, $0x11  }
0xba: {  	s0 =	sor.u32 s1, s0  }
0xbb: {  	s0 =	sadd.s32 $0x8F2B, s0  }
0xbc: {  	[sflag:s0] =	ssyncadd.remote.s32 $0x1  }
0xbd: {  	_ =	sfence.sel $0xFFFF  }
0xbe: {  	[dreg:$0x0] =	wrdreg $0xFFFFFFFF;
	(pc) =	sbr.abs _section_cstart, $3  }
0xbf: {  	[dreg:$0x1] =	wrdreg $0xFFFFFFFF  }
0xc0: {  	_ =	task.clear_ibuf [dreg:s6], $0x2FFFF;
	_ =	strace $0x9FFFFFFF  }
0xc1: {  	(tm) =	ssettm $0x7FFFFFFF  }
tec
execute0_lowered:
.L_overlay_start_1:
0x0: {  	(tag) =	ssettag $0x1  }
0x1: {  	s4 =	rddreg [dreg:$0x0]  }
0x2: {  	s0 =	rddreg [dreg:$0x1];
	s2 =	simm.s32 $0x0;
	s3 =	srdreg.scid  }
0x3: {  	s1 =	stileid.u32;
	s9 =	simm.s32 $0x880;
	s10 =	simm.s32 $0x1080  }
0x4: {  	s11 =	simm.s32 $0x1880;
	s12 =	simm.s32 $0x2080;
	s13 =	simm.s32 $0x2880  }
0x5: {  	s14 =	simm.s32 $0x3080;
	s15 =	simm.s32 $0x3880;
	s16 =	simm.s32 $0x4080  }
0x6: {  	s17 =	simm.s32 $0x4880;
	s18 =	simm.s32 $0x5080;
	s19 =	simm.s32 $0x5880  }
0x7: {  	s20 =	simm.s32 $0x6080;
	s21 =	simm.s32 $0x6880;
	s22 =	simm.s32 $0x7080  }
0x8: {  	s23 =	simm.s32 $0x7880;
	s24 =	simm.s32 $0x1;
	s5 =	sand.u32 $0x1, s3  }
0x9: {  	[smem:$0x7FF] =	sst s2;
	s6 =	sshll.u32 s1, $0x8;
	s7 =	sshll.u32 s5, $0x7  }
0xa: {  	s3 =	sadd.s32 $0xD000, s4;
	_ =	strace $0x80000056;
	s6 =	sor.u32 s7, s6  }
0xb: {  	s5 =	ssub.s32 $0x2, s5;
	s7 =	sshrl.u32 s6, $0x3;
	s6 =	sshll.u32 s6, $0x5  }
0xc: {  	v2 =	vlaneseq.u32;
	s8 =	sshrl.u32 s5, $0x1;
	s7 =	sadd.s32 s7, s4;
	s6 =	sadd.s32 s6, s4  }
0xd: {  	vm0 =	vmmov $0xffff;
	v1 =	vshrl.u32 v2, $0x3;
	s8 =	ssub.s32 s5, s8;
	s4 =	sadd.s32 $0x16E00, s7;
	s5 =	sadd.s32 $0x29800, s6  }
0xe: {  	v0 =	vand.u32 $0x7, v2;
	v2 =	vor.u32 $0x8, v2;
	v1 =	vmul.u32 $0x8, v1;
	s6 =	smax.u32 s8, $0x1;
	s7 =	simm.s32 $0x2;
	s8 =	simm.s32 $0x80  }
.LBB2_1:
0xf: {  	[tilespmem:s2], [sflag:$0x2] =	stream.linear.gather [hbm4b:s4+s2], $0x80, $0x38;
	[tilespmem:$0x8080] =	vst v63  }
0x10: {  	_ =	swait.ge [sflag:s7], $0x80  }
0x11: {  	[sflag:s7] =	ssyncset.done $0x0  }
0x12: {  	[sflag:s7] =	ssyncadd.s32 $0xFFFFFF80  }
0x13: {  	v3 =	vld [tilespmem:$0x0];
	_ =	sdelay $0x4  }
0x14: {  	v4 =	vshll.u32 v3, $0x1  }
0x15: {  	v3 =	vand.u32 $0x7, v3;
	v4 =	vand.u32 $0xFFFFFFF0, v4  }
0x16: {  	v3 =	vor.u32 v3, v4  }
0x17: {  	v4 =	vperm.xlane v3, v0;
	_ =	sdelay $0x1  }
0x18: {  	v3 =	vperm.xlane v3, v2;
	v4 =	vadd.s32 v1, v4;
	_ =	sdelay $0x1  }
0x19: {  	v3 =	vadd.s32 v1, v3;
	_ =	sdelay $0x2  }
0x1a: {  	[tilespmem:s8], [sflag:$0x1] =	stream.indirect_vreg.gather [hbm4b:s3+s2], $0x80, v4, vm0, $0xb8;
	[tilespmem:$0x8080] =	vst v63  }
0x1b: {  	_ = 	snop  }
0x1c: {  	[tilespmem:s9], [sflag:$0x1] =	stream.indirect_vreg.gather [hbm4b:s3+s2], $0x80, v3, vm0, $0xb8;
	[tilespmem:$0x8080] =	vst v63  }
0x1d: {  	v3 =	vld [tilespmem:$0x10];
	_ =	sdelay $0x4  }
0x1e: {  	v57 =	vshll.u32 v3, $0x1  }
0x1f: {  	v3 =	vand.u32 $0x7, v3;
	v4 =	vand.u32 $0xFFFFFFF0, v57  }
0x20: {  	v3 =	vor.u32 v3, v4  }
0x21: {  	v4 =	vperm.xlane v3, v0;
	_ =	sdelay $0x1  }
0x22: {  	v3 =	vperm.xlane v3, v2;
	v4 =	vadd.s32 v1, v4;
	_ =	sdelay $0x1  }
0x23: {  	v3 =	vadd.s32 v1, v3;
	_ =	sdelay $0x2  }
0x24: {  	[tilespmem:s10], [sflag:$0x1] =	stream.indirect_vreg.gather [hbm4b:s3+s2], $0x80, v4, vm0, $0xb8;
	[tilespmem:$0x8080] =	vst v63  }
0x25: {  	_ = 	snop  }
0x26: {  	[tilespmem:s11], [sflag:$0x1] =	stream.indirect_vreg.gather [hbm4b:s3+s2], $0x80, v3, vm0, $0xb8;
	[tilespmem:$0x8080] =	vst v63  }
0x27: {  	v3 =	vld [tilespmem:$0x20];
	_ =	sdelay $0x4  }
0x28: {  	v58 =	vshll.u32 v3, $0x1  }
0x29: {  	v3 =	vand.u32 $0x7, v3;
	v4 =	vand.u32 $0xFFFFFFF0, v58  }
0x2a: {  	v3 =	vor.u32 v3, v4  }
0x2b: {  	v4 =	vperm.xlane v3, v0;
	_ =	sdelay $0x1  }
0x2c: {  	v3 =	vperm.xlane v3, v2;
	v4 =	vadd.s32 v1, v4;
	_ =	sdelay $0x1  }
0x2d: {  	v3 =	vadd.s32 v1, v3;
	_ =	sdelay $0x2  }
0x2e: {  	[tilespmem:s12], [sflag:$0x1] =	stream.indirect_vreg.gather [hbm4b:s3+s2], $0x80, v4, vm0, $0xb8;
	[tilespmem:$0x8080] =	vst v63  }
0x2f: {  	_ = 	snop  }
0x30: {  	[tilespmem:s13], [sflag:$0x1] =	stream.indirect_vreg.gather [hbm4b:s3+s2], $0x80, v3, vm0, $0xb8;
	[tilespmem:$0x8080] =	vst v63  }
0x31: {  	v3 =	vld [tilespmem:$0x30];
	_ =	sdelay $0x4  }
0x32: {  	v59 =	vshll.u32 v3, $0x1  }
0x33: {  	v3 =	vand.u32 $0x7, v3;
	v4 =	vand.u32 $0xFFFFFFF0, v59  }
0x34: {  	v3 =	vor.u32 v3, v4  }
0x35: {  	v4 =	vperm.xlane v3, v0;
	_ =	sdelay $0x1  }
0x36: {  	v3 =	vperm.xlane v3, v2;
	v4 =	vadd.s32 v1, v4;
	_ =	sdelay $0x1  }
0x37: {  	v3 =	vadd.s32 v1, v3;
	_ =	sdelay $0x2  }
0x38: {  	[tilespmem:s14], [sflag:$0x1] =	stream.indirect_vreg.gather [hbm4b:s3+s2], $0x80, v4, vm0, $0xb8;
	[tilespmem:$0x8080] =	vst v63  }
0x39: {  	_ = 	snop  }
0x3a: {  	[tilespmem:s15], [sflag:$0x1] =	stream.indirect_vreg.gather [hbm4b:s3+s2], $0x80, v3, vm0, $0xb8;
	[tilespmem:$0x8080] =	vst v63  }
0x3b: {  	v3 =	vld [tilespmem:$0x40];
	_ =	sdelay $0x4  }
0x3c: {  	v60 =	vshll.u32 v3, $0x1  }
0x3d: {  	v3 =	vand.u32 $0x7, v3;
	v4 =	vand.u32 $0xFFFFFFF0, v60  }
0x3e: {  	v3 =	vor.u32 v3, v4  }
0x3f: {  	v4 =	vperm.xlane v3, v0;
	_ =	sdelay $0x1  }
0x40: {  	v3 =	vperm.xlane v3, v2;
	v4 =	vadd.s32 v1, v4;
	_ =	sdelay $0x1  }
0x41: {  	v3 =	vadd.s32 v1, v3;
	_ =	sdelay $0x2  }
0x42: {  	[tilespmem:s16], [sflag:$0x1] =	stream.indirect_vreg.gather [hbm4b:s3+s2], $0x80, v4, vm0, $0xb8;
	[tilespmem:$0x8080] =	vst v63  }
0x43: {  	_ = 	snop  }
0x44: {  	[tilespmem:s17], [sflag:$0x1] =	stream.indirect_vreg.gather [hbm4b:s3+s2], $0x80, v3, vm0, $0xb8;
	[tilespmem:$0x8080] =	vst v63  }
0x45: {  	v3 =	vld [tilespmem:$0x50];
	_ =	sdelay $0x4  }
0x46: {  	v61 =	vshll.u32 v3, $0x1  }
0x47: {  	v3 =	vand.u32 $0x7, v3;
	v4 =	vand.u32 $0xFFFFFFF0, v61  }
0x48: {  	v3 =	vor.u32 v3, v4  }
0x49: {  	v4 =	vperm.xlane v3, v0;
	_ =	sdelay $0x1  }
0x4a: {  	v3 =	vperm.xlane v3, v2;
	v4 =	vadd.s32 v1, v4;
	_ =	sdelay $0x1  }
0x4b: {  	v3 =	vadd.s32 v1, v3;
	_ =	sdelay $0x2  }
0x4c: {  	[tilespmem:s18], [sflag:$0x1] =	stream.indirect_vreg.gather [hbm4b:s3+s2], $0x80, v4, vm0, $0xb8;
	[tilespmem:$0x8080] =	vst v63  }
0x4d: {  	_ = 	snop  }
0x4e: {  	[tilespmem:s19], [sflag:$0x1] =	stream.indirect_vreg.gather [hbm4b:s3+s2], $0x80, v3, vm0, $0xb8;
	[tilespmem:$0x8080] =	vst v63  }
0x4f: {  	v3 =	vld [tilespmem:$0x60];
	_ =	sdelay $0x4  }
0x50: {  	v62 =	vshll.u32 v3, $0x1  }
0x51: {  	v3 =	vand.u32 $0x7, v3;
	v4 =	vand.u32 $0xFFFFFFF0, v62  }
0x52: {  	v3 =	vor.u32 v3, v4  }
0x53: {  	v4 =	vperm.xlane v3, v0;
	_ =	sdelay $0x1  }
0x54: {  	v3 =	vperm.xlane v3, v2;
	v4 =	vadd.s32 v1, v4;
	_ =	sdelay $0x1  }
0x55: {  	v3 =	vadd.s32 v1, v3;
	_ =	sdelay $0x2  }
0x56: {  	[tilespmem:s20], [sflag:$0x1] =	stream.indirect_vreg.gather [hbm4b:s3+s2], $0x80, v4, vm0, $0xb8;
	[tilespmem:$0x8080] =	vst v63  }
0x57: {  	_ = 	snop  }
0x58: {  	[tilespmem:s21], [sflag:$0x1] =	stream.indirect_vreg.gather [hbm4b:s3+s2], $0x80, v3, vm0, $0xb8;
	[tilespmem:$0x8080] =	vst v63  }
0x59: {  	v3 =	vld [tilespmem:$0x70];
	_ =	sdelay $0x4  }
0x5a: {  	v63 =	vshll.u32 v3, $0x1  }
0x5b: {  	v3 =	vand.u32 $0x7, v3;
	v4 =	vand.u32 $0xFFFFFFF0, v63  }
0x5c: {  	v3 =	vor.u32 v3, v4  }
0x5d: {  	v4 =	vperm.xlane v3, v0;
	_ =	sdelay $0x1  }
0x5e: {  	v3 =	vperm.xlane v3, v2;
	v4 =	vadd.s32 v1, v4;
	_ =	sdelay $0x1  }
0x5f: {  	v3 =	vadd.s32 v1, v3;
	_ =	sdelay $0x2  }
0x60: {  	[tilespmem:s22], [sflag:$0x1] =	stream.indirect_vreg.gather [hbm4b:s3+s2], $0x80, v4, vm0, $0xb8;
	[tilespmem:$0x8080] =	vst v63  }
0x61: {  	_ = 	snop  }
0x62: {  	[tilespmem:s23], [sflag:$0x1] =	stream.indirect_vreg.gather [hbm4b:s3+s2], $0x80, v3, vm0, $0xb8;
	[tilespmem:$0x8080] =	vst v63  }
0x63: {  	_ =	swait.ge [sflag:s24], $0x8000  }
0x64: {  	p0 =	sne.s32 s6, $0x1;
	[sflag:s24] =	ssyncset.done $0x0  }
.Ltmp0:
0x65: {  	[sflag:s24] =	ssyncadd.s32 $0xFFFF8000;
	(pc) =	sbr.rel @p0 .LBB2_1-.Ltmp0, $4  }
0x66: {  	[hbm4b:s5+s2] =	stream.linear.scatter [tilespmem:s8], [sflag:$0x2], $0x8000, $0x38;
	[tilespmem:$0x8080] =	vst v63  }
0x67: {  	_ =	swait.ge [sflag:s7], $0x8000  }
0x68: {  	[sflag:s7] =	ssyncset.done $0x0  }
0x69: {  	s6 =	sadd.s32 $0xFFFFFFFF, s6;
	[sflag:s7] =	ssyncadd.s32 $0xFFFF8000  }
0x6a: {  	_ =	sfence.sel $0x180000  }
0x6b: {  	[bflag:$0x0] =	sbarrier.arrive $0xFFFF  }
0x6c: {  	p0 =	sne.s32 s1, $0x0;
	_ =	strace $0x90000056  }
0x6d: {  	s0 =	sadd.s32 @!p0 $0x100000, s0;
	[bflag:$0x2] =	sbarrier.arrive $0xFFFF  }
0x6e: {  	[sflag:s0] =	ssyncadd.tile.s32 @!p0 $0x1;
	_ =	shalt  }
.Lfunc_end2:
_tile_overlayer_lowered:
.L_overlay_start_2:
0x6f: {  	(tag) =	ssettag $0x2  }
0x70: {  	s0 =	rddreg [dreg:$0x0];
	s2 =	stileid.u32  }
0x71: {  	s1 =	rddreg [dreg:$0x1];
	p0 =	sne.s32 s2, $0x0  }
0x72: {  	s3 =	rddreg [dreg:$0x2];
	[bflag:$0x3] =	sbarrier.arrive $0xFFFF;
	s2 =	simm.s32 @!p0 $0x1C02  }
0x73: {  	[timem:s3], [sflag:s2] =	dma.local @!p0 [hbm:s0], s1  }
0x74: {  	s0 =	simm.s32 @!p0 $0x2  }
0x75: {  	_ =	swait.ge @!p0 [sflag:s0], s1  }
0x76: {  	s1 =	ssub.s32 @!p0 $0x0, s1;
	[sflag:s0] =	ssyncset.done @!p0 $0x0  }
0x77: {  	[sflag:s0] =	ssyncadd.s32 @!p0 s1  }
0x78: {  	[bflag:$0x3] =	sbarrier.arrive $0xFFFF  }
0x79: {  	_ =	shalt  }

// kernel: kernel.69.cloned.1.call-start
scs
__scs_entry_jumppad:
0x0: {  	(pc) =	sbr.rel $0x88, $3  }
0x1: {  	(tag) =	ssettag $0x0;
	lr =	simm.s32 $0x1  }
0x2: {  	[smem:$0x3F69] =	sst lr;
	_ =	strace $0xD0000000  }
0x3: {  	_ = 	snop  }
0x4: {  	_ = 	snop  }
0x5: {  	_ = 	snop  }
0x6: {  	_ = 	snop  }
0x7: {  	_ = 	snop  }
__scs_overlays_trampoline_lowered:
0x8: {  	[smem:$0x3F78] =	sst s0  }
0x9: {  	[smem:$0x3F79] =	sst s1  }
0xa: {  	[smem:$0x3F7A] =	sst s2  }
0xb: {  	[smem:$0x3F7B] =	sst s3  }
0xc: {  	[smem:$0x3F7C] =	sst s4  }
0xd: {  	[smem:$0x3F7D] =	sst s5  }
0xe: {  	[smem:$0x3F7E] =	sst s6  }
0xf: {  	[smem:$0x3F7F] =	sst s7  }
0x10: {  	[smem:$0x3F80] =	sst s8  }
0x11: {  	[smem:$0x3F81] =	sst s9;
	s0 =	simm.s32 @!p0 $0x0  }
0x12: {  	s1 =	sld [smem:$0x3F67];
	s0 =	simm.s32 @p0 $0x1  }
0x13: {  	[smem:$0x3F82] =	sst s0;
	s0 =	simm.s32 @!p1 $0x0  }
0x14: {  	s2 =	sld [smem:$0x3F66];
	s0 =	simm.s32 @p1 $0x1  }
0x15: {  	[smem:$0x3F83] =	sst s0;
	s0 =	simm.s32 @!p2 $0x0  }
0x16: {  	s3 =	sld [smem:$0x3FDB];
	s0 =	simm.s32 @p2 $0x1  }
0x17: {  	s4 =	simm.s32 $0x1BF5;
	[smem:$0x3F85] =	sst s0  }
0x18: {  	s0 =	sld [smem:$0x3F68];
	_ =	swait.ge [sflag:s4], $0x0  }
0x19: {  	s7 =	sld [smem:$0x3F69]  }
0x1a: {  	s8 =	sadd.s32 $0xFFFFE003, lr  }
0x1b: {  	s9 =	sadd.s32 $0xFFFFFEF7, lr;
	s5 =	simm.s32 $0xFFFFFFFF;
	p2 =	slt.u32 s8, $0xFFFFF086  }
0x1c: {  	p1 =	slt.u32 s9, $0xF7A;
	s5 =	simm.s32 @!p2 $0x0  }
0x1d: {  	s5 =	simm.s32 @p1 $0x1;
	p0 =	seq.s32 s7, s2  }
0x1e: {  	s7 =	smul.u32 @!p0 $0xF7A, s2;
	p2 =	seq.s32 @!p0 s5, $0x0  }
0x1f: {  	s9 =	smul.u32 $0xF7A, s1;
	s8 =	simm.s32 @!p0 $0x1BF5;
	p2 =	por !p2, p0  }
0x20: {  	[sflag:s8] =	ssyncset.s32 @!p0 $0xFFFFF086;
	s6 =	sadd.s32 @!p0 s3, s7;
	s7 =	simm.s32 @!p0 $0x108  }
0x21: {  	s3 =	sadd.s32 s3, s9;
	s6 =	sadd.s32 @!p0 $0x88, s6;
	s7 =	simm.s32 @p2 $0x1082  }
0x22: {  	[simem:s7], [sflag:s8] =	dma.local @!p0 [hbm:s6], $0xF7A  }
0x23: {  	s9 =	sor.u32 $0xD0000000, s2;
	s6 =	simm.s32 $0x108;
	_ =	swait.ge @!p0 [sflag:s8], $0x0  }
0x24: {  	s3 =	sadd.s32 $0x88, s3;
	s6 =	simm.s32 @!p1 $0x1082;
	[sflag:s4] =	ssyncset.s32 $0xFFFFF086  }
0x25: {  	[simem:s6], [sflag:s4] =	dma.local [hbm:s3], $0xF7A  }
0x26: {  	[smem:$0x3F69] =	sst s1;
	(tag) =	ssettag s2;
	_ =	strace s9  }
0x27: {  	s1 =	sld [smem:$0x3F79]  }
0x28: {  	s2 =	sld [smem:$0x3F7A]  }
0x29: {  	s4 =	sld [smem:$0x3F7C]  }
0x2a: {  	p0 =	seq.s32 s5, $0x0;
	s5 =	sld [smem:$0x3F7D]  }
0x2b: {  	s6 =	sld [smem:$0x3F7E]  }
0x2c: {  	s7 =	sld [smem:$0x3F7F]  }
0x2d: {  	s3 =	simm.s32 $0x108;
	s8 =	sld [smem:$0x3F80]  }
0x2e: {  	s3 =	simm.s32 @!p0 $0x1082;
	s9 =	sld [smem:$0x3F81]  }
0x2f: {  	lr =	sadd.s32 s0, s3;
	s0 =	sld [smem:$0x3F78]  }
0x30: {  	s3 =	sld [smem:$0x3F7B]  }
0x31: {  	[smem:$0x3F84] =	sst s10  }
0x32: {  	s10 =	sld [smem:$0x3F82];
	_ =	sdelay $0x3  }
0x33: {  	p0 =	seq.s32 s10, $0x1;
	s10 =	sld [smem:$0x3F84];
	_ =	sdelay $0x3  }
0x34: {  	[smem:$0x3F84] =	sst s10  }
0x35: {  	s10 =	sld [smem:$0x3F83];
	_ =	sdelay $0x3  }
0x36: {  	p1 =	seq.s32 s10, $0x1;
	s10 =	sld [smem:$0x3F84];
	_ =	sdelay $0x3  }
0x37: {  	[smem:$0x3F84] =	sst s10  }
0x38: {  	s10 =	sld [smem:$0x3F85]  }
0x39: {  	_ = 	snop;
	(pc) =	sbr.ind lr, $3  }
0x3a: {  	_ = 	snop  }
0x3b: {  	_ = 	snop  }
0x3c: {  	p2 =	seq.s32 s10, $0x1;
	s10 =	sld [smem:$0x3F84]  }
0x3d: {  	_ =	shalt  }
0x3e: {  	_ =	shalt  }
0x3f: {  	_ =	shalt  }
0x40: {  	_ =	shalt  }
0x41: {  	_ =	shalt  }
0x42: {  	_ =	shalt  }
0x43: {  	_ =	shalt  }
0x44: {  	_ =	shalt  }
0x45: {  	_ =	shalt  }
0x46: {  	_ =	shalt  }
0x47: {  	_ =	shalt  }
0x48: {  	_ =	shalt  }
0x49: {  	_ =	shalt  }
0x4a: {  	_ =	shalt  }
0x4b: {  	_ =	shalt  }
0x4c: {  	_ =	shalt  }
0x4d: {  	_ =	shalt  }
0x4e: {  	_ =	shalt  }
0x4f: {  	_ =	shalt  }
0x50: {  	_ =	shalt  }
0x51: {  	_ =	shalt  }
0x52: {  	_ =	shalt  }
0x53: {  	_ =	shalt  }
0x54: {  	_ =	shalt  }
0x55: {  	_ =	shalt  }
0x56: {  	_ =	shalt  }
0x57: {  	_ =	shalt  }
0x58: {  	_ =	shalt  }
0x59: {  	_ =	shalt  }
0x5a: {  	_ =	shalt  }
0x5b: {  	_ =	shalt  }
0x5c: {  	_ =	shalt  }
0x5d: {  	_ =	shalt  }
0x5e: {  	_ =	shalt  }
0x5f: {  	_ =	shalt  }
0x60: {  	_ =	shalt  }
0x61: {  	_ =	shalt  }
0x62: {  	_ =	shalt  }
0x63: {  	_ =	shalt  }
0x64: {  	_ =	shalt  }
0x65: {  	_ =	shalt  }
0x66: {  	_ =	shalt  }
0x67: {  	_ =	shalt  }
0x68: {  	_ =	shalt  }
0x69: {  	_ =	shalt  }
0x6a: {  	_ =	shalt  }
0x6b: {  	_ =	shalt  }
0x6c: {  	_ =	shalt  }
0x6d: {  	_ =	shalt  }
0x6e: {  	_ =	shalt  }
0x6f: {  	_ =	shalt  }
0x70: {  	_ =	shalt  }
0x71: {  	_ =	shalt  }
0x72: {  	_ =	shalt  }
0x73: {  	_ =	shalt  }
0x74: {  	_ =	shalt  }
0x75: {  	_ =	shalt  }
0x76: {  	_ =	shalt  }
0x77: {  	_ =	shalt  }
0x78: {  	_ =	shalt  }
0x79: {  	_ =	shalt  }
0x7a: {  	_ =	shalt  }
0x7b: {  	_ =	shalt  }
0x7c: {  	_ =	shalt  }
0x7d: {  	_ =	shalt  }
0x7e: {  	_ =	shalt  }
0x7f: {  	_ =	shalt  }
0x80: {  	_ =	shalt  }
0x81: {  	_ =	shalt  }
0x82: {  	_ =	shalt  }
0x83: {  	_ =	shalt  }
0x84: {  	_ =	shalt  }
0x85: {  	_ =	shalt  }
0x86: {  	_ =	shalt  }
0x87: {  	_ =	shalt  }
.Lfunc_end0:
.L_simem_size_0:
called_computation.6_lowered:
.L_overlay_start_0:
0x88: {  	s2 =	sld [smem:$0x3FD9]  }
0x89: {  	s3 =	sld [smem:$0x3FFE];
	_ =	sdelay $0x1  }
0x8a: {  	s1 =	srdreg.scid  }
0x8b: {  	s0 =	sand.u32 $0x1, s1  }
0x8c: {  	s17 =	sshll.u32 s0, $0xA;
	s2 =	sadd.s32 s3, s2  }
0x8d: {  	s2 =	sadd.s32 s2, s17  }
0x8e: {  	[smem:$0x3F90] =	sst s2  }
0x8f: {  	_ = 	snop  }
0x90: {  	s2 =	sld [smem:$0x3FD0];
	(tm) =	ssettm $0x1  }
0x91: {  	s18 =	sld [smem:$0x3FFB];
	_ =	sdelay $0x3  }
0x92: {  	_ =	strace s18  }
0x93: {  	s3 =	sld [smem:$0x3FFC];
	_ =	sdelay $0x3  }
0x94: {  	_ =	strace s3  }
0x95: {  	s3 =	sld [smem:$0x3FFD];
	_ =	sdelay $0x3  }
0x96: {  	_ =	strace s3  }
0x97: {  	_ =	strace $0x8FFFFFFF  }
0x98: {  	s19 =	sld [smem:$0x3FDB];
	_ =	sdelay $0x1  }
0x99: {  	s4 =	simm.s32 $_scs_section_size  }
0x9a: {  	s5 =	simm.s32 $_size__tile_overlayer_lowered;
	s6 =	simm.s32 $_tile_overlayer_lowered  }
0x9b: {  	s22 =	simm.s32 $0x1BFF;
	s21 =	sshll.u32 s6, $0x1;
	s3 =	sadd.s32 s4, s19  }
0x9c: {  	s7 =	simm.s32 $0x0;
	s20 =	sshll.u32 s5, $0x1;
	s5 =	sadd.s32 s21, s3  }
0x9d: {  	[timem:s7], [sflag:s22] =	dma.local [hbm:s5], s20  }
0x9e: {  	_ =	swait.ge [sflag:s22], s20  }
0x9f: {  	s4 =	ssub.s32 $0x0, s20;
	[sflag:s22] =	ssyncset.done $0x0  }
0xa0: {  	[sflag:s22] =	ssyncadd.s32 s4;
	_ =	sdelay $0x1  }
0xa1: {  	s23 =	simm.s32 $0x1B8B  }
0xa2: {  	_ =	swait.ge [sflag:s23], $0x1  }
0xa3: {  	[sflag:s23] =	ssyncset.done $0x0  }
0xa4: {  	s25 =	simm.s32 $0x1B8E;
	s24 =	sld [smem:$0x3FFE];
	[sflag:s23] =	ssyncadd.s32 $0xFFFFFFFF  }
0xa5: {  	s26 =	simm.s32 $execute0_lowered;
	[smem:$0x3FD2] =	sst s25  }
0xa6: {  	s5 =	sshll.u32 s26, $0x1;
	_ =	strace $0x80000058;
	[dreg:$0x1] =	wrdreg $0xFFFFFFFF  }
0xa7: {  	s28 =	simm.s32 $_size_execute0_lowered;
	s3 =	sadd.s32 s3, s5;
	[dreg:$0x0] =	wrdreg $0x0  }
0xa8: {  	s5 =	sshll.u32 s28, $0x1;
	[dreg:$0x2] =	wrdreg s3  }
0xa9: {  	[dreg:$0x3] =	wrdreg s5  }
0xaa: {  	[dreg:$0x4] =	wrdreg $0xC0  }
0xab: {  	_ =	task [dreg:s7], $0x5FFFF  }
0xac: {  	[dreg:$0x1] =	wrdreg $0xFFFFFFFF  }
0xad: {  	[dreg:$0x0] =	wrdreg $0x60  }
0xae: {  	[dreg:$0x2] =	wrdreg s24  }
0xaf: {  	[dreg:$0x3] =	wrdreg s2  }
0xb0: {  	[dreg:$0x4] =	wrdreg $0x9  }
0xb1: {  	_ =	task.clear_ibuf [dreg:s7], $0x5FFFF;
	_ =	strace $0x90000058  }
0xb2: {  	s29 =	simm.s32 $0x9;
	_ =	strace $0x8000005A  }
0xb3: {  	_ =	swait.ge [sflag:s29], $0x1  }
0xb4: {  	[sflag:s29] =	ssyncadd.s32 $0xFFFFFFFF  }
0xb5: {  	_ =	strace $0x9000005A  }
0xb6: {  	_ =	sfence  }
0xb7: {  	s30 =	sld [smem:$0x0];
	_ =	sdelay $0x2  }
0xb8: {  	s31 =	sshll.u32 s1, $0xD;
	s1 =	sshrl.u32 s1, $0x2  }
0xb9: {  	s3 =	sand.u32 $0x4000, s31;
	s1 =	sadd.s32 s1, s30  }
0xba: {  	s0 =	sor.u32 s3, s0;
	s1 =	sshll.u32 s1, $0x11  }
0xbb: {  	s0 =	sor.u32 s1, s0  }
0xbc: {  	s0 =	sadd.s32 $0x8F2B, s0  }
0xbd: {  	[sflag:s0] =	ssyncadd.remote.s32 $0x1  }
0xbe: {  	_ =	sfence.sel $0xFFFF  }
0xbf: {  	[dreg:$0x0] =	wrdreg $0xFFFFFFFF;
	(pc) =	sbr.abs _section_cstart, $3  }
0xc0: {  	[dreg:$0x1] =	wrdreg $0xFFFFFFFF  }
0xc1: {  	_ =	task.clear_ibuf [dreg:s7], $0x2FFFF;
	_ =	strace $0x9FFFFFFF  }
0xc2: {  	(tm) =	ssettm $0x7FFFFFFF  }
0xc3: {  	_ =	shalt  }
tec
execute0_lowered:
.L_overlay_start_1:
0x0: {  	(tag) =	ssettag $0x1  }
0x1: {  	s5 =	rddreg [dreg:$0x0]  }
0x2: {  	s0 =	stileid.u32;
	s6 =	rddreg [dreg:$0x1];
	s2 =	simm.s32 $0x0  }
0x3: {  	s3 =	smul.u32 $0x3C0, s0;
	[smem:$0x7FF] =	sst s2;
	s0 =	simm.s32 $0x900  }
0x4: {  	s9 =	simm.s32 $0x1D00;
	_ =	strace $0x80000059;
	[dreg:$0x5] =	wrdreg s0  }
0x5: {  	s10 =	simm.s32 $0x2500;
	[dreg:$0x8] =	wrdreg s9  }
0x6: {  	s11 =	simm.s32 $0x2900;
	[dreg:$0x9] =	wrdreg s10  }
0x7: {  	s12 =	simm.s32 $0x3100;
	[dreg:$0xa] =	wrdreg s11  }
0x8: {  	s13 =	simm.s32 $0x3900;
	[dreg:$0xb] =	wrdreg s12  }
0x9: {  	s14 =	simm.s32 $0x3D00;
	[dreg:$0xc] =	wrdreg s13  }
0xa: {  	s16 =	simm.s32 $0x4500;
	[dreg:$0xd] =	wrdreg s14  }
0xb: {  	s1 =	srdreg.scid;
	s17 =	simm.s32 $0x4D00;
	[dreg:$0xe] =	wrdreg s16  }
0xc: {  	s18 =	simm.s32 $0x5100;
	s20 =	simm.s32 $0x6100;
	[dreg:$0xf] =	wrdreg s17  }
0xd: {  	s21 =	simm.s32 $0x6500;
	s22 =	simm.s32 $0x6D00;
	[dreg:$0x10] =	wrdreg s18  }
0xe: {  	s24 =	simm.s32 $0x7500;
	s25 =	simm.s32 $0x80;
	[dreg:$0x12] =	wrdreg s20  }
0xf: {  	s26 =	simm.s32 $0x8100;
	s30 =	simm.s32 $0x8900;
	[dreg:$0x13] =	wrdreg s21  }
0x10: {  	s28 =	simm.s32 $0x2;
	s1 =	sand.u32 $0x1, s1;
	[dreg:$0x14] =	wrdreg s22  }
0x11: {  	s29 =	simm.s32 $0x0;
	s4 =	smul.u32 $0x1E0, s1;
	[dreg:$0x15] =	wrdreg s24  }
0x12: {  	s9 =	sadd.s32 $0x33800, s5;
	s1 =	ssub.s32 $0x2, s1;
	[dreg:$0x16] =	wrdreg s25  }
0x13: {  	s10 =	simm.s32 $0x5900;
	[dreg:$0x17] =	wrdreg s26;
	s11 =	simm.s32 $0x7900  }
0x14: {  	[dreg:$0x18] =	wrdreg s30;
	s12 =	simm.s32 $0x9500;
	s13 =	simm.s32 $0x9D00  }
0x15: {  	s14 =	simm.s32 $0xA100;
	s16 =	simm.s32 $0xB100;
	s17 =	simm.s32 $0xB500  }
0x16: {  	s18 =	simm.s32 $0xBD00;
	s20 =	simm.s32 $0xC900;
	s21 =	simm.s32 $0xD100  }
0x17: {  	s22 =	simm.s32 $0xD900;
	s24 =	simm.s32 $0xE500;
	s25 =	simm.s32 $0xED00  }
0x18: {  	s26 =	simm.s32 $0x1;
	s15 =	sshrl.u32 s1, $0x1;
	[dreg:$0x11] =	wrdreg s10  }
0x19: {  	s10 =	simm.s32 $0x100;
	s3 =	sadd.s32 s4, s3;
	s4 =	simm.s32 $0x1100  }
0x1a: {  	s1 =	ssub.s32 s1, s15;
	s15 =	simm.s32 $0xA900;
	s7 =	sshrl.u32 s3, $0x3  }
0x1b: {  	s3 =	sadd.s32 $0x30, s3;
	[dreg:$0x6] =	wrdreg s4;
	s19 =	smax.u32 s1, $0x1  }
0x1c: {  	s31 =	sadd.s32 s7, s6;
	s8 =	sshrl.u32 s3, $0x3;
	[dreg:$0x1a] =	wrdreg s19  }
0x1d: {  	s4 =	sadd.s32 $0x29900, s5;
	[dreg:$0x3] =	wrdreg s31;
	s3 =	sadd.s32 s8, s6  }
0x1e: {  	s7 =	smul.u32 $0x280, s7;
	s6 =	simm.s32 $0x1500;
	[dreg:$0x4] =	wrdreg s3  }
0x1f: {  	s19 =	simm.s32 $0xC500;
	s31 =	simm.s32 $0x8D00;
	[dreg:$0x7] =	wrdreg s6  }
0x20: {  	v2 =	vlaneseq.u32;
	s8 =	smul.u32 $0x280, s8;
	s23 =	sadd.s32 s7, s9;
	[dreg:$0x19] =	wrdreg s31  }
0x21: {  	vm0 =	vmmov $0xffff;
	vm1 =	vmmov $0xff;
	v1 =	vshrl.u32 v2, $0x3;
	s3 =	sadd.s32 $0x29800, s5;
	s5 =	sadd.s32 $0x29A00, s5;
	[dreg:$0x1b] =	wrdreg s23  }
0x22: {  	v0 =	vand.u32 $0x7, v2;
	v2 =	vor.u32 $0x8, v2;
	v1 =	vmul.u32 $0x8, v1;
	s8 =	sadd.s32 s8, s9;
	s9 =	simm.s32 $0x3;
	s23 =	simm.s32 $0xDD00  }
.LBB2_1:
0x23: {  	s30 =	smov.u32 s8;
	s31 =	rddreg [dreg:$0x1b];
	s1 =	simm.s32 $0x0  }
.LBB2_2:
0x24: {  	s0 =	rddreg [dreg:$0x3]  }
0x25: {  	s0 =	sadd.s32 s1, s0  }
0x26: {  	[tilespmem:s2], [sflag:$0x3] =	stream.linear.gather [hbm4b:s0+s2], $0x30, $0x38;
	[tilespmem:$0xF100] =	vst v63  }
0x27: {  	_ =	swait.ge [sflag:s9], $0x30  }
0x28: {  	[sflag:s9] =	ssyncset.done $0x0  }
0x29: {  	[sflag:s9] =	ssyncadd.s32 $0xFFFFFFD0  }
0x2a: {  	v3 =	vld [tilespmem:$0x0];
	_ =	sdelay $0x4  }
0x2b: {  	v4 =	vshrl.u32 v3, $0x3  }
0x2c: {  	v4 =	vmul.u32 $0x28, v4  }
0x2d: {  	v3 =	vand.u32 $0x7, v3  }
0x2e: {  	v3 =	vor.u32 v3, v4  }
0x2f: {  	v4 =	vperm.xlane v3, v0;
	_ =	sdelay $0x1  }
0x30: {  	v4 =	vadd.s32 v1, v4;
	_ =	sdelay $0x3  }
0x31: {  	v3 =	vperm.xlane v3, v2  }
0x32: {  	[tilespmem:s10], [sflag:$0x1] =	stream.indirect_vreg.gather [hbm4b:s3+s2], $0x80, v4, vm0, $0xb8;
	[tilespmem:$0xF100] =	vst v63  }
0x33: {  	s7 =	rddreg [dreg:$0x5];
	v3 =	vadd.s32 v1, v3  }
0x34: {  	[tilespmem:s7], [sflag:$0x1] =	stream.indirect_vreg.gather [hbm4b:s4+s2], $0x80, v4, vm0, $0xb8;
	[tilespmem:$0xF100] =	vst v63  }
0x35: {  	s6 =	rddreg [dreg:$0x6]  }
0x36: {  	[tilespmem:s6], [sflag:$0x1] =	stream.indirect_vreg.gather [hbm4b:s5+s2], $0x80, v4, vm1, $0xb8;
	[tilespmem:$0xF100] =	vst v63  }
0x37: {  	s7 =	rddreg [dreg:$0x7]  }
0x38: {  	[tilespmem:s7], [sflag:$0x1] =	stream.indirect_vreg.gather [hbm4b:s3+s2], $0x80, v3, vm0, $0xb8;
	[tilespmem:$0xF100] =	vst v63  }
0x39: {  	s6 =	rddreg [dreg:$0x8]  }
0x3a: {  	[tilespmem:s6], [sflag:$0x1] =	stream.indirect_vreg.gather [hbm4b:s4+s2], $0x80, v3, vm0, $0xb8;
	[tilespmem:$0xF100] =	vst v63  }
0x3b: {  	s7 =	rddreg [dreg:$0x9]  }
0x3c: {  	[tilespmem:s7], [sflag:$0x1] =	stream.indirect_vreg.gather [hbm4b:s5+s2], $0x80, v3, vm1, $0xb8;
	[tilespmem:$0xF100] =	vst v63  }
0x3d: {  	v3 =	vld [tilespmem:$0x10];
	_ =	sdelay $0x4  }
0x3e: {  	v59 =	vshrl.u32 v3, $0x3  }
0x3f: {  	v4 =	vmul.u32 $0x28, v59  }
0x40: {  	v3 =	vand.u32 $0x7, v3  }
0x41: {  	v3 =	vor.u32 v3, v4  }
0x42: {  	v4 =	vperm.xlane v3, v0;
	_ =	sdelay $0x1  }
0x43: {  	v4 =	vadd.s32 v1, v4;
	_ =	sdelay $0x3  }
0x44: {  	s6 =	rddreg [dreg:$0xa];
	v3 =	vperm.xlane v3, v2  }
0x45: {  	[tilespmem:s6], [sflag:$0x1] =	stream.indirect_vreg.gather [hbm4b:s3+s2], $0x80, v4, vm0, $0xb8;
	[tilespmem:$0xF100] =	vst v63  }
0x46: {  	s7 =	rddreg [dreg:$0xb];
	v3 =	vadd.s32 v1, v3  }
0x47: {  	[tilespmem:s7], [sflag:$0x1] =	stream.indirect_vreg.gather [hbm4b:s4+s2], $0x80, v4, vm0, $0xb8;
	[tilespmem:$0xF100] =	vst v63  }
0x48: {  	s0 =	rddreg [dreg:$0xc]  }
0x49: {  	[tilespmem:s0], [sflag:$0x1] =	stream.indirect_vreg.gather [hbm4b:s5+s2], $0x80, v4, vm1, $0xb8;
	[tilespmem:$0xF100] =	vst v63  }
0x4a: {  	s7 =	rddreg [dreg:$0xd]  }
0x4b: {  	[tilespmem:s7], [sflag:$0x1] =	stream.indirect_vreg.gather [hbm4b:s3+s2], $0x80, v3, vm0, $0xb8;
	[tilespmem:$0xF100] =	vst v63  }
0x4c: {  	s0 =	rddreg [dreg:$0xe]  }
0x4d: {  	[tilespmem:s0], [sflag:$0x1] =	stream.indirect_vreg.gather [hbm4b:s4+s2], $0x80, v3, vm0, $0xb8;
	[tilespmem:$0xF100] =	vst v63  }
0x4e: {  	s7 =	rddreg [dreg:$0xf]  }
0x4f: {  	[tilespmem:s7], [sflag:$0x1] =	stream.indirect_vreg.gather [hbm4b:s5+s2], $0x80, v3, vm1, $0xb8;
	[tilespmem:$0xF100] =	vst v63  }
0x50: {  	v3 =	vld [tilespmem:$0x20];
	_ =	sdelay $0x4  }
0x51: {  	v60 =	vshrl.u32 v3, $0x3  }
0x52: {  	v4 =	vmul.u32 $0x28, v60  }
0x53: {  	v3 =	vand.u32 $0x7, v3  }
0x54: {  	v3 =	vor.u32 v3, v4  }
0x55: {  	v4 =	vperm.xlane v3, v0;
	_ =	sdelay $0x1  }
0x56: {  	v4 =	vadd.s32 v1, v4;
	_ =	sdelay $0x2  }
0x57: {  	s6 =	rddreg [dreg:$0x11]  }
0x58: {  	s7 =	rddreg [dreg:$0x10];
	v3 =	vperm.xlane v3, v2  }
0x59: {  	[tilespmem:s7], [sflag:$0x1] =	stream.indirect_vreg.gather [hbm4b:s3+s2], $0x80, v4, vm0, $0xb8;
	[tilespmem:$0xF100] =	vst v63  }
0x5a: {  	s0 =	rddreg [dreg:$0x15];
	v3 =	vadd.s32 v1, v3  }
0x5b: {  	[tilespmem:s6], [sflag:$0x1] =	stream.indirect_vreg.gather [hbm4b:s4+s2], $0x80, v4, vm0, $0xb8;
	[tilespmem:$0xF100] =	vst v63  }
0x5c: {  	s7 =	rddreg [dreg:$0x12]  }
0x5d: {  	[tilespmem:s7], [sflag:$0x1] =	stream.indirect_vreg.gather [hbm4b:s5+s2], $0x80, v4, vm1, $0xb8;
	[tilespmem:$0xF100] =	vst v63  }
0x5e: {  	s6 =	rddreg [dreg:$0x13]  }
0x5f: {  	[tilespmem:s6], [sflag:$0x1] =	stream.indirect_vreg.gather [hbm4b:s3+s2], $0x80, v3, vm0, $0xb8;
	[tilespmem:$0xF100] =	vst v63  }
0x60: {  	s7 =	rddreg [dreg:$0x14]  }
0x61: {  	[tilespmem:s7], [sflag:$0x1] =	stream.indirect_vreg.gather [hbm4b:s4+s2], $0x80, v3, vm0, $0xb8;
	[tilespmem:$0xF100] =	vst v63  }
0x62: {  	s6 =	rddreg [dreg:$0x4]  }
0x63: {  	[tilespmem:s0], [sflag:$0x1] =	stream.indirect_vreg.gather [hbm4b:s5+s2], $0x80, v3, vm1, $0xb8;
	[tilespmem:$0xF100] =	vst v63  }
0x64: {  	s6 =	sadd.s32 s1, s6;
	s7 =	rddreg [dreg:$0x16]  }
0x65: {  	[tilespmem:s7], [sflag:$0x3] =	stream.linear.gather [hbm4b:s6+s2], $0x30, $0x38;
	[tilespmem:$0xF100] =	vst v63  }
0x66: {  	_ =	swait.ge [sflag:s9], $0x30  }
0x67: {  	[sflag:s9] =	ssyncset.done $0x0  }
0x68: {  	[sflag:s9] =	ssyncadd.s32 $0xFFFFFFD0  }
0x69: {  	v3 =	vld [tilespmem:$0x80];
	_ =	sdelay $0x4  }
0x6a: {  	v61 =	vshrl.u32 v3, $0x3  }
0x6b: {  	v4 =	vmul.u32 $0x28, v61  }
0x6c: {  	v3 =	vand.u32 $0x7, v3  }
0x6d: {  	v3 =	vor.u32 v3, v4  }
0x6e: {  	v4 =	vperm.xlane v3, v0;
	_ =	sdelay $0x1  }
0x6f: {  	v4 =	vadd.s32 v1, v4;
	_ =	sdelay $0x3  }
0x70: {  	v3 =	vperm.xlane v3, v2  }
0x71: {  	[tilespmem:s11], [sflag:$0x2] =	stream.indirect_vreg.gather [hbm4b:s3+s2], $0x80, v4, vm0, $0xb8;
	[tilespmem:$0xF100] =	vst v63  }
0x72: {  	s7 =	rddreg [dreg:$0x17];
	v3 =	vadd.s32 v1, v3  }
0x73: {  	[tilespmem:s7], [sflag:$0x2] =	stream.indirect_vreg.gather [hbm4b:s4+s2], $0x80, v4, vm0, $0xb8;
	[tilespmem:$0xF100] =	vst v63  }
0x74: {  	s6 =	rddreg [dreg:$0x18]  }
0x75: {  	[tilespmem:s6], [sflag:$0x2] =	stream.indirect_vreg.gather [hbm4b:s5+s2], $0x80, v4, vm1, $0xb8;
	[tilespmem:$0xF100] =	vst v63  }
0x76: {  	s7 =	rddreg [dreg:$0x19]  }
0x77: {  	[tilespmem:s7], [sflag:$0x2] =	stream.indirect_vreg.gather [hbm4b:s3+s2], $0x80, v3, vm0, $0xb8;
	[tilespmem:$0xF100] =	vst v63  }
0x78: {  	_ = 	snop  }
0x79: {  	[tilespmem:s12], [sflag:$0x2] =	stream.indirect_vreg.gather [hbm4b:s4+s2], $0x80, v3, vm0, $0xb8;
	[tilespmem:$0xF100] =	vst v63  }
0x7a: {  	_ = 	snop  }
0x7b: {  	[tilespmem:s13], [sflag:$0x2] =	stream.indirect_vreg.gather [hbm4b:s5+s2], $0x80, v3, vm1, $0xb8;
	[tilespmem:$0xF100] =	vst v63  }
0x7c: {  	v3 =	vld [tilespmem:$0x90];
	_ =	sdelay $0x4  }
0x7d: {  	v62 =	vshrl.u32 v3, $0x3  }
0x7e: {  	v4 =	vmul.u32 $0x28, v62  }
0x7f: {  	v3 =	vand.u32 $0x7, v3  }
0x80: {  	v3 =	vor.u32 v3, v4  }
0x81: {  	v4 =	vperm.xlane v3, v0;
	_ =	sdelay $0x1  }
0x82: {  	v4 =	vadd.s32 v1, v4;
	_ =	sdelay $0x3  }
0x83: {  	v3 =	vperm.xlane v3, v2  }
0x84: {  	[tilespmem:s14], [sflag:$0x2] =	stream.indirect_vreg.gather [hbm4b:s3+s2], $0x80, v4, vm0, $0xb8;
	[tilespmem:$0xF100] =	vst v63  }
0x85: {  	v3 =	vadd.s32 v1, v3  }
0x86: {  	[tilespmem:s15], [sflag:$0x2] =	stream.indirect_vreg.gather [hbm4b:s4+s2], $0x80, v4, vm0, $0xb8;
	[tilespmem:$0xF100] =	vst v63  }
0x87: {  	_ = 	snop  }
0x88: {  	[tilespmem:s16], [sflag:$0x2] =	stream.indirect_vreg.gather [hbm4b:s5+s2], $0x80, v4, vm1, $0xb8;
	[tilespmem:$0xF100] =	vst v63  }
0x89: {  	_ = 	snop  }
0x8a: {  	[tilespmem:s17], [sflag:$0x2] =	stream.indirect_vreg.gather [hbm4b:s3+s2], $0x80, v3, vm0, $0xb8;
	[tilespmem:$0xF100] =	vst v63  }
0x8b: {  	_ = 	snop  }
0x8c: {  	[tilespmem:s18], [sflag:$0x2] =	stream.indirect_vreg.gather [hbm4b:s4+s2], $0x80, v3, vm0, $0xb8;
	[tilespmem:$0xF100] =	vst v63  }
0x8d: {  	_ = 	snop  }
0x8e: {  	[tilespmem:s19], [sflag:$0x2] =	stream.indirect_vreg.gather [hbm4b:s5+s2], $0x80, v3, vm1, $0xb8;
	[tilespmem:$0xF100] =	vst v63  }
0x8f: {  	v3 =	vld [tilespmem:$0xA0];
	_ =	sdelay $0x4  }
0x90: {  	v63 =	vshrl.u32 v3, $0x3  }
0x91: {  	v4 =	vmul.u32 $0x28, v63  }
0x92: {  	v3 =	vand.u32 $0x7, v3  }
0x93: {  	v3 =	vor.u32 v3, v4  }
0x94: {  	v4 =	vperm.xlane v3, v0;
	_ =	sdelay $0x1  }
0x95: {  	v4 =	vadd.s32 v1, v4;
	_ =	sdelay $0x3  }
0x96: {  	v3 =	vperm.xlane v3, v2  }
0x97: {  	[tilespmem:s20], [sflag:$0x2] =	stream.indirect_vreg.gather [hbm4b:s3+s2], $0x80, v4, vm0, $0xb8;
	[tilespmem:$0xF100] =	vst v63  }
0x98: {  	v3 =	vadd.s32 v1, v3  }
0x99: {  	[tilespmem:s21], [sflag:$0x2] =	stream.indirect_vreg.gather [hbm4b:s4+s2], $0x80, v4, vm0, $0xb8;
	[tilespmem:$0xF100] =	vst v63  }
0x9a: {  	_ = 	snop  }
0x9b: {  	[tilespmem:s22], [sflag:$0x2] =	stream.indirect_vreg.gather [hbm4b:s5+s2], $0x80, v4, vm1, $0xb8;
	[tilespmem:$0xF100] =	vst v63  }
0x9c: {  	_ = 	snop  }
0x9d: {  	[tilespmem:s23], [sflag:$0x2] =	stream.indirect_vreg.gather [hbm4b:s3+s2], $0x80, v3, vm0, $0xb8;
	[tilespmem:$0xF100] =	vst v63  }
0x9e: {  	_ = 	snop  }
0x9f: {  	[tilespmem:s24], [sflag:$0x2] =	stream.indirect_vreg.gather [hbm4b:s4+s2], $0x80, v3, vm0, $0xb8;
	[tilespmem:$0xF100] =	vst v63  }
0xa0: {  	_ = 	snop  }
0xa1: {  	[tilespmem:s25], [sflag:$0x2] =	stream.indirect_vreg.gather [hbm4b:s5+s2], $0x80, v3, vm1, $0xb8;
	[tilespmem:$0xF100] =	vst v63  }
0xa2: {  	_ =	swait.ge [sflag:s26], $0x7800  }
0xa3: {  	[sflag:s26] =	ssyncset.done $0x0  }
0xa4: {  	[sflag:s26] =	ssyncadd.s32 $0xFFFF8800  }
0xa5: {  	[hbm4b:s31+s2] =	stream.linear.scatter [tilespmem:s10], [sflag:$0x3], $0x7800, $0x38;
	[tilespmem:$0xF100] =	vst v63  }
0xa6: {  	_ =	swait.ge [sflag:s9], $0x7800  }
0xa7: {  	[sflag:s9] =	ssyncset.done $0x0  }
0xa8: {  	[sflag:s9] =	ssyncadd.s32 $0xFFFF8800  }
0xa9: {  	_ =	swait.ge [sflag:s28], $0x7800  }
0xaa: {  	p0 =	sne.s32 s1, $0x30;
	[sflag:s28] =	ssyncset.done $0x0  }
.Ltmp0:
0xab: {  	[sflag:s28] =	ssyncadd.s32 $0xFFFF8800;
	(pc) =	sbr.rel @p0 .LBB2_2-.Ltmp0, $4  }
0xac: {  	[hbm4b:s30+s2] =	stream.linear.scatter [tilespmem:s11], [sflag:$0x3], $0x7800, $0x38;
	[tilespmem:$0xF100] =	vst v63  }
0xad: {  	_ =	swait.ge [sflag:s9], $0x7800  }
0xae: {  	s1 =	sadd.s32 $0xC, s1;
	[sflag:s9] =	ssyncset.done $0x0  }
0xaf: {  	s31 =	sadd.s32 $0x1E00, s31;
	s30 =	sadd.s32 $0x1E00, s30;
	[sflag:s9] =	ssyncadd.s32 $0xFFFF8800  }
0xb0: {  	s29 =	sadd.s32 $0x1, s29;
	s0 =	rddreg [dreg:$0x1a]  }
0xb1: {  	p0 =	sne.s32 s29, s0  }
.Ltmp1:
0xb2: {  	_ = 	snop;
	(pc) =	sbr.rel @p0 .LBB2_1-.Ltmp1, $1  }
0xb3: {  	_ =	sdelay $0x3  }
0xb4: {  	_ =	sfence.sel $0x180000  }
0xb5: {  	[bflag:$0x0] =	sbarrier.arrive $0xFFFF  }
0xb6: {  	_ =	strace $0x90000059  }
0xb7: {  	s0 =	stileid.u32;
	[bflag:$0x2] =	sbarrier.arrive $0xFFFF  }
0xb8: {  	p0 =	sne.s32 s0, $0x0;
	s0 =	rddreg [dreg:$0x2]  }
0xb9: {  	s0 =	sadd.s32 @!p0 $0x100000, s0  }
0xba: {  	[sflag:s0] =	ssyncadd.tile.s32 @!p0 $0x1;
	_ =	shalt  }
.Lfunc_end2:
_tile_overlayer_lowered:
.L_overlay_start_2:
0xbb: {  	(tag) =	ssettag $0x2  }
0xbc: {  	s0 =	rddreg [dreg:$0x0];
	s2 =	stileid.u32  }
0xbd: {  	s1 =	rddreg [dreg:$0x1];
	p0 =	sne.s32 s2, $0x0  }
0xbe: {  	s3 =	rddreg [dreg:$0x2];
	[bflag:$0x3] =	sbarrier.arrive $0xFFFF;
	s2 =	simm.s32 @!p0 $0x1C03  }
0xbf: {  	[timem:s3], [sflag:s2] =	dma.local @!p0 [hbm:s0], s1  }
0xc0: {  	s0 =	simm.s32 @!p0 $0x3  }
0xc1: {  	_ =	swait.ge @!p0 [sflag:s0], s1  }
0xc2: {  	s1 =	ssub.s32 @!p0 $0x0, s1;
	[sflag:s0] =	ssyncset.done @!p0 $0x0  }
0xc3: {  	[sflag:s0] =	ssyncadd.s32 @!p0 s1  }
0xc4: {  	[bflag:$0x3] =	sbarrier.arrive $0xFFFF  }
0xc5: {  	_ =	shalt  }

// kernel: kernel.72.cloned.1.call-start
scs
__scs_entry_jumppad:
0x0: {  	(pc) =	sbr.rel $0x88, $3  }
0x1: {  	(tag) =	ssettag $0x0;
	lr =	simm.s32 $0x1  }
0x2: {  	[smem:$0x3F69] =	sst lr;
	_ =	strace $0xD0000000  }
0x3: {  	_ = 	snop  }
0x4: {  	_ = 	snop  }
0x5: {  	_ = 	snop  }
0x6: {  	_ = 	snop  }
0x7: {  	_ = 	snop  }
__scs_overlays_trampoline_lowered:
0x8: {  	[smem:$0x3F78] =	sst s0  }
0x9: {  	[smem:$0x3F79] =	sst s1  }
0xa: {  	[smem:$0x3F7A] =	sst s2  }
0xb: {  	[smem:$0x3F7B] =	sst s3  }
0xc: {  	[smem:$0x3F7C] =	sst s4  }
0xd: {  	[smem:$0x3F7D] =	sst s5  }
0xe: {  	[smem:$0x3F7E] =	sst s6  }
0xf: {  	[smem:$0x3F7F] =	sst s7  }
0x10: {  	[smem:$0x3F80] =	sst s8  }
0x11: {  	[smem:$0x3F81] =	sst s9;
	s0 =	simm.s32 @!p0 $0x0  }
0x12: {  	s1 =	sld [smem:$0x3F67];
	s0 =	simm.s32 @p0 $0x1  }
0x13: {  	[smem:$0x3F82] =	sst s0;
	s0 =	simm.s32 @!p1 $0x0  }
0x14: {  	s2 =	sld [smem:$0x3F66];
	s0 =	simm.s32 @p1 $0x1  }
0x15: {  	[smem:$0x3F83] =	sst s0;
	s0 =	simm.s32 @!p2 $0x0  }
0x16: {  	s3 =	sld [smem:$0x3FDB];
	s0 =	simm.s32 @p2 $0x1  }
0x17: {  	s4 =	simm.s32 $0x1BF5;
	[smem:$0x3F85] =	sst s0  }
0x18: {  	s0 =	sld [smem:$0x3F68];
	_ =	swait.ge [sflag:s4], $0x0  }
0x19: {  	s7 =	sld [smem:$0x3F69]  }
0x1a: {  	s8 =	sadd.s32 $0xFFFFE003, lr  }
0x1b: {  	s9 =	sadd.s32 $0xFFFFFEF7, lr;
	s5 =	simm.s32 $0xFFFFFFFF;
	p2 =	slt.u32 s8, $0xFFFFF086  }
0x1c: {  	p1 =	slt.u32 s9, $0xF7A;
	s5 =	simm.s32 @!p2 $0x0  }
0x1d: {  	s5 =	simm.s32 @p1 $0x1;
	p0 =	seq.s32 s7, s2  }
0x1e: {  	s7 =	smul.u32 @!p0 $0xF7A, s2;
	p2 =	seq.s32 @!p0 s5, $0x0  }
0x1f: {  	s9 =	smul.u32 $0xF7A, s1;
	s8 =	simm.s32 @!p0 $0x1BF5;
	p2 =	por !p2, p0  }
0x20: {  	[sflag:s8] =	ssyncset.s32 @!p0 $0xFFFFF086;
	s6 =	sadd.s32 @!p0 s3, s7;
	s7 =	simm.s32 @!p0 $0x108  }
0x21: {  	s3 =	sadd.s32 s3, s9;
	s6 =	sadd.s32 @!p0 $0x88, s6;
	s7 =	simm.s32 @p2 $0x1082  }
0x22: {  	[simem:s7], [sflag:s8] =	dma.local @!p0 [hbm:s6], $0xF7A  }
0x23: {  	s9 =	sor.u32 $0xD0000000, s2;
	s6 =	simm.s32 $0x108;
	_ =	swait.ge @!p0 [sflag:s8], $0x0  }
0x24: {  	s3 =	sadd.s32 $0x88, s3;
	s6 =	simm.s32 @!p1 $0x1082;
	[sflag:s4] =	ssyncset.s32 $0xFFFFF086  }
0x25: {  	[simem:s6], [sflag:s4] =	dma.local [hbm:s3], $0xF7A  }
0x26: {  	[smem:$0x3F69] =	sst s1;
	(tag) =	ssettag s2;
	_ =	strace s9  }
0x27: {  	s1 =	sld [smem:$0x3F79]  }
0x28: {  	s2 =	sld [smem:$0x3F7A]  }
0x29: {  	s4 =	sld [smem:$0x3F7C]  }
0x2a: {  	p0 =	seq.s32 s5, $0x0;
	s5 =	sld [smem:$0x3F7D]  }
0x2b: {  	s6 =	sld [smem:$0x3F7E]  }
0x2c: {  	s7 =	sld [smem:$0x3F7F]  }
0x2d: {  	s3 =	simm.s32 $0x108;
	s8 =	sld [smem:$0x3F80]  }
0x2e: {  	s3 =	simm.s32 @!p0 $0x1082;
	s9 =	sld [smem:$0x3F81]  }
0x2f: {  	lr =	sadd.s32 s0, s3;
	s0 =	sld [smem:$0x3F78]  }
0x30: {  	s3 =	sld [smem:$0x3F7B]  }
0x31: {  	[smem:$0x3F84] =	sst s10  }
0x32: {  	s10 =	sld [smem:$0x3F82];
	_ =	sdelay $0x3  }
0x33: {  	p0 =	seq.s32 s10, $0x1;
	s10 =	sld [smem:$0x3F84];
	_ =	sdelay $0x3  }
0x34: {  	[smem:$0x3F84] =	sst s10  }
0x35: {  	s10 =	sld [smem:$0x3F83];
	_ =	sdelay $0x3  }
0x36: {  	p1 =	seq.s32 s10, $0x1;
	s10 =	sld [smem:$0x3F84];
	_ =	sdelay $0x3  }
0x37: {  	[smem:$0x3F84] =	sst s10  }
0x38: {  	s10 =	sld [smem:$0x3F85]  }
0x39: {  	_ = 	snop;
	(pc) =	sbr.ind lr, $3  }
0x3a: {  	_ = 	snop  }
0x3b: {  	_ = 	snop  }
0x3c: {  	p2 =	seq.s32 s10, $0x1;
	s10 =	sld [smem:$0x3F84]  }
0x3d: {  	_ =	shalt  }
0x3e: {  	_ =	shalt  }
0x3f: {  	_ =	shalt  }
0x40: {  	_ =	shalt  }
0x41: {  	_ =	shalt  }
0x42: {  	_ =	shalt  }
0x43: {  	_ =	shalt  }
0x44: {  	_ =	shalt  }
0x45: {  	_ =	shalt  }
0x46: {  	_ =	shalt  }
0x47: {  	_ =	shalt  }
0x48: {  	_ =	shalt  }
0x49: {  	_ =	shalt  }
0x4a: {  	_ =	shalt  }
0x4b: {  	_ =	shalt  }
0x4c: {  	_ =	shalt  }
0x4d: {  	_ =	shalt  }
0x4e: {  	_ =	shalt  }
0x4f: {  	_ =	shalt  }
0x50: {  	_ =	shalt  }
0x51: {  	_ =	shalt  }
0x52: {  	_ =	shalt  }
0x53: {  	_ =	shalt  }
0x54: {  	_ =	shalt  }
0x55: {  	_ =	shalt  }
0x56: {  	_ =	shalt  }
0x57: {  	_ =	shalt  }
0x58: {  	_ =	shalt  }
0x59: {  	_ =	shalt  }
0x5a: {  	_ =	shalt  }
0x5b: {  	_ =	shalt  }
0x5c: {  	_ =	shalt  }
0x5d: {  	_ =	shalt  }
0x5e: {  	_ =	shalt  }
0x5f: {  	_ =	shalt  }
0x60: {  	_ =	shalt  }
0x61: {  	_ =	shalt  }
0x62: {  	_ =	shalt  }
0x63: {  	_ =	shalt  }
0x64: {  	_ =	shalt  }
0x65: {  	_ =	shalt  }
0x66: {  	_ =	shalt  }
0x67: {  	_ =	shalt  }
0x68: {  	_ =	shalt  }
0x69: {  	_ =	shalt  }
0x6a: {  	_ =	shalt  }
0x6b: {  	_ =	shalt  }
0x6c: {  	_ =	shalt  }
0x6d: {  	_ =	shalt  }
0x6e: {  	_ =	shalt  }
0x6f: {  	_ =	shalt  }
0x70: {  	_ =	shalt  }
0x71: {  	_ =	shalt  }
0x72: {  	_ =	shalt  }
0x73: {  	_ =	shalt  }
0x74: {  	_ =	shalt  }
0x75: {  	_ =	shalt  }
0x76: {  	_ =	shalt  }
0x77: {  	_ =	shalt  }
0x78: {  	_ =	shalt  }
0x79: {  	_ =	shalt  }
0x7a: {  	_ =	shalt  }
0x7b: {  	_ =	shalt  }
0x7c: {  	_ =	shalt  }
0x7d: {  	_ =	shalt  }
0x7e: {  	_ =	shalt  }
0x7f: {  	_ =	shalt  }
0x80: {  	_ =	shalt  }
0x81: {  	_ =	shalt  }
0x82: {  	_ =	shalt  }
0x83: {  	_ =	shalt  }
0x84: {  	_ =	shalt  }
0x85: {  	_ =	shalt  }
0x86: {  	_ =	shalt  }
0x87: {  	_ =	shalt  }
.Lfunc_end0:
.L_simem_size_0:
called_computation.7_lowered:
.L_overlay_start_0:
0x88: {  	s2 =	sld [smem:$0x3FD9]  }
0x89: {  	s3 =	sld [smem:$0x3FFE];
	_ =	sdelay $0x1  }
0x8a: {  	s1 =	srdreg.scid  }
0x8b: {  	s0 =	sand.u32 $0x1, s1  }
0x8c: {  	s16 =	sshll.u32 s0, $0xA;
	s2 =	sadd.s32 s3, s2  }
0x8d: {  	s2 =	sadd.s32 s2, s16  }
0x8e: {  	[smem:$0x3F90] =	sst s2  }
0x8f: {  	_ = 	snop  }
0x90: {  	(tm) =	ssettm $0x1  }
0x91: {  	s17 =	sld [smem:$0x3FFB];
	_ =	sdelay $0x3  }
0x92: {  	_ =	strace s17  }
0x93: {  	s2 =	sld [smem:$0x3FFC];
	_ =	sdelay $0x3  }
0x94: {  	_ =	strace s2  }
0x95: {  	s2 =	sld [smem:$0x3FFD];
	_ =	sdelay $0x3  }
0x96: {  	_ =	strace s2  }
0x97: {  	_ =	strace $0x8FFFFFFF  }
0x98: {  	s18 =	sld [smem:$0x3FDB];
	_ =	sdelay $0x1  }
0x99: {  	s19 =	simm.s32 $_scs_section_size  }
0x9a: {  	s4 =	simm.s32 $_size__tile_overlayer_lowered;
	s5 =	simm.s32 $_tile_overlayer_lowered  }
0x9b: {  	s22 =	simm.s32 $0x1BFF;
	s21 =	sshll.u32 s5, $0x1;
	s2 =	sadd.s32 s19, s18  }
0x9c: {  	s6 =	simm.s32 $0x0;
	s20 =	sshll.u32 s4, $0x1;
	s4 =	sadd.s32 s21, s2  }
0x9d: {  	[timem:s6], [sflag:s22] =	dma.local [hbm:s4], s20  }
0x9e: {  	_ =	swait.ge [sflag:s22], s20  }
0x9f: {  	s3 =	ssub.s32 $0x0, s20;
	[sflag:s22] =	ssyncset.done $0x0  }
0xa0: {  	[sflag:s22] =	ssyncadd.s32 s3;
	_ =	sdelay $0x1  }
0xa1: {  	s23 =	simm.s32 $0x1B8B  }
0xa2: {  	_ =	swait.ge [sflag:s23], $0x1  }
0xa3: {  	[sflag:s23] =	ssyncset.done $0x0  }
0xa4: {  	s25 =	simm.s32 $0x1B8E;
	s24 =	sld [smem:$0x3FFE];
	[sflag:s23] =	ssyncadd.s32 $0xFFFFFFFF  }
0xa5: {  	s26 =	simm.s32 $execute0_lowered;
	[smem:$0x3FD2] =	sst s25  }
0xa6: {  	s4 =	sshll.u32 s26, $0x1;
	_ =	strace $0x8000005B;
	[dreg:$0x1] =	wrdreg $0xFFFFFFFF  }
0xa7: {  	s28 =	simm.s32 $_size_execute0_lowered;
	s2 =	sadd.s32 s2, s4;
	[dreg:$0x0] =	wrdreg $0x0  }
0xa8: {  	s4 =	sshll.u32 s28, $0x1;
	[dreg:$0x2] =	wrdreg s2  }
0xa9: {  	[dreg:$0x3] =	wrdreg s4  }
0xaa: {  	[dreg:$0x4] =	wrdreg $0xC0  }
0xab: {  	_ =	task [dreg:s6], $0x5FFFF  }
0xac: {  	[dreg:$0x1] =	wrdreg $0xFFFFFFFF  }
0xad: {  	[dreg:$0x0] =	wrdreg $0x60  }
0xae: {  	[dreg:$0x2] =	wrdreg s24  }
0xaf: {  	[dreg:$0x3] =	wrdreg $0x9  }
0xb0: {  	_ =	task.clear_ibuf [dreg:s6], $0x4FFFF;
	_ =	strace $0x9000005B  }
0xb1: {  	s29 =	simm.s32 $0x9;
	_ =	strace $0x8000005D  }
0xb2: {  	_ =	swait.ge [sflag:s29], $0x1  }
0xb3: {  	[sflag:s29] =	ssyncadd.s32 $0xFFFFFFFF  }
0xb4: {  	_ =	strace $0x9000005D  }
0xb5: {  	_ =	sfence  }
0xb6: {  	s30 =	sld [smem:$0x0];
	_ =	sdelay $0x2  }
0xb7: {  	s31 =	sshll.u32 s1, $0xD;
	s1 =	sshrl.u32 s1, $0x2  }
0xb8: {  	s3 =	sand.u32 $0x4000, s31;
	s1 =	sadd.s32 s1, s30  }
0xb9: {  	s0 =	sor.u32 s3, s0;
	s1 =	sshll.u32 s1, $0x11  }
0xba: {  	s0 =	sor.u32 s1, s0  }
0xbb: {  	s0 =	sadd.s32 $0x8F2B, s0  }
0xbc: {  	[sflag:s0] =	ssyncadd.remote.s32 $0x1  }
0xbd: {  	_ =	sfence.sel $0xFFFF  }
0xbe: {  	[dreg:$0x0] =	wrdreg $0xFFFFFFFF;
	(pc) =	sbr.abs _section_cstart, $3  }
0xbf: {  	[dreg:$0x1] =	wrdreg $0xFFFFFFFF  }
0xc0: {  	_ =	task.clear_ibuf [dreg:s6], $0x2FFFF;
	_ =	strace $0x9FFFFFFF  }
0xc1: {  	(tm) =	ssettm $0x7FFFFFFF  }
tec
execute0_lowered:
.L_overlay_start_1:
0x0: {  	(tag) =	ssettag $0x1  }
0x1: {  	s0 =	rddreg [dreg:$0x0];
	s1 =	simm.s32 $0x0;
	s2 =	srdreg.scid  }
0x2: {  	s9 =	stileid.u32;
	s10 =	simm.s32 $0x100;
	s23 =	simm.s32 $0x900  }
0x3: {  	s24 =	simm.s32 $0x1100;
	s19 =	simm.s32 $0x1;
	s20 =	simm.s32 $0x2  }
0x4: {  	s15 =	simm.s32 $0x7900;
	s16 =	simm.s32 $0x8900;
	s17 =	simm.s32 $0x9100  }
0x5: {  	s18 =	simm.s32 $0x9900;
	s28 =	simm.s32 $0xA900;
	s29 =	simm.s32 $0xB100  }
0x6: {  	s30 =	simm.s32 $0xB900;
	s31 =	simm.s32 $0xC100;
	s11 =	simm.s32 $0xE100  }
0x7: {  	s12 =	simm.s32 $0xE900;
	s13 =	simm.s32 $0xF100;
	s14 =	simm.s32 $0xF900  }
0x8: {  	[smem:$0x7FF] =	sst s1;
	s2 =	sand.u32 $0x1, s2;
	s3 =	sadd.s32 $0x29800, s0  }
0x9: {  	s4 =	sadd.s32 $0x9000, s0;
	s5 =	sadd.s32 $0x3D800, s0;
	s6 =	ssub.s32 $0x2, s2  }
0xa: {  	s25 =	sshll.u32 s9, $0x9;
	s9 =	simm.s32 $0x3;
	s7 =	sshrl.u32 s6, $0x1  }
0xb: {  	_ =	strace $0x8000005C;
	s2 =	sshll.u32 s2, $0x8;
	s8 =	ssub.s32 s6, s7  }
0xc: {  	v2 =	vlaneseq.u32;
	s6 =	sor.u32 s2, s25;
	s7 =	sadd.s32 $0x29900, s0;
	s0 =	simm.s32 $0x0  }
0xd: {  	vm0 =	vmmov $0xffff;
	v1 =	vshrl.u32 v2, $0x3;
	s25 =	simm.s32 $0xA100;
	s2 =	simm.s32 $0xD100;
	s26 =	smax.u32 s8, $0x1  }
0xe: {  	v0 =	vand.u32 $0x7, v2;
	v2 =	vor.u32 $0x8, v2;
	v1 =	vmul.u32 $0x8, v1;
	s8 =	simm.s32 $0xD900;
	[dreg:$0x2] =	wrdreg s26;
	s26 =	simm.s32 $0x8100  }
.LBB2_1:
0xf: {  	[dreg:$0x3] =	wrdreg s0  }
0x10: {  	p0 =	por $0x1, $0x1;
	s22 =	simm.s32 $0x0;
	s0 =	simm.s32 $0xC900  }
.LBB2_2:
0x11: {  	s21 =	sor.u32 s6, s22  }
0x12: {  	s22 =	sshrl.u32 s21, $0x3  }
0x13: {  	s22 =	sadd.s32 s4, s22  }
0x14: {  	[tilespmem:s1], [sflag:$0x3] =	stream.linear.gather [hbm4b:s22+s1], $0x40, $0x38;
	[tilespmem:$0x10100] =	vst v63  }
0x15: {  	_ =	swait.ge [sflag:s9], $0x40  }
0x16: {  	[sflag:s9] =	ssyncset.done $0x0  }
0x17: {  	[sflag:s9] =	ssyncadd.s32 $0xFFFFFFC0  }
0x18: {  	v3 =	vld [tilespmem:$0x0];
	_ =	sdelay $0x4  }
0x19: {  	v4 =	vshll.u32 v3, $0x2  }
0x1a: {  	v3 =	vand.u32 $0x7, v3;
	v4 =	vand.u32 $0xFFFFFFE0, v4  }
0x1b: {  	v3 =	vor.u32 v3, v4  }
0x1c: {  	v4 =	vperm.xlane v3, v0;
	_ =	sdelay $0x1  }
0x1d: {  	v4 =	vadd.s32 v1, v4;
	_ =	sdelay $0x1  }
0x1e: {  	v3 =	vperm.xlane v3, v2;
	_ =	sdelay $0x1  }
0x1f: {  	v3 =	vadd.s32 v1, v3  }
0x20: {  	[tilespmem:s10], [sflag:$0x1] =	stream.indirect_vreg.gather [hbm4b:s3+s1], $0x80, v4, vm0, $0xb8;
	[tilespmem:$0x10100] =	vst v63  }
0x21: {  	_ = 	snop  }
0x22: {  	[tilespmem:s23], [sflag:$0x1] =	stream.indirect_vreg.gather [hbm4b:s7+s1], $0x80, v4, vm0, $0xb8;
	[tilespmem:$0x10100] =	vst v63  }
0x23: {  	_ = 	snop  }
0x24: {  	[tilespmem:s24], [sflag:$0x1] =	stream.indirect_vreg.gather [hbm4b:s3+s1], $0x80, v3, vm0, $0xb8;
	[tilespmem:$0x10100] =	vst v63  }
0x25: {  	s24 =	simm.s32 $0x1900  }
0x26: {  	[tilespmem:s24], [sflag:$0x1] =	stream.indirect_vreg.gather [hbm4b:s7+s1], $0x80, v3, vm0, $0xb8;
	[tilespmem:$0x10100] =	vst v63  }
0x27: {  	v3 =	vld [tilespmem:$0x10];
	_ =	sdelay $0x4  }
0x28: {  	v57 =	vshll.u32 v3, $0x2  }
0x29: {  	v3 =	vand.u32 $0x7, v3;
	v4 =	vand.u32 $0xFFFFFFE0, v57  }
0x2a: {  	v3 =	vor.u32 v3, v4  }
0x2b: {  	v4 =	vperm.xlane v3, v0;
	_ =	sdelay $0x1  }
0x2c: {  	v4 =	vadd.s32 v1, v4;
	_ =	sdelay $0x1  }
0x2d: {  	v3 =	vperm.xlane v3, v2;
	_ =	sdelay $0x1  }
0x2e: {  	s23 =	simm.s32 $0x2100;
	v3 =	vadd.s32 v1, v3  }
0x2f: {  	[tilespmem:s23], [sflag:$0x1] =	stream.indirect_vreg.gather [hbm4b:s3+s1], $0x80, v4, vm0, $0xb8;
	[tilespmem:$0x10100] =	vst v63  }
0x30: {  	s24 =	simm.s32 $0x2900  }
0x31: {  	[tilespmem:s24], [sflag:$0x1] =	stream.indirect_vreg.gather [hbm4b:s7+s1], $0x80, v4, vm0, $0xb8;
	[tilespmem:$0x10100] =	vst v63  }
0x32: {  	s23 =	simm.s32 $0x3100  }
0x33: {  	[tilespmem:s23], [sflag:$0x1] =	stream.indirect_vreg.gather [hbm4b:s3+s1], $0x80, v3, vm0, $0xb8;
	[tilespmem:$0x10100] =	vst v63  }
0x34: {  	s24 =	simm.s32 $0x3900  }
0x35: {  	[tilespmem:s24], [sflag:$0x1] =	stream.indirect_vreg.gather [hbm4b:s7+s1], $0x80, v3, vm0, $0xb8;
	[tilespmem:$0x10100] =	vst v63  }
0x36: {  	v3 =	vld [tilespmem:$0x20];
	_ =	sdelay $0x4  }
0x37: {  	v58 =	vshll.u32 v3, $0x2  }
0x38: {  	v3 =	vand.u32 $0x7, v3;
	v4 =	vand.u32 $0xFFFFFFE0, v58  }
0x39: {  	v3 =	vor.u32 v3, v4  }
0x3a: {  	v4 =	vperm.xlane v3, v0;
	_ =	sdelay $0x1  }
0x3b: {  	v4 =	vadd.s32 v1, v4;
	_ =	sdelay $0x1  }
0x3c: {  	v3 =	vperm.xlane v3, v2;
	_ =	sdelay $0x1  }
0x3d: {  	s23 =	simm.s32 $0x4100;
	v3 =	vadd.s32 v1, v3  }
0x3e: {  	[tilespmem:s23], [sflag:$0x1] =	stream.indirect_vreg.gather [hbm4b:s3+s1], $0x80, v4, vm0, $0xb8;
	[tilespmem:$0x10100] =	vst v63  }
0x3f: {  	s24 =	simm.s32 $0x4900  }
0x40: {  	[tilespmem:s24], [sflag:$0x1] =	stream.indirect_vreg.gather [hbm4b:s7+s1], $0x80, v4, vm0, $0xb8;
	[tilespmem:$0x10100] =	vst v63  }
0x41: {  	s23 =	simm.s32 $0x5100  }
0x42: {  	[tilespmem:s23], [sflag:$0x1] =	stream.indirect_vreg.gather [hbm4b:s3+s1], $0x80, v3, vm0, $0xb8;
	[tilespmem:$0x10100] =	vst v63  }
0x43: {  	s24 =	simm.s32 $0x5900  }
0x44: {  	[tilespmem:s24], [sflag:$0x1] =	stream.indirect_vreg.gather [hbm4b:s7+s1], $0x80, v3, vm0, $0xb8;
	[tilespmem:$0x10100] =	vst v63  }
0x45: {  	v3 =	vld [tilespmem:$0x30];
	_ =	sdelay $0x4  }
0x46: {  	v59 =	vshll.u32 v3, $0x2  }
0x47: {  	v3 =	vand.u32 $0x7, v3;
	v4 =	vand.u32 $0xFFFFFFE0, v59  }
0x48: {  	v3 =	vor.u32 v3, v4  }
0x49: {  	v4 =	vperm.xlane v3, v0;
	_ =	sdelay $0x1  }
0x4a: {  	v4 =	vadd.s32 v1, v4;
	_ =	sdelay $0x1  }
0x4b: {  	v3 =	vperm.xlane v3, v2;
	_ =	sdelay $0x1  }
0x4c: {  	s23 =	simm.s32 $0x6100;
	v3 =	vadd.s32 v1, v3  }
0x4d: {  	[tilespmem:s23], [sflag:$0x1] =	stream.indirect_vreg.gather [hbm4b:s3+s1], $0x80, v4, vm0, $0xb8;
	[tilespmem:$0x10100] =	vst v63  }
0x4e: {  	s24 =	simm.s32 $0x6900  }
0x4f: {  	[tilespmem:s24], [sflag:$0x1] =	stream.indirect_vreg.gather [hbm4b:s7+s1], $0x80, v4, vm0, $0xb8;
	[tilespmem:$0x10100] =	vst v63  }
0x50: {  	s23 =	simm.s32 $0x7100  }
0x51: {  	[tilespmem:s23], [sflag:$0x1] =	stream.indirect_vreg.gather [hbm4b:s3+s1], $0x80, v3, vm0, $0xb8;
	[tilespmem:$0x10100] =	vst v63  }
0x52: {  	s23 =	sor.u32 $0x40, s21  }
0x53: {  	s24 =	sshrl.u32 s23, $0x3  }
0x54: {  	[tilespmem:s15], [sflag:$0x1] =	stream.indirect_vreg.gather [hbm4b:s7+s1], $0x80, v3, vm0, $0xb8;
	[tilespmem:$0x10100] =	vst v63  }
0x55: {  	s22 =	simm.s32 $0x80;
	s24 =	sadd.s32 s4, s24  }
0x56: {  	[tilespmem:s22], [sflag:$0x3] =	stream.linear.gather [hbm4b:s24+s1], $0x40, $0x38;
	[tilespmem:$0x10100] =	vst v63  }
0x57: {  	_ =	swait.ge [sflag:s9], $0x40  }
0x58: {  	[sflag:s9] =	ssyncset.done $0x0  }
0x59: {  	[sflag:s9] =	ssyncadd.s32 $0xFFFFFFC0  }
0x5a: {  	v3 =	vld [tilespmem:$0x80];
	_ =	sdelay $0x4  }
0x5b: {  	v60 =	vshll.u32 v3, $0x2  }
0x5c: {  	v3 =	vand.u32 $0x7, v3;
	v4 =	vand.u32 $0xFFFFFFE0, v60  }
0x5d: {  	v3 =	vor.u32 v3, v4  }
0x5e: {  	v4 =	vperm.xlane v3, v0;
	_ =	sdelay $0x1  }
0x5f: {  	v4 =	vadd.s32 v1, v4;
	_ =	sdelay $0x1  }
0x60: {  	v3 =	vperm.xlane v3, v2;
	_ =	sdelay $0x1  }
0x61: {  	v3 =	vadd.s32 v1, v3  }
0x62: {  	[tilespmem:s26], [sflag:$0x2] =	stream.indirect_vreg.gather [hbm4b:s3+s1], $0x80, v4, vm0, $0xb8;
	[tilespmem:$0x10100] =	vst v63  }
0x63: {  	_ = 	snop  }
0x64: {  	[tilespmem:s16], [sflag:$0x2] =	stream.indirect_vreg.gather [hbm4b:s7+s1], $0x80, v4, vm0, $0xb8;
	[tilespmem:$0x10100] =	vst v63  }
0x65: {  	_ = 	snop  }
0x66: {  	[tilespmem:s17], [sflag:$0x2] =	stream.indirect_vreg.gather [hbm4b:s3+s1], $0x80, v3, vm0, $0xb8;
	[tilespmem:$0x10100] =	vst v63  }
0x67: {  	_ = 	snop  }
0x68: {  	[tilespmem:s18], [sflag:$0x2] =	stream.indirect_vreg.gather [hbm4b:s7+s1], $0x80, v3, vm0, $0xb8;
	[tilespmem:$0x10100] =	vst v63  }
0x69: {  	v3 =	vld [tilespmem:$0x90];
	_ =	sdelay $0x4  }
0x6a: {  	v61 =	vshll.u32 v3, $0x2  }
0x6b: {  	v3 =	vand.u32 $0x7, v3;
	v4 =	vand.u32 $0xFFFFFFE0, v61  }
0x6c: {  	v3 =	vor.u32 v3, v4  }
0x6d: {  	v4 =	vperm.xlane v3, v0;
	_ =	sdelay $0x1  }
0x6e: {  	v4 =	vadd.s32 v1, v4;
	_ =	sdelay $0x1  }
0x6f: {  	v3 =	vperm.xlane v3, v2;
	_ =	sdelay $0x1  }
0x70: {  	v3 =	vadd.s32 v1, v3  }
0x71: {  	[tilespmem:s25], [sflag:$0x2] =	stream.indirect_vreg.gather [hbm4b:s3+s1], $0x80, v4, vm0, $0xb8;
	[tilespmem:$0x10100] =	vst v63  }
0x72: {  	_ = 	snop  }
0x73: {  	[tilespmem:s28], [sflag:$0x2] =	stream.indirect_vreg.gather [hbm4b:s7+s1], $0x80, v4, vm0, $0xb8;
	[tilespmem:$0x10100] =	vst v63  }
0x74: {  	_ = 	snop  }
0x75: {  	[tilespmem:s29], [sflag:$0x2] =	stream.indirect_vreg.gather [hbm4b:s3+s1], $0x80, v3, vm0, $0xb8;
	[tilespmem:$0x10100] =	vst v63  }
0x76: {  	_ = 	snop  }
0x77: {  	[tilespmem:s30], [sflag:$0x2] =	stream.indirect_vreg.gather [hbm4b:s7+s1], $0x80, v3, vm0, $0xb8;
	[tilespmem:$0x10100] =	vst v63  }
0x78: {  	v3 =	vld [tilespmem:$0xA0];
	_ =	sdelay $0x4  }
0x79: {  	v62 =	vshll.u32 v3, $0x2  }
0x7a: {  	v3 =	vand.u32 $0x7, v3;
	v4 =	vand.u32 $0xFFFFFFE0, v62  }
0x7b: {  	v3 =	vor.u32 v3, v4  }
0x7c: {  	v4 =	vperm.xlane v3, v0;
	_ =	sdelay $0x1  }
0x7d: {  	v4 =	vadd.s32 v1, v4;
	_ =	sdelay $0x1  }
0x7e: {  	v3 =	vperm.xlane v3, v2;
	_ =	sdelay $0x1  }
0x7f: {  	v3 =	vadd.s32 v1, v3  }
0x80: {  	[tilespmem:s31], [sflag:$0x2] =	stream.indirect_vreg.gather [hbm4b:s3+s1], $0x80, v4, vm0, $0xb8;
	[tilespmem:$0x10100] =	vst v63  }
0x81: {  	_ = 	snop  }
0x82: {  	[tilespmem:s0], [sflag:$0x2] =	stream.indirect_vreg.gather [hbm4b:s7+s1], $0x80, v4, vm0, $0xb8;
	[tilespmem:$0x10100] =	vst v63  }
0x83: {  	_ = 	snop  }
0x84: {  	[tilespmem:s2], [sflag:$0x2] =	stream.indirect_vreg.gather [hbm4b:s3+s1], $0x80, v3, vm0, $0xb8;
	[tilespmem:$0x10100] =	vst v63  }
0x85: {  	_ = 	snop  }
0x86: {  	[tilespmem:s8], [sflag:$0x2] =	stream.indirect_vreg.gather [hbm4b:s7+s1], $0x80, v3, vm0, $0xb8;
	[tilespmem:$0x10100] =	vst v63  }
0x87: {  	v3 =	vld [tilespmem:$0xB0];
	_ =	sdelay $0x4  }
0x88: {  	v63 =	vshll.u32 v3, $0x2  }
0x89: {  	v3 =	vand.u32 $0x7, v3;
	v4 =	vand.u32 $0xFFFFFFE0, v63  }
0x8a: {  	v3 =	vor.u32 v3, v4  }
0x8b: {  	v4 =	vperm.xlane v3, v0;
	_ =	sdelay $0x1  }
0x8c: {  	v4 =	vadd.s32 v1, v4;
	_ =	sdelay $0x1  }
0x8d: {  	v3 =	vperm.xlane v3, v2;
	_ =	sdelay $0x1  }
0x8e: {  	v3 =	vadd.s32 v1, v3  }
0x8f: {  	[tilespmem:s11], [sflag:$0x2] =	stream.indirect_vreg.gather [hbm4b:s3+s1], $0x80, v4, vm0, $0xb8;
	[tilespmem:$0x10100] =	vst v63  }
0x90: {  	_ = 	snop  }
0x91: {  	[tilespmem:s12], [sflag:$0x2] =	stream.indirect_vreg.gather [hbm4b:s7+s1], $0x80, v4, vm0, $0xb8;
	[tilespmem:$0x10100] =	vst v63  }
0x92: {  	_ = 	snop  }
0x93: {  	[tilespmem:s13], [sflag:$0x2] =	stream.indirect_vreg.gather [hbm4b:s3+s1], $0x80, v3, vm0, $0xb8;
	[tilespmem:$0x10100] =	vst v63  }
0x94: {  	_ = 	snop  }
0x95: {  	[tilespmem:s14], [sflag:$0x2] =	stream.indirect_vreg.gather [hbm4b:s7+s1], $0x80, v3, vm0, $0xb8;
	[tilespmem:$0x10100] =	vst v63  }
0x96: {  	_ =	swait.ge [sflag:s19], $0x8000  }
0x97: {  	s21 =	sshll.u32 s21, $0x6;
	[sflag:s19] =	ssyncset.done $0x0  }
0x98: {  	s21 =	sadd.s32 s5, s21;
	[sflag:s19] =	ssyncadd.s32 $0xFFFF8000  }
0x99: {  	[hbm4b:s21+s1] =	stream.linear.scatter [tilespmem:s10], [sflag:$0x3], $0x8000, $0x38;
	[tilespmem:$0x10100] =	vst v63  }
0x9a: {  	_ =	swait.ge [sflag:s9], $0x8000  }
0x9b: {  	[sflag:s9] =	ssyncset.done $0x0  }
0x9c: {  	[sflag:s9] =	ssyncadd.s32 $0xFFFF8000  }
0x9d: {  	_ =	swait.ge [sflag:s20], $0x8000  }
0x9e: {  	p1 =	por p0, p0;
	s21 =	sshll.u32 s23, $0x6;
	[sflag:s20] =	ssyncset.done $0x0  }
.Ltmp0:
0x9f: {  	s21 =	sadd.s32 s5, s21;
	[sflag:s20] =	ssyncadd.s32 $0xFFFF8000;
	(pc) =	sbr.rel @p1 .LBB2_2-.Ltmp0, $4  }
0xa0: {  	[hbm4b:s21+s1] =	stream.linear.scatter [tilespmem:s26], [sflag:$0x3], $0x8000, $0x38;
	[tilespmem:$0x10100] =	vst v63  }
0xa1: {  	_ =	swait.ge [sflag:s9], $0x8000  }
0xa2: {  	p0 =	por $0x0, $0x0;
	[sflag:s9] =	ssyncset.done $0x0  }
0xa3: {  	s24 =	simm.s32 $0x1100;
	s23 =	simm.s32 $0x900;
	[sflag:s9] =	ssyncadd.s32 $0xFFFF8000  }
0xa4: {  	s0 =	rddreg [dreg:$0x3]  }
0xa5: {  	s21 =	rddreg [dreg:$0x2];
	s0 =	sadd.s32 $0x1, s0  }
0xa6: {  	p0 =	sne.s32 s0, s21  }
.Ltmp1:
0xa7: {  	_ = 	snop;
	(pc) =	sbr.rel @p0 .LBB2_1-.Ltmp1, $1  }
0xa8: {  	_ =	sdelay $0x3  }
0xa9: {  	_ =	sfence.sel $0x180000  }
0xaa: {  	[bflag:$0x0] =	sbarrier.arrive $0xFFFF  }
0xab: {  	_ =	strace $0x9000005C  }
0xac: {  	s0 =	stileid.u32;
	[bflag:$0x2] =	sbarrier.arrive $0xFFFF  }
0xad: {  	p0 =	sne.s32 s0, $0x0;
	s0 =	rddreg [dreg:$0x1]  }
0xae: {  	s0 =	sadd.s32 @!p0 $0x100000, s0  }
0xaf: {  	[sflag:s0] =	ssyncadd.tile.s32 @!p0 $0x1;
	_ =	shalt  }
.Lfunc_end2:
_tile_overlayer_lowered:
.L_overlay_start_2:
0xb0: {  	(tag) =	ssettag $0x2  }
0xb1: {  	s0 =	rddreg [dreg:$0x0];
	s2 =	stileid.u32  }
0xb2: {  	s1 =	rddreg [dreg:$0x1];
	p0 =	sne.s32 s2, $0x0  }
0xb3: {  	s3 =	rddreg [dreg:$0x2];
	[bflag:$0x3] =	sbarrier.arrive $0xFFFF;
	s2 =	simm.s32 @!p0 $0x1C03  }
0xb4: {  	[timem:s3], [sflag:s2] =	dma.local @!p0 [hbm:s0], s1  }
0xb5: {  	s0 =	simm.s32 @!p0 $0x3  }
0xb6: {  	_ =	swait.ge @!p0 [sflag:s0], s1  }
0xb7: {  	s1 =	ssub.s32 @!p0 $0x0, s1;
	[sflag:s0] =	ssyncset.done @!p0 $0x0  }
0xb8: {  	[sflag:s0] =	ssyncadd.s32 @!p0 s1  }
0xb9: {  	[bflag:$0x3] =	sbarrier.arrive $0xFFFF  }
0xba: {  	_ =	shalt  }

</sc_bundles>
